<compile_context>
chip_gen: v7x
topology: tpu7x:2x2x1
jax: 0.10.2.dev20260603
libtpu: 0.0.44.dev20260713+nightly
codegen_flags: <defaults>
</compile_context>

<pallas_src>
import functools

import jax
import jax.numpy as jnp
from jax import lax
from jax.experimental import pallas as pl
from jax.experimental.pallas import tpu as pltpu
from jax.experimental.pallas import tpu_sc as plsc

K_TOP = 64
SCALE = 2.0
M_TILE = 512
N_SEARCH = 16
RANK = 512


def _stage_a_body(x_ref, at_ref, z_ref):
    z_ref[...] = jnp.dot(x_ref[...], at_ref[...], preferred_element_type=jnp.float32)


def _stage_c_body(x_ref, z_ref, th_ref, wt_ref, bwt_ref, b_ref, out_ref):
    t = th_ref[0]
    zm = jnp.where(z_ref[...] >= t, z_ref[...], 0.0)
    out = jnp.dot(x_ref[...], wt_ref[...], preferred_element_type=jnp.float32)
    out = out + b_ref[...]
    out = out + SCALE * jnp.dot(zm, bwt_ref[...], preferred_element_type=jnp.float32)
    out_ref[...] = out


def _sc_thresholds(z):
    n = z.shape[0]
    info = plsc.get_sparse_core_info()
    nc, ns, lanes = info.num_cores, info.num_subcores, info.num_lanes
    nw = nc * ns
    per_w = n // nw
    chunk = 128
    n_chunks = per_w // chunk
    nv = RANK // lanes

    mesh = plsc.VectorSubcoreMesh(core_axis_name="c", subcore_axis_name="s")

    @functools.partial(
        pl.kernel,
        mesh=mesh,
        out_type=jax.ShapeDtypeStruct((n,), jnp.float32),
        scratch_types=[
            pltpu.VMEM((chunk, RANK), jnp.float32),
            pltpu.VMEM((chunk,), jnp.float32),
        ],
    )
    def sc_kernel(z_hbm, th_hbm, zc, tc):
        wid = lax.axis_index("s") * nc + lax.axis_index("c")
        base = wid * per_w

        def chunk_body(ci, carry):
            cbase = base + ci * chunk
            pltpu.sync_copy(z_hbm.at[pl.ds(cbase, chunk)], zc)

            lane = lax.iota(jnp.int32, 16)
            perms = [lane ^ s for s in (8, 4, 2, 1)]

            def allreduce(v, op):
                for p in perms:
                    v = op(v, v.at[p].get(mode="promise_in_bounds"))
                return v

            def group_body(g, carry2):
                def tok_body(j, th_acc):
                    t = g * lanes + j
                    vals = [zc[t, pl.ds(i * lanes, lanes)] for i in range(nv)]
                    mn = vals[0]
                    mx = vals[0]
                    for v in vals[1:]:
                        mn = jnp.minimum(mn, v)
                        mx = jnp.maximum(mx, v)
                    lo = allreduce(mn, jnp.minimum)
                    hi = allreduce(mx, jnp.maximum)
                    for _ in range(N_SEARCH):
                        mid = 0.5 * (lo + hi)
                        acc = None
                        for v in vals:
                            one = jnp.where(v >= mid, 1.0, 0.0)
                            acc = one if acc is None else acc + one
                        cnt = allreduce(acc, jnp.add)
                        pred = cnt >= float(K_TOP)
                        lo = jnp.where(pred, mid, lo)
                        hi = jnp.where(pred, hi, mid)
                    return jnp.where(lane == j, lo, th_acc)

                th_vec = lax.fori_loop(0, lanes, tok_body, jnp.zeros((lanes,), jnp.float32))
                tc[pl.ds(g * lanes, lanes)] = th_vec
                return carry2

            lax.fori_loop(0, chunk // lanes, group_body, 0)
            pltpu.sync_copy(tc, th_hbm.at[pl.ds(cbase, chunk)])
            return carry

        lax.fori_loop(0, n_chunks, chunk_body, 0)

    return sc_kernel(z)


def kernel(x, A, Bw, W, b):
    batch, seq, d_in = x.shape
    n = batch * seq
    r = A.shape[0]
    d_out = W.shape[0]
    x2 = x.reshape(n, d_in)

    z = pl.pallas_call(
        _stage_a_body,
        grid=(n // M_TILE,),
        in_specs=[
            pl.BlockSpec((M_TILE, d_in), lambda i: (i, 0)),
            pl.BlockSpec((d_in, r), lambda i: (0, 0)),
        ],
        out_specs=pl.BlockSpec((M_TILE, r), lambda i: (i, 0)),
        out_shape=jax.ShapeDtypeStruct((n, r), jnp.float32),
        compiler_params=pltpu.CompilerParams(
            dimension_semantics=("parallel",),
        ),
    )(x2, A.T)

    th = _sc_thresholds(z).reshape(n // M_TILE, M_TILE, 1)

    out = pl.pallas_call(
        _stage_c_body,
        grid=(n // M_TILE,),
        in_specs=[
            pl.BlockSpec((M_TILE, d_in), lambda i: (i, 0)),
            pl.BlockSpec((M_TILE, r), lambda i: (i, 0)),
            pl.BlockSpec((1, M_TILE, 1), lambda i: (i, 0, 0)),
            pl.BlockSpec((d_in, d_out), lambda i: (0, 0)),
            pl.BlockSpec((r, d_out), lambda i: (0, 0)),
            pl.BlockSpec((1, d_out), lambda i: (0, 0)),
        ],
        out_specs=pl.BlockSpec((M_TILE, d_out), lambda i: (i, 0)),
        out_shape=jax.ShapeDtypeStruct((n, d_out), jnp.float32),
        compiler_params=pltpu.CompilerParams(
            dimension_semantics=("parallel",),
        ),
    )(x2, z, th, W.T, Bw.T, b.reshape(1, d_out))
    return out.reshape(batch, seq, d_out)

# --- scband reference (transcript-rebuilt; emitter-appended) ---
"""Pipeline reference for scband-top-klo-ralinear-80393197847046 (READ-ONLY COPY).

The authoritative reference and input builder live on the scoring server;
editing this copy changes nothing except your own understanding.
"""

import jax, jax.numpy as jnp
import numpy as np

K_TOP = 64
R = 512
ALPHA = 128.0
SCALE = ALPHA / K_TOP  # alpha / k = 2.0


def setup_inputs(seed: int = 0) -> dict:
    key = jax.random.key(seed)
    k1, k2, k3, k4, k5 = jax.random.split(key, 5)
    x = jax.random.normal(k1, (4, 8192, 768), dtype=jnp.float32)
    # LoRA A: [r, d_in], LoRA B: [d_out, r] (torch nn.Linear weight layout)
    A = jax.random.normal(k2, (R, 768), dtype=jnp.float32) * 0.02
    Bw = jax.random.normal(k3, (768, R), dtype=jnp.float32) * 0.02
    # base_layer: nn.Linear(768, 768) weight [d_out, d_in] + bias [d_out]
    W = jax.random.normal(k4, (768, 768), dtype=jnp.float32) * 0.02
    b = jax.random.normal(k5, (768,), dtype=jnp.float32) * 0.02
    return {"x": x, "A": A, "Bw": Bw, "W": W, "b": b}


def _topk_mask(z, k):
    # mask = zeros.scatter_(-1, topk_indices, 1.0)
    orig_shape = z.shape
    zf = z.reshape(-1, orig_shape[-1])
    _, idx = jax.lax.top_k(zf, k)  # [N, k]
    rows = jnp.arange(zf.shape[0])[:, None]
    mask = jnp.zeros_like(zf).at[rows, idx].set(1.0)
    return mask.reshape(orig_shape)


def reference(x, A, Bw, W, b):
    # z = F.linear(x, A)
    z = x @ A.T
    # TopKMask.apply(z, k): forward multiplies by mask; backward is identity (straight-through)
    mask = _topk_mask(z, K_TOP)
    z_masked = z + jax.lax.stop_gradient(z * mask - z)
    # out = base_layer(x) + F.linear(z, B) * scale
    out = x @ W.T + b + (z_masked @ Bw.T) * SCALE
    return out

if __name__ == "__main__":
    import jax
    _d = setup_inputs()
    print(jax.jit(kernel)(*tuple(_d.values())))

</pallas_src>

<mosaic_0001>
#map = affine_map<(d0, d1) -> (0, 0)>
#map1 = affine_map<(d0, d1) -> (0)>
module attributes {stable_mosaic.version = 14 : i64} {
  func.func @sc_kernel(%arg0: i32, %arg1: i32, %arg2: memref<32768x512xf32, #tpu.memory_space<hbm>>, %arg3: memref<32768xf32, #tpu.memory_space<hbm>>, %arg4: memref<128x512xf32, #tpu.memory_space<vmem>>, %arg5: memref<128xf32, #tpu.memory_space<vmem>>) attributes {dimension_semantics = [#tpu.dimension_semantics<core_parallel>, #tpu.dimension_semantics<subcore_parallel>], iteration_bounds = array<i64: 2, 16>, scalar_prefetch = 0 : i64, scratch_operands = 2 : i64, tpu.core_type = #tpu.core_type<sc_vector_subcore>, window_params = [{transform_indices = #map}, {transform_indices = #map1}]} {
    %mul3A = arith.constant 2 : i32
    %mul3A_0 = arith.muli %arg1, %mul3A : i32
    %add3A = arith.addi %mul3A_0, %arg0 : i32
    %mul3A_1 = arith.constant 1024 : i32
    %mul3A_2 = arith.muli %add3A, %mul3A_1 : i32
    %scan3A = arith.constant 0 : i32
    %scan3A_3 = arith.constant 0 : i32
    %scan3A_4 = arith.constant 8 : i32
    %scan3A_5 = arith.addi %scan3A_3, %scan3A_4 : i32
    %scan3A_6 = arith.constant 1 : i32
    scf.for %scan3A_8 = %scan3A_3 to %scan3A_5 step %scan3A_6  : i32 {
      %mul3A_9 = arith.constant 128 : i32
      %mul3A_10 = arith.muli %scan3A_8, %mul3A_9 : i32
      %add3A_11 = arith.addi %mul3A_2, %mul3A_10 : i32
      "tpu.region"() ({
        %run_scoped3A = tpu.sem_alloc : memref<!tpu.dma_semaphore, #tpu.memory_space<semaphore_mem>>
        %dma_start3A = arith.constant 0 : i32
        %dma_start3A_29 = tpu.memref_slice %arg2[%add3A_11, %dma_start3A] : memref<32768x512xf32, #tpu.memory_space<hbm>> -> memref<128x512xf32, #tpu.memory_space<hbm>>
        %dma_start3A_30 = arith.constant 0 : i32
        %dma_start3A_31 = tpu.memref_slice %arg2[%add3A_11, %dma_start3A_30] : memref<32768x512xf32, #tpu.memory_space<hbm>> -> memref<128x512xf32, #tpu.memory_space<hbm>>
        tpu.enqueue_dma source(%dma_start3A_31 : memref<128x512xf32, #tpu.memory_space<hbm>>) target(%arg4 : memref<128x512xf32, #tpu.memory_space<vmem>>) target_semaphore(%run_scoped3A : memref<!tpu.dma_semaphore, #tpu.memory_space<semaphore_mem>>)
        %dma_wait3A = arith.constant 0 : i32
        %dma_wait3A_32 = tpu.memref_slice %arg2[%add3A_11, %dma_wait3A] : memref<32768x512xf32, #tpu.memory_space<hbm>> -> memref<128x512xf32, #tpu.memory_space<hbm>>
        %dma_wait3A_33 = arith.constant 0 : i32
        %dma_wait3A_34 = tpu.memref_slice %arg2[%add3A_11, %dma_wait3A_33] : memref<32768x512xf32, #tpu.memory_space<hbm>> -> memref<128x512xf32, #tpu.memory_space<hbm>>
        tpu.wait_dma2 semaphore(%run_scoped3A : memref<!tpu.dma_semaphore, #tpu.memory_space<semaphore_mem>>) src(%dma_wait3A_34 : memref<128x512xf32, #tpu.memory_space<hbm>>) dst(%arg4 : memref<128x512xf32, #tpu.memory_space<vmem>>)
        tpu.yield
      }) : () -> ()
      %iota3A = tpu.iota {dimensions = array<i32: 0>} : vector<16xi32>
      %xor3A = arith.constant 8 : i32
      %xor3A_12 = vector.broadcast %xor3A : i32 to vector<16xi32>
      %xor3A_13 = arith.xori %iota3A, %xor3A_12 : vector<16xi32>
      %xor3A_14 = arith.constant 4 : i32
      %xor3A_15 = vector.broadcast %xor3A_14 : i32 to vector<16xi32>
      %xor3A_16 = arith.xori %iota3A, %xor3A_15 : vector<16xi32>
      %xor3A_17 = arith.constant 2 : i32
      %xor3A_18 = vector.broadcast %xor3A_17 : i32 to vector<16xi32>
      %xor3A_19 = arith.xori %iota3A, %xor3A_18 : vector<16xi32>
      %xor3A_20 = arith.constant 1 : i32
      %xor3A_21 = vector.broadcast %xor3A_20 : i32 to vector<16xi32>
      %xor3A_22 = arith.xori %iota3A, %xor3A_21 : vector<16xi32>
      %scan3A_23 = arith.constant 0 : i32
      %scan3A_24 = arith.constant 0 : i32
      %scan3A_25 = arith.constant 8 : i32
      %scan3A_26 = arith.addi %scan3A_24, %scan3A_25 : i32
      %scan3A_27 = arith.constant 1 : i32
      scf.for %scan3A_29 = %scan3A_24 to %scan3A_26 step %scan3A_27  : i32 {
        %broadcast_in_dim3A = arith.constant 0.000000e+00 : f32
        %broadcast_in_dim3A_30 = vector.broadcast %broadcast_in_dim3A : f32 to vector<16xf32>
        %scan3A_31 = arith.constant 0 : i32
        %scan3A_32 = arith.constant 16 : i32
        %scan3A_33 = arith.addi %scan3A_31, %scan3A_32 : i32
        %scan3A_34 = arith.constant 1 : i32
        %scan3A_35 = scf.for %scan3A_42 = %scan3A_31 to %scan3A_33 step %scan3A_34 iter_args(%scan3A_43 = %broadcast_in_dim3A_30) -> (vector<16xf32>)  : i32 {
          %mul3A_44 = arith.constant 16 : i32
          %mul3A_45 = arith.muli %scan3A_29, %mul3A_44 : i32
          %add3A_46 = arith.addi %mul3A_45, %scan3A_42 : i32
          %get3A = arith.index_cast %add3A_46 : i32 to index
          %get3A_47 = arith.constant 0 : index
          %get3A_48 = tpu.vector_load %arg4[%get3A, %get3A_47] {strides = array<i32>} : memref<128x512xf32, #tpu.memory_space<vmem>>, vector<1x16xf32>,
          %get3A_49 = vector.shape_cast %get3A_48 : vector<1x16xf32> to vector<16xf32>
          %get3A_50 = arith.index_cast %add3A_46 : i32 to index
          %get3A_51 = arith.constant 16 : index
          %get3A_52 = tpu.vector_load %arg4[%get3A_50, %get3A_51] {strides = array<i32>} : memref<128x512xf32, #tpu.memory_space<vmem>>, vector<1x16xf32>,
          %get3A_53 = vector.shape_cast %get3A_52 : vector<1x16xf32> to vector<16xf32>
          %get3A_54 = arith.index_cast %add3A_46 : i32 to index
          %get3A_55 = arith.constant 32 : index
          %get3A_56 = tpu.vector_load %arg4[%get3A_54, %get3A_55] {strides = array<i32>} : memref<128x512xf32, #tpu.memory_space<vmem>>, vector<1x16xf32>,
          %get3A_57 = vector.shape_cast %get3A_56 : vector<1x16xf32> to vector<16xf32>
          %get3A_58 = arith.index_cast %add3A_46 : i32 to index
          %get3A_59 = arith.constant 48 : index
          %get3A_60 = tpu.vector_load %arg4[%get3A_58, %get3A_59] {strides = array<i32>} : memref<128x512xf32, #tpu.memory_space<vmem>>, vector<1x16xf32>,
          %get3A_61 = vector.shape_cast %get3A_60 : vector<1x16xf32> to vector<16xf32>
          %get3A_62 = arith.index_cast %add3A_46 : i32 to index
          %get3A_63 = arith.constant 64 : index
          %get3A_64 = tpu.vector_load %arg4[%get3A_62, %get3A_63] {strides = array<i32>} : memref<128x512xf32, #tpu.memory_space<vmem>>, vector<1x16xf32>,
          %get3A_65 = vector.shape_cast %get3A_64 : vector<1x16xf32> to vector<16xf32>
          %get3A_66 = arith.index_cast %add3A_46 : i32 to index
          %get3A_67 = arith.constant 80 : index
          %get3A_68 = tpu.vector_load %arg4[%get3A_66, %get3A_67] {strides = array<i32>} : memref<128x512xf32, #tpu.memory_space<vmem>>, vector<1x16xf32>,
          %get3A_69 = vector.shape_cast %get3A_68 : vector<1x16xf32> to vector<16xf32>
          %get3A_70 = arith.index_cast %add3A_46 : i32 to index
          %get3A_71 = arith.constant 96 : index
          %get3A_72 = tpu.vector_load %arg4[%get3A_70, %get3A_71] {strides = array<i32>} : memref<128x512xf32, #tpu.memory_space<vmem>>, vector<1x16xf32>,
          %get3A_73 = vector.shape_cast %get3A_72 : vector<1x16xf32> to vector<16xf32>
          %get3A_74 = arith.index_cast %add3A_46 : i32 to index
          %get3A_75 = arith.constant 112 : index
          %get3A_76 = tpu.vector_load %arg4[%get3A_74, %get3A_75] {strides = array<i32>} : memref<128x512xf32, #tpu.memory_space<vmem>>, vector<1x16xf32>,
          %get3A_77 = vector.shape_cast %get3A_76 : vector<1x16xf32> to vector<16xf32>
          %get3A_78 = arith.index_cast %add3A_46 : i32 to index
          %get3A_79 = arith.constant 128 : index
          %get3A_80 = tpu.vector_load %arg4[%get3A_78, %get3A_79] {strides = array<i32>} : memref<128x512xf32, #tpu.memory_space<vmem>>, vector<1x16xf32>,
          %get3A_81 = vector.shape_cast %get3A_80 : vector<1x16xf32> to vector<16xf32>
          %get3A_82 = arith.index_cast %add3A_46 : i32 to index
          %get3A_83 = arith.constant 144 : index
          %get3A_84 = tpu.vector_load %arg4[%get3A_82, %get3A_83] {strides = array<i32>} : memref<128x512xf32, #tpu.memory_space<vmem>>, vector<1x16xf32>,
          %get3A_85 = vector.shape_cast %get3A_84 : vector<1x16xf32> to vector<16xf32>
          %get3A_86 = arith.index_cast %add3A_46 : i32 to index
          %get3A_87 = arith.constant 160 : index
          %get3A_88 = tpu.vector_load %arg4[%get3A_86, %get3A_87] {strides = array<i32>} : memref<128x512xf32, #tpu.memory_space<vmem>>, vector<1x16xf32>,
          %get3A_89 = vector.shape_cast %get3A_88 : vector<1x16xf32> to vector<16xf32>
          %get3A_90 = arith.index_cast %add3A_46 : i32 to index
          %get3A_91 = arith.constant 176 : index
          %get3A_92 = tpu.vector_load %arg4[%get3A_90, %get3A_91] {strides = array<i32>} : memref<128x512xf32, #tpu.memory_space<vmem>>, vector<1x16xf32>,
          %get3A_93 = vector.shape_cast %get3A_92 : vector<1x16xf32> to vector<16xf32>
          %get3A_94 = arith.index_cast %add3A_46 : i32 to index
          %get3A_95 = arith.constant 192 : index
          %get3A_96 = tpu.vector_load %arg4[%get3A_94, %get3A_95] {strides = array<i32>} : memref<128x512xf32, #tpu.memory_space<vmem>>, vector<1x16xf32>,
          %get3A_97 = vector.shape_cast %get3A_96 : vector<1x16xf32> to vector<16xf32>
          %get3A_98 = arith.index_cast %add3A_46 : i32 to index
          %get3A_99 = arith.constant 208 : index
          %get3A_100 = tpu.vector_load %arg4[%get3A_98, %get3A_99] {strides = array<i32>} : memref<128x512xf32, #tpu.memory_space<vmem>>, vector<1x16xf32>,
          %get3A_101 = vector.shape_cast %get3A_100 : vector<1x16xf32> to vector<16xf32>
          %get3A_102 = arith.index_cast %add3A_46 : i32 to index
          %get3A_103 = arith.constant 224 : index
          %get3A_104 = tpu.vector_load %arg4[%get3A_102, %get3A_103] {strides = array<i32>} : memref<128x512xf32, #tpu.memory_space<vmem>>, vector<1x16xf32>,
          %get3A_105 = vector.shape_cast %get3A_104 : vector<1x16xf32> to vector<16xf32>
          %get3A_106 = arith.index_cast %add3A_46 : i32 to index
          %get3A_107 = arith.constant 240 : index
          %get3A_108 = tpu.vector_load %arg4[%get3A_106, %get3A_107] {strides = array<i32>} : memref<128x512xf32, #tpu.memory_space<vmem>>, vector<1x16xf32>,
          %get3A_109 = vector.shape_cast %get3A_108 : vector<1x16xf32> to vector<16xf32>
          %get3A_110 = arith.index_cast %add3A_46 : i32 to index
          %get3A_111 = arith.constant 256 : index
          %get3A_112 = tpu.vector_load %arg4[%get3A_110, %get3A_111] {strides = array<i32>} : memref<128x512xf32, #tpu.memory_space<vmem>>, vector<1x16xf32>,
          %get3A_113 = vector.shape_cast %get3A_112 : vector<1x16xf32> to vector<16xf32>
          %get3A_114 = arith.index_cast %add3A_46 : i32 to index
          %get3A_115 = arith.constant 272 : index
          %get3A_116 = tpu.vector_load %arg4[%get3A_114, %get3A_115] {strides = array<i32>} : memref<128x512xf32, #tpu.memory_space<vmem>>, vector<1x16xf32>,
          %get3A_117 = vector.shape_cast %get3A_116 : vector<1x16xf32> to vector<16xf32>
          %get3A_118 = arith.index_cast %add3A_46 : i32 to index
          %get3A_119 = arith.constant 288 : index
          %get3A_120 = tpu.vector_load %arg4[%get3A_118, %get3A_119] {strides = array<i32>} : memref<128x512xf32, #tpu.memory_space<vmem>>, vector<1x16xf32>,
          %get3A_121 = vector.shape_cast %get3A_120 : vector<1x16xf32> to vector<16xf32>
          %get3A_122 = arith.index_cast %add3A_46 : i32 to index
          %get3A_123 = arith.constant 304 : index
          %get3A_124 = tpu.vector_load %arg4[%get3A_122, %get3A_123] {strides = array<i32>} : memref<128x512xf32, #tpu.memory_space<vmem>>, vector<1x16xf32>,
          %get3A_125 = vector.shape_cast %get3A_124 : vector<1x16xf32> to vector<16xf32>
          %get3A_126 = arith.index_cast %add3A_46 : i32 to index
          %get3A_127 = arith.constant 320 : index
          %get3A_128 = tpu.vector_load %arg4[%get3A_126, %get3A_127] {strides = array<i32>} : memref<128x512xf32, #tpu.memory_space<vmem>>, vector<1x16xf32>,
          %get3A_129 = vector.shape_cast %get3A_128 : vector<1x16xf32> to vector<16xf32>
          %get3A_130 = arith.index_cast %add3A_46 : i32 to index
          %get3A_131 = arith.constant 336 : index
          %get3A_132 = tpu.vector_load %arg4[%get3A_130, %get3A_131] {strides = array<i32>} : memref<128x512xf32, #tpu.memory_space<vmem>>, vector<1x16xf32>,
          %get3A_133 = vector.shape_cast %get3A_132 : vector<1x16xf32> to vector<16xf32>
          %get3A_134 = arith.index_cast %add3A_46 : i32 to index
          %get3A_135 = arith.constant 352 : index
          %get3A_136 = tpu.vector_load %arg4[%get3A_134, %get3A_135] {strides = array<i32>} : memref<128x512xf32, #tpu.memory_space<vmem>>, vector<1x16xf32>,
          %get3A_137 = vector.shape_cast %get3A_136 : vector<1x16xf32> to vector<16xf32>
          %get3A_138 = arith.index_cast %add3A_46 : i32 to index
          %get3A_139 = arith.constant 368 : index
          %get3A_140 = tpu.vector_load %arg4[%get3A_138, %get3A_139] {strides = array<i32>} : memref<128x512xf32, #tpu.memory_space<vmem>>, vector<1x16xf32>,
          %get3A_141 = vector.shape_cast %get3A_140 : vector<1x16xf32> to vector<16xf32>
          %get3A_142 = arith.index_cast %add3A_46 : i32 to index
          %get3A_143 = arith.constant 384 : index
          %get3A_144 = tpu.vector_load %arg4[%get3A_142, %get3A_143] {strides = array<i32>} : memref<128x512xf32, #tpu.memory_space<vmem>>, vector<1x16xf32>,
          %get3A_145 = vector.shape_cast %get3A_144 : vector<1x16xf32> to vector<16xf32>
          %get3A_146 = arith.index_cast %add3A_46 : i32 to index
          %get3A_147 = arith.constant 400 : index
          %get3A_148 = tpu.vector_load %arg4[%get3A_146, %get3A_147] {strides = array<i32>} : memref<128x512xf32, #tpu.memory_space<vmem>>, vector<1x16xf32>,
          %get3A_149 = vector.shape_cast %get3A_148 : vector<1x16xf32> to vector<16xf32>
          %get3A_150 = arith.index_cast %add3A_46 : i32 to index
          %get3A_151 = arith.constant 416 : index
          %get3A_152 = tpu.vector_load %arg4[%get3A_150, %get3A_151] {strides = array<i32>} : memref<128x512xf32, #tpu.memory_space<vmem>>, vector<1x16xf32>,
          %get3A_153 = vector.shape_cast %get3A_152 : vector<1x16xf32> to vector<16xf32>
          %get3A_154 = arith.index_cast %add3A_46 : i32 to index
          %get3A_155 = arith.constant 432 : index
          %get3A_156 = tpu.vector_load %arg4[%get3A_154, %get3A_155] {strides = array<i32>} : memref<128x512xf32, #tpu.memory_space<vmem>>, vector<1x16xf32>,
          %get3A_157 = vector.shape_cast %get3A_156 : vector<1x16xf32> to vector<16xf32>
          %get3A_158 = arith.index_cast %add3A_46 : i32 to index
          %get3A_159 = arith.constant 448 : index
          %get3A_160 = tpu.vector_load %arg4[%get3A_158, %get3A_159] {strides = array<i32>} : memref<128x512xf32, #tpu.memory_space<vmem>>, vector<1x16xf32>,
          %get3A_161 = vector.shape_cast %get3A_160 : vector<1x16xf32> to vector<16xf32>
          %get3A_162 = arith.index_cast %add3A_46 : i32 to index
          %get3A_163 = arith.constant 464 : index
          %get3A_164 = tpu.vector_load %arg4[%get3A_162, %get3A_163] {strides = array<i32>} : memref<128x512xf32, #tpu.memory_space<vmem>>, vector<1x16xf32>,
          %get3A_165 = vector.shape_cast %get3A_164 : vector<1x16xf32> to vector<16xf32>
          %get3A_166 = arith.index_cast %add3A_46 : i32 to index
          %get3A_167 = arith.constant 480 : index
          %get3A_168 = tpu.vector_load %arg4[%get3A_166, %get3A_167] {strides = array<i32>} : memref<128x512xf32, #tpu.memory_space<vmem>>, vector<1x16xf32>,
          %get3A_169 = vector.shape_cast %get3A_168 : vector<1x16xf32> to vector<16xf32>
          %get3A_170 = arith.index_cast %add3A_46 : i32 to index
          %get3A_171 = arith.constant 496 : index
          %get3A_172 = tpu.vector_load %arg4[%get3A_170, %get3A_171] {strides = array<i32>} : memref<128x512xf32, #tpu.memory_space<vmem>>, vector<1x16xf32>,
          %get3A_173 = vector.shape_cast %get3A_172 : vector<1x16xf32> to vector<16xf32>
          %min3A = arith.minimumf %get3A_49, %get3A_53 : vector<16xf32>
          %max3A = arith.maximumf %get3A_49, %get3A_53 : vector<16xf32>
          %min3A_174 = arith.minimumf %min3A, %get3A_57 : vector<16xf32>
          %max3A_175 = arith.maximumf %max3A, %get3A_57 : vector<16xf32>
          %min3A_176 = arith.minimumf %min3A_174, %get3A_61 : vector<16xf32>
          %max3A_177 = arith.maximumf %max3A_175, %get3A_61 : vector<16xf32>
          %min3A_178 = arith.minimumf %min3A_176, %get3A_65 : vector<16xf32>
          %max3A_179 = arith.maximumf %max3A_177, %get3A_65 : vector<16xf32>
          %min3A_180 = arith.minimumf %min3A_178, %get3A_69 : vector<16xf32>
          %max3A_181 = arith.maximumf %max3A_179, %get3A_69 : vector<16xf32>
          %min3A_182 = arith.minimumf %min3A_180, %get3A_73 : vector<16xf32>
          %max3A_183 = arith.maximumf %max3A_181, %get3A_73 : vector<16xf32>
          %min3A_184 = arith.minimumf %min3A_182, %get3A_77 : vector<16xf32>
          %max3A_185 = arith.maximumf %max3A_183, %get3A_77 : vector<16xf32>
          %min3A_186 = arith.minimumf %min3A_184, %get3A_81 : vector<16xf32>
          %max3A_187 = arith.maximumf %max3A_185, %get3A_81 : vector<16xf32>
          %min3A_188 = arith.minimumf %min3A_186, %get3A_85 : vector<16xf32>
          %max3A_189 = arith.maximumf %max3A_187, %get3A_85 : vector<16xf32>
          %min3A_190 = arith.minimumf %min3A_188, %get3A_89 : vector<16xf32>
          %max3A_191 = arith.maximumf %max3A_189, %get3A_89 : vector<16xf32>
          %min3A_192 = arith.minimumf %min3A_190, %get3A_93 : vector<16xf32>
          %max3A_193 = arith.maximumf %max3A_191, %get3A_93 : vector<16xf32>
          %min3A_194 = arith.minimumf %min3A_192, %get3A_97 : vector<16xf32>
          %max3A_195 = arith.maximumf %max3A_193, %get3A_97 : vector<16xf32>
          %min3A_196 = arith.minimumf %min3A_194, %get3A_101 : vector<16xf32>
          %max3A_197 = arith.maximumf %max3A_195, %get3A_101 : vector<16xf32>
          %min3A_198 = arith.minimumf %min3A_196, %get3A_105 : vector<16xf32>
          %max3A_199 = arith.maximumf %max3A_197, %get3A_105 : vector<16xf32>
          %min3A_200 = arith.minimumf %min3A_198, %get3A_109 : vector<16xf32>
          %max3A_201 = arith.maximumf %max3A_199, %get3A_109 : vector<16xf32>
          %min3A_202 = arith.minimumf %min3A_200, %get3A_113 : vector<16xf32>
          %max3A_203 = arith.maximumf %max3A_201, %get3A_113 : vector<16xf32>
          %min3A_204 = arith.minimumf %min3A_202, %get3A_117 : vector<16xf32>
          %max3A_205 = arith.maximumf %max3A_203, %get3A_117 : vector<16xf32>
          %min3A_206 = arith.minimumf %min3A_204, %get3A_121 : vector<16xf32>
          %max3A_207 = arith.maximumf %max3A_205, %get3A_121 : vector<16xf32>
          %min3A_208 = arith.minimumf %min3A_206, %get3A_125 : vector<16xf32>
          %max3A_209 = arith.maximumf %max3A_207, %get3A_125 : vector<16xf32>
          %min3A_210 = arith.minimumf %min3A_208, %get3A_129 : vector<16xf32>
          %max3A_211 = arith.maximumf %max3A_209, %get3A_129 : vector<16xf32>
          %min3A_212 = arith.minimumf %min3A_210, %get3A_133 : vector<16xf32>
          %max3A_213 = arith.maximumf %max3A_211, %get3A_133 : vector<16xf32>
          %min3A_214 = arith.minimumf %min3A_212, %get3A_137 : vector<16xf32>
          %max3A_215 = arith.maximumf %max3A_213, %get3A_137 : vector<16xf32>
          %min3A_216 = arith.minimumf %min3A_214, %get3A_141 : vector<16xf32>
          %max3A_217 = arith.maximumf %max3A_215, %get3A_141 : vector<16xf32>
          %min3A_218 = arith.minimumf %min3A_216, %get3A_145 : vector<16xf32>
          %max3A_219 = arith.maximumf %max3A_217, %get3A_145 : vector<16xf32>
          %min3A_220 = arith.minimumf %min3A_218, %get3A_149 : vector<16xf32>
          %max3A_221 = arith.maximumf %max3A_219, %get3A_149 : vector<16xf32>
          %min3A_222 = arith.minimumf %min3A_220, %get3A_153 : vector<16xf32>
          %max3A_223 = arith.maximumf %max3A_221, %get3A_153 : vector<16xf32>
          %min3A_224 = arith.minimumf %min3A_222, %get3A_157 : vector<16xf32>
          %max3A_225 = arith.maximumf %max3A_223, %get3A_157 : vector<16xf32>
          %min3A_226 = arith.minimumf %min3A_224, %get3A_161 : vector<16xf32>
          %max3A_227 = arith.maximumf %max3A_225, %get3A_161 : vector<16xf32>
          %min3A_228 = arith.minimumf %min3A_226, %get3A_165 : vector<16xf32>
          %max3A_229 = arith.maximumf %max3A_227, %get3A_165 : vector<16xf32>
          %min3A_230 = arith.minimumf %min3A_228, %get3A_169 : vector<16xf32>
          %max3A_231 = arith.maximumf %max3A_229, %get3A_169 : vector<16xf32>
          %min3A_232 = arith.minimumf %min3A_230, %get3A_173 : vector<16xf32>
          %max3A_233 = arith.maximumf %max3A_231, %get3A_173 : vector<16xf32>
          %lt3A = arith.constant 0 : i32
          %lt3A_234 = vector.broadcast %lt3A : i32 to vector<16xi32>
          %lt3A_235 = arith.cmpi slt, %xor3A_13, %lt3A_234 : vector<16xi32>
          %add3A_236 = arith.constant 16 : i32
          %add3A_237 = vector.broadcast %add3A_236 : i32 to vector<16xi32>
          %add3A_238 = arith.addi %xor3A_13, %add3A_237 : vector<16xi32>
          %select_n3A = arith.select %lt3A_235, %add3A_238, %xor3A_13 : vector<16xi1>, vector<16xi32>
          %broadcast_in_dim3A_239 = vector.shape_cast %select_n3A : vector<16xi32> to vector<16x1xi32>
          %gather3A = vector.shape_cast %broadcast_in_dim3A_239 : vector<16x1xi32> to vector<16xi32>
          %gather3A_240 = tpu.dynamic_gather %min3A_232[%gather3A] in [0] : vector<16xf32>, vector<16xi32> -> vector<16xf32>
          %min3A_241 = arith.minimumf %min3A_232, %gather3A_240 : vector<16xf32>
          %lt3A_242 = arith.constant 0 : i32
          %lt3A_243 = vector.broadcast %lt3A_242 : i32 to vector<16xi32>
          %lt3A_244 = arith.cmpi slt, %xor3A_16, %lt3A_243 : vector<16xi32>
          %add3A_245 = arith.constant 16 : i32
          %add3A_246 = vector.broadcast %add3A_245 : i32 to vector<16xi32>
          %add3A_247 = arith.addi %xor3A_16, %add3A_246 : vector<16xi32>
          %select_n3A_248 = arith.select %lt3A_244, %add3A_247, %xor3A_16 : vector<16xi1>, vector<16xi32>
          %broadcast_in_dim3A_249 = vector.shape_cast %select_n3A_248 : vector<16xi32> to vector<16x1xi32>
          %gather3A_250 = vector.shape_cast %broadcast_in_dim3A_249 : vector<16x1xi32> to vector<16xi32>
          %gather3A_251 = tpu.dynamic_gather %min3A_241[%gather3A_250] in [0] : vector<16xf32>, vector<16xi32> -> vector<16xf32>
          %min3A_252 = arith.minimumf %min3A_241, %gather3A_251 : vector<16xf32>
          %lt3A_253 = arith.constant 0 : i32
          %lt3A_254 = vector.broadcast %lt3A_253 : i32 to vector<16xi32>
          %lt3A_255 = arith.cmpi slt, %xor3A_19, %lt3A_254 : vector<16xi32>
          %add3A_256 = arith.constant 16 : i32
          %add3A_257 = vector.broadcast %add3A_256 : i32 to vector<16xi32>
          %add3A_258 = arith.addi %xor3A_19, %add3A_257 : vector<16xi32>
          %select_n3A_259 = arith.select %lt3A_255, %add3A_258, %xor3A_19 : vector<16xi1>, vector<16xi32>
          %broadcast_in_dim3A_260 = vector.shape_cast %select_n3A_259 : vector<16xi32> to vector<16x1xi32>
          %gather3A_261 = vector.shape_cast %broadcast_in_dim3A_260 : vector<16x1xi32> to vector<16xi32>
          %gather3A_262 = tpu.dynamic_gather %min3A_252[%gather3A_261] in [0] : vector<16xf32>, vector<16xi32> -> vector<16xf32>
          %min3A_263 = arith.minimumf %min3A_252, %gather3A_262 : vector<16xf32>
          %lt3A_264 = arith.constant 0 : i32
          %lt3A_265 = vector.broadcast %lt3A_264 : i32 to vector<16xi32>
          %lt3A_266 = arith.cmpi slt, %xor3A_22, %lt3A_265 : vector<16xi32>
          %add3A_267 = arith.constant 16 : i32
          %add3A_268 = vector.broadcast %add3A_267 : i32 to vector<16xi32>
          %add3A_269 = arith.addi %xor3A_22, %add3A_268 : vector<16xi32>
          %select_n3A_270 = arith.select %lt3A_266, %add3A_269, %xor3A_22 : vector<16xi1>, vector<16xi32>
          %broadcast_in_dim3A_271 = vector.shape_cast %select_n3A_270 : vector<16xi32> to vector<16x1xi32>
          %gather3A_272 = vector.shape_cast %broadcast_in_dim3A_271 : vector<16x1xi32> to vector<16xi32>
          %gather3A_273 = tpu.dynamic_gather %min3A_263[%gather3A_272] in [0] : vector<16xf32>, vector<16xi32> -> vector<16xf32>
          %min3A_274 = arith.minimumf %min3A_263, %gather3A_273 : vector<16xf32>
          %lt3A_275 = arith.constant 0 : i32
          %lt3A_276 = vector.broadcast %lt3A_275 : i32 to vector<16xi32>
          %lt3A_277 = arith.cmpi slt, %xor3A_13, %lt3A_276 : vector<16xi32>
          %add3A_278 = arith.constant 16 : i32
          %add3A_279 = vector.broadcast %add3A_278 : i32 to vector<16xi32>
          %add3A_280 = arith.addi %xor3A_13, %add3A_279 : vector<16xi32>
          %select_n3A_281 = arith.select %lt3A_277, %add3A_280, %xor3A_13 : vector<16xi1>, vector<16xi32>
          %broadcast_in_dim3A_282 = vector.shape_cast %select_n3A_281 : vector<16xi32> to vector<16x1xi32>
          %gather3A_283 = vector.shape_cast %broadcast_in_dim3A_282 : vector<16x1xi32> to vector<16xi32>
          %gather3A_284 = tpu.dynamic_gather %max3A_233[%gather3A_283] in [0] : vector<16xf32>, vector<16xi32> -> vector<16xf32>
          %max3A_285 = arith.maximumf %max3A_233, %gather3A_284 : vector<16xf32>
          %lt3A_286 = arith.constant 0 : i32
          %lt3A_287 = vector.broadcast %lt3A_286 : i32 to vector<16xi32>
          %lt3A_288 = arith.cmpi slt, %xor3A_16, %lt3A_287 : vector<16xi32>
          %add3A_289 = arith.constant 16 : i32
          %add3A_290 = vector.broadcast %add3A_289 : i32 to vector<16xi32>
          %add3A_291 = arith.addi %xor3A_16, %add3A_290 : vector<16xi32>
          %select_n3A_292 = arith.select %lt3A_288, %add3A_291, %xor3A_16 : vector<16xi1>, vector<16xi32>
          %broadcast_in_dim3A_293 = vector.shape_cast %select_n3A_292 : vector<16xi32> to vector<16x1xi32>
          %gather3A_294 = vector.shape_cast %broadcast_in_dim3A_293 : vector<16x1xi32> to vector<16xi32>
          %gather3A_295 = tpu.dynamic_gather %max3A_285[%gather3A_294] in [0] : vector<16xf32>, vector<16xi32> -> vector<16xf32>
          %max3A_296 = arith.maximumf %max3A_285, %gather3A_295 : vector<16xf32>
          %lt3A_297 = arith.constant 0 : i32
          %lt3A_298 = vector.broadcast %lt3A_297 : i32 to vector<16xi32>
          %lt3A_299 = arith.cmpi slt, %xor3A_19, %lt3A_298 : vector<16xi32>
          %add3A_300 = arith.constant 16 : i32
          %add3A_301 = vector.broadcast %add3A_300 : i32 to vector<16xi32>
          %add3A_302 = arith.addi %xor3A_19, %add3A_301 : vector<16xi32>
          %select_n3A_303 = arith.select %lt3A_299, %add3A_302, %xor3A_19 : vector<16xi1>, vector<16xi32>
          %broadcast_in_dim3A_304 = vector.shape_cast %select_n3A_303 : vector<16xi32> to vector<16x1xi32>
          %gather3A_305 = vector.shape_cast %broadcast_in_dim3A_304 : vector<16x1xi32> to vector<16xi32>
          %gather3A_306 = tpu.dynamic_gather %max3A_296[%gather3A_305] in [0] : vector<16xf32>, vector<16xi32> -> vector<16xf32>
          %max3A_307 = arith.maximumf %max3A_296, %gather3A_306 : vector<16xf32>
          %lt3A_308 = arith.constant 0 : i32
          %lt3A_309 = vector.broadcast %lt3A_308 : i32 to vector<16xi32>
          %lt3A_310 = arith.cmpi slt, %xor3A_22, %lt3A_309 : vector<16xi32>
          %add3A_311 = arith.constant 16 : i32
          %add3A_312 = vector.broadcast %add3A_311 : i32 to vector<16xi32>
          %add3A_313 = arith.addi %xor3A_22, %add3A_312 : vector<16xi32>
          %select_n3A_314 = arith.select %lt3A_310, %add3A_313, %xor3A_22 : vector<16xi1>, vector<16xi32>
          %broadcast_in_dim3A_315 = vector.shape_cast %select_n3A_314 : vector<16xi32> to vector<16x1xi32>
          %gather3A_316 = vector.shape_cast %broadcast_in_dim3A_315 : vector<16x1xi32> to vector<16xi32>
          %gather3A_317 = tpu.dynamic_gather %max3A_307[%gather3A_316] in [0] : vector<16xf32>, vector<16xi32> -> vector<16xf32>
          %max3A_318 = arith.maximumf %max3A_307, %gather3A_317 : vector<16xf32>
          %add3A_319 = arith.addf %min3A_274, %max3A_318 : vector<16xf32>
          %mul3A_320 = arith.constant 5.000000e-01 : f32
          %mul3A_321 = vector.broadcast %mul3A_320 : f32 to vector<16xf32>
          %mul3A_322 = arith.mulf %mul3A_321, %add3A_319 : vector<16xf32>
          %ge3A = arith.cmpf oge, %get3A_49, %mul3A_322 : vector<16xf32>
          %jit3A = arith.constant 1.000000e+00 : f32
          %jit3A_323 = arith.constant 0.000000e+00 : f32
          %broadcast_in_dim3A_324 = vector.broadcast %jit3A : f32 to vector<16xf32>
          %broadcast_in_dim3A_325 = vector.broadcast %jit3A_323 : f32 to vector<16xf32>
          %select_n3A_326 = arith.select %ge3A, %broadcast_in_dim3A_324, %broadcast_in_dim3A_325 : vector<16xi1>, vector<16xf32>
          %ge3A_327 = arith.cmpf oge, %get3A_53, %mul3A_322 : vector<16xf32>
          %jit3A_328 = arith.constant 1.000000e+00 : f32
          %jit3A_329 = arith.constant 0.000000e+00 : f32
          %broadcast_in_dim3A_330 = vector.broadcast %jit3A_328 : f32 to vector<16xf32>
          %broadcast_in_dim3A_331 = vector.broadcast %jit3A_329 : f32 to vector<16xf32>
          %select_n3A_332 = arith.select %ge3A_327, %broadcast_in_dim3A_330, %broadcast_in_dim3A_331 : vector<16xi1>, vector<16xf32>
          %add3A_333 = arith.addf %select_n3A_326, %select_n3A_332 : vector<16xf32>
          %ge3A_334 = arith.cmpf oge, %get3A_57, %mul3A_322 : vector<16xf32>
          %jit3A_335 = arith.constant 1.000000e+00 : f32
          %jit3A_336 = arith.constant 0.000000e+00 : f32
          %broadcast_in_dim3A_337 = vector.broadcast %jit3A_335 : f32 to vector<16xf32>
          %broadcast_in_dim3A_338 = vector.broadcast %jit3A_336 : f32 to vector<16xf32>
          %select_n3A_339 = arith.select %ge3A_334, %broadcast_in_dim3A_337, %broadcast_in_dim3A_338 : vector<16xi1>, vector<16xf32>
          %add3A_340 = arith.addf %add3A_333, %select_n3A_339 : vector<16xf32>
          %ge3A_341 = arith.cmpf oge, %get3A_61, %mul3A_322 : vector<16xf32>
          %jit3A_342 = arith.constant 1.000000e+00 : f32
          %jit3A_343 = arith.constant 0.000000e+00 : f32
          %broadcast_in_dim3A_344 = vector.broadcast %jit3A_342 : f32 to vector<16xf32>
          %broadcast_in_dim3A_345 = vector.broadcast %jit3A_343 : f32 to vector<16xf32>
          %select_n3A_346 = arith.select %ge3A_341, %broadcast_in_dim3A_344, %broadcast_in_dim3A_345 : vector<16xi1>, vector<16xf32>
          %add3A_347 = arith.addf %add3A_340, %select_n3A_346 : vector<16xf32>
          %ge3A_348 = arith.cmpf oge, %get3A_65, %mul3A_322 : vector<16xf32>
          %jit3A_349 = arith.constant 1.000000e+00 : f32
          %jit3A_350 = arith.constant 0.000000e+00 : f32
          %broadcast_in_dim3A_351 = vector.broadcast %jit3A_349 : f32 to vector<16xf32>
          %broadcast_in_dim3A_352 = vector.broadcast %jit3A_350 : f32 to vector<16xf32>
          %select_n3A_353 = arith.select %ge3A_348, %broadcast_in_dim3A_351, %broadcast_in_dim3A_352 : vector<16xi1>, vector<16xf32>
          %add3A_354 = arith.addf %add3A_347, %select_n3A_353 : vector<16xf32>
          %ge3A_355 = arith.cmpf oge, %get3A_69, %mul3A_322 : vector<16xf32>
          %jit3A_356 = arith.constant 1.000000e+00 : f32
          %jit3A_357 = arith.constant 0.000000e+00 : f32
          %broadcast_in_dim3A_358 = vector.broadcast %jit3A_356 : f32 to vector<16xf32>
          %broadcast_in_dim3A_359 = vector.broadcast %jit3A_357 : f32 to vector<16xf32>
          %select_n3A_360 = arith.select %ge3A_355, %broadcast_in_dim3A_358, %broadcast_in_dim3A_359 : vector<16xi1>, vector<16xf32>
          %add3A_361 = arith.addf %add3A_354, %select_n3A_360 : vector<16xf32>
          %ge3A_362 = arith.cmpf oge, %get3A_73, %mul3A_322 : vector<16xf32>
          %jit3A_363 = arith.constant 1.000000e+00 : f32
          %jit3A_364 = arith.constant 0.000000e+00 : f32
          %broadcast_in_dim3A_365 = vector.broadcast %jit3A_363 : f32 to vector<16xf32>
          %broadcast_in_dim3A_366 = vector.broadcast %jit3A_364 : f32 to vector<16xf32>
          %select_n3A_367 = arith.select %ge3A_362, %broadcast_in_dim3A_365, %broadcast_in_dim3A_366 : vector<16xi1>, vector<16xf32>
          %add3A_368 = arith.addf %add3A_361, %select_n3A_367 : vector<16xf32>
          %ge3A_369 = arith.cmpf oge, %get3A_77, %mul3A_322 : vector<16xf32>
          %jit3A_370 = arith.constant 1.000000e+00 : f32
          %jit3A_371 = arith.constant 0.000000e+00 : f32
          %broadcast_in_dim3A_372 = vector.broadcast %jit3A_370 : f32 to vector<16xf32>
          %broadcast_in_dim3A_373 = vector.broadcast %jit3A_371 : f32 to vector<16xf32>
          %select_n3A_374 = arith.select %ge3A_369, %broadcast_in_dim3A_372, %broadcast_in_dim3A_373 : vector<16xi1>, vector<16xf32>
          %add3A_375 = arith.addf %add3A_368, %select_n3A_374 : vector<16xf32>
          %ge3A_376 = arith.cmpf oge, %get3A_81, %mul3A_322 : vector<16xf32>
          %jit3A_377 = arith.constant 1.000000e+00 : f32
          %jit3A_378 = arith.constant 0.000000e+00 : f32
          %broadcast_in_dim3A_379 = vector.broadcast %jit3A_377 : f32 to vector<16xf32>
          %broadcast_in_dim3A_380 = vector.broadcast %jit3A_378 : f32 to vector<16xf32>
          %select_n3A_381 = arith.select %ge3A_376, %broadcast_in_dim3A_379, %broadcast_in_dim3A_380 : vector<16xi1>, vector<16xf32>
          %add3A_382 = arith.addf %add3A_375, %select_n3A_381 : vector<16xf32>
          %ge3A_383 = arith.cmpf oge, %get3A_85, %mul3A_322 : vector<16xf32>
          %jit3A_384 = arith.constant 1.000000e+00 : f32
          %jit3A_385 = arith.constant 0.000000e+00 : f32
          %broadcast_in_dim3A_386 = vector.broadcast %jit3A_384 : f32 to vector<16xf32>
          %broadcast_in_dim3A_387 = vector.broadcast %jit3A_385 : f32 to vector<16xf32>
          %select_n3A_388 = arith.select %ge3A_383, %broadcast_in_dim3A_386, %broadcast_in_dim3A_387 : vector<16xi1>, vector<16xf32>
          %add3A_389 = arith.addf %add3A_382, %select_n3A_388 : vector<16xf32>
          %ge3A_390 = arith.cmpf oge, %get3A_89, %mul3A_322 : vector<16xf32>
          %jit3A_391 = arith.constant 1.000000e+00 : f32
          %jit3A_392 = arith.constant 0.000000e+00 : f32
          %broadcast_in_dim3A_393 = vector.broadcast %jit3A_391 : f32 to vector<16xf32>
          %broadcast_in_dim3A_394 = vector.broadcast %jit3A_392 : f32 to vector<16xf32>
          %select_n3A_395 = arith.select %ge3A_390, %broadcast_in_dim3A_393, %broadcast_in_dim3A_394 : vector<16xi1>, vector<16xf32>
          %add3A_396 = arith.addf %add3A_389, %select_n3A_395 : vector<16xf32>
          %ge3A_397 = arith.cmpf oge, %get3A_93, %mul3A_322 : vector<16xf32>
          %jit3A_398 = arith.constant 1.000000e+00 : f32
          %jit3A_399 = arith.constant 0.000000e+00 : f32
          %broadcast_in_dim3A_400 = vector.broadcast %jit3A_398 : f32 to vector<16xf32>
          %broadcast_in_dim3A_401 = vector.broadcast %jit3A_399 : f32 to vector<16xf32>
          %select_n3A_402 = arith.select %ge3A_397, %broadcast_in_dim3A_400, %broadcast_in_dim3A_401 : vector<16xi1>, vector<16xf32>
          %add3A_403 = arith.addf %add3A_396, %select_n3A_402 : vector<16xf32>
          %ge3A_404 = arith.cmpf oge, %get3A_97, %mul3A_322 : vector<16xf32>
          %jit3A_405 = arith.constant 1.000000e+00 : f32
          %jit3A_406 = arith.constant 0.000000e+00 : f32
          %broadcast_in_dim3A_407 = vector.broadcast %jit3A_405 : f32 to vector<16xf32>
          %broadcast_in_dim3A_408 = vector.broadcast %jit3A_406 : f32 to vector<16xf32>
          %select_n3A_409 = arith.select %ge3A_404, %broadcast_in_dim3A_407, %broadcast_in_dim3A_408 : vector<16xi1>, vector<16xf32>
          %add3A_410 = arith.addf %add3A_403, %select_n3A_409 : vector<16xf32>
          %ge3A_411 = arith.cmpf oge, %get3A_101, %mul3A_322 : vector<16xf32>
          %jit3A_412 = arith.constant 1.000000e+00 : f32
          %jit3A_413 = arith.constant 0.000000e+00 : f32
          %broadcast_in_dim3A_414 = vector.broadcast %jit3A_412 : f32 to vector<16xf32>
          %broadcast_in_dim3A_415 = vector.broadcast %jit3A_413 : f32 to vector<16xf32>
          %select_n3A_416 = arith.select %ge3A_411, %broadcast_in_dim3A_414, %broadcast_in_dim3A_415 : vector<16xi1>, vector<16xf32>
          %add3A_417 = arith.addf %add3A_410, %select_n3A_416 : vector<16xf32>
          %ge3A_418 = arith.cmpf oge, %get3A_105, %mul3A_322 : vector<16xf32>
          %jit3A_419 = arith.constant 1.000000e+00 : f32
          %jit3A_420 = arith.constant 0.000000e+00 : f32
          %broadcast_in_dim3A_421 = vector.broadcast %jit3A_419 : f32 to vector<16xf32>
          %broadcast_in_dim3A_422 = vector.broadcast %jit3A_420 : f32 to vector<16xf32>
          %select_n3A_423 = arith.select %ge3A_418, %broadcast_in_dim3A_421, %broadcast_in_dim3A_422 : vector<16xi1>, vector<16xf32>
          %add3A_424 = arith.addf %add3A_417, %select_n3A_423 : vector<16xf32>
          %ge3A_425 = arith.cmpf oge, %get3A_109, %mul3A_322 : vector<16xf32>
          %jit3A_426 = arith.constant 1.000000e+00 : f32
          %jit3A_427 = arith.constant 0.000000e+00 : f32
          %broadcast_in_dim3A_428 = vector.broadcast %jit3A_426 : f32 to vector<16xf32>
          %broadcast_in_dim3A_429 = vector.broadcast %jit3A_427 : f32 to vector<16xf32>
          %select_n3A_430 = arith.select %ge3A_425, %broadcast_in_dim3A_428, %broadcast_in_dim3A_429 : vector<16xi1>, vector<16xf32>
          %add3A_431 = arith.addf %add3A_424, %select_n3A_430 : vector<16xf32>
          %ge3A_432 = arith.cmpf oge, %get3A_113, %mul3A_322 : vector<16xf32>
          %jit3A_433 = arith.constant 1.000000e+00 : f32
          %jit3A_434 = arith.constant 0.000000e+00 : f32
          %broadcast_in_dim3A_435 = vector.broadcast %jit3A_433 : f32 to vector<16xf32>
          %broadcast_in_dim3A_436 = vector.broadcast %jit3A_434 : f32 to vector<16xf32>
          %select_n3A_437 = arith.select %ge3A_432, %broadcast_in_dim3A_435, %broadcast_in_dim3A_436 : vector<16xi1>, vector<16xf32>
          %add3A_438 = arith.addf %add3A_431, %select_n3A_437 : vector<16xf32>
          %ge3A_439 = arith.cmpf oge, %get3A_117, %mul3A_322 : vector<16xf32>
          %jit3A_440 = arith.constant 1.000000e+00 : f32
          %jit3A_441 = arith.constant 0.000000e+00 : f32
          %broadcast_in_dim3A_442 = vector.broadcast %jit3A_440 : f32 to vector<16xf32>
          %broadcast_in_dim3A_443 = vector.broadcast %jit3A_441 : f32 to vector<16xf32>
          %select_n3A_444 = arith.select %ge3A_439, %broadcast_in_dim3A_442, %broadcast_in_dim3A_443 : vector<16xi1>, vector<16xf32>
          %add3A_445 = arith.addf %add3A_438, %select_n3A_444 : vector<16xf32>
          %ge3A_446 = arith.cmpf oge, %get3A_121, %mul3A_322 : vector<16xf32>
          %jit3A_447 = arith.constant 1.000000e+00 : f32
          %jit3A_448 = arith.constant 0.000000e+00 : f32
          %broadcast_in_dim3A_449 = vector.broadcast %jit3A_447 : f32 to vector<16xf32>
          %broadcast_in_dim3A_450 = vector.broadcast %jit3A_448 : f32 to vector<16xf32>
          %select_n3A_451 = arith.select %ge3A_446, %broadcast_in_dim3A_449, %broadcast_in_dim3A_450 : vector<16xi1>, vector<16xf32>
          %add3A_452 = arith.addf %add3A_445, %select_n3A_451 : vector<16xf32>
          %ge3A_453 = arith.cmpf oge, %get3A_125, %mul3A_322 : vector<16xf32>
          %jit3A_454 = arith.constant 1.000000e+00 : f32
          %jit3A_455 = arith.constant 0.000000e+00 : f32
          %broadcast_in_dim3A_456 = vector.broadcast %jit3A_454 : f32 to vector<16xf32>
          %broadcast_in_dim3A_457 = vector.broadcast %jit3A_455 : f32 to vector<16xf32>
          %select_n3A_458 = arith.select %ge3A_453, %broadcast_in_dim3A_456, %broadcast_in_dim3A_457 : vector<16xi1>, vector<16xf32>
          %add3A_459 = arith.addf %add3A_452, %select_n3A_458 : vector<16xf32>
          %ge3A_460 = arith.cmpf oge, %get3A_129, %mul3A_322 : vector<16xf32>
          %jit3A_461 = arith.constant 1.000000e+00 : f32
          %jit3A_462 = arith.constant 0.000000e+00 : f32
          %broadcast_in_dim3A_463 = vector.broadcast %jit3A_461 : f32 to vector<16xf32>
          %broadcast_in_dim3A_464 = vector.broadcast %jit3A_462 : f32 to vector<16xf32>
          %select_n3A_465 = arith.select %ge3A_460, %broadcast_in_dim3A_463, %broadcast_in_dim3A_464 : vector<16xi1>, vector<16xf32>
          %add3A_466 = arith.addf %add3A_459, %select_n3A_465 : vector<16xf32>
          %ge3A_467 = arith.cmpf oge, %get3A_133, %mul3A_322 : vector<16xf32>
          %jit3A_468 = arith.constant 1.000000e+00 : f32
          %jit3A_469 = arith.constant 0.000000e+00 : f32
          %broadcast_in_dim3A_470 = vector.broadcast %jit3A_468 : f32 to vector<16xf32>
          %broadcast_in_dim3A_471 = vector.broadcast %jit3A_469 : f32 to vector<16xf32>
          %select_n3A_472 = arith.select %ge3A_467, %broadcast_in_dim3A_470, %broadcast_in_dim3A_471 : vector<16xi1>, vector<16xf32>
          %add3A_473 = arith.addf %add3A_466, %select_n3A_472 : vector<16xf32>
          %ge3A_474 = arith.cmpf oge, %get3A_137, %mul3A_322 : vector<16xf32>
          %jit3A_475 = arith.constant 1.000000e+00 : f32
          %jit3A_476 = arith.constant 0.000000e+00 : f32
          %broadcast_in_dim3A_477 = vector.broadcast %jit3A_475 : f32 to vector<16xf32>
          %broadcast_in_dim3A_478 = vector.broadcast %jit3A_476 : f32 to vector<16xf32>
          %select_n3A_479 = arith.select %ge3A_474, %broadcast_in_dim3A_477, %broadcast_in_dim3A_478 : vector<16xi1>, vector<16xf32>
          %add3A_480 = arith.addf %add3A_473, %select_n3A_479 : vector<16xf32>
          %ge3A_481 = arith.cmpf oge, %get3A_141, %mul3A_322 : vector<16xf32>
          %jit3A_482 = arith.constant 1.000000e+00 : f32
          %jit3A_483 = arith.constant 0.000000e+00 : f32
          %broadcast_in_dim3A_484 = vector.broadcast %jit3A_482 : f32 to vector<16xf32>
          %broadcast_in_dim3A_485 = vector.broadcast %jit3A_483 : f32 to vector<16xf32>
          %select_n3A_486 = arith.select %ge3A_481, %broadcast_in_dim3A_484, %broadcast_in_dim3A_485 : vector<16xi1>, vector<16xf32>
          %add3A_487 = arith.addf %add3A_480, %select_n3A_486 : vector<16xf32>
          %ge3A_488 = arith.cmpf oge, %get3A_145, %mul3A_322 : vector<16xf32>
          %jit3A_489 = arith.constant 1.000000e+00 : f32
          %jit3A_490 = arith.constant 0.000000e+00 : f32
          %broadcast_in_dim3A_491 = vector.broadcast %jit3A_489 : f32 to vector<16xf32>
          %broadcast_in_dim3A_492 = vector.broadcast %jit3A_490 : f32 to vector<16xf32>
          %select_n3A_493 = arith.select %ge3A_488, %broadcast_in_dim3A_491, %broadcast_in_dim3A_492 : vector<16xi1>, vector<16xf32>
          %add3A_494 = arith.addf %add3A_487, %select_n3A_493 : vector<16xf32>
          %ge3A_495 = arith.cmpf oge, %get3A_149, %mul3A_322 : vector<16xf32>
          %jit3A_496 = arith.constant 1.000000e+00 : f32
          %jit3A_497 = arith.constant 0.000000e+00 : f32
          %broadcast_in_dim3A_498 = vector.broadcast %jit3A_496 : f32 to vector<16xf32>
          %broadcast_in_dim3A_499 = vector.broadcast %jit3A_497 : f32 to vector<16xf32>
          %select_n3A_500 = arith.select %ge3A_495, %broadcast_in_dim3A_498, %broadcast_in_dim3A_499 : vector<16xi1>, vector<16xf32>
          %add3A_501 = arith.addf %add3A_494, %select_n3A_500 : vector<16xf32>
          %ge3A_502 = arith.cmpf oge, %get3A_153, %mul3A_322 : vector<16xf32>
          %jit3A_503 = arith.constant 1.000000e+00 : f32
          %jit3A_504 = arith.constant 0.000000e+00 : f32
          %broadcast_in_dim3A_505 = vector.broadcast %jit3A_503 : f32 to vector<16xf32>
          %broadcast_in_dim3A_506 = vector.broadcast %jit3A_504 : f32 to vector<16xf32>
          %select_n3A_507 = arith.select %ge3A_502, %broadcast_in_dim3A_505, %broadcast_in_dim3A_506 : vector<16xi1>, vector<16xf32>
          %add3A_508 = arith.addf %add3A_501, %select_n3A_507 : vector<16xf32>
          %ge3A_509 = arith.cmpf oge, %get3A_157, %mul3A_322 : vector<16xf32>
          %jit3A_510 = arith.constant 1.000000e+00 : f32
          %jit3A_511 = arith.constant 0.000000e+00 : f32
          %broadcast_in_dim3A_512 = vector.broadcast %jit3A_510 : f32 to vector<16xf32>
          %broadcast_in_dim3A_513 = vector.broadcast %jit3A_511 : f32 to vector<16xf32>
          %select_n3A_514 = arith.select %ge3A_509, %broadcast_in_dim3A_512, %broadcast_in_dim3A_513 : vector<16xi1>, vector<16xf32>
          %add3A_515 = arith.addf %add3A_508, %select_n3A_514 : vector<16xf32>
          %ge3A_516 = arith.cmpf oge, %get3A_161, %mul3A_322 : vector<16xf32>
          %jit3A_517 = arith.constant 1.000000e+00 : f32
          %jit3A_518 = arith.constant 0.000000e+00 : f32
          %broadcast_in_dim3A_519 = vector.broadcast %jit3A_517 : f32 to vector<16xf32>
          %broadcast_in_dim3A_520 = vector.broadcast %jit3A_518 : f32 to vector<16xf32>
          %select_n3A_521 = arith.select %ge3A_516, %broadcast_in_dim3A_519, %broadcast_in_dim3A_520 : vector<16xi1>, vector<16xf32>
          %add3A_522 = arith.addf %add3A_515, %select_n3A_521 : vector<16xf32>
          %ge3A_523 = arith.cmpf oge, %get3A_165, %mul3A_322 : vector<16xf32>
          %jit3A_524 = arith.constant 1.000000e+00 : f32
          %jit3A_525 = arith.constant 0.000000e+00 : f32
          %broadcast_in_dim3A_526 = vector.broadcast %jit3A_524 : f32 to vector<16xf32>
          %broadcast_in_dim3A_527 = vector.broadcast %jit3A_525 : f32 to vector<16xf32>
          %select_n3A_528 = arith.select %ge3A_523, %broadcast_in_dim3A_526, %broadcast_in_dim3A_527 : vector<16xi1>, vector<16xf32>
          %add3A_529 = arith.addf %add3A_522, %select_n3A_528 : vector<16xf32>
          %ge3A_530 = arith.cmpf oge, %get3A_169, %mul3A_322 : vector<16xf32>
          %jit3A_531 = arith.constant 1.000000e+00 : f32
          %jit3A_532 = arith.constant 0.000000e+00 : f32
          %broadcast_in_dim3A_533 = vector.broadcast %jit3A_531 : f32 to vector<16xf32>
          %broadcast_in_dim3A_534 = vector.broadcast %jit3A_532 : f32 to vector<16xf32>
          %select_n3A_535 = arith.select %ge3A_530, %broadcast_in_dim3A_533, %broadcast_in_dim3A_534 : vector<16xi1>, vector<16xf32>
          %add3A_536 = arith.addf %add3A_529, %select_n3A_535 : vector<16xf32>
          %ge3A_537 = arith.cmpf oge, %get3A_173, %mul3A_322 : vector<16xf32>
          %jit3A_538 = arith.constant 1.000000e+00 : f32
          %jit3A_539 = arith.constant 0.000000e+00 : f32
          %broadcast_in_dim3A_540 = vector.broadcast %jit3A_538 : f32 to vector<16xf32>
          %broadcast_in_dim3A_541 = vector.broadcast %jit3A_539 : f32 to vector<16xf32>
          %select_n3A_542 = arith.select %ge3A_537, %broadcast_in_dim3A_540, %broadcast_in_dim3A_541 : vector<16xi1>, vector<16xf32>
          %add3A_543 = arith.addf %add3A_536, %select_n3A_542 : vector<16xf32>
          %lt3A_544 = arith.constant 0 : i32
          %lt3A_545 = vector.broadcast %lt3A_544 : i32 to vector<16xi32>
          %lt3A_546 = arith.cmpi slt, %xor3A_13, %lt3A_545 : vector<16xi32>
          %add3A_547 = arith.constant 16 : i32
          %add3A_548 = vector.broadcast %add3A_547 : i32 to vector<16xi32>
          %add3A_549 = arith.addi %xor3A_13, %add3A_548 : vector<16xi32>
          %select_n3A_550 = arith.select %lt3A_546, %add3A_549, %xor3A_13 : vector<16xi1>, vector<16xi32>
          %broadcast_in_dim3A_551 = vector.shape_cast %select_n3A_550 : vector<16xi32> to vector<16x1xi32>
          %gather3A_552 = vector.shape_cast %broadcast_in_dim3A_551 : vector<16x1xi32> to vector<16xi32>
          %gather3A_553 = tpu.dynamic_gather %add3A_543[%gather3A_552] in [0] : vector<16xf32>, vector<16xi32> -> vector<16xf32>
          %add3A_554 = arith.addf %add3A_543, %gather3A_553 : vector<16xf32>
          %lt3A_555 = arith.constant 0 : i32
          %lt3A_556 = vector.broadcast %lt3A_555 : i32 to vector<16xi32>
          %lt3A_557 = arith.cmpi slt, %xor3A_16, %lt3A_556 : vector<16xi32>
          %add3A_558 = arith.constant 16 : i32
          %add3A_559 = vector.broadcast %add3A_558 : i32 to vector<16xi32>
          %add3A_560 = arith.addi %xor3A_16, %add3A_559 : vector<16xi32>
          %select_n3A_561 = arith.select %lt3A_557, %add3A_560, %xor3A_16 : vector<16xi1>, vector<16xi32>
          %broadcast_in_dim3A_562 = vector.shape_cast %select_n3A_561 : vector<16xi32> to vector<16x1xi32>
          %gather3A_563 = vector.shape_cast %broadcast_in_dim3A_562 : vector<16x1xi32> to vector<16xi32>
          %gather3A_564 = tpu.dynamic_gather %add3A_554[%gather3A_563] in [0] : vector<16xf32>, vector<16xi32> -> vector<16xf32>
          %add3A_565 = arith.addf %add3A_554, %gather3A_564 : vector<16xf32>
          %lt3A_566 = arith.constant 0 : i32
          %lt3A_567 = vector.broadcast %lt3A_566 : i32 to vector<16xi32>
          %lt3A_568 = arith.cmpi slt, %xor3A_19, %lt3A_567 : vector<16xi32>
          %add3A_569 = arith.constant 16 : i32
          %add3A_570 = vector.broadcast %add3A_569 : i32 to vector<16xi32>
          %add3A_571 = arith.addi %xor3A_19, %add3A_570 : vector<16xi32>
          %select_n3A_572 = arith.select %lt3A_568, %add3A_571, %xor3A_19 : vector<16xi1>, vector<16xi32>
          %broadcast_in_dim3A_573 = vector.shape_cast %select_n3A_572 : vector<16xi32> to vector<16x1xi32>
          %gather3A_574 = vector.shape_cast %broadcast_in_dim3A_573 : vector<16x1xi32> to vector<16xi32>
          %gather3A_575 = tpu.dynamic_gather %add3A_565[%gather3A_574] in [0] : vector<16xf32>, vector<16xi32> -> vector<16xf32>
          %add3A_576 = arith.addf %add3A_565, %gather3A_575 : vector<16xf32>
          %lt3A_577 = arith.constant 0 : i32
          %lt3A_578 = vector.broadcast %lt3A_577 : i32 to vector<16xi32>
          %lt3A_579 = arith.cmpi slt, %xor3A_22, %lt3A_578 : vector<16xi32>
          %add3A_580 = arith.constant 16 : i32
          %add3A_581 = vector.broadcast %add3A_580 : i32 to vector<16xi32>
          %add3A_582 = arith.addi %xor3A_22, %add3A_581 : vector<16xi32>
          %select_n3A_583 = arith.select %lt3A_579, %add3A_582, %xor3A_22 : vector<16xi1>, vector<16xi32>
          %broadcast_in_dim3A_584 = vector.shape_cast %select_n3A_583 : vector<16xi32> to vector<16x1xi32>
          %gather3A_585 = vector.shape_cast %broadcast_in_dim3A_584 : vector<16x1xi32> to vector<16xi32>
          %gather3A_586 = tpu.dynamic_gather %add3A_576[%gather3A_585] in [0] : vector<16xf32>, vector<16xi32> -> vector<16xf32>
          %add3A_587 = arith.addf %add3A_576, %gather3A_586 : vector<16xf32>
          %ge3A_588 = arith.constant 6.400000e+01 : f32
          %ge3A_589 = vector.broadcast %ge3A_588 : f32 to vector<16xf32>
          %ge3A_590 = arith.cmpf oge, %add3A_587, %ge3A_589 : vector<16xf32>
          %select_n3A_591 = arith.select %ge3A_590, %mul3A_322, %min3A_274 : vector<16xi1>, vector<16xf32>
          %select_n3A_592 = arith.select %ge3A_590, %max3A_318, %mul3A_322 : vector<16xi1>, vector<16xf32>
          %add3A_593 = arith.addf %select_n3A_591, %select_n3A_592 : vector<16xf32>
          %mul3A_594 = arith.constant 5.000000e-01 : f32
          %mul3A_595 = vector.broadcast %mul3A_594 : f32 to vector<16xf32>
          %mul3A_596 = arith.mulf %mul3A_595, %add3A_593 : vector<16xf32>
          %ge3A_597 = arith.cmpf oge, %get3A_49, %mul3A_596 : vector<16xf32>
          %jit3A_598 = arith.constant 1.000000e+00 : f32
          %jit3A_599 = arith.constant 0.000000e+00 : f32
          %broadcast_in_dim3A_600 = vector.broadcast %jit3A_598 : f32 to vector<16xf32>
          %broadcast_in_dim3A_601 = vector.broadcast %jit3A_599 : f32 to vector<16xf32>
          %select_n3A_602 = arith.select %ge3A_597, %broadcast_in_dim3A_600, %broadcast_in_dim3A_601 : vector<16xi1>, vector<16xf32>
          %ge3A_603 = arith.cmpf oge, %get3A_53, %mul3A_596 : vector<16xf32>
          %jit3A_604 = arith.constant 1.000000e+00 : f32
          %jit3A_605 = arith.constant 0.000000e+00 : f32
          %broadcast_in_dim3A_606 = vector.broadcast %jit3A_604 : f32 to vector<16xf32>
          %broadcast_in_dim3A_607 = vector.broadcast %jit3A_605 : f32 to vector<16xf32>
          %select_n3A_608 = arith.select %ge3A_603, %broadcast_in_dim3A_606, %broadcast_in_dim3A_607 : vector<16xi1>, vector<16xf32>
          %add3A_609 = arith.addf %select_n3A_602, %select_n3A_608 : vector<16xf32>
          %ge3A_610 = arith.cmpf oge, %get3A_57, %mul3A_596 : vector<16xf32>
          %jit3A_611 = arith.constant 1.000000e+00 : f32
          %jit3A_612 = arith.constant 0.000000e+00 : f32
          %broadcast_in_dim3A_613 = vector.broadcast %jit3A_611 : f32 to vector<16xf32>
          %broadcast_in_dim3A_614 = vector.broadcast %jit3A_612 : f32 to vector<16xf32>
          %select_n3A_615 = arith.select %ge3A_610, %broadcast_in_dim3A_613, %broadcast_in_dim3A_614 : vector<16xi1>, vector<16xf32>
          %add3A_616 = arith.addf %add3A_609, %select_n3A_615 : vector<16xf32>
          %ge3A_617 = arith.cmpf oge, %get3A_61, %mul3A_596 : vector<16xf32>
          %jit3A_618 = arith.constant 1.000000e+00 : f32
          %jit3A_619 = arith.constant 0.000000e+00 : f32
          %broadcast_in_dim3A_620 = vector.broadcast %jit3A_618 : f32 to vector<16xf32>
          %broadcast_in_dim3A_621 = vector.broadcast %jit3A_619 : f32 to vector<16xf32>
          %select_n3A_622 = arith.select %ge3A_617, %broadcast_in_dim3A_620, %broadcast_in_dim3A_621 : vector<16xi1>, vector<16xf32>
          %add3A_623 = arith.addf %add3A_616, %select_n3A_622 : vector<16xf32>
          %ge3A_624 = arith.cmpf oge, %get3A_65, %mul3A_596 : vector<16xf32>
          %jit3A_625 = arith.constant 1.000000e+00 : f32
          %jit3A_626 = arith.constant 0.000000e+00 : f32
          %broadcast_in_dim3A_627 = vector.broadcast %jit3A_625 : f32 to vector<16xf32>
          %broadcast_in_dim3A_628 = vector.broadcast %jit3A_626 : f32 to vector<16xf32>
          %select_n3A_629 = arith.select %ge3A_624, %broadcast_in_dim3A_627, %broadcast_in_dim3A_628 : vector<16xi1>, vector<16xf32>
          %add3A_630 = arith.addf %add3A_623, %select_n3A_629 : vector<16xf32>
          %ge3A_631 = arith.cmpf oge, %get3A_69, %mul3A_596 : vector<16xf32>
          %jit3A_632 = arith.constant 1.000000e+00 : f32
          %jit3A_633 = arith.constant 0.000000e+00 : f32
          %broadcast_in_dim3A_634 = vector.broadcast %jit3A_632 : f32 to vector<16xf32>
          %broadcast_in_dim3A_635 = vector.broadcast %jit3A_633 : f32 to vector<16xf32>
          %select_n3A_636 = arith.select %ge3A_631, %broadcast_in_dim3A_634, %broadcast_in_dim3A_635 : vector<16xi1>, vector<16xf32>
          %add3A_637 = arith.addf %add3A_630, %select_n3A_636 : vector<16xf32>
          %ge3A_638 = arith.cmpf oge, %get3A_73, %mul3A_596 : vector<16xf32>
          %jit3A_639 = arith.constant 1.000000e+00 : f32
          %jit3A_640 = arith.constant 0.000000e+00 : f32
          %broadcast_in_dim3A_641 = vector.broadcast %jit3A_639 : f32 to vector<16xf32>
          %broadcast_in_dim3A_642 = vector.broadcast %jit3A_640 : f32 to vector<16xf32>
          %select_n3A_643 = arith.select %ge3A_638, %broadcast_in_dim3A_641, %broadcast_in_dim3A_642 : vector<16xi1>, vector<16xf32>
          %add3A_644 = arith.addf %add3A_637, %select_n3A_643 : vector<16xf32>
          %ge3A_645 = arith.cmpf oge, %get3A_77, %mul3A_596 : vector<16xf32>
          %jit3A_646 = arith.constant 1.000000e+00 : f32
          %jit3A_647 = arith.constant 0.000000e+00 : f32
          %broadcast_in_dim3A_648 = vector.broadcast %jit3A_646 : f32 to vector<16xf32>
          %broadcast_in_dim3A_649 = vector.broadcast %jit3A_647 : f32 to vector<16xf32>
          %select_n3A_650 = arith.select %ge3A_645, %broadcast_in_dim3A_648, %broadcast_in_dim3A_649 : vector<16xi1>, vector<16xf32>
          %add3A_651 = arith.addf %add3A_644, %select_n3A_650 : vector<16xf32>
          %ge3A_652 = arith.cmpf oge, %get3A_81, %mul3A_596 : vector<16xf32>
          %jit3A_653 = arith.constant 1.000000e+00 : f32
          %jit3A_654 = arith.constant 0.000000e+00 : f32
          %broadcast_in_dim3A_655 = vector.broadcast %jit3A_653 : f32 to vector<16xf32>
          %broadcast_in_dim3A_656 = vector.broadcast %jit3A_654 : f32 to vector<16xf32>
          %select_n3A_657 = arith.select %ge3A_652, %broadcast_in_dim3A_655, %broadcast_in_dim3A_656 : vector<16xi1>, vector<16xf32>
          %add3A_658 = arith.addf %add3A_651, %select_n3A_657 : vector<16xf32>
          %ge3A_659 = arith.cmpf oge, %get3A_85, %mul3A_596 : vector<16xf32>
          %jit3A_660 = arith.constant 1.000000e+00 : f32
          %jit3A_661 = arith.constant 0.000000e+00 : f32
          %broadcast_in_dim3A_662 = vector.broadcast %jit3A_660 : f32 to vector<16xf32>
          %broadcast_in_dim3A_663 = vector.broadcast %jit3A_661 : f32 to vector<16xf32>
          %select_n3A_664 = arith.select %ge3A_659, %broadcast_in_dim3A_662, %broadcast_in_dim3A_663 : vector<16xi1>, vector<16xf32>
          %add3A_665 = arith.addf %add3A_658, %select_n3A_664 : vector<16xf32>
          %ge3A_666 = arith.cmpf oge, %get3A_89, %mul3A_596 : vector<16xf32>
          %jit3A_667 = arith.constant 1.000000e+00 : f32
          %jit3A_668 = arith.constant 0.000000e+00 : f32
          %broadcast_in_dim3A_669 = vector.broadcast %jit3A_667 : f32 to vector<16xf32>
          %broadcast_in_dim3A_670 = vector.broadcast %jit3A_668 : f32 to vector<16xf32>
          %select_n3A_671 = arith.select %ge3A_666, %broadcast_in_dim3A_669, %broadcast_in_dim3A_670 : vector<16xi1>, vector<16xf32>
          %add3A_672 = arith.addf %add3A_665, %select_n3A_671 : vector<16xf32>
          %ge3A_673 = arith.cmpf oge, %get3A_93, %mul3A_596 : vector<16xf32>
          %jit3A_674 = arith.constant 1.000000e+00 : f32
          %jit3A_675 = arith.constant 0.000000e+00 : f32
          %broadcast_in_dim3A_676 = vector.broadcast %jit3A_674 : f32 to vector<16xf32>
          %broadcast_in_dim3A_677 = vector.broadcast %jit3A_675 : f32 to vector<16xf32>
          %select_n3A_678 = arith.select %ge3A_673, %broadcast_in_dim3A_676, %broadcast_in_dim3A_677 : vector<16xi1>, vector<16xf32>
          %add3A_679 = arith.addf %add3A_672, %select_n3A_678 : vector<16xf32>
          %ge3A_680 = arith.cmpf oge, %get3A_97, %mul3A_596 : vector<16xf32>
          %jit3A_681 = arith.constant 1.000000e+00 : f32
          %jit3A_682 = arith.constant 0.000000e+00 : f32
          %broadcast_in_dim3A_683 = vector.broadcast %jit3A_681 : f32 to vector<16xf32>
          %broadcast_in_dim3A_684 = vector.broadcast %jit3A_682 : f32 to vector<16xf32>
          %select_n3A_685 = arith.select %ge3A_680, %broadcast_in_dim3A_683, %broadcast_in_dim3A_684 : vector<16xi1>, vector<16xf32>
          %add3A_686 = arith.addf %add3A_679, %select_n3A_685 : vector<16xf32>
          %ge3A_687 = arith.cmpf oge, %get3A_101, %mul3A_596 : vector<16xf32>
          %jit3A_688 = arith.constant 1.000000e+00 : f32
          %jit3A_689 = arith.constant 0.000000e+00 : f32
          %broadcast_in_dim3A_690 = vector.broadcast %jit3A_688 : f32 to vector<16xf32>
          %broadcast_in_dim3A_691 = vector.broadcast %jit3A_689 : f32 to vector<16xf32>
          %select_n3A_692 = arith.select %ge3A_687, %broadcast_in_dim3A_690, %broadcast_in_dim3A_691 : vector<16xi1>, vector<16xf32>
          %add3A_693 = arith.addf %add3A_686, %select_n3A_692 : vector<16xf32>
          %ge3A_694 = arith.cmpf oge, %get3A_105, %mul3A_596 : vector<16xf32>
          %jit3A_695 = arith.constant 1.000000e+00 : f32
          %jit3A_696 = arith.constant 0.000000e+00 : f32
          %broadcast_in_dim3A_697 = vector.broadcast %jit3A_695 : f32 to vector<16xf32>
          %broadcast_in_dim3A_698 = vector.broadcast %jit3A_696 : f32 to vector<16xf32>
          %select_n3A_699 = arith.select %ge3A_694, %broadcast_in_dim3A_697, %broadcast_in_dim3A_698 : vector<16xi1>, vector<16xf32>
          %add3A_700 = arith.addf %add3A_693, %select_n3A_699 : vector<16xf32>
          %ge3A_701 = arith.cmpf oge, %get3A_109, %mul3A_596 : vector<16xf32>
          %jit3A_702 = arith.constant 1.000000e+00 : f32
          %jit3A_703 = arith.constant 0.000000e+00 : f32
          %broadcast_in_dim3A_704 = vector.broadcast %jit3A_702 : f32 to vector<16xf32>
          %broadcast_in_dim3A_705 = vector.broadcast %jit3A_703 : f32 to vector<16xf32>
          %select_n3A_706 = arith.select %ge3A_701, %broadcast_in_dim3A_704, %broadcast_in_dim3A_705 : vector<16xi1>, vector<16xf32>
          %add3A_707 = arith.addf %add3A_700, %select_n3A_706 : vector<16xf32>
          %ge3A_708 = arith.cmpf oge, %get3A_113, %mul3A_596 : vector<16xf32>
          %jit3A_709 = arith.constant 1.000000e+00 : f32
          %jit3A_710 = arith.constant 0.000000e+00 : f32
          %broadcast_in_dim3A_711 = vector.broadcast %jit3A_709 : f32 to vector<16xf32>
          %broadcast_in_dim3A_712 = vector.broadcast %jit3A_710 : f32 to vector<16xf32>
          %select_n3A_713 = arith.select %ge3A_708, %broadcast_in_dim3A_711, %broadcast_in_dim3A_712 : vector<16xi1>, vector<16xf32>
          %add3A_714 = arith.addf %add3A_707, %select_n3A_713 : vector<16xf32>
          %ge3A_715 = arith.cmpf oge, %get3A_117, %mul3A_596 : vector<16xf32>
          %jit3A_716 = arith.constant 1.000000e+00 : f32
          %jit3A_717 = arith.constant 0.000000e+00 : f32
          %broadcast_in_dim3A_718 = vector.broadcast %jit3A_716 : f32 to vector<16xf32>
          %broadcast_in_dim3A_719 = vector.broadcast %jit3A_717 : f32 to vector<16xf32>
          %select_n3A_720 = arith.select %ge3A_715, %broadcast_in_dim3A_718, %broadcast_in_dim3A_719 : vector<16xi1>, vector<16xf32>
          %add3A_721 = arith.addf %add3A_714, %select_n3A_720 : vector<16xf32>
          %ge3A_722 = arith.cmpf oge, %get3A_121, %mul3A_596 : vector<16xf32>
          %jit3A_723 = arith.constant 1.000000e+00 : f32
          %jit3A_724 = arith.constant 0.000000e+00 : f32
          %broadcast_in_dim3A_725 = vector.broadcast %jit3A_723 : f32 to vector<16xf32>
          %broadcast_in_dim3A_726 = vector.broadcast %jit3A_724 : f32 to vector<16xf32>
          %select_n3A_727 = arith.select %ge3A_722, %broadcast_in_dim3A_725, %broadcast_in_dim3A_726 : vector<16xi1>, vector<16xf32>
          %add3A_728 = arith.addf %add3A_721, %select_n3A_727 : vector<16xf32>
          %ge3A_729 = arith.cmpf oge, %get3A_125, %mul3A_596 : vector<16xf32>
          %jit3A_730 = arith.constant 1.000000e+00 : f32
          %jit3A_731 = arith.constant 0.000000e+00 : f32
          %broadcast_in_dim3A_732 = vector.broadcast %jit3A_730 : f32 to vector<16xf32>
          %broadcast_in_dim3A_733 = vector.broadcast %jit3A_731 : f32 to vector<16xf32>
          %select_n3A_734 = arith.select %ge3A_729, %broadcast_in_dim3A_732, %broadcast_in_dim3A_733 : vector<16xi1>, vector<16xf32>
          %add3A_735 = arith.addf %add3A_728, %select_n3A_734 : vector<16xf32>
          %ge3A_736 = arith.cmpf oge, %get3A_129, %mul3A_596 : vector<16xf32>
          %jit3A_737 = arith.constant 1.000000e+00 : f32
          %jit3A_738 = arith.constant 0.000000e+00 : f32
          %broadcast_in_dim3A_739 = vector.broadcast %jit3A_737 : f32 to vector<16xf32>
          %broadcast_in_dim3A_740 = vector.broadcast %jit3A_738 : f32 to vector<16xf32>
          %select_n3A_741 = arith.select %ge3A_736, %broadcast_in_dim3A_739, %broadcast_in_dim3A_740 : vector<16xi1>, vector<16xf32>
          %add3A_742 = arith.addf %add3A_735, %select_n3A_741 : vector<16xf32>
          %ge3A_743 = arith.cmpf oge, %get3A_133, %mul3A_596 : vector<16xf32>
          %jit3A_744 = arith.constant 1.000000e+00 : f32
          %jit3A_745 = arith.constant 0.000000e+00 : f32
          %broadcast_in_dim3A_746 = vector.broadcast %jit3A_744 : f32 to vector<16xf32>
          %broadcast_in_dim3A_747 = vector.broadcast %jit3A_745 : f32 to vector<16xf32>
          %select_n3A_748 = arith.select %ge3A_743, %broadcast_in_dim3A_746, %broadcast_in_dim3A_747 : vector<16xi1>, vector<16xf32>
          %add3A_749 = arith.addf %add3A_742, %select_n3A_748 : vector<16xf32>
          %ge3A_750 = arith.cmpf oge, %get3A_137, %mul3A_596 : vector<16xf32>
          %jit3A_751 = arith.constant 1.000000e+00 : f32
          %jit3A_752 = arith.constant 0.000000e+00 : f32
          %broadcast_in_dim3A_753 = vector.broadcast %jit3A_751 : f32 to vector<16xf32>
          %broadcast_in_dim3A_754 = vector.broadcast %jit3A_752 : f32 to vector<16xf32>
          %select_n3A_755 = arith.select %ge3A_750, %broadcast_in_dim3A_753, %broadcast_in_dim3A_754 : vector<16xi1>, vector<16xf32>
          %add3A_756 = arith.addf %add3A_749, %select_n3A_755 : vector<16xf32>
          %ge3A_757 = arith.cmpf oge, %get3A_141, %mul3A_596 : vector<16xf32>
          %jit3A_758 = arith.constant 1.000000e+00 : f32
          %jit3A_759 = arith.constant 0.000000e+00 : f32
          %broadcast_in_dim3A_760 = vector.broadcast %jit3A_758 : f32 to vector<16xf32>
          %broadcast_in_dim3A_761 = vector.broadcast %jit3A_759 : f32 to vector<16xf32>
          %select_n3A_762 = arith.select %ge3A_757, %broadcast_in_dim3A_760, %broadcast_in_dim3A_761 : vector<16xi1>, vector<16xf32>
          %add3A_763 = arith.addf %add3A_756, %select_n3A_762 : vector<16xf32>
          %ge3A_764 = arith.cmpf oge, %get3A_145, %mul3A_596 : vector<16xf32>
          %jit3A_765 = arith.constant 1.000000e+00 : f32
          %jit3A_766 = arith.constant 0.000000e+00 : f32
          %broadcast_in_dim3A_767 = vector.broadcast %jit3A_765 : f32 to vector<16xf32>
          %broadcast_in_dim3A_768 = vector.broadcast %jit3A_766 : f32 to vector<16xf32>
          %select_n3A_769 = arith.select %ge3A_764, %broadcast_in_dim3A_767, %broadcast_in_dim3A_768 : vector<16xi1>, vector<16xf32>
          %add3A_770 = arith.addf %add3A_763, %select_n3A_769 : vector<16xf32>
          %ge3A_771 = arith.cmpf oge, %get3A_149, %mul3A_596 : vector<16xf32>
          %jit3A_772 = arith.constant 1.000000e+00 : f32
          %jit3A_773 = arith.constant 0.000000e+00 : f32
          %broadcast_in_dim3A_774 = vector.broadcast %jit3A_772 : f32 to vector<16xf32>
          %broadcast_in_dim3A_775 = vector.broadcast %jit3A_773 : f32 to vector<16xf32>
          %select_n3A_776 = arith.select %ge3A_771, %broadcast_in_dim3A_774, %broadcast_in_dim3A_775 : vector<16xi1>, vector<16xf32>
          %add3A_777 = arith.addf %add3A_770, %select_n3A_776 : vector<16xf32>
          %ge3A_778 = arith.cmpf oge, %get3A_153, %mul3A_596 : vector<16xf32>
          %jit3A_779 = arith.constant 1.000000e+00 : f32
          %jit3A_780 = arith.constant 0.000000e+00 : f32
          %broadcast_in_dim3A_781 = vector.broadcast %jit3A_779 : f32 to vector<16xf32>
          %broadcast_in_dim3A_782 = vector.broadcast %jit3A_780 : f32 to vector<16xf32>
          %select_n3A_783 = arith.select %ge3A_778, %broadcast_in_dim3A_781, %broadcast_in_dim3A_782 : vector<16xi1>, vector<16xf32>
          %add3A_784 = arith.addf %add3A_777, %select_n3A_783 : vector<16xf32>
          %ge3A_785 = arith.cmpf oge, %get3A_157, %mul3A_596 : vector<16xf32>
          %jit3A_786 = arith.constant 1.000000e+00 : f32
          %jit3A_787 = arith.constant 0.000000e+00 : f32
          %broadcast_in_dim3A_788 = vector.broadcast %jit3A_786 : f32 to vector<16xf32>
          %broadcast_in_dim3A_789 = vector.broadcast %jit3A_787 : f32 to vector<16xf32>
          %select_n3A_790 = arith.select %ge3A_785, %broadcast_in_dim3A_788, %broadcast_in_dim3A_789 : vector<16xi1>, vector<16xf32>
          %add3A_791 = arith.addf %add3A_784, %select_n3A_790 : vector<16xf32>
          %ge3A_792 = arith.cmpf oge, %get3A_161, %mul3A_596 : vector<16xf32>
          %jit3A_793 = arith.constant 1.000000e+00 : f32
          %jit3A_794 = arith.constant 0.000000e+00 : f32
          %broadcast_in_dim3A_795 = vector.broadcast %jit3A_793 : f32 to vector<16xf32>
          %broadcast_in_dim3A_796 = vector.broadcast %jit3A_794 : f32 to vector<16xf32>
          %select_n3A_797 = arith.select %ge3A_792, %broadcast_in_dim3A_795, %broadcast_in_dim3A_796 : vector<16xi1>, vector<16xf32>
          %add3A_798 = arith.addf %add3A_791, %select_n3A_797 : vector<16xf32>
          %ge3A_799 = arith.cmpf oge, %get3A_165, %mul3A_596 : vector<16xf32>
          %jit3A_800 = arith.constant 1.000000e+00 : f32
          %jit3A_801 = arith.constant 0.000000e+00 : f32
          %broadcast_in_dim3A_802 = vector.broadcast %jit3A_800 : f32 to vector<16xf32>
          %broadcast_in_dim3A_803 = vector.broadcast %jit3A_801 : f32 to vector<16xf32>
          %select_n3A_804 = arith.select %ge3A_799, %broadcast_in_dim3A_802, %broadcast_in_dim3A_803 : vector<16xi1>, vector<16xf32>
          %add3A_805 = arith.addf %add3A_798, %select_n3A_804 : vector<16xf32>
          %ge3A_806 = arith.cmpf oge, %get3A_169, %mul3A_596 : vector<16xf32>
          %jit3A_807 = arith.constant 1.000000e+00 : f32
          %jit3A_808 = arith.constant 0.000000e+00 : f32
          %broadcast_in_dim3A_809 = vector.broadcast %jit3A_807 : f32 to vector<16xf32>
          %broadcast_in_dim3A_810 = vector.broadcast %jit3A_808 : f32 to vector<16xf32>
          %select_n3A_811 = arith.select %ge3A_806, %broadcast_in_dim3A_809, %broadcast_in_dim3A_810 : vector<16xi1>, vector<16xf32>
          %add3A_812 = arith.addf %add3A_805, %select_n3A_811 : vector<16xf32>
          %ge3A_813 = arith.cmpf oge, %get3A_173, %mul3A_596 : vector<16xf32>
          %jit3A_814 = arith.constant 1.000000e+00 : f32
          %jit3A_815 = arith.constant 0.000000e+00 : f32
          %broadcast_in_dim3A_816 = vector.broadcast %jit3A_814 : f32 to vector<16xf32>
          %broadcast_in_dim3A_817 = vector.broadcast %jit3A_815 : f32 to vector<16xf32>
          %select_n3A_818 = arith.select %ge3A_813, %broadcast_in_dim3A_816, %broadcast_in_dim3A_817 : vector<16xi1>, vector<16xf32>
          %add3A_819 = arith.addf %add3A_812, %select_n3A_818 : vector<16xf32>
          %lt3A_820 = arith.constant 0 : i32
          %lt3A_821 = vector.broadcast %lt3A_820 : i32 to vector<16xi32>
          %lt3A_822 = arith.cmpi slt, %xor3A_13, %lt3A_821 : vector<16xi32>
          %add3A_823 = arith.constant 16 : i32
          %add3A_824 = vector.broadcast %add3A_823 : i32 to vector<16xi32>
          %add3A_825 = arith.addi %xor3A_13, %add3A_824 : vector<16xi32>
          %select_n3A_826 = arith.select %lt3A_822, %add3A_825, %xor3A_13 : vector<16xi1>, vector<16xi32>
          %broadcast_in_dim3A_827 = vector.shape_cast %select_n3A_826 : vector<16xi32> to vector<16x1xi32>
          %gather3A_828 = vector.shape_cast %broadcast_in_dim3A_827 : vector<16x1xi32> to vector<16xi32>
          %gather3A_829 = tpu.dynamic_gather %add3A_819[%gather3A_828] in [0] : vector<16xf32>, vector<16xi32> -> vector<16xf32>
          %add3A_830 = arith.addf %add3A_819, %gather3A_829 : vector<16xf32>
          %lt3A_831 = arith.constant 0 : i32
          %lt3A_832 = vector.broadcast %lt3A_831 : i32 to vector<16xi32>
          %lt3A_833 = arith.cmpi slt, %xor3A_16, %lt3A_832 : vector<16xi32>
          %add3A_834 = arith.constant 16 : i32
          %add3A_835 = vector.broadcast %add3A_834 : i32 to vector<16xi32>
          %add3A_836 = arith.addi %xor3A_16, %add3A_835 : vector<16xi32>
          %select_n3A_837 = arith.select %lt3A_833, %add3A_836, %xor3A_16 : vector<16xi1>, vector<16xi32>
          %broadcast_in_dim3A_838 = vector.shape_cast %select_n3A_837 : vector<16xi32> to vector<16x1xi32>
          %gather3A_839 = vector.shape_cast %broadcast_in_dim3A_838 : vector<16x1xi32> to vector<16xi32>
          %gather3A_840 = tpu.dynamic_gather %add3A_830[%gather3A_839] in [0] : vector<16xf32>, vector<16xi32> -> vector<16xf32>
          %add3A_841 = arith.addf %add3A_830, %gather3A_840 : vector<16xf32>
          %lt3A_842 = arith.constant 0 : i32
          %lt3A_843 = vector.broadcast %lt3A_842 : i32 to vector<16xi32>
          %lt3A_844 = arith.cmpi slt, %xor3A_19, %lt3A_843 : vector<16xi32>
          %add3A_845 = arith.constant 16 : i32
          %add3A_846 = vector.broadcast %add3A_845 : i32 to vector<16xi32>
          %add3A_847 = arith.addi %xor3A_19, %add3A_846 : vector<16xi32>
          %select_n3A_848 = arith.select %lt3A_844, %add3A_847, %xor3A_19 : vector<16xi1>, vector<16xi32>
          %broadcast_in_dim3A_849 = vector.shape_cast %select_n3A_848 : vector<16xi32> to vector<16x1xi32>
          %gather3A_850 = vector.shape_cast %broadcast_in_dim3A_849 : vector<16x1xi32> to vector<16xi32>
          %gather3A_851 = tpu.dynamic_gather %add3A_841[%gather3A_850] in [0] : vector<16xf32>, vector<16xi32> -> vector<16xf32>
          %add3A_852 = arith.addf %add3A_841, %gather3A_851 : vector<16xf32>
          %lt3A_853 = arith.constant 0 : i32
          %lt3A_854 = vector.broadcast %lt3A_853 : i32 to vector<16xi32>
          %lt3A_855 = arith.cmpi slt, %xor3A_22, %lt3A_854 : vector<16xi32>
          %add3A_856 = arith.constant 16 : i32
          %add3A_857 = vector.broadcast %add3A_856 : i32 to vector<16xi32>
          %add3A_858 = arith.addi %xor3A_22, %add3A_857 : vector<16xi32>
          %select_n3A_859 = arith.select %lt3A_855, %add3A_858, %xor3A_22 : vector<16xi1>, vector<16xi32>
          %broadcast_in_dim3A_860 = vector.shape_cast %select_n3A_859 : vector<16xi32> to vector<16x1xi32>
          %gather3A_861 = vector.shape_cast %broadcast_in_dim3A_860 : vector<16x1xi32> to vector<16xi32>
          %gather3A_862 = tpu.dynamic_gather %add3A_852[%gather3A_861] in [0] : vector<16xf32>, vector<16xi32> -> vector<16xf32>
          %add3A_863 = arith.addf %add3A_852, %gather3A_862 : vector<16xf32>
          %ge3A_864 = arith.constant 6.400000e+01 : f32
          %ge3A_865 = vector.broadcast %ge3A_864 : f32 to vector<16xf32>
          %ge3A_866 = arith.cmpf oge, %add3A_863, %ge3A_865 : vector<16xf32>
          %select_n3A_867 = arith.select %ge3A_866, %mul3A_596, %select_n3A_591 : vector<16xi1>, vector<16xf32>
          %select_n3A_868 = arith.select %ge3A_866, %select_n3A_592, %mul3A_596 : vector<16xi1>, vector<16xf32>
          %add3A_869 = arith.addf %select_n3A_867, %select_n3A_868 : vector<16xf32>
          %mul3A_870 = arith.constant 5.000000e-01 : f32
          %mul3A_871 = vector.broadcast %mul3A_870 : f32 to vector<16xf32>
          %mul3A_872 = arith.mulf %mul3A_871, %add3A_869 : vector<16xf32>
          %ge3A_873 = arith.cmpf oge, %get3A_49, %mul3A_872 : vector<16xf32>
          %jit3A_874 = arith.constant 1.000000e+00 : f32
          %jit3A_875 = arith.constant 0.000000e+00 : f32
          %broadcast_in_dim3A_876 = vector.broadcast %jit3A_874 : f32 to vector<16xf32>
          %broadcast_in_dim3A_877 = vector.broadcast %jit3A_875 : f32 to vector<16xf32>
          %select_n3A_878 = arith.select %ge3A_873, %broadcast_in_dim3A_876, %broadcast_in_dim3A_877 : vector<16xi1>, vector<16xf32>
          %ge3A_879 = arith.cmpf oge, %get3A_53, %mul3A_872 : vector<16xf32>
          %jit3A_880 = arith.constant 1.000000e+00 : f32
          %jit3A_881 = arith.constant 0.000000e+00 : f32
          %broadcast_in_dim3A_882 = vector.broadcast %jit3A_880 : f32 to vector<16xf32>
          %broadcast_in_dim3A_883 = vector.broadcast %jit3A_881 : f32 to vector<16xf32>
          %select_n3A_884 = arith.select %ge3A_879, %broadcast_in_dim3A_882, %broadcast_in_dim3A_883 : vector<16xi1>, vector<16xf32>
          %add3A_885 = arith.addf %select_n3A_878, %select_n3A_884 : vector<16xf32>
          %ge3A_886 = arith.cmpf oge, %get3A_57, %mul3A_872 : vector<16xf32>
          %jit3A_887 = arith.constant 1.000000e+00 : f32
          %jit3A_888 = arith.constant 0.000000e+00 : f32
          %broadcast_in_dim3A_889 = vector.broadcast %jit3A_887 : f32 to vector<16xf32>
          %broadcast_in_dim3A_890 = vector.broadcast %jit3A_888 : f32 to vector<16xf32>
          %select_n3A_891 = arith.select %ge3A_886, %broadcast_in_dim3A_889, %broadcast_in_dim3A_890 : vector<16xi1>, vector<16xf32>
          %add3A_892 = arith.addf %add3A_885, %select_n3A_891 : vector<16xf32>
          %ge3A_893 = arith.cmpf oge, %get3A_61, %mul3A_872 : vector<16xf32>
          %jit3A_894 = arith.constant 1.000000e+00 : f32
          %jit3A_895 = arith.constant 0.000000e+00 : f32
          %broadcast_in_dim3A_896 = vector.broadcast %jit3A_894 : f32 to vector<16xf32>
          %broadcast_in_dim3A_897 = vector.broadcast %jit3A_895 : f32 to vector<16xf32>
          %select_n3A_898 = arith.select %ge3A_893, %broadcast_in_dim3A_896, %broadcast_in_dim3A_897 : vector<16xi1>, vector<16xf32>
          %add3A_899 = arith.addf %add3A_892, %select_n3A_898 : vector<16xf32>
          %ge3A_900 = arith.cmpf oge, %get3A_65, %mul3A_872 : vector<16xf32>
          %jit3A_901 = arith.constant 1.000000e+00 : f32
          %jit3A_902 = arith.constant 0.000000e+00 : f32
          %broadcast_in_dim3A_903 = vector.broadcast %jit3A_901 : f32 to vector<16xf32>
          %broadcast_in_dim3A_904 = vector.broadcast %jit3A_902 : f32 to vector<16xf32>
          %select_n3A_905 = arith.select %ge3A_900, %broadcast_in_dim3A_903, %broadcast_in_dim3A_904 : vector<16xi1>, vector<16xf32>
          %add3A_906 = arith.addf %add3A_899, %select_n3A_905 : vector<16xf32>
          %ge3A_907 = arith.cmpf oge, %get3A_69, %mul3A_872 : vector<16xf32>
          %jit3A_908 = arith.constant 1.000000e+00 : f32
          %jit3A_909 = arith.constant 0.000000e+00 : f32
          %broadcast_in_dim3A_910 = vector.broadcast %jit3A_908 : f32 to vector<16xf32>
          %broadcast_in_dim3A_911 = vector.broadcast %jit3A_909 : f32 to vector<16xf32>
          %select_n3A_912 = arith.select %ge3A_907, %broadcast_in_dim3A_910, %broadcast_in_dim3A_911 : vector<16xi1>, vector<16xf32>
          %add3A_913 = arith.addf %add3A_906, %select_n3A_912 : vector<16xf32>
          %ge3A_914 = arith.cmpf oge, %get3A_73, %mul3A_872 : vector<16xf32>
          %jit3A_915 = arith.constant 1.000000e+00 : f32
          %jit3A_916 = arith.constant 0.000000e+00 : f32
          %broadcast_in_dim3A_917 = vector.broadcast %jit3A_915 : f32 to vector<16xf32>
          %broadcast_in_dim3A_918 = vector.broadcast %jit3A_916 : f32 to vector<16xf32>
          %select_n3A_919 = arith.select %ge3A_914, %broadcast_in_dim3A_917, %broadcast_in_dim3A_918 : vector<16xi1>, vector<16xf32>
          %add3A_920 = arith.addf %add3A_913, %select_n3A_919 : vector<16xf32>
          %ge3A_921 = arith.cmpf oge, %get3A_77, %mul3A_872 : vector<16xf32>
          %jit3A_922 = arith.constant 1.000000e+00 : f32
          %jit3A_923 = arith.constant 0.000000e+00 : f32
          %broadcast_in_dim3A_924 = vector.broadcast %jit3A_922 : f32 to vector<16xf32>
          %broadcast_in_dim3A_925 = vector.broadcast %jit3A_923 : f32 to vector<16xf32>
          %select_n3A_926 = arith.select %ge3A_921, %broadcast_in_dim3A_924, %broadcast_in_dim3A_925 : vector<16xi1>, vector<16xf32>
          %add3A_927 = arith.addf %add3A_920, %select_n3A_926 : vector<16xf32>
          %ge3A_928 = arith.cmpf oge, %get3A_81, %mul3A_872 : vector<16xf32>
          %jit3A_929 = arith.constant 1.000000e+00 : f32
          %jit3A_930 = arith.constant 0.000000e+00 : f32
          %broadcast_in_dim3A_931 = vector.broadcast %jit3A_929 : f32 to vector<16xf32>
          %broadcast_in_dim3A_932 = vector.broadcast %jit3A_930 : f32 to vector<16xf32>
          %select_n3A_933 = arith.select %ge3A_928, %broadcast_in_dim3A_931, %broadcast_in_dim3A_932 : vector<16xi1>, vector<16xf32>
          %add3A_934 = arith.addf %add3A_927, %select_n3A_933 : vector<16xf32>
          %ge3A_935 = arith.cmpf oge, %get3A_85, %mul3A_872 : vector<16xf32>
          %jit3A_936 = arith.constant 1.000000e+00 : f32
          %jit3A_937 = arith.constant 0.000000e+00 : f32
          %broadcast_in_dim3A_938 = vector.broadcast %jit3A_936 : f32 to vector<16xf32>
          %broadcast_in_dim3A_939 = vector.broadcast %jit3A_937 : f32 to vector<16xf32>
          %select_n3A_940 = arith.select %ge3A_935, %broadcast_in_dim3A_938, %broadcast_in_dim3A_939 : vector<16xi1>, vector<16xf32>
          %add3A_941 = arith.addf %add3A_934, %select_n3A_940 : vector<16xf32>
          %ge3A_942 = arith.cmpf oge, %get3A_89, %mul3A_872 : vector<16xf32>
          %jit3A_943 = arith.constant 1.000000e+00 : f32
          %jit3A_944 = arith.constant 0.000000e+00 : f32
          %broadcast_in_dim3A_945 = vector.broadcast %jit3A_943 : f32 to vector<16xf32>
          %broadcast_in_dim3A_946 = vector.broadcast %jit3A_944 : f32 to vector<16xf32>
          %select_n3A_947 = arith.select %ge3A_942, %broadcast_in_dim3A_945, %broadcast_in_dim3A_946 : vector<16xi1>, vector<16xf32>
          %add3A_948 = arith.addf %add3A_941, %select_n3A_947 : vector<16xf32>
          %ge3A_949 = arith.cmpf oge, %get3A_93, %mul3A_872 : vector<16xf32>
          %jit3A_950 = arith.constant 1.000000e+00 : f32
          %jit3A_951 = arith.constant 0.000000e+00 : f32
          %broadcast_in_dim3A_952 = vector.broadcast %jit3A_950 : f32 to vector<16xf32>
          %broadcast_in_dim3A_953 = vector.broadcast %jit3A_951 : f32 to vector<16xf32>
          %select_n3A_954 = arith.select %ge3A_949, %broadcast_in_dim3A_952, %broadcast_in_dim3A_953 : vector<16xi1>, vector<16xf32>
          %add3A_955 = arith.addf %add3A_948, %select_n3A_954 : vector<16xf32>
          %ge3A_956 = arith.cmpf oge, %get3A_97, %mul3A_872 : vector<16xf32>
          %jit3A_957 = arith.constant 1.000000e+00 : f32
          %jit3A_958 = arith.constant 0.000000e+00 : f32
          %broadcast_in_dim3A_959 = vector.broadcast %jit3A_957 : f32 to vector<16xf32>
          %broadcast_in_dim3A_960 = vector.broadcast %jit3A_958 : f32 to vector<16xf32>
          %select_n3A_961 = arith.select %ge3A_956, %broadcast_in_dim3A_959, %broadcast_in_dim3A_960 : vector<16xi1>, vector<16xf32>
          %add3A_962 = arith.addf %add3A_955, %select_n3A_961 : vector<16xf32>
          %ge3A_963 = arith.cmpf oge, %get3A_101, %mul3A_872 : vector<16xf32>
          %jit3A_964 = arith.constant 1.000000e+00 : f32
          %jit3A_965 = arith.constant 0.000000e+00 : f32
          %broadcast_in_dim3A_966 = vector.broadcast %jit3A_964 : f32 to vector<16xf32>
          %broadcast_in_dim3A_967 = vector.broadcast %jit3A_965 : f32 to vector<16xf32>
          %select_n3A_968 = arith.select %ge3A_963, %broadcast_in_dim3A_966, %broadcast_in_dim3A_967 : vector<16xi1>, vector<16xf32>
          %add3A_969 = arith.addf %add3A_962, %select_n3A_968 : vector<16xf32>
          %ge3A_970 = arith.cmpf oge, %get3A_105, %mul3A_872 : vector<16xf32>
          %jit3A_971 = arith.constant 1.000000e+00 : f32
          %jit3A_972 = arith.constant 0.000000e+00 : f32
          %broadcast_in_dim3A_973 = vector.broadcast %jit3A_971 : f32 to vector<16xf32>
          %broadcast_in_dim3A_974 = vector.broadcast %jit3A_972 : f32 to vector<16xf32>
          %select_n3A_975 = arith.select %ge3A_970, %broadcast_in_dim3A_973, %broadcast_in_dim3A_974 : vector<16xi1>, vector<16xf32>
          %add3A_976 = arith.addf %add3A_969, %select_n3A_975 : vector<16xf32>
          %ge3A_977 = arith.cmpf oge, %get3A_109, %mul3A_872 : vector<16xf32>
          %jit3A_978 = arith.constant 1.000000e+00 : f32
          %jit3A_979 = arith.constant 0.000000e+00 : f32
          %broadcast_in_dim3A_980 = vector.broadcast %jit3A_978 : f32 to vector<16xf32>
          %broadcast_in_dim3A_981 = vector.broadcast %jit3A_979 : f32 to vector<16xf32>
          %select_n3A_982 = arith.select %ge3A_977, %broadcast_in_dim3A_980, %broadcast_in_dim3A_981 : vector<16xi1>, vector<16xf32>
          %add3A_983 = arith.addf %add3A_976, %select_n3A_982 : vector<16xf32>
          %ge3A_984 = arith.cmpf oge, %get3A_113, %mul3A_872 : vector<16xf32>
          %jit3A_985 = arith.constant 1.000000e+00 : f32
          %jit3A_986 = arith.constant 0.000000e+00 : f32
          %broadcast_in_dim3A_987 = vector.broadcast %jit3A_985 : f32 to vector<16xf32>
          %broadcast_in_dim3A_988 = vector.broadcast %jit3A_986 : f32 to vector<16xf32>
          %select_n3A_989 = arith.select %ge3A_984, %broadcast_in_dim3A_987, %broadcast_in_dim3A_988 : vector<16xi1>, vector<16xf32>
          %add3A_990 = arith.addf %add3A_983, %select_n3A_989 : vector<16xf32>
          %ge3A_991 = arith.cmpf oge, %get3A_117, %mul3A_872 : vector<16xf32>
          %jit3A_992 = arith.constant 1.000000e+00 : f32
          %jit3A_993 = arith.constant 0.000000e+00 : f32
          %broadcast_in_dim3A_994 = vector.broadcast %jit3A_992 : f32 to vector<16xf32>
          %broadcast_in_dim3A_995 = vector.broadcast %jit3A_993 : f32 to vector<16xf32>
          %select_n3A_996 = arith.select %ge3A_991, %broadcast_in_dim3A_994, %broadcast_in_dim3A_995 : vector<16xi1>, vector<16xf32>
          %add3A_997 = arith.addf %add3A_990, %select_n3A_996 : vector<16xf32>
          %ge3A_998 = arith.cmpf oge, %get3A_121, %mul3A_872 : vector<16xf32>
          %jit3A_999 = arith.constant 1.000000e+00 : f32
          %jit3A_1000 = arith.constant 0.000000e+00 : f32
          %broadcast_in_dim3A_1001 = vector.broadcast %jit3A_999 : f32 to vector<16xf32>
          %broadcast_in_dim3A_1002 = vector.broadcast %jit3A_1000 : f32 to vector<16xf32>
          %select_n3A_1003 = arith.select %ge3A_998, %broadcast_in_dim3A_1001, %broadcast_in_dim3A_1002 : vector<16xi1>, vector<16xf32>
          %add3A_1004 = arith.addf %add3A_997, %select_n3A_1003 : vector<16xf32>
          %ge3A_1005 = arith.cmpf oge, %get3A_125, %mul3A_872 : vector<16xf32>
          %jit3A_1006 = arith.constant 1.000000e+00 : f32
          %jit3A_1007 = arith.constant 0.000000e+00 : f32
          %broadcast_in_dim3A_1008 = vector.broadcast %jit3A_1006 : f32 to vector<16xf32>
          %broadcast_in_dim3A_1009 = vector.broadcast %jit3A_1007 : f32 to vector<16xf32>
          %select_n3A_1010 = arith.select %ge3A_1005, %broadcast_in_dim3A_1008, %broadcast_in_dim3A_1009 : vector<16xi1>, vector<16xf32>
          %add3A_1011 = arith.addf %add3A_1004, %select_n3A_1010 : vector<16xf32>
          %ge3A_1012 = arith.cmpf oge, %get3A_129, %mul3A_872 : vector<16xf32>
          %jit3A_1013 = arith.constant 1.000000e+00 : f32
          %jit3A_1014 = arith.constant 0.000000e+00 : f32
          %broadcast_in_dim3A_1015 = vector.broadcast %jit3A_1013 : f32 to vector<16xf32>
          %broadcast_in_dim3A_1016 = vector.broadcast %jit3A_1014 : f32 to vector<16xf32>
          %select_n3A_1017 = arith.select %ge3A_1012, %broadcast_in_dim3A_1015, %broadcast_in_dim3A_1016 : vector<16xi1>, vector<16xf32>
          %add3A_1018 = arith.addf %add3A_1011, %select_n3A_1017 : vector<16xf32>
          %ge3A_1019 = arith.cmpf oge, %get3A_133, %mul3A_872 : vector<16xf32>
          %jit3A_1020 = arith.constant 1.000000e+00 : f32
          %jit3A_1021 = arith.constant 0.000000e+00 : f32
          %broadcast_in_dim3A_1022 = vector.broadcast %jit3A_1020 : f32 to vector<16xf32>
          %broadcast_in_dim3A_1023 = vector.broadcast %jit3A_1021 : f32 to vector<16xf32>
          %select_n3A_1024 = arith.select %ge3A_1019, %broadcast_in_dim3A_1022, %broadcast_in_dim3A_1023 : vector<16xi1>, vector<16xf32>
          %add3A_1025 = arith.addf %add3A_1018, %select_n3A_1024 : vector<16xf32>
          %ge3A_1026 = arith.cmpf oge, %get3A_137, %mul3A_872 : vector<16xf32>
          %jit3A_1027 = arith.constant 1.000000e+00 : f32
          %jit3A_1028 = arith.constant 0.000000e+00 : f32
          %broadcast_in_dim3A_1029 = vector.broadcast %jit3A_1027 : f32 to vector<16xf32>
          %broadcast_in_dim3A_1030 = vector.broadcast %jit3A_1028 : f32 to vector<16xf32>
          %select_n3A_1031 = arith.select %ge3A_1026, %broadcast_in_dim3A_1029, %broadcast_in_dim3A_1030 : vector<16xi1>, vector<16xf32>
          %add3A_1032 = arith.addf %add3A_1025, %select_n3A_1031 : vector<16xf32>
          %ge3A_1033 = arith.cmpf oge, %get3A_141, %mul3A_872 : vector<16xf32>
          %jit3A_1034 = arith.constant 1.000000e+00 : f32
          %jit3A_1035 = arith.constant 0.000000e+00 : f32
          %broadcast_in_dim3A_1036 = vector.broadcast %jit3A_1034 : f32 to vector<16xf32>
          %broadcast_in_dim3A_1037 = vector.broadcast %jit3A_1035 : f32 to vector<16xf32>
          %select_n3A_1038 = arith.select %ge3A_1033, %broadcast_in_dim3A_1036, %broadcast_in_dim3A_1037 : vector<16xi1>, vector<16xf32>
          %add3A_1039 = arith.addf %add3A_1032, %select_n3A_1038 : vector<16xf32>
          %ge3A_1040 = arith.cmpf oge, %get3A_145, %mul3A_872 : vector<16xf32>
          %jit3A_1041 = arith.constant 1.000000e+00 : f32
          %jit3A_1042 = arith.constant 0.000000e+00 : f32
          %broadcast_in_dim3A_1043 = vector.broadcast %jit3A_1041 : f32 to vector<16xf32>
          %broadcast_in_dim3A_1044 = vector.broadcast %jit3A_1042 : f32 to vector<16xf32>
          %select_n3A_1045 = arith.select %ge3A_1040, %broadcast_in_dim3A_1043, %broadcast_in_dim3A_1044 : vector<16xi1>, vector<16xf32>
          %add3A_1046 = arith.addf %add3A_1039, %select_n3A_1045 : vector<16xf32>
          %ge3A_1047 = arith.cmpf oge, %get3A_149, %mul3A_872 : vector<16xf32>
          %jit3A_1048 = arith.constant 1.000000e+00 : f32
          %jit3A_1049 = arith.constant 0.000000e+00 : f32
          %broadcast_in_dim3A_1050 = vector.broadcast %jit3A_1048 : f32 to vector<16xf32>
          %broadcast_in_dim3A_1051 = vector.broadcast %jit3A_1049 : f32 to vector<16xf32>
          %select_n3A_1052 = arith.select %ge3A_1047, %broadcast_in_dim3A_1050, %broadcast_in_dim3A_1051 : vector<16xi1>, vector<16xf32>
          %add3A_1053 = arith.addf %add3A_1046, %select_n3A_1052 : vector<16xf32>
          %ge3A_1054 = arith.cmpf oge, %get3A_153, %mul3A_872 : vector<16xf32>
          %jit3A_1055 = arith.constant 1.000000e+00 : f32
          %jit3A_1056 = arith.constant 0.000000e+00 : f32
          %broadcast_in_dim3A_1057 = vector.broadcast %jit3A_1055 : f32 to vector<16xf32>
          %broadcast_in_dim3A_1058 = vector.broadcast %jit3A_1056 : f32 to vector<16xf32>
          %select_n3A_1059 = arith.select %ge3A_1054, %broadcast_in_dim3A_1057, %broadcast_in_dim3A_1058 : vector<16xi1>, vector<16xf32>
          %add3A_1060 = arith.addf %add3A_1053, %select_n3A_1059 : vector<16xf32>
          %ge3A_1061 = arith.cmpf oge, %get3A_157, %mul3A_872 : vector<16xf32>
          %jit3A_1062 = arith.constant 1.000000e+00 : f32
          %jit3A_1063 = arith.constant 0.000000e+00 : f32
          %broadcast_in_dim3A_1064 = vector.broadcast %jit3A_1062 : f32 to vector<16xf32>
          %broadcast_in_dim3A_1065 = vector.broadcast %jit3A_1063 : f32 to vector<16xf32>
          %select_n3A_1066 = arith.select %ge3A_1061, %broadcast_in_dim3A_1064, %broadcast_in_dim3A_1065 : vector<16xi1>, vector<16xf32>
          %add3A_1067 = arith.addf %add3A_1060, %select_n3A_1066 : vector<16xf32>
          %ge3A_1068 = arith.cmpf oge, %get3A_161, %mul3A_872 : vector<16xf32>
          %jit3A_1069 = arith.constant 1.000000e+00 : f32
          %jit3A_1070 = arith.constant 0.000000e+00 : f32
          %broadcast_in_dim3A_1071 = vector.broadcast %jit3A_1069 : f32 to vector<16xf32>
          %broadcast_in_dim3A_1072 = vector.broadcast %jit3A_1070 : f32 to vector<16xf32>
          %select_n3A_1073 = arith.select %ge3A_1068, %broadcast_in_dim3A_1071, %broadcast_in_dim3A_1072 : vector<16xi1>, vector<16xf32>
          %add3A_1074 = arith.addf %add3A_1067, %select_n3A_1073 : vector<16xf32>
          %ge3A_1075 = arith.cmpf oge, %get3A_165, %mul3A_872 : vector<16xf32>
          %jit3A_1076 = arith.constant 1.000000e+00 : f32
          %jit3A_1077 = arith.constant 0.000000e+00 : f32
          %broadcast_in_dim3A_1078 = vector.broadcast %jit3A_1076 : f32 to vector<16xf32>
          %broadcast_in_dim3A_1079 = vector.broadcast %jit3A_1077 : f32 to vector<16xf32>
          %select_n3A_1080 = arith.select %ge3A_1075, %broadcast_in_dim3A_1078, %broadcast_in_dim3A_1079 : vector<16xi1>, vector<16xf32>
          %add3A_1081 = arith.addf %add3A_1074, %select_n3A_1080 : vector<16xf32>
          %ge3A_1082 = arith.cmpf oge, %get3A_169, %mul3A_872 : vector<16xf32>
          %jit3A_1083 = arith.constant 1.000000e+00 : f32
          %jit3A_1084 = arith.constant 0.000000e+00 : f32
          %broadcast_in_dim3A_1085 = vector.broadcast %jit3A_1083 : f32 to vector<16xf32>
          %broadcast_in_dim3A_1086 = vector.broadcast %jit3A_1084 : f32 to vector<16xf32>
          %select_n3A_1087 = arith.select %ge3A_1082, %broadcast_in_dim3A_1085, %broadcast_in_dim3A_1086 : vector<16xi1>, vector<16xf32>
          %add3A_1088 = arith.addf %add3A_1081, %select_n3A_1087 : vector<16xf32>
          %ge3A_1089 = arith.cmpf oge, %get3A_173, %mul3A_872 : vector<16xf32>
          %jit3A_1090 = arith.constant 1.000000e+00 : f32
          %jit3A_1091 = arith.constant 0.000000e+00 : f32
          %broadcast_in_dim3A_1092 = vector.broadcast %jit3A_1090 : f32 to vector<16xf32>
          %broadcast_in_dim3A_1093 = vector.broadcast %jit3A_1091 : f32 to vector<16xf32>
          %select_n3A_1094 = arith.select %ge3A_1089, %broadcast_in_dim3A_1092, %broadcast_in_dim3A_1093 : vector<16xi1>, vector<16xf32>
          %add3A_1095 = arith.addf %add3A_1088, %select_n3A_1094 : vector<16xf32>
          %lt3A_1096 = arith.constant 0 : i32
          %lt3A_1097 = vector.broadcast %lt3A_1096 : i32 to vector<16xi32>
          %lt3A_1098 = arith.cmpi slt, %xor3A_13, %lt3A_1097 : vector<16xi32>
          %add3A_1099 = arith.constant 16 : i32
          %add3A_1100 = vector.broadcast %add3A_1099 : i32 to vector<16xi32>
          %add3A_1101 = arith.addi %xor3A_13, %add3A_1100 : vector<16xi32>
          %select_n3A_1102 = arith.select %lt3A_1098, %add3A_1101, %xor3A_13 : vector<16xi1>, vector<16xi32>
          %broadcast_in_dim3A_1103 = vector.shape_cast %select_n3A_1102 : vector<16xi32> to vector<16x1xi32>
          %gather3A_1104 = vector.shape_cast %broadcast_in_dim3A_1103 : vector<16x1xi32> to vector<16xi32>
          %gather3A_1105 = tpu.dynamic_gather %add3A_1095[%gather3A_1104] in [0] : vector<16xf32>, vector<16xi32> -> vector<16xf32>
          %add3A_1106 = arith.addf %add3A_1095, %gather3A_1105 : vector<16xf32>
          %lt3A_1107 = arith.constant 0 : i32
          %lt3A_1108 = vector.broadcast %lt3A_1107 : i32 to vector<16xi32>
          %lt3A_1109 = arith.cmpi slt, %xor3A_16, %lt3A_1108 : vector<16xi32>
          %add3A_1110 = arith.constant 16 : i32
          %add3A_1111 = vector.broadcast %add3A_1110 : i32 to vector<16xi32>
          %add3A_1112 = arith.addi %xor3A_16, %add3A_1111 : vector<16xi32>
          %select_n3A_1113 = arith.select %lt3A_1109, %add3A_1112, %xor3A_16 : vector<16xi1>, vector<16xi32>
          %broadcast_in_dim3A_1114 = vector.shape_cast %select_n3A_1113 : vector<16xi32> to vector<16x1xi32>
          %gather3A_1115 = vector.shape_cast %broadcast_in_dim3A_1114 : vector<16x1xi32> to vector<16xi32>
          %gather3A_1116 = tpu.dynamic_gather %add3A_1106[%gather3A_1115] in [0] : vector<16xf32>, vector<16xi32> -> vector<16xf32>
          %add3A_1117 = arith.addf %add3A_1106, %gather3A_1116 : vector<16xf32>
          %lt3A_1118 = arith.constant 0 : i32
          %lt3A_1119 = vector.broadcast %lt3A_1118 : i32 to vector<16xi32>
          %lt3A_1120 = arith.cmpi slt, %xor3A_19, %lt3A_1119 : vector<16xi32>
          %add3A_1121 = arith.constant 16 : i32
          %add3A_1122 = vector.broadcast %add3A_1121 : i32 to vector<16xi32>
          %add3A_1123 = arith.addi %xor3A_19, %add3A_1122 : vector<16xi32>
          %select_n3A_1124 = arith.select %lt3A_1120, %add3A_1123, %xor3A_19 : vector<16xi1>, vector<16xi32>
          %broadcast_in_dim3A_1125 = vector.shape_cast %select_n3A_1124 : vector<16xi32> to vector<16x1xi32>
          %gather3A_1126 = vector.shape_cast %broadcast_in_dim3A_1125 : vector<16x1xi32> to vector<16xi32>
          %gather3A_1127 = tpu.dynamic_gather %add3A_1117[%gather3A_1126] in [0] : vector<16xf32>, vector<16xi32> -> vector<16xf32>
          %add3A_1128 = arith.addf %add3A_1117, %gather3A_1127 : vector<16xf32>
          %lt3A_1129 = arith.constant 0 : i32
          %lt3A_1130 = vector.broadcast %lt3A_1129 : i32 to vector<16xi32>
          %lt3A_1131 = arith.cmpi slt, %xor3A_22, %lt3A_1130 : vector<16xi32>
          %add3A_1132 = arith.constant 16 : i32
          %add3A_1133 = vector.broadcast %add3A_1132 : i32 to vector<16xi32>
          %add3A_1134 = arith.addi %xor3A_22, %add3A_1133 : vector<16xi32>
          %select_n3A_1135 = arith.select %lt3A_1131, %add3A_1134, %xor3A_22 : vector<16xi1>, vector<16xi32>
          %broadcast_in_dim3A_1136 = vector.shape_cast %select_n3A_1135 : vector<16xi32> to vector<16x1xi32>
          %gather3A_1137 = vector.shape_cast %broadcast_in_dim3A_1136 : vector<16x1xi32> to vector<16xi32>
          %gather3A_1138 = tpu.dynamic_gather %add3A_1128[%gather3A_1137] in [0] : vector<16xf32>, vector<16xi32> -> vector<16xf32>
          %add3A_1139 = arith.addf %add3A_1128, %gather3A_1138 : vector<16xf32>
          %ge3A_1140 = arith.constant 6.400000e+01 : f32
          %ge3A_1141 = vector.broadcast %ge3A_1140 : f32 to vector<16xf32>
          %ge3A_1142 = arith.cmpf oge, %add3A_1139, %ge3A_1141 : vector<16xf32>
          %select_n3A_1143 = arith.select %ge3A_1142, %mul3A_872, %select_n3A_867 : vector<16xi1>, vector<16xf32>
          %select_n3A_1144 = arith.select %ge3A_1142, %select_n3A_868, %mul3A_872 : vector<16xi1>, vector<16xf32>
          %add3A_1145 = arith.addf %select_n3A_1143, %select_n3A_1144 : vector<16xf32>
          %mul3A_1146 = arith.constant 5.000000e-01 : f32
          %mul3A_1147 = vector.broadcast %mul3A_1146 : f32 to vector<16xf32>
          %mul3A_1148 = arith.mulf %mul3A_1147, %add3A_1145 : vector<16xf32>
          %ge3A_1149 = arith.cmpf oge, %get3A_49, %mul3A_1148 : vector<16xf32>
          %jit3A_1150 = arith.constant 1.000000e+00 : f32
          %jit3A_1151 = arith.constant 0.000000e+00 : f32
          %broadcast_in_dim3A_1152 = vector.broadcast %jit3A_1150 : f32 to vector<16xf32>
          %broadcast_in_dim3A_1153 = vector.broadcast %jit3A_1151 : f32 to vector<16xf32>
          %select_n3A_1154 = arith.select %ge3A_1149, %broadcast_in_dim3A_1152, %broadcast_in_dim3A_1153 : vector<16xi1>, vector<16xf32>
          %ge3A_1155 = arith.cmpf oge, %get3A_53, %mul3A_1148 : vector<16xf32>
          %jit3A_1156 = arith.constant 1.000000e+00 : f32
          %jit3A_1157 = arith.constant 0.000000e+00 : f32
          %broadcast_in_dim3A_1158 = vector.broadcast %jit3A_1156 : f32 to vector<16xf32>
          %broadcast_in_dim3A_1159 = vector.broadcast %jit3A_1157 : f32 to vector<16xf32>
          %select_n3A_1160 = arith.select %ge3A_1155, %broadcast_in_dim3A_1158, %broadcast_in_dim3A_1159 : vector<16xi1>, vector<16xf32>
          %add3A_1161 = arith.addf %select_n3A_1154, %select_n3A_1160 : vector<16xf32>
          %ge3A_1162 = arith.cmpf oge, %get3A_57, %mul3A_1148 : vector<16xf32>
          %jit3A_1163 = arith.constant 1.000000e+00 : f32
          %jit3A_1164 = arith.constant 0.000000e+00 : f32
          %broadcast_in_dim3A_1165 = vector.broadcast %jit3A_1163 : f32 to vector<16xf32>
          %broadcast_in_dim3A_1166 = vector.broadcast %jit3A_1164 : f32 to vector<16xf32>
          %select_n3A_1167 = arith.select %ge3A_1162, %broadcast_in_dim3A_1165, %broadcast_in_dim3A_1166 : vector<16xi1>, vector<16xf32>
          %add3A_1168 = arith.addf %add3A_1161, %select_n3A_1167 : vector<16xf32>
          %ge3A_1169 = arith.cmpf oge, %get3A_61, %mul3A_1148 : vector<16xf32>
          %jit3A_1170 = arith.constant 1.000000e+00 : f32
          %jit3A_1171 = arith.constant 0.000000e+00 : f32
          %broadcast_in_dim3A_1172 = vector.broadcast %jit3A_1170 : f32 to vector<16xf32>
          %broadcast_in_dim3A_1173 = vector.broadcast %jit3A_1171 : f32 to vector<16xf32>
          %select_n3A_1174 = arith.select %ge3A_1169, %broadcast_in_dim3A_1172, %broadcast_in_dim3A_1173 : vector<16xi1>, vector<16xf32>
          %add3A_1175 = arith.addf %add3A_1168, %select_n3A_1174 : vector<16xf32>
          %ge3A_1176 = arith.cmpf oge, %get3A_65, %mul3A_1148 : vector<16xf32>
          %jit3A_1177 = arith.constant 1.000000e+00 : f32
          %jit3A_1178 = arith.constant 0.000000e+00 : f32
          %broadcast_in_dim3A_1179 = vector.broadcast %jit3A_1177 : f32 to vector<16xf32>
          %broadcast_in_dim3A_1180 = vector.broadcast %jit3A_1178 : f32 to vector<16xf32>
          %select_n3A_1181 = arith.select %ge3A_1176, %broadcast_in_dim3A_1179, %broadcast_in_dim3A_1180 : vector<16xi1>, vector<16xf32>
          %add3A_1182 = arith.addf %add3A_1175, %select_n3A_1181 : vector<16xf32>
          %ge3A_1183 = arith.cmpf oge, %get3A_69, %mul3A_1148 : vector<16xf32>
          %jit3A_1184 = arith.constant 1.000000e+00 : f32
          %jit3A_1185 = arith.constant 0.000000e+00 : f32
          %broadcast_in_dim3A_1186 = vector.broadcast %jit3A_1184 : f32 to vector<16xf32>
          %broadcast_in_dim3A_1187 = vector.broadcast %jit3A_1185 : f32 to vector<16xf32>
          %select_n3A_1188 = arith.select %ge3A_1183, %broadcast_in_dim3A_1186, %broadcast_in_dim3A_1187 : vector<16xi1>, vector<16xf32>
          %add3A_1189 = arith.addf %add3A_1182, %select_n3A_1188 : vector<16xf32>
          %ge3A_1190 = arith.cmpf oge, %get3A_73, %mul3A_1148 : vector<16xf32>
          %jit3A_1191 = arith.constant 1.000000e+00 : f32
          %jit3A_1192 = arith.constant 0.000000e+00 : f32
          %broadcast_in_dim3A_1193 = vector.broadcast %jit3A_1191 : f32 to vector<16xf32>
          %broadcast_in_dim3A_1194 = vector.broadcast %jit3A_1192 : f32 to vector<16xf32>
          %select_n3A_1195 = arith.select %ge3A_1190, %broadcast_in_dim3A_1193, %broadcast_in_dim3A_1194 : vector<16xi1>, vector<16xf32>
          %add3A_1196 = arith.addf %add3A_1189, %select_n3A_1195 : vector<16xf32>
          %ge3A_1197 = arith.cmpf oge, %get3A_77, %mul3A_1148 : vector<16xf32>
          %jit3A_1198 = arith.constant 1.000000e+00 : f32
          %jit3A_1199 = arith.constant 0.000000e+00 : f32
          %broadcast_in_dim3A_1200 = vector.broadcast %jit3A_1198 : f32 to vector<16xf32>
          %broadcast_in_dim3A_1201 = vector.broadcast %jit3A_1199 : f32 to vector<16xf32>
          %select_n3A_1202 = arith.select %ge3A_1197, %broadcast_in_dim3A_1200, %broadcast_in_dim3A_1201 : vector<16xi1>, vector<16xf32>
          %add3A_1203 = arith.addf %add3A_1196, %select_n3A_1202 : vector<16xf32>
          %ge3A_1204 = arith.cmpf oge, %get3A_81, %mul3A_1148 : vector<16xf32>
          %jit3A_1205 = arith.constant 1.000000e+00 : f32
          %jit3A_1206 = arith.constant 0.000000e+00 : f32
          %broadcast_in_dim3A_1207 = vector.broadcast %jit3A_1205 : f32 to vector<16xf32>
          %broadcast_in_dim3A_1208 = vector.broadcast %jit3A_1206 : f32 to vector<16xf32>
          %select_n3A_1209 = arith.select %ge3A_1204, %broadcast_in_dim3A_1207, %broadcast_in_dim3A_1208 : vector<16xi1>, vector<16xf32>
          %add3A_1210 = arith.addf %add3A_1203, %select_n3A_1209 : vector<16xf32>
          %ge3A_1211 = arith.cmpf oge, %get3A_85, %mul3A_1148 : vector<16xf32>
          %jit3A_1212 = arith.constant 1.000000e+00 : f32
          %jit3A_1213 = arith.constant 0.000000e+00 : f32
          %broadcast_in_dim3A_1214 = vector.broadcast %jit3A_1212 : f32 to vector<16xf32>
          %broadcast_in_dim3A_1215 = vector.broadcast %jit3A_1213 : f32 to vector<16xf32>
          %select_n3A_1216 = arith.select %ge3A_1211, %broadcast_in_dim3A_1214, %broadcast_in_dim3A_1215 : vector<16xi1>, vector<16xf32>
          %add3A_1217 = arith.addf %add3A_1210, %select_n3A_1216 : vector<16xf32>
          %ge3A_1218 = arith.cmpf oge, %get3A_89, %mul3A_1148 : vector<16xf32>
          %jit3A_1219 = arith.constant 1.000000e+00 : f32
          %jit3A_1220 = arith.constant 0.000000e+00 : f32
          %broadcast_in_dim3A_1221 = vector.broadcast %jit3A_1219 : f32 to vector<16xf32>
          %broadcast_in_dim3A_1222 = vector.broadcast %jit3A_1220 : f32 to vector<16xf32>
          %select_n3A_1223 = arith.select %ge3A_1218, %broadcast_in_dim3A_1221, %broadcast_in_dim3A_1222 : vector<16xi1>, vector<16xf32>
          %add3A_1224 = arith.addf %add3A_1217, %select_n3A_1223 : vector<16xf32>
          %ge3A_1225 = arith.cmpf oge, %get3A_93, %mul3A_1148 : vector<16xf32>
          %jit3A_1226 = arith.constant 1.000000e+00 : f32
          %jit3A_1227 = arith.constant 0.000000e+00 : f32
          %broadcast_in_dim3A_1228 = vector.broadcast %jit3A_1226 : f32 to vector<16xf32>
          %broadcast_in_dim3A_1229 = vector.broadcast %jit3A_1227 : f32 to vector<16xf32>
          %select_n3A_1230 = arith.select %ge3A_1225, %broadcast_in_dim3A_1228, %broadcast_in_dim3A_1229 : vector<16xi1>, vector<16xf32>
          %add3A_1231 = arith.addf %add3A_1224, %select_n3A_1230 : vector<16xf32>
          %ge3A_1232 = arith.cmpf oge, %get3A_97, %mul3A_1148 : vector<16xf32>
          %jit3A_1233 = arith.constant 1.000000e+00 : f32
          %jit3A_1234 = arith.constant 0.000000e+00 : f32
          %broadcast_in_dim3A_1235 = vector.broadcast %jit3A_1233 : f32 to vector<16xf32>
          %broadcast_in_dim3A_1236 = vector.broadcast %jit3A_1234 : f32 to vector<16xf32>
          %select_n3A_1237 = arith.select %ge3A_1232, %broadcast_in_dim3A_1235, %broadcast_in_dim3A_1236 : vector<16xi1>, vector<16xf32>
          %add3A_1238 = arith.addf %add3A_1231, %select_n3A_1237 : vector<16xf32>
          %ge3A_1239 = arith.cmpf oge, %get3A_101, %mul3A_1148 : vector<16xf32>
          %jit3A_1240 = arith.constant 1.000000e+00 : f32
          %jit3A_1241 = arith.constant 0.000000e+00 : f32
          %broadcast_in_dim3A_1242 = vector.broadcast %jit3A_1240 : f32 to vector<16xf32>
          %broadcast_in_dim3A_1243 = vector.broadcast %jit3A_1241 : f32 to vector<16xf32>
          %select_n3A_1244 = arith.select %ge3A_1239, %broadcast_in_dim3A_1242, %broadcast_in_dim3A_1243 : vector<16xi1>, vector<16xf32>
          %add3A_1245 = arith.addf %add3A_1238, %select_n3A_1244 : vector<16xf32>
          %ge3A_1246 = arith.cmpf oge, %get3A_105, %mul3A_1148 : vector<16xf32>
          %jit3A_1247 = arith.constant 1.000000e+00 : f32
          %jit3A_1248 = arith.constant 0.000000e+00 : f32
          %broadcast_in_dim3A_1249 = vector.broadcast %jit3A_1247 : f32 to vector<16xf32>
          %broadcast_in_dim3A_1250 = vector.broadcast %jit3A_1248 : f32 to vector<16xf32>
          %select_n3A_1251 = arith.select %ge3A_1246, %broadcast_in_dim3A_1249, %broadcast_in_dim3A_1250 : vector<16xi1>, vector<16xf32>
          %add3A_1252 = arith.addf %add3A_1245, %select_n3A_1251 : vector<16xf32>
          %ge3A_1253 = arith.cmpf oge, %get3A_109, %mul3A_1148 : vector<16xf32>
          %jit3A_1254 = arith.constant 1.000000e+00 : f32
          %jit3A_1255 = arith.constant 0.000000e+00 : f32
          %broadcast_in_dim3A_1256 = vector.broadcast %jit3A_1254 : f32 to vector<16xf32>
          %broadcast_in_dim3A_1257 = vector.broadcast %jit3A_1255 : f32 to vector<16xf32>
          %select_n3A_1258 = arith.select %ge3A_1253, %broadcast_in_dim3A_1256, %broadcast_in_dim3A_1257 : vector<16xi1>, vector<16xf32>
          %add3A_1259 = arith.addf %add3A_1252, %select_n3A_1258 : vector<16xf32>
          %ge3A_1260 = arith.cmpf oge, %get3A_113, %mul3A_1148 : vector<16xf32>
          %jit3A_1261 = arith.constant 1.000000e+00 : f32
          %jit3A_1262 = arith.constant 0.000000e+00 : f32
          %broadcast_in_dim3A_1263 = vector.broadcast %jit3A_1261 : f32 to vector<16xf32>
          %broadcast_in_dim3A_1264 = vector.broadcast %jit3A_1262 : f32 to vector<16xf32>
          %select_n3A_1265 = arith.select %ge3A_1260, %broadcast_in_dim3A_1263, %broadcast_in_dim3A_1264 : vector<16xi1>, vector<16xf32>
          %add3A_1266 = arith.addf %add3A_1259, %select_n3A_1265 : vector<16xf32>
          %ge3A_1267 = arith.cmpf oge, %get3A_117, %mul3A_1148 : vector<16xf32>
          %jit3A_1268 = arith.constant 1.000000e+00 : f32
          %jit3A_1269 = arith.constant 0.000000e+00 : f32
          %broadcast_in_dim3A_1270 = vector.broadcast %jit3A_1268 : f32 to vector<16xf32>
          %broadcast_in_dim3A_1271 = vector.broadcast %jit3A_1269 : f32 to vector<16xf32>
          %select_n3A_1272 = arith.select %ge3A_1267, %broadcast_in_dim3A_1270, %broadcast_in_dim3A_1271 : vector<16xi1>, vector<16xf32>
          %add3A_1273 = arith.addf %add3A_1266, %select_n3A_1272 : vector<16xf32>
          %ge3A_1274 = arith.cmpf oge, %get3A_121, %mul3A_1148 : vector<16xf32>
          %jit3A_1275 = arith.constant 1.000000e+00 : f32
          %jit3A_1276 = arith.constant 0.000000e+00 : f32
          %broadcast_in_dim3A_1277 = vector.broadcast %jit3A_1275 : f32 to vector<16xf32>
          %broadcast_in_dim3A_1278 = vector.broadcast %jit3A_1276 : f32 to vector<16xf32>
          %select_n3A_1279 = arith.select %ge3A_1274, %broadcast_in_dim3A_1277, %broadcast_in_dim3A_1278 : vector<16xi1>, vector<16xf32>
          %add3A_1280 = arith.addf %add3A_1273, %select_n3A_1279 : vector<16xf32>
          %ge3A_1281 = arith.cmpf oge, %get3A_125, %mul3A_1148 : vector<16xf32>
          %jit3A_1282 = arith.constant 1.000000e+00 : f32
          %jit3A_1283 = arith.constant 0.000000e+00 : f32
          %broadcast_in_dim3A_1284 = vector.broadcast %jit3A_1282 : f32 to vector<16xf32>
          %broadcast_in_dim3A_1285 = vector.broadcast %jit3A_1283 : f32 to vector<16xf32>
          %select_n3A_1286 = arith.select %ge3A_1281, %broadcast_in_dim3A_1284, %broadcast_in_dim3A_1285 : vector<16xi1>, vector<16xf32>
          %add3A_1287 = arith.addf %add3A_1280, %select_n3A_1286 : vector<16xf32>
          %ge3A_1288 = arith.cmpf oge, %get3A_129, %mul3A_1148 : vector<16xf32>
          %jit3A_1289 = arith.constant 1.000000e+00 : f32
          %jit3A_1290 = arith.constant 0.000000e+00 : f32
          %broadcast_in_dim3A_1291 = vector.broadcast %jit3A_1289 : f32 to vector<16xf32>
          %broadcast_in_dim3A_1292 = vector.broadcast %jit3A_1290 : f32 to vector<16xf32>
          %select_n3A_1293 = arith.select %ge3A_1288, %broadcast_in_dim3A_1291, %broadcast_in_dim3A_1292 : vector<16xi1>, vector<16xf32>
          %add3A_1294 = arith.addf %add3A_1287, %select_n3A_1293 : vector<16xf32>
          %ge3A_1295 = arith.cmpf oge, %get3A_133, %mul3A_1148 : vector<16xf32>
          %jit3A_1296 = arith.constant 1.000000e+00 : f32
          %jit3A_1297 = arith.constant 0.000000e+00 : f32
          %broadcast_in_dim3A_1298 = vector.broadcast %jit3A_1296 : f32 to vector<16xf32>
          %broadcast_in_dim3A_1299 = vector.broadcast %jit3A_1297 : f32 to vector<16xf32>
          %select_n3A_1300 = arith.select %ge3A_1295, %broadcast_in_dim3A_1298, %broadcast_in_dim3A_1299 : vector<16xi1>, vector<16xf32>
          %add3A_1301 = arith.addf %add3A_1294, %select_n3A_1300 : vector<16xf32>
          %ge3A_1302 = arith.cmpf oge, %get3A_137, %mul3A_1148 : vector<16xf32>
          %jit3A_1303 = arith.constant 1.000000e+00 : f32
          %jit3A_1304 = arith.constant 0.000000e+00 : f32
          %broadcast_in_dim3A_1305 = vector.broadcast %jit3A_1303 : f32 to vector<16xf32>
          %broadcast_in_dim3A_1306 = vector.broadcast %jit3A_1304 : f32 to vector<16xf32>
          %select_n3A_1307 = arith.select %ge3A_1302, %broadcast_in_dim3A_1305, %broadcast_in_dim3A_1306 : vector<16xi1>, vector<16xf32>
          %add3A_1308 = arith.addf %add3A_1301, %select_n3A_1307 : vector<16xf32>
          %ge3A_1309 = arith.cmpf oge, %get3A_141, %mul3A_1148 : vector<16xf32>
          %jit3A_1310 = arith.constant 1.000000e+00 : f32
          %jit3A_1311 = arith.constant 0.000000e+00 : f32
          %broadcast_in_dim3A_1312 = vector.broadcast %jit3A_1310 : f32 to vector<16xf32>
          %broadcast_in_dim3A_1313 = vector.broadcast %jit3A_1311 : f32 to vector<16xf32>
          %select_n3A_1314 = arith.select %ge3A_1309, %broadcast_in_dim3A_1312, %broadcast_in_dim3A_1313 : vector<16xi1>, vector<16xf32>
          %add3A_1315 = arith.addf %add3A_1308, %select_n3A_1314 : vector<16xf32>
          %ge3A_1316 = arith.cmpf oge, %get3A_145, %mul3A_1148 : vector<16xf32>
          %jit3A_1317 = arith.constant 1.000000e+00 : f32
          %jit3A_1318 = arith.constant 0.000000e+00 : f32
          %broadcast_in_dim3A_1319 = vector.broadcast %jit3A_1317 : f32 to vector<16xf32>
          %broadcast_in_dim3A_1320 = vector.broadcast %jit3A_1318 : f32 to vector<16xf32>
          %select_n3A_1321 = arith.select %ge3A_1316, %broadcast_in_dim3A_1319, %broadcast_in_dim3A_1320 : vector<16xi1>, vector<16xf32>
          %add3A_1322 = arith.addf %add3A_1315, %select_n3A_1321 : vector<16xf32>
          %ge3A_1323 = arith.cmpf oge, %get3A_149, %mul3A_1148 : vector<16xf32>
          %jit3A_1324 = arith.constant 1.000000e+00 : f32
          %jit3A_1325 = arith.constant 0.000000e+00 : f32
          %broadcast_in_dim3A_1326 = vector.broadcast %jit3A_1324 : f32 to vector<16xf32>
          %broadcast_in_dim3A_1327 = vector.broadcast %jit3A_1325 : f32 to vector<16xf32>
          %select_n3A_1328 = arith.select %ge3A_1323, %broadcast_in_dim3A_1326, %broadcast_in_dim3A_1327 : vector<16xi1>, vector<16xf32>
          %add3A_1329 = arith.addf %add3A_1322, %select_n3A_1328 : vector<16xf32>
          %ge3A_1330 = arith.cmpf oge, %get3A_153, %mul3A_1148 : vector<16xf32>
          %jit3A_1331 = arith.constant 1.000000e+00 : f32
          %jit3A_1332 = arith.constant 0.000000e+00 : f32
          %broadcast_in_dim3A_1333 = vector.broadcast %jit3A_1331 : f32 to vector<16xf32>
          %broadcast_in_dim3A_1334 = vector.broadcast %jit3A_1332 : f32 to vector<16xf32>
          %select_n3A_1335 = arith.select %ge3A_1330, %broadcast_in_dim3A_1333, %broadcast_in_dim3A_1334 : vector<16xi1>, vector<16xf32>
          %add3A_1336 = arith.addf %add3A_1329, %select_n3A_1335 : vector<16xf32>
          %ge3A_1337 = arith.cmpf oge, %get3A_157, %mul3A_1148 : vector<16xf32>
          %jit3A_1338 = arith.constant 1.000000e+00 : f32
          %jit3A_1339 = arith.constant 0.000000e+00 : f32
          %broadcast_in_dim3A_1340 = vector.broadcast %jit3A_1338 : f32 to vector<16xf32>
          %broadcast_in_dim3A_1341 = vector.broadcast %jit3A_1339 : f32 to vector<16xf32>
          %select_n3A_1342 = arith.select %ge3A_1337, %broadcast_in_dim3A_1340, %broadcast_in_dim3A_1341 : vector<16xi1>, vector<16xf32>
          %add3A_1343 = arith.addf %add3A_1336, %select_n3A_1342 : vector<16xf32>
          %ge3A_1344 = arith.cmpf oge, %get3A_161, %mul3A_1148 : vector<16xf32>
          %jit3A_1345 = arith.constant 1.000000e+00 : f32
          %jit3A_1346 = arith.constant 0.000000e+00 : f32
          %broadcast_in_dim3A_1347 = vector.broadcast %jit3A_1345 : f32 to vector<16xf32>
          %broadcast_in_dim3A_1348 = vector.broadcast %jit3A_1346 : f32 to vector<16xf32>
          %select_n3A_1349 = arith.select %ge3A_1344, %broadcast_in_dim3A_1347, %broadcast_in_dim3A_1348 : vector<16xi1>, vector<16xf32>
          %add3A_1350 = arith.addf %add3A_1343, %select_n3A_1349 : vector<16xf32>
          %ge3A_1351 = arith.cmpf oge, %get3A_165, %mul3A_1148 : vector<16xf32>
          %jit3A_1352 = arith.constant 1.000000e+00 : f32
          %jit3A_1353 = arith.constant 0.000000e+00 : f32
          %broadcast_in_dim3A_1354 = vector.broadcast %jit3A_1352 : f32 to vector<16xf32>
          %broadcast_in_dim3A_1355 = vector.broadcast %jit3A_1353 : f32 to vector<16xf32>
          %select_n3A_1356 = arith.select %ge3A_1351, %broadcast_in_dim3A_1354, %broadcast_in_dim3A_1355 : vector<16xi1>, vector<16xf32>
          %add3A_1357 = arith.addf %add3A_1350, %select_n3A_1356 : vector<16xf32>
          %ge3A_1358 = arith.cmpf oge, %get3A_169, %mul3A_1148 : vector<16xf32>
          %jit3A_1359 = arith.constant 1.000000e+00 : f32
          %jit3A_1360 = arith.constant 0.000000e+00 : f32
          %broadcast_in_dim3A_1361 = vector.broadcast %jit3A_1359 : f32 to vector<16xf32>
          %broadcast_in_dim3A_1362 = vector.broadcast %jit3A_1360 : f32 to vector<16xf32>
          %select_n3A_1363 = arith.select %ge3A_1358, %broadcast_in_dim3A_1361, %broadcast_in_dim3A_1362 : vector<16xi1>, vector<16xf32>
          %add3A_1364 = arith.addf %add3A_1357, %select_n3A_1363 : vector<16xf32>
          %ge3A_1365 = arith.cmpf oge, %get3A_173, %mul3A_1148 : vector<16xf32>
          %jit3A_1366 = arith.constant 1.000000e+00 : f32
          %jit3A_1367 = arith.constant 0.000000e+00 : f32
          %broadcast_in_dim3A_1368 = vector.broadcast %jit3A_1366 : f32 to vector<16xf32>
          %broadcast_in_dim3A_1369 = vector.broadcast %jit3A_1367 : f32 to vector<16xf32>
          %select_n3A_1370 = arith.select %ge3A_1365, %broadcast_in_dim3A_1368, %broadcast_in_dim3A_1369 : vector<16xi1>, vector<16xf32>
          %add3A_1371 = arith.addf %add3A_1364, %select_n3A_1370 : vector<16xf32>
          %lt3A_1372 = arith.constant 0 : i32
          %lt3A_1373 = vector.broadcast %lt3A_1372 : i32 to vector<16xi32>
          %lt3A_1374 = arith.cmpi slt, %xor3A_13, %lt3A_1373 : vector<16xi32>
          %add3A_1375 = arith.constant 16 : i32
          %add3A_1376 = vector.broadcast %add3A_1375 : i32 to vector<16xi32>
          %add3A_1377 = arith.addi %xor3A_13, %add3A_1376 : vector<16xi32>
          %select_n3A_1378 = arith.select %lt3A_1374, %add3A_1377, %xor3A_13 : vector<16xi1>, vector<16xi32>
          %broadcast_in_dim3A_1379 = vector.shape_cast %select_n3A_1378 : vector<16xi32> to vector<16x1xi32>
          %gather3A_1380 = vector.shape_cast %broadcast_in_dim3A_1379 : vector<16x1xi32> to vector<16xi32>
          %gather3A_1381 = tpu.dynamic_gather %add3A_1371[%gather3A_1380] in [0] : vector<16xf32>, vector<16xi32> -> vector<16xf32>
          %add3A_1382 = arith.addf %add3A_1371, %gather3A_1381 : vector<16xf32>
          %lt3A_1383 = arith.constant 0 : i32
          %lt3A_1384 = vector.broadcast %lt3A_1383 : i32 to vector<16xi32>
          %lt3A_1385 = arith.cmpi slt, %xor3A_16, %lt3A_1384 : vector<16xi32>
          %add3A_1386 = arith.constant 16 : i32
          %add3A_1387 = vector.broadcast %add3A_1386 : i32 to vector<16xi32>
          %add3A_1388 = arith.addi %xor3A_16, %add3A_1387 : vector<16xi32>
          %select_n3A_1389 = arith.select %lt3A_1385, %add3A_1388, %xor3A_16 : vector<16xi1>, vector<16xi32>
          %broadcast_in_dim3A_1390 = vector.shape_cast %select_n3A_1389 : vector<16xi32> to vector<16x1xi32>
          %gather3A_1391 = vector.shape_cast %broadcast_in_dim3A_1390 : vector<16x1xi32> to vector<16xi32>
          %gather3A_1392 = tpu.dynamic_gather %add3A_1382[%gather3A_1391] in [0] : vector<16xf32>, vector<16xi32> -> vector<16xf32>
          %add3A_1393 = arith.addf %add3A_1382, %gather3A_1392 : vector<16xf32>
          %lt3A_1394 = arith.constant 0 : i32
          %lt3A_1395 = vector.broadcast %lt3A_1394 : i32 to vector<16xi32>
          %lt3A_1396 = arith.cmpi slt, %xor3A_19, %lt3A_1395 : vector<16xi32>
          %add3A_1397 = arith.constant 16 : i32
          %add3A_1398 = vector.broadcast %add3A_1397 : i32 to vector<16xi32>
          %add3A_1399 = arith.addi %xor3A_19, %add3A_1398 : vector<16xi32>
          %select_n3A_1400 = arith.select %lt3A_1396, %add3A_1399, %xor3A_19 : vector<16xi1>, vector<16xi32>
          %broadcast_in_dim3A_1401 = vector.shape_cast %select_n3A_1400 : vector<16xi32> to vector<16x1xi32>
          %gather3A_1402 = vector.shape_cast %broadcast_in_dim3A_1401 : vector<16x1xi32> to vector<16xi32>
          %gather3A_1403 = tpu.dynamic_gather %add3A_1393[%gather3A_1402] in [0] : vector<16xf32>, vector<16xi32> -> vector<16xf32>
          %add3A_1404 = arith.addf %add3A_1393, %gather3A_1403 : vector<16xf32>
          %lt3A_1405 = arith.constant 0 : i32
          %lt3A_1406 = vector.broadcast %lt3A_1405 : i32 to vector<16xi32>
          %lt3A_1407 = arith.cmpi slt, %xor3A_22, %lt3A_1406 : vector<16xi32>
          %add3A_1408 = arith.constant 16 : i32
          %add3A_1409 = vector.broadcast %add3A_1408 : i32 to vector<16xi32>
          %add3A_1410 = arith.addi %xor3A_22, %add3A_1409 : vector<16xi32>
          %select_n3A_1411 = arith.select %lt3A_1407, %add3A_1410, %xor3A_22 : vector<16xi1>, vector<16xi32>
          %broadcast_in_dim3A_1412 = vector.shape_cast %select_n3A_1411 : vector<16xi32> to vector<16x1xi32>
          %gather3A_1413 = vector.shape_cast %broadcast_in_dim3A_1412 : vector<16x1xi32> to vector<16xi32>
          %gather3A_1414 = tpu.dynamic_gather %add3A_1404[%gather3A_1413] in [0] : vector<16xf32>, vector<16xi32> -> vector<16xf32>
          %add3A_1415 = arith.addf %add3A_1404, %gather3A_1414 : vector<16xf32>
          %ge3A_1416 = arith.constant 6.400000e+01 : f32
          %ge3A_1417 = vector.broadcast %ge3A_1416 : f32 to vector<16xf32>
          %ge3A_1418 = arith.cmpf oge, %add3A_1415, %ge3A_1417 : vector<16xf32>
          %select_n3A_1419 = arith.select %ge3A_1418, %mul3A_1148, %select_n3A_1143 : vector<16xi1>, vector<16xf32>
          %select_n3A_1420 = arith.select %ge3A_1418, %select_n3A_1144, %mul3A_1148 : vector<16xi1>, vector<16xf32>
          %add3A_1421 = arith.addf %select_n3A_1419, %select_n3A_1420 : vector<16xf32>
          %mul3A_1422 = arith.constant 5.000000e-01 : f32
          %mul3A_1423 = vector.broadcast %mul3A_1422 : f32 to vector<16xf32>
          %mul3A_1424 = arith.mulf %mul3A_1423, %add3A_1421 : vector<16xf32>
          %ge3A_1425 = arith.cmpf oge, %get3A_49, %mul3A_1424 : vector<16xf32>
          %jit3A_1426 = arith.constant 1.000000e+00 : f32
          %jit3A_1427 = arith.constant 0.000000e+00 : f32
          %broadcast_in_dim3A_1428 = vector.broadcast %jit3A_1426 : f32 to vector<16xf32>
          %broadcast_in_dim3A_1429 = vector.broadcast %jit3A_1427 : f32 to vector<16xf32>
          %select_n3A_1430 = arith.select %ge3A_1425, %broadcast_in_dim3A_1428, %broadcast_in_dim3A_1429 : vector<16xi1>, vector<16xf32>
          %ge3A_1431 = arith.cmpf oge, %get3A_53, %mul3A_1424 : vector<16xf32>
          %jit3A_1432 = arith.constant 1.000000e+00 : f32
          %jit3A_1433 = arith.constant 0.000000e+00 : f32
          %broadcast_in_dim3A_1434 = vector.broadcast %jit3A_1432 : f32 to vector<16xf32>
          %broadcast_in_dim3A_1435 = vector.broadcast %jit3A_1433 : f32 to vector<16xf32>
          %select_n3A_1436 = arith.select %ge3A_1431, %broadcast_in_dim3A_1434, %broadcast_in_dim3A_1435 : vector<16xi1>, vector<16xf32>
          %add3A_1437 = arith.addf %select_n3A_1430, %select_n3A_1436 : vector<16xf32>
          %ge3A_1438 = arith.cmpf oge, %get3A_57, %mul3A_1424 : vector<16xf32>
          %jit3A_1439 = arith.constant 1.000000e+00 : f32
          %jit3A_1440 = arith.constant 0.000000e+00 : f32
          %broadcast_in_dim3A_1441 = vector.broadcast %jit3A_1439 : f32 to vector<16xf32>
          %broadcast_in_dim3A_1442 = vector.broadcast %jit3A_1440 : f32 to vector<16xf32>
          %select_n3A_1443 = arith.select %ge3A_1438, %broadcast_in_dim3A_1441, %broadcast_in_dim3A_1442 : vector<16xi1>, vector<16xf32>
          %add3A_1444 = arith.addf %add3A_1437, %select_n3A_1443 : vector<16xf32>
          %ge3A_1445 = arith.cmpf oge, %get3A_61, %mul3A_1424 : vector<16xf32>
          %jit3A_1446 = arith.constant 1.000000e+00 : f32
          %jit3A_1447 = arith.constant 0.000000e+00 : f32
          %broadcast_in_dim3A_1448 = vector.broadcast %jit3A_1446 : f32 to vector<16xf32>
          %broadcast_in_dim3A_1449 = vector.broadcast %jit3A_1447 : f32 to vector<16xf32>
          %select_n3A_1450 = arith.select %ge3A_1445, %broadcast_in_dim3A_1448, %broadcast_in_dim3A_1449 : vector<16xi1>, vector<16xf32>
          %add3A_1451 = arith.addf %add3A_1444, %select_n3A_1450 : vector<16xf32>
          %ge3A_1452 = arith.cmpf oge, %get3A_65, %mul3A_1424 : vector<16xf32>
          %jit3A_1453 = arith.constant 1.000000e+00 : f32
          %jit3A_1454 = arith.constant 0.000000e+00 : f32
          %broadcast_in_dim3A_1455 = vector.broadcast %jit3A_1453 : f32 to vector<16xf32>
          %broadcast_in_dim3A_1456 = vector.broadcast %jit3A_1454 : f32 to vector<16xf32>
          %select_n3A_1457 = arith.select %ge3A_1452, %broadcast_in_dim3A_1455, %broadcast_in_dim3A_1456 : vector<16xi1>, vector<16xf32>
          %add3A_1458 = arith.addf %add3A_1451, %select_n3A_1457 : vector<16xf32>
          %ge3A_1459 = arith.cmpf oge, %get3A_69, %mul3A_1424 : vector<16xf32>
          %jit3A_1460 = arith.constant 1.000000e+00 : f32
          %jit3A_1461 = arith.constant 0.000000e+00 : f32
          %broadcast_in_dim3A_1462 = vector.broadcast %jit3A_1460 : f32 to vector<16xf32>
          %broadcast_in_dim3A_1463 = vector.broadcast %jit3A_1461 : f32 to vector<16xf32>
          %select_n3A_1464 = arith.select %ge3A_1459, %broadcast_in_dim3A_1462, %broadcast_in_dim3A_1463 : vector<16xi1>, vector<16xf32>
          %add3A_1465 = arith.addf %add3A_1458, %select_n3A_1464 : vector<16xf32>
          %ge3A_1466 = arith.cmpf oge, %get3A_73, %mul3A_1424 : vector<16xf32>
          %jit3A_1467 = arith.constant 1.000000e+00 : f32
          %jit3A_1468 = arith.constant 0.000000e+00 : f32
          %broadcast_in_dim3A_1469 = vector.broadcast %jit3A_1467 : f32 to vector<16xf32>
          %broadcast_in_dim3A_1470 = vector.broadcast %jit3A_1468 : f32 to vector<16xf32>
          %select_n3A_1471 = arith.select %ge3A_1466, %broadcast_in_dim3A_1469, %broadcast_in_dim3A_1470 : vector<16xi1>, vector<16xf32>
          %add3A_1472 = arith.addf %add3A_1465, %select_n3A_1471 : vector<16xf32>
          %ge3A_1473 = arith.cmpf oge, %get3A_77, %mul3A_1424 : vector<16xf32>
          %jit3A_1474 = arith.constant 1.000000e+00 : f32
          %jit3A_1475 = arith.constant 0.000000e+00 : f32
          %broadcast_in_dim3A_1476 = vector.broadcast %jit3A_1474 : f32 to vector<16xf32>
          %broadcast_in_dim3A_1477 = vector.broadcast %jit3A_1475 : f32 to vector<16xf32>
          %select_n3A_1478 = arith.select %ge3A_1473, %broadcast_in_dim3A_1476, %broadcast_in_dim3A_1477 : vector<16xi1>, vector<16xf32>
          %add3A_1479 = arith.addf %add3A_1472, %select_n3A_1478 : vector<16xf32>
          %ge3A_1480 = arith.cmpf oge, %get3A_81, %mul3A_1424 : vector<16xf32>
          %jit3A_1481 = arith.constant 1.000000e+00 : f32
          %jit3A_1482 = arith.constant 0.000000e+00 : f32
          %broadcast_in_dim3A_1483 = vector.broadcast %jit3A_1481 : f32 to vector<16xf32>
          %broadcast_in_dim3A_1484 = vector.broadcast %jit3A_1482 : f32 to vector<16xf32>
          %select_n3A_1485 = arith.select %ge3A_1480, %broadcast_in_dim3A_1483, %broadcast_in_dim3A_1484 : vector<16xi1>, vector<16xf32>
          %add3A_1486 = arith.addf %add3A_1479, %select_n3A_1485 : vector<16xf32>
          %ge3A_1487 = arith.cmpf oge, %get3A_85, %mul3A_1424 : vector<16xf32>
          %jit3A_1488 = arith.constant 1.000000e+00 : f32
          %jit3A_1489 = arith.constant 0.000000e+00 : f32
          %broadcast_in_dim3A_1490 = vector.broadcast %jit3A_1488 : f32 to vector<16xf32>
          %broadcast_in_dim3A_1491 = vector.broadcast %jit3A_1489 : f32 to vector<16xf32>
          %select_n3A_1492 = arith.select %ge3A_1487, %broadcast_in_dim3A_1490, %broadcast_in_dim3A_1491 : vector<16xi1>, vector<16xf32>
          %add3A_1493 = arith.addf %add3A_1486, %select_n3A_1492 : vector<16xf32>
          %ge3A_1494 = arith.cmpf oge, %get3A_89, %mul3A_1424 : vector<16xf32>
          %jit3A_1495 = arith.constant 1.000000e+00 : f32
          %jit3A_1496 = arith.constant 0.000000e+00 : f32
          %broadcast_in_dim3A_1497 = vector.broadcast %jit3A_1495 : f32 to vector<16xf32>
          %broadcast_in_dim3A_1498 = vector.broadcast %jit3A_1496 : f32 to vector<16xf32>
          %select_n3A_1499 = arith.select %ge3A_1494, %broadcast_in_dim3A_1497, %broadcast_in_dim3A_1498 : vector<16xi1>, vector<16xf32>
          %add3A_1500 = arith.addf %add3A_1493, %select_n3A_1499 : vector<16xf32>
          %ge3A_1501 = arith.cmpf oge, %get3A_93, %mul3A_1424 : vector<16xf32>
          %jit3A_1502 = arith.constant 1.000000e+00 : f32
          %jit3A_1503 = arith.constant 0.000000e+00 : f32
          %broadcast_in_dim3A_1504 = vector.broadcast %jit3A_1502 : f32 to vector<16xf32>
          %broadcast_in_dim3A_1505 = vector.broadcast %jit3A_1503 : f32 to vector<16xf32>
          %select_n3A_1506 = arith.select %ge3A_1501, %broadcast_in_dim3A_1504, %broadcast_in_dim3A_1505 : vector<16xi1>, vector<16xf32>
          %add3A_1507 = arith.addf %add3A_1500, %select_n3A_1506 : vector<16xf32>
          %ge3A_1508 = arith.cmpf oge, %get3A_97, %mul3A_1424 : vector<16xf32>
          %jit3A_1509 = arith.constant 1.000000e+00 : f32
          %jit3A_1510 = arith.constant 0.000000e+00 : f32
          %broadcast_in_dim3A_1511 = vector.broadcast %jit3A_1509 : f32 to vector<16xf32>
          %broadcast_in_dim3A_1512 = vector.broadcast %jit3A_1510 : f32 to vector<16xf32>
          %select_n3A_1513 = arith.select %ge3A_1508, %broadcast_in_dim3A_1511, %broadcast_in_dim3A_1512 : vector<16xi1>, vector<16xf32>
          %add3A_1514 = arith.addf %add3A_1507, %select_n3A_1513 : vector<16xf32>
          %ge3A_1515 = arith.cmpf oge, %get3A_101, %mul3A_1424 : vector<16xf32>
          %jit3A_1516 = arith.constant 1.000000e+00 : f32
          %jit3A_1517 = arith.constant 0.000000e+00 : f32
          %broadcast_in_dim3A_1518 = vector.broadcast %jit3A_1516 : f32 to vector<16xf32>
          %broadcast_in_dim3A_1519 = vector.broadcast %jit3A_1517 : f32 to vector<16xf32>
          %select_n3A_1520 = arith.select %ge3A_1515, %broadcast_in_dim3A_1518, %broadcast_in_dim3A_1519 : vector<16xi1>, vector<16xf32>
          %add3A_1521 = arith.addf %add3A_1514, %select_n3A_1520 : vector<16xf32>
          %ge3A_1522 = arith.cmpf oge, %get3A_105, %mul3A_1424 : vector<16xf32>
          %jit3A_1523 = arith.constant 1.000000e+00 : f32
          %jit3A_1524 = arith.constant 0.000000e+00 : f32
          %broadcast_in_dim3A_1525 = vector.broadcast %jit3A_1523 : f32 to vector<16xf32>
          %broadcast_in_dim3A_1526 = vector.broadcast %jit3A_1524 : f32 to vector<16xf32>
          %select_n3A_1527 = arith.select %ge3A_1522, %broadcast_in_dim3A_1525, %broadcast_in_dim3A_1526 : vector<16xi1>, vector<16xf32>
          %add3A_1528 = arith.addf %add3A_1521, %select_n3A_1527 : vector<16xf32>
          %ge3A_1529 = arith.cmpf oge, %get3A_109, %mul3A_1424 : vector<16xf32>
          %jit3A_1530 = arith.constant 1.000000e+00 : f32
          %jit3A_1531 = arith.constant 0.000000e+00 : f32
          %broadcast_in_dim3A_1532 = vector.broadcast %jit3A_1530 : f32 to vector<16xf32>
          %broadcast_in_dim3A_1533 = vector.broadcast %jit3A_1531 : f32 to vector<16xf32>
          %select_n3A_1534 = arith.select %ge3A_1529, %broadcast_in_dim3A_1532, %broadcast_in_dim3A_1533 : vector<16xi1>, vector<16xf32>
          %add3A_1535 = arith.addf %add3A_1528, %select_n3A_1534 : vector<16xf32>
          %ge3A_1536 = arith.cmpf oge, %get3A_113, %mul3A_1424 : vector<16xf32>
          %jit3A_1537 = arith.constant 1.000000e+00 : f32
          %jit3A_1538 = arith.constant 0.000000e+00 : f32
          %broadcast_in_dim3A_1539 = vector.broadcast %jit3A_1537 : f32 to vector<16xf32>
          %broadcast_in_dim3A_1540 = vector.broadcast %jit3A_1538 : f32 to vector<16xf32>
          %select_n3A_1541 = arith.select %ge3A_1536, %broadcast_in_dim3A_1539, %broadcast_in_dim3A_1540 : vector<16xi1>, vector<16xf32>
          %add3A_1542 = arith.addf %add3A_1535, %select_n3A_1541 : vector<16xf32>
          %ge3A_1543 = arith.cmpf oge, %get3A_117, %mul3A_1424 : vector<16xf32>
          %jit3A_1544 = arith.constant 1.000000e+00 : f32
          %jit3A_1545 = arith.constant 0.000000e+00 : f32
          %broadcast_in_dim3A_1546 = vector.broadcast %jit3A_1544 : f32 to vector<16xf32>
          %broadcast_in_dim3A_1547 = vector.broadcast %jit3A_1545 : f32 to vector<16xf32>
          %select_n3A_1548 = arith.select %ge3A_1543, %broadcast_in_dim3A_1546, %broadcast_in_dim3A_1547 : vector<16xi1>, vector<16xf32>
          %add3A_1549 = arith.addf %add3A_1542, %select_n3A_1548 : vector<16xf32>
          %ge3A_1550 = arith.cmpf oge, %get3A_121, %mul3A_1424 : vector<16xf32>
          %jit3A_1551 = arith.constant 1.000000e+00 : f32
          %jit3A_1552 = arith.constant 0.000000e+00 : f32
          %broadcast_in_dim3A_1553 = vector.broadcast %jit3A_1551 : f32 to vector<16xf32>
          %broadcast_in_dim3A_1554 = vector.broadcast %jit3A_1552 : f32 to vector<16xf32>
          %select_n3A_1555 = arith.select %ge3A_1550, %broadcast_in_dim3A_1553, %broadcast_in_dim3A_1554 : vector<16xi1>, vector<16xf32>
          %add3A_1556 = arith.addf %add3A_1549, %select_n3A_1555 : vector<16xf32>
          %ge3A_1557 = arith.cmpf oge, %get3A_125, %mul3A_1424 : vector<16xf32>
          %jit3A_1558 = arith.constant 1.000000e+00 : f32
          %jit3A_1559 = arith.constant 0.000000e+00 : f32
          %broadcast_in_dim3A_1560 = vector.broadcast %jit3A_1558 : f32 to vector<16xf32>
          %broadcast_in_dim3A_1561 = vector.broadcast %jit3A_1559 : f32 to vector<16xf32>
          %select_n3A_1562 = arith.select %ge3A_1557, %broadcast_in_dim3A_1560, %broadcast_in_dim3A_1561 : vector<16xi1>, vector<16xf32>
          %add3A_1563 = arith.addf %add3A_1556, %select_n3A_1562 : vector<16xf32>
          %ge3A_1564 = arith.cmpf oge, %get3A_129, %mul3A_1424 : vector<16xf32>
          %jit3A_1565 = arith.constant 1.000000e+00 : f32
          %jit3A_1566 = arith.constant 0.000000e+00 : f32
          %broadcast_in_dim3A_1567 = vector.broadcast %jit3A_1565 : f32 to vector<16xf32>
          %broadcast_in_dim3A_1568 = vector.broadcast %jit3A_1566 : f32 to vector<16xf32>
          %select_n3A_1569 = arith.select %ge3A_1564, %broadcast_in_dim3A_1567, %broadcast_in_dim3A_1568 : vector<16xi1>, vector<16xf32>
          %add3A_1570 = arith.addf %add3A_1563, %select_n3A_1569 : vector<16xf32>
          %ge3A_1571 = arith.cmpf oge, %get3A_133, %mul3A_1424 : vector<16xf32>
          %jit3A_1572 = arith.constant 1.000000e+00 : f32
          %jit3A_1573 = arith.constant 0.000000e+00 : f32
          %broadcast_in_dim3A_1574 = vector.broadcast %jit3A_1572 : f32 to vector<16xf32>
          %broadcast_in_dim3A_1575 = vector.broadcast %jit3A_1573 : f32 to vector<16xf32>
          %select_n3A_1576 = arith.select %ge3A_1571, %broadcast_in_dim3A_1574, %broadcast_in_dim3A_1575 : vector<16xi1>, vector<16xf32>
          %add3A_1577 = arith.addf %add3A_1570, %select_n3A_1576 : vector<16xf32>
          %ge3A_1578 = arith.cmpf oge, %get3A_137, %mul3A_1424 : vector<16xf32>
          %jit3A_1579 = arith.constant 1.000000e+00 : f32
          %jit3A_1580 = arith.constant 0.000000e+00 : f32
          %broadcast_in_dim3A_1581 = vector.broadcast %jit3A_1579 : f32 to vector<16xf32>
          %broadcast_in_dim3A_1582 = vector.broadcast %jit3A_1580 : f32 to vector<16xf32>
          %select_n3A_1583 = arith.select %ge3A_1578, %broadcast_in_dim3A_1581, %broadcast_in_dim3A_1582 : vector<16xi1>, vector<16xf32>
          %add3A_1584 = arith.addf %add3A_1577, %select_n3A_1583 : vector<16xf32>
          %ge3A_1585 = arith.cmpf oge, %get3A_141, %mul3A_1424 : vector<16xf32>
          %jit3A_1586 = arith.constant 1.000000e+00 : f32
          %jit3A_1587 = arith.constant 0.000000e+00 : f32
          %broadcast_in_dim3A_1588 = vector.broadcast %jit3A_1586 : f32 to vector<16xf32>
          %broadcast_in_dim3A_1589 = vector.broadcast %jit3A_1587 : f32 to vector<16xf32>
          %select_n3A_1590 = arith.select %ge3A_1585, %broadcast_in_dim3A_1588, %broadcast_in_dim3A_1589 : vector<16xi1>, vector<16xf32>
          %add3A_1591 = arith.addf %add3A_1584, %select_n3A_1590 : vector<16xf32>
          %ge3A_1592 = arith.cmpf oge, %get3A_145, %mul3A_1424 : vector<16xf32>
          %jit3A_1593 = arith.constant 1.000000e+00 : f32
          %jit3A_1594 = arith.constant 0.000000e+00 : f32
          %broadcast_in_dim3A_1595 = vector.broadcast %jit3A_1593 : f32 to vector<16xf32>
          %broadcast_in_dim3A_1596 = vector.broadcast %jit3A_1594 : f32 to vector<16xf32>
          %select_n3A_1597 = arith.select %ge3A_1592, %broadcast_in_dim3A_1595, %broadcast_in_dim3A_1596 : vector<16xi1>, vector<16xf32>
          %add3A_1598 = arith.addf %add3A_1591, %select_n3A_1597 : vector<16xf32>
          %ge3A_1599 = arith.cmpf oge, %get3A_149, %mul3A_1424 : vector<16xf32>
          %jit3A_1600 = arith.constant 1.000000e+00 : f32
          %jit3A_1601 = arith.constant 0.000000e+00 : f32
          %broadcast_in_dim3A_1602 = vector.broadcast %jit3A_1600 : f32 to vector<16xf32>
          %broadcast_in_dim3A_1603 = vector.broadcast %jit3A_1601 : f32 to vector<16xf32>
          %select_n3A_1604 = arith.select %ge3A_1599, %broadcast_in_dim3A_1602, %broadcast_in_dim3A_1603 : vector<16xi1>, vector<16xf32>
          %add3A_1605 = arith.addf %add3A_1598, %select_n3A_1604 : vector<16xf32>
          %ge3A_1606 = arith.cmpf oge, %get3A_153, %mul3A_1424 : vector<16xf32>
          %jit3A_1607 = arith.constant 1.000000e+00 : f32
          %jit3A_1608 = arith.constant 0.000000e+00 : f32
          %broadcast_in_dim3A_1609 = vector.broadcast %jit3A_1607 : f32 to vector<16xf32>
          %broadcast_in_dim3A_1610 = vector.broadcast %jit3A_1608 : f32 to vector<16xf32>
          %select_n3A_1611 = arith.select %ge3A_1606, %broadcast_in_dim3A_1609, %broadcast_in_dim3A_1610 : vector<16xi1>, vector<16xf32>
          %add3A_1612 = arith.addf %add3A_1605, %select_n3A_1611 : vector<16xf32>
          %ge3A_1613 = arith.cmpf oge, %get3A_157, %mul3A_1424 : vector<16xf32>
          %jit3A_1614 = arith.constant 1.000000e+00 : f32
          %jit3A_1615 = arith.constant 0.000000e+00 : f32
          %broadcast_in_dim3A_1616 = vector.broadcast %jit3A_1614 : f32 to vector<16xf32>
          %broadcast_in_dim3A_1617 = vector.broadcast %jit3A_1615 : f32 to vector<16xf32>
          %select_n3A_1618 = arith.select %ge3A_1613, %broadcast_in_dim3A_1616, %broadcast_in_dim3A_1617 : vector<16xi1>, vector<16xf32>
          %add3A_1619 = arith.addf %add3A_1612, %select_n3A_1618 : vector<16xf32>
          %ge3A_1620 = arith.cmpf oge, %get3A_161, %mul3A_1424 : vector<16xf32>
          %jit3A_1621 = arith.constant 1.000000e+00 : f32
          %jit3A_1622 = arith.constant 0.000000e+00 : f32
          %broadcast_in_dim3A_1623 = vector.broadcast %jit3A_1621 : f32 to vector<16xf32>
          %broadcast_in_dim3A_1624 = vector.broadcast %jit3A_1622 : f32 to vector<16xf32>
          %select_n3A_1625 = arith.select %ge3A_1620, %broadcast_in_dim3A_1623, %broadcast_in_dim3A_1624 : vector<16xi1>, vector<16xf32>
          %add3A_1626 = arith.addf %add3A_1619, %select_n3A_1625 : vector<16xf32>
          %ge3A_1627 = arith.cmpf oge, %get3A_165, %mul3A_1424 : vector<16xf32>
          %jit3A_1628 = arith.constant 1.000000e+00 : f32
          %jit3A_1629 = arith.constant 0.000000e+00 : f32
          %broadcast_in_dim3A_1630 = vector.broadcast %jit3A_1628 : f32 to vector<16xf32>
          %broadcast_in_dim3A_1631 = vector.broadcast %jit3A_1629 : f32 to vector<16xf32>
          %select_n3A_1632 = arith.select %ge3A_1627, %broadcast_in_dim3A_1630, %broadcast_in_dim3A_1631 : vector<16xi1>, vector<16xf32>
          %add3A_1633 = arith.addf %add3A_1626, %select_n3A_1632 : vector<16xf32>
          %ge3A_1634 = arith.cmpf oge, %get3A_169, %mul3A_1424 : vector<16xf32>
          %jit3A_1635 = arith.constant 1.000000e+00 : f32
          %jit3A_1636 = arith.constant 0.000000e+00 : f32
          %broadcast_in_dim3A_1637 = vector.broadcast %jit3A_1635 : f32 to vector<16xf32>
          %broadcast_in_dim3A_1638 = vector.broadcast %jit3A_1636 : f32 to vector<16xf32>
          %select_n3A_1639 = arith.select %ge3A_1634, %broadcast_in_dim3A_1637, %broadcast_in_dim3A_1638 : vector<16xi1>, vector<16xf32>
          %add3A_1640 = arith.addf %add3A_1633, %select_n3A_1639 : vector<16xf32>
          %ge3A_1641 = arith.cmpf oge, %get3A_173, %mul3A_1424 : vector<16xf32>
          %jit3A_1642 = arith.constant 1.000000e+00 : f32
          %jit3A_1643 = arith.constant 0.000000e+00 : f32
          %broadcast_in_dim3A_1644 = vector.broadcast %jit3A_1642 : f32 to vector<16xf32>
          %broadcast_in_dim3A_1645 = vector.broadcast %jit3A_1643 : f32 to vector<16xf32>
          %select_n3A_1646 = arith.select %ge3A_1641, %broadcast_in_dim3A_1644, %broadcast_in_dim3A_1645 : vector<16xi1>, vector<16xf32>
          %add3A_1647 = arith.addf %add3A_1640, %select_n3A_1646 : vector<16xf32>
          %lt3A_1648 = arith.constant 0 : i32
          %lt3A_1649 = vector.broadcast %lt3A_1648 : i32 to vector<16xi32>
          %lt3A_1650 = arith.cmpi slt, %xor3A_13, %lt3A_1649 : vector<16xi32>
          %add3A_1651 = arith.constant 16 : i32
          %add3A_1652 = vector.broadcast %add3A_1651 : i32 to vector<16xi32>
          %add3A_1653 = arith.addi %xor3A_13, %add3A_1652 : vector<16xi32>
          %select_n3A_1654 = arith.select %lt3A_1650, %add3A_1653, %xor3A_13 : vector<16xi1>, vector<16xi32>
          %broadcast_in_dim3A_1655 = vector.shape_cast %select_n3A_1654 : vector<16xi32> to vector<16x1xi32>
          %gather3A_1656 = vector.shape_cast %broadcast_in_dim3A_1655 : vector<16x1xi32> to vector<16xi32>
          %gather3A_1657 = tpu.dynamic_gather %add3A_1647[%gather3A_1656] in [0] : vector<16xf32>, vector<16xi32> -> vector<16xf32>
          %add3A_1658 = arith.addf %add3A_1647, %gather3A_1657 : vector<16xf32>
          %lt3A_1659 = arith.constant 0 : i32
          %lt3A_1660 = vector.broadcast %lt3A_1659 : i32 to vector<16xi32>
          %lt3A_1661 = arith.cmpi slt, %xor3A_16, %lt3A_1660 : vector<16xi32>
          %add3A_1662 = arith.constant 16 : i32
          %add3A_1663 = vector.broadcast %add3A_1662 : i32 to vector<16xi32>
          %add3A_1664 = arith.addi %xor3A_16, %add3A_1663 : vector<16xi32>
          %select_n3A_1665 = arith.select %lt3A_1661, %add3A_1664, %xor3A_16 : vector<16xi1>, vector<16xi32>
          %broadcast_in_dim3A_1666 = vector.shape_cast %select_n3A_1665 : vector<16xi32> to vector<16x1xi32>
          %gather3A_1667 = vector.shape_cast %broadcast_in_dim3A_1666 : vector<16x1xi32> to vector<16xi32>
          %gather3A_1668 = tpu.dynamic_gather %add3A_1658[%gather3A_1667] in [0] : vector<16xf32>, vector<16xi32> -> vector<16xf32>
          %add3A_1669 = arith.addf %add3A_1658, %gather3A_1668 : vector<16xf32>
          %lt3A_1670 = arith.constant 0 : i32
          %lt3A_1671 = vector.broadcast %lt3A_1670 : i32 to vector<16xi32>
          %lt3A_1672 = arith.cmpi slt, %xor3A_19, %lt3A_1671 : vector<16xi32>
          %add3A_1673 = arith.constant 16 : i32
          %add3A_1674 = vector.broadcast %add3A_1673 : i32 to vector<16xi32>
          %add3A_1675 = arith.addi %xor3A_19, %add3A_1674 : vector<16xi32>
          %select_n3A_1676 = arith.select %lt3A_1672, %add3A_1675, %xor3A_19 : vector<16xi1>, vector<16xi32>
          %broadcast_in_dim3A_1677 = vector.shape_cast %select_n3A_1676 : vector<16xi32> to vector<16x1xi32>
          %gather3A_1678 = vector.shape_cast %broadcast_in_dim3A_1677 : vector<16x1xi32> to vector<16xi32>
          %gather3A_1679 = tpu.dynamic_gather %add3A_1669[%gather3A_1678] in [0] : vector<16xf32>, vector<16xi32> -> vector<16xf32>
          %add3A_1680 = arith.addf %add3A_1669, %gather3A_1679 : vector<16xf32>
          %lt3A_1681 = arith.constant 0 : i32
          %lt3A_1682 = vector.broadcast %lt3A_1681 : i32 to vector<16xi32>
          %lt3A_1683 = arith.cmpi slt, %xor3A_22, %lt3A_1682 : vector<16xi32>
          %add3A_1684 = arith.constant 16 : i32
          %add3A_1685 = vector.broadcast %add3A_1684 : i32 to vector<16xi32>
          %add3A_1686 = arith.addi %xor3A_22, %add3A_1685 : vector<16xi32>
          %select_n3A_1687 = arith.select %lt3A_1683, %add3A_1686, %xor3A_22 : vector<16xi1>, vector<16xi32>
          %broadcast_in_dim3A_1688 = vector.shape_cast %select_n3A_1687 : vector<16xi32> to vector<16x1xi32>
          %gather3A_1689 = vector.shape_cast %broadcast_in_dim3A_1688 : vector<16x1xi32> to vector<16xi32>
          %gather3A_1690 = tpu.dynamic_gather %add3A_1680[%gather3A_1689] in [0] : vector<16xf32>, vector<16xi32> -> vector<16xf32>
          %add3A_1691 = arith.addf %add3A_1680, %gather3A_1690 : vector<16xf32>
          %ge3A_1692 = arith.constant 6.400000e+01 : f32
          %ge3A_1693 = vector.broadcast %ge3A_1692 : f32 to vector<16xf32>
          %ge3A_1694 = arith.cmpf oge, %add3A_1691, %ge3A_1693 : vector<16xf32>
          %select_n3A_1695 = arith.select %ge3A_1694, %mul3A_1424, %select_n3A_1419 : vector<16xi1>, vector<16xf32>
          %select_n3A_1696 = arith.select %ge3A_1694, %select_n3A_1420, %mul3A_1424 : vector<16xi1>, vector<16xf32>
          %add3A_1697 = arith.addf %select_n3A_1695, %select_n3A_1696 : vector<16xf32>
          %mul3A_1698 = arith.constant 5.000000e-01 : f32
          %mul3A_1699 = vector.broadcast %mul3A_1698 : f32 to vector<16xf32>
          %mul3A_1700 = arith.mulf %mul3A_1699, %add3A_1697 : vector<16xf32>
          %ge3A_1701 = arith.cmpf oge, %get3A_49, %mul3A_1700 : vector<16xf32>
          %jit3A_1702 = arith.constant 1.000000e+00 : f32
          %jit3A_1703 = arith.constant 0.000000e+00 : f32
          %broadcast_in_dim3A_1704 = vector.broadcast %jit3A_1702 : f32 to vector<16xf32>
          %broadcast_in_dim3A_1705 = vector.broadcast %jit3A_1703 : f32 to vector<16xf32>
          %select_n3A_1706 = arith.select %ge3A_1701, %broadcast_in_dim3A_1704, %broadcast_in_dim3A_1705 : vector<16xi1>, vector<16xf32>
          %ge3A_1707 = arith.cmpf oge, %get3A_53, %mul3A_1700 : vector<16xf32>
          %jit3A_1708 = arith.constant 1.000000e+00 : f32
          %jit3A_1709 = arith.constant 0.000000e+00 : f32
          %broadcast_in_dim3A_1710 = vector.broadcast %jit3A_1708 : f32 to vector<16xf32>
          %broadcast_in_dim3A_1711 = vector.broadcast %jit3A_1709 : f32 to vector<16xf32>
          %select_n3A_1712 = arith.select %ge3A_1707, %broadcast_in_dim3A_1710, %broadcast_in_dim3A_1711 : vector<16xi1>, vector<16xf32>
          %add3A_1713 = arith.addf %select_n3A_1706, %select_n3A_1712 : vector<16xf32>
          %ge3A_1714 = arith.cmpf oge, %get3A_57, %mul3A_1700 : vector<16xf32>
          %jit3A_1715 = arith.constant 1.000000e+00 : f32
          %jit3A_1716 = arith.constant 0.000000e+00 : f32
          %broadcast_in_dim3A_1717 = vector.broadcast %jit3A_1715 : f32 to vector<16xf32>
          %broadcast_in_dim3A_1718 = vector.broadcast %jit3A_1716 : f32 to vector<16xf32>
          %select_n3A_1719 = arith.select %ge3A_1714, %broadcast_in_dim3A_1717, %broadcast_in_dim3A_1718 : vector<16xi1>, vector<16xf32>
          %add3A_1720 = arith.addf %add3A_1713, %select_n3A_1719 : vector<16xf32>
          %ge3A_1721 = arith.cmpf oge, %get3A_61, %mul3A_1700 : vector<16xf32>
          %jit3A_1722 = arith.constant 1.000000e+00 : f32
          %jit3A_1723 = arith.constant 0.000000e+00 : f32
          %broadcast_in_dim3A_1724 = vector.broadcast %jit3A_1722 : f32 to vector<16xf32>
          %broadcast_in_dim3A_1725 = vector.broadcast %jit3A_1723 : f32 to vector<16xf32>
          %select_n3A_1726 = arith.select %ge3A_1721, %broadcast_in_dim3A_1724, %broadcast_in_dim3A_1725 : vector<16xi1>, vector<16xf32>
          %add3A_1727 = arith.addf %add3A_1720, %select_n3A_1726 : vector<16xf32>
          %ge3A_1728 = arith.cmpf oge, %get3A_65, %mul3A_1700 : vector<16xf32>
          %jit3A_1729 = arith.constant 1.000000e+00 : f32
          %jit3A_1730 = arith.constant 0.000000e+00 : f32
          %broadcast_in_dim3A_1731 = vector.broadcast %jit3A_1729 : f32 to vector<16xf32>
          %broadcast_in_dim3A_1732 = vector.broadcast %jit3A_1730 : f32 to vector<16xf32>
          %select_n3A_1733 = arith.select %ge3A_1728, %broadcast_in_dim3A_1731, %broadcast_in_dim3A_1732 : vector<16xi1>, vector<16xf32>
          %add3A_1734 = arith.addf %add3A_1727, %select_n3A_1733 : vector<16xf32>
          %ge3A_1735 = arith.cmpf oge, %get3A_69, %mul3A_1700 : vector<16xf32>
          %jit3A_1736 = arith.constant 1.000000e+00 : f32
          %jit3A_1737 = arith.constant 0.000000e+00 : f32
          %broadcast_in_dim3A_1738 = vector.broadcast %jit3A_1736 : f32 to vector<16xf32>
          %broadcast_in_dim3A_1739 = vector.broadcast %jit3A_1737 : f32 to vector<16xf32>
          %select_n3A_1740 = arith.select %ge3A_1735, %broadcast_in_dim3A_1738, %broadcast_in_dim3A_1739 : vector<16xi1>, vector<16xf32>
          %add3A_1741 = arith.addf %add3A_1734, %select_n3A_1740 : vector<16xf32>
          %ge3A_1742 = arith.cmpf oge, %get3A_73, %mul3A_1700 : vector<16xf32>
          %jit3A_1743 = arith.constant 1.000000e+00 : f32
          %jit3A_1744 = arith.constant 0.000000e+00 : f32
          %broadcast_in_dim3A_1745 = vector.broadcast %jit3A_1743 : f32 to vector<16xf32>
          %broadcast_in_dim3A_1746 = vector.broadcast %jit3A_1744 : f32 to vector<16xf32>
          %select_n3A_1747 = arith.select %ge3A_1742, %broadcast_in_dim3A_1745, %broadcast_in_dim3A_1746 : vector<16xi1>, vector<16xf32>
          %add3A_1748 = arith.addf %add3A_1741, %select_n3A_1747 : vector<16xf32>
          %ge3A_1749 = arith.cmpf oge, %get3A_77, %mul3A_1700 : vector<16xf32>
          %jit3A_1750 = arith.constant 1.000000e+00 : f32
          %jit3A_1751 = arith.constant 0.000000e+00 : f32
          %broadcast_in_dim3A_1752 = vector.broadcast %jit3A_1750 : f32 to vector<16xf32>
          %broadcast_in_dim3A_1753 = vector.broadcast %jit3A_1751 : f32 to vector<16xf32>
          %select_n3A_1754 = arith.select %ge3A_1749, %broadcast_in_dim3A_1752, %broadcast_in_dim3A_1753 : vector<16xi1>, vector<16xf32>
          %add3A_1755 = arith.addf %add3A_1748, %select_n3A_1754 : vector<16xf32>
          %ge3A_1756 = arith.cmpf oge, %get3A_81, %mul3A_1700 : vector<16xf32>
          %jit3A_1757 = arith.constant 1.000000e+00 : f32
          %jit3A_1758 = arith.constant 0.000000e+00 : f32
          %broadcast_in_dim3A_1759 = vector.broadcast %jit3A_1757 : f32 to vector<16xf32>
          %broadcast_in_dim3A_1760 = vector.broadcast %jit3A_1758 : f32 to vector<16xf32>
          %select_n3A_1761 = arith.select %ge3A_1756, %broadcast_in_dim3A_1759, %broadcast_in_dim3A_1760 : vector<16xi1>, vector<16xf32>
          %add3A_1762 = arith.addf %add3A_1755, %select_n3A_1761 : vector<16xf32>
          %ge3A_1763 = arith.cmpf oge, %get3A_85, %mul3A_1700 : vector<16xf32>
          %jit3A_1764 = arith.constant 1.000000e+00 : f32
          %jit3A_1765 = arith.constant 0.000000e+00 : f32
          %broadcast_in_dim3A_1766 = vector.broadcast %jit3A_1764 : f32 to vector<16xf32>
          %broadcast_in_dim3A_1767 = vector.broadcast %jit3A_1765 : f32 to vector<16xf32>
          %select_n3A_1768 = arith.select %ge3A_1763, %broadcast_in_dim3A_1766, %broadcast_in_dim3A_1767 : vector<16xi1>, vector<16xf32>
          %add3A_1769 = arith.addf %add3A_1762, %select_n3A_1768 : vector<16xf32>
          %ge3A_1770 = arith.cmpf oge, %get3A_89, %mul3A_1700 : vector<16xf32>
          %jit3A_1771 = arith.constant 1.000000e+00 : f32
          %jit3A_1772 = arith.constant 0.000000e+00 : f32
          %broadcast_in_dim3A_1773 = vector.broadcast %jit3A_1771 : f32 to vector<16xf32>
          %broadcast_in_dim3A_1774 = vector.broadcast %jit3A_1772 : f32 to vector<16xf32>
          %select_n3A_1775 = arith.select %ge3A_1770, %broadcast_in_dim3A_1773, %broadcast_in_dim3A_1774 : vector<16xi1>, vector<16xf32>
          %add3A_1776 = arith.addf %add3A_1769, %select_n3A_1775 : vector<16xf32>
          %ge3A_1777 = arith.cmpf oge, %get3A_93, %mul3A_1700 : vector<16xf32>
          %jit3A_1778 = arith.constant 1.000000e+00 : f32
          %jit3A_1779 = arith.constant 0.000000e+00 : f32
          %broadcast_in_dim3A_1780 = vector.broadcast %jit3A_1778 : f32 to vector<16xf32>
          %broadcast_in_dim3A_1781 = vector.broadcast %jit3A_1779 : f32 to vector<16xf32>
          %select_n3A_1782 = arith.select %ge3A_1777, %broadcast_in_dim3A_1780, %broadcast_in_dim3A_1781 : vector<16xi1>, vector<16xf32>
          %add3A_1783 = arith.addf %add3A_1776, %select_n3A_1782 : vector<16xf32>
          %ge3A_1784 = arith.cmpf oge, %get3A_97, %mul3A_1700 : vector<16xf32>
          %jit3A_1785 = arith.constant 1.000000e+00 : f32
          %jit3A_1786 = arith.constant 0.000000e+00 : f32
          %broadcast_in_dim3A_1787 = vector.broadcast %jit3A_1785 : f32 to vector<16xf32>
          %broadcast_in_dim3A_1788 = vector.broadcast %jit3A_1786 : f32 to vector<16xf32>
          %select_n3A_1789 = arith.select %ge3A_1784, %broadcast_in_dim3A_1787, %broadcast_in_dim3A_1788 : vector<16xi1>, vector<16xf32>
          %add3A_1790 = arith.addf %add3A_1783, %select_n3A_1789 : vector<16xf32>
          %ge3A_1791 = arith.cmpf oge, %get3A_101, %mul3A_1700 : vector<16xf32>
          %jit3A_1792 = arith.constant 1.000000e+00 : f32
          %jit3A_1793 = arith.constant 0.000000e+00 : f32
          %broadcast_in_dim3A_1794 = vector.broadcast %jit3A_1792 : f32 to vector<16xf32>
          %broadcast_in_dim3A_1795 = vector.broadcast %jit3A_1793 : f32 to vector<16xf32>
          %select_n3A_1796 = arith.select %ge3A_1791, %broadcast_in_dim3A_1794, %broadcast_in_dim3A_1795 : vector<16xi1>, vector<16xf32>
          %add3A_1797 = arith.addf %add3A_1790, %select_n3A_1796 : vector<16xf32>
          %ge3A_1798 = arith.cmpf oge, %get3A_105, %mul3A_1700 : vector<16xf32>
          %jit3A_1799 = arith.constant 1.000000e+00 : f32
          %jit3A_1800 = arith.constant 0.000000e+00 : f32
          %broadcast_in_dim3A_1801 = vector.broadcast %jit3A_1799 : f32 to vector<16xf32>
          %broadcast_in_dim3A_1802 = vector.broadcast %jit3A_1800 : f32 to vector<16xf32>
          %select_n3A_1803 = arith.select %ge3A_1798, %broadcast_in_dim3A_1801, %broadcast_in_dim3A_1802 : vector<16xi1>, vector<16xf32>
          %add3A_1804 = arith.addf %add3A_1797, %select_n3A_1803 : vector<16xf32>
          %ge3A_1805 = arith.cmpf oge, %get3A_109, %mul3A_1700 : vector<16xf32>
          %jit3A_1806 = arith.constant 1.000000e+00 : f32
          %jit3A_1807 = arith.constant 0.000000e+00 : f32
          %broadcast_in_dim3A_1808 = vector.broadcast %jit3A_1806 : f32 to vector<16xf32>
          %broadcast_in_dim3A_1809 = vector.broadcast %jit3A_1807 : f32 to vector<16xf32>
          %select_n3A_1810 = arith.select %ge3A_1805, %broadcast_in_dim3A_1808, %broadcast_in_dim3A_1809 : vector<16xi1>, vector<16xf32>
          %add3A_1811 = arith.addf %add3A_1804, %select_n3A_1810 : vector<16xf32>
          %ge3A_1812 = arith.cmpf oge, %get3A_113, %mul3A_1700 : vector<16xf32>
          %jit3A_1813 = arith.constant 1.000000e+00 : f32
          %jit3A_1814 = arith.constant 0.000000e+00 : f32
          %broadcast_in_dim3A_1815 = vector.broadcast %jit3A_1813 : f32 to vector<16xf32>
          %broadcast_in_dim3A_1816 = vector.broadcast %jit3A_1814 : f32 to vector<16xf32>
          %select_n3A_1817 = arith.select %ge3A_1812, %broadcast_in_dim3A_1815, %broadcast_in_dim3A_1816 : vector<16xi1>, vector<16xf32>
          %add3A_1818 = arith.addf %add3A_1811, %select_n3A_1817 : vector<16xf32>
          %ge3A_1819 = arith.cmpf oge, %get3A_117, %mul3A_1700 : vector<16xf32>
          %jit3A_1820 = arith.constant 1.000000e+00 : f32
          %jit3A_1821 = arith.constant 0.000000e+00 : f32
          %broadcast_in_dim3A_1822 = vector.broadcast %jit3A_1820 : f32 to vector<16xf32>
          %broadcast_in_dim3A_1823 = vector.broadcast %jit3A_1821 : f32 to vector<16xf32>
          %select_n3A_1824 = arith.select %ge3A_1819, %broadcast_in_dim3A_1822, %broadcast_in_dim3A_1823 : vector<16xi1>, vector<16xf32>
          %add3A_1825 = arith.addf %add3A_1818, %select_n3A_1824 : vector<16xf32>
          %ge3A_1826 = arith.cmpf oge, %get3A_121, %mul3A_1700 : vector<16xf32>
          %jit3A_1827 = arith.constant 1.000000e+00 : f32
          %jit3A_1828 = arith.constant 0.000000e+00 : f32
          %broadcast_in_dim3A_1829 = vector.broadcast %jit3A_1827 : f32 to vector<16xf32>
          %broadcast_in_dim3A_1830 = vector.broadcast %jit3A_1828 : f32 to vector<16xf32>
          %select_n3A_1831 = arith.select %ge3A_1826, %broadcast_in_dim3A_1829, %broadcast_in_dim3A_1830 : vector<16xi1>, vector<16xf32>
          %add3A_1832 = arith.addf %add3A_1825, %select_n3A_1831 : vector<16xf32>
          %ge3A_1833 = arith.cmpf oge, %get3A_125, %mul3A_1700 : vector<16xf32>
          %jit3A_1834 = arith.constant 1.000000e+00 : f32
          %jit3A_1835 = arith.constant 0.000000e+00 : f32
          %broadcast_in_dim3A_1836 = vector.broadcast %jit3A_1834 : f32 to vector<16xf32>
          %broadcast_in_dim3A_1837 = vector.broadcast %jit3A_1835 : f32 to vector<16xf32>
          %select_n3A_1838 = arith.select %ge3A_1833, %broadcast_in_dim3A_1836, %broadcast_in_dim3A_1837 : vector<16xi1>, vector<16xf32>
          %add3A_1839 = arith.addf %add3A_1832, %select_n3A_1838 : vector<16xf32>
          %ge3A_1840 = arith.cmpf oge, %get3A_129, %mul3A_1700 : vector<16xf32>
          %jit3A_1841 = arith.constant 1.000000e+00 : f32
          %jit3A_1842 = arith.constant 0.000000e+00 : f32
          %broadcast_in_dim3A_1843 = vector.broadcast %jit3A_1841 : f32 to vector<16xf32>
          %broadcast_in_dim3A_1844 = vector.broadcast %jit3A_1842 : f32 to vector<16xf32>
          %select_n3A_1845 = arith.select %ge3A_1840, %broadcast_in_dim3A_1843, %broadcast_in_dim3A_1844 : vector<16xi1>, vector<16xf32>
          %add3A_1846 = arith.addf %add3A_1839, %select_n3A_1845 : vector<16xf32>
          %ge3A_1847 = arith.cmpf oge, %get3A_133, %mul3A_1700 : vector<16xf32>
          %jit3A_1848 = arith.constant 1.000000e+00 : f32
          %jit3A_1849 = arith.constant 0.000000e+00 : f32
          %broadcast_in_dim3A_1850 = vector.broadcast %jit3A_1848 : f32 to vector<16xf32>
          %broadcast_in_dim3A_1851 = vector.broadcast %jit3A_1849 : f32 to vector<16xf32>
          %select_n3A_1852 = arith.select %ge3A_1847, %broadcast_in_dim3A_1850, %broadcast_in_dim3A_1851 : vector<16xi1>, vector<16xf32>
          %add3A_1853 = arith.addf %add3A_1846, %select_n3A_1852 : vector<16xf32>
          %ge3A_1854 = arith.cmpf oge, %get3A_137, %mul3A_1700 : vector<16xf32>
          %jit3A_1855 = arith.constant 1.000000e+00 : f32
          %jit3A_1856 = arith.constant 0.000000e+00 : f32
          %broadcast_in_dim3A_1857 = vector.broadcast %jit3A_1855 : f32 to vector<16xf32>
          %broadcast_in_dim3A_1858 = vector.broadcast %jit3A_1856 : f32 to vector<16xf32>
          %select_n3A_1859 = arith.select %ge3A_1854, %broadcast_in_dim3A_1857, %broadcast_in_dim3A_1858 : vector<16xi1>, vector<16xf32>
          %add3A_1860 = arith.addf %add3A_1853, %select_n3A_1859 : vector<16xf32>
          %ge3A_1861 = arith.cmpf oge, %get3A_141, %mul3A_1700 : vector<16xf32>
          %jit3A_1862 = arith.constant 1.000000e+00 : f32
          %jit3A_1863 = arith.constant 0.000000e+00 : f32
          %broadcast_in_dim3A_1864 = vector.broadcast %jit3A_1862 : f32 to vector<16xf32>
          %broadcast_in_dim3A_1865 = vector.broadcast %jit3A_1863 : f32 to vector<16xf32>
          %select_n3A_1866 = arith.select %ge3A_1861, %broadcast_in_dim3A_1864, %broadcast_in_dim3A_1865 : vector<16xi1>, vector<16xf32>
          %add3A_1867 = arith.addf %add3A_1860, %select_n3A_1866 : vector<16xf32>
          %ge3A_1868 = arith.cmpf oge, %get3A_145, %mul3A_1700 : vector<16xf32>
          %jit3A_1869 = arith.constant 1.000000e+00 : f32
          %jit3A_1870 = arith.constant 0.000000e+00 : f32
          %broadcast_in_dim3A_1871 = vector.broadcast %jit3A_1869 : f32 to vector<16xf32>
          %broadcast_in_dim3A_1872 = vector.broadcast %jit3A_1870 : f32 to vector<16xf32>
          %select_n3A_1873 = arith.select %ge3A_1868, %broadcast_in_dim3A_1871, %broadcast_in_dim3A_1872 : vector<16xi1>, vector<16xf32>
          %add3A_1874 = arith.addf %add3A_1867, %select_n3A_1873 : vector<16xf32>
          %ge3A_1875 = arith.cmpf oge, %get3A_149, %mul3A_1700 : vector<16xf32>
          %jit3A_1876 = arith.constant 1.000000e+00 : f32
          %jit3A_1877 = arith.constant 0.000000e+00 : f32
          %broadcast_in_dim3A_1878 = vector.broadcast %jit3A_1876 : f32 to vector<16xf32>
          %broadcast_in_dim3A_1879 = vector.broadcast %jit3A_1877 : f32 to vector<16xf32>
          %select_n3A_1880 = arith.select %ge3A_1875, %broadcast_in_dim3A_1878, %broadcast_in_dim3A_1879 : vector<16xi1>, vector<16xf32>
          %add3A_1881 = arith.addf %add3A_1874, %select_n3A_1880 : vector<16xf32>
          %ge3A_1882 = arith.cmpf oge, %get3A_153, %mul3A_1700 : vector<16xf32>
          %jit3A_1883 = arith.constant 1.000000e+00 : f32
          %jit3A_1884 = arith.constant 0.000000e+00 : f32
          %broadcast_in_dim3A_1885 = vector.broadcast %jit3A_1883 : f32 to vector<16xf32>
          %broadcast_in_dim3A_1886 = vector.broadcast %jit3A_1884 : f32 to vector<16xf32>
          %select_n3A_1887 = arith.select %ge3A_1882, %broadcast_in_dim3A_1885, %broadcast_in_dim3A_1886 : vector<16xi1>, vector<16xf32>
          %add3A_1888 = arith.addf %add3A_1881, %select_n3A_1887 : vector<16xf32>
          %ge3A_1889 = arith.cmpf oge, %get3A_157, %mul3A_1700 : vector<16xf32>
          %jit3A_1890 = arith.constant 1.000000e+00 : f32
          %jit3A_1891 = arith.constant 0.000000e+00 : f32
          %broadcast_in_dim3A_1892 = vector.broadcast %jit3A_1890 : f32 to vector<16xf32>
          %broadcast_in_dim3A_1893 = vector.broadcast %jit3A_1891 : f32 to vector<16xf32>
          %select_n3A_1894 = arith.select %ge3A_1889, %broadcast_in_dim3A_1892, %broadcast_in_dim3A_1893 : vector<16xi1>, vector<16xf32>
          %add3A_1895 = arith.addf %add3A_1888, %select_n3A_1894 : vector<16xf32>
          %ge3A_1896 = arith.cmpf oge, %get3A_161, %mul3A_1700 : vector<16xf32>
          %jit3A_1897 = arith.constant 1.000000e+00 : f32
          %jit3A_1898 = arith.constant 0.000000e+00 : f32
          %broadcast_in_dim3A_1899 = vector.broadcast %jit3A_1897 : f32 to vector<16xf32>
          %broadcast_in_dim3A_1900 = vector.broadcast %jit3A_1898 : f32 to vector<16xf32>
          %select_n3A_1901 = arith.select %ge3A_1896, %broadcast_in_dim3A_1899, %broadcast_in_dim3A_1900 : vector<16xi1>, vector<16xf32>
          %add3A_1902 = arith.addf %add3A_1895, %select_n3A_1901 : vector<16xf32>
          %ge3A_1903 = arith.cmpf oge, %get3A_165, %mul3A_1700 : vector<16xf32>
          %jit3A_1904 = arith.constant 1.000000e+00 : f32
          %jit3A_1905 = arith.constant 0.000000e+00 : f32
          %broadcast_in_dim3A_1906 = vector.broadcast %jit3A_1904 : f32 to vector<16xf32>
          %broadcast_in_dim3A_1907 = vector.broadcast %jit3A_1905 : f32 to vector<16xf32>
          %select_n3A_1908 = arith.select %ge3A_1903, %broadcast_in_dim3A_1906, %broadcast_in_dim3A_1907 : vector<16xi1>, vector<16xf32>
          %add3A_1909 = arith.addf %add3A_1902, %select_n3A_1908 : vector<16xf32>
          %ge3A_1910 = arith.cmpf oge, %get3A_169, %mul3A_1700 : vector<16xf32>
          %jit3A_1911 = arith.constant 1.000000e+00 : f32
          %jit3A_1912 = arith.constant 0.000000e+00 : f32
          %broadcast_in_dim3A_1913 = vector.broadcast %jit3A_1911 : f32 to vector<16xf32>
          %broadcast_in_dim3A_1914 = vector.broadcast %jit3A_1912 : f32 to vector<16xf32>
          %select_n3A_1915 = arith.select %ge3A_1910, %broadcast_in_dim3A_1913, %broadcast_in_dim3A_1914 : vector<16xi1>, vector<16xf32>
          %add3A_1916 = arith.addf %add3A_1909, %select_n3A_1915 : vector<16xf32>
          %ge3A_1917 = arith.cmpf oge, %get3A_173, %mul3A_1700 : vector<16xf32>
          %jit3A_1918 = arith.constant 1.000000e+00 : f32
          %jit3A_1919 = arith.constant 0.000000e+00 : f32
          %broadcast_in_dim3A_1920 = vector.broadcast %jit3A_1918 : f32 to vector<16xf32>
          %broadcast_in_dim3A_1921 = vector.broadcast %jit3A_1919 : f32 to vector<16xf32>
          %select_n3A_1922 = arith.select %ge3A_1917, %broadcast_in_dim3A_1920, %broadcast_in_dim3A_1921 : vector<16xi1>, vector<16xf32>
          %add3A_1923 = arith.addf %add3A_1916, %select_n3A_1922 : vector<16xf32>
          %lt3A_1924 = arith.constant 0 : i32
          %lt3A_1925 = vector.broadcast %lt3A_1924 : i32 to vector<16xi32>
          %lt3A_1926 = arith.cmpi slt, %xor3A_13, %lt3A_1925 : vector<16xi32>
          %add3A_1927 = arith.constant 16 : i32
          %add3A_1928 = vector.broadcast %add3A_1927 : i32 to vector<16xi32>
          %add3A_1929 = arith.addi %xor3A_13, %add3A_1928 : vector<16xi32>
          %select_n3A_1930 = arith.select %lt3A_1926, %add3A_1929, %xor3A_13 : vector<16xi1>, vector<16xi32>
          %broadcast_in_dim3A_1931 = vector.shape_cast %select_n3A_1930 : vector<16xi32> to vector<16x1xi32>
          %gather3A_1932 = vector.shape_cast %broadcast_in_dim3A_1931 : vector<16x1xi32> to vector<16xi32>
          %gather3A_1933 = tpu.dynamic_gather %add3A_1923[%gather3A_1932] in [0] : vector<16xf32>, vector<16xi32> -> vector<16xf32>
          %add3A_1934 = arith.addf %add3A_1923, %gather3A_1933 : vector<16xf32>
          %lt3A_1935 = arith.constant 0 : i32
          %lt3A_1936 = vector.broadcast %lt3A_1935 : i32 to vector<16xi32>
          %lt3A_1937 = arith.cmpi slt, %xor3A_16, %lt3A_1936 : vector<16xi32>
          %add3A_1938 = arith.constant 16 : i32
          %add3A_1939 = vector.broadcast %add3A_1938 : i32 to vector<16xi32>
          %add3A_1940 = arith.addi %xor3A_16, %add3A_1939 : vector<16xi32>
          %select_n3A_1941 = arith.select %lt3A_1937, %add3A_1940, %xor3A_16 : vector<16xi1>, vector<16xi32>
          %broadcast_in_dim3A_1942 = vector.shape_cast %select_n3A_1941 : vector<16xi32> to vector<16x1xi32>
          %gather3A_1943 = vector.shape_cast %broadcast_in_dim3A_1942 : vector<16x1xi32> to vector<16xi32>
          %gather3A_1944 = tpu.dynamic_gather %add3A_1934[%gather3A_1943] in [0] : vector<16xf32>, vector<16xi32> -> vector<16xf32>
          %add3A_1945 = arith.addf %add3A_1934, %gather3A_1944 : vector<16xf32>
          %lt3A_1946 = arith.constant 0 : i32
          %lt3A_1947 = vector.broadcast %lt3A_1946 : i32 to vector<16xi32>
          %lt3A_1948 = arith.cmpi slt, %xor3A_19, %lt3A_1947 : vector<16xi32>
          %add3A_1949 = arith.constant 16 : i32
          %add3A_1950 = vector.broadcast %add3A_1949 : i32 to vector<16xi32>
          %add3A_1951 = arith.addi %xor3A_19, %add3A_1950 : vector<16xi32>
          %select_n3A_1952 = arith.select %lt3A_1948, %add3A_1951, %xor3A_19 : vector<16xi1>, vector<16xi32>
          %broadcast_in_dim3A_1953 = vector.shape_cast %select_n3A_1952 : vector<16xi32> to vector<16x1xi32>
          %gather3A_1954 = vector.shape_cast %broadcast_in_dim3A_1953 : vector<16x1xi32> to vector<16xi32>
          %gather3A_1955 = tpu.dynamic_gather %add3A_1945[%gather3A_1954] in [0] : vector<16xf32>, vector<16xi32> -> vector<16xf32>
          %add3A_1956 = arith.addf %add3A_1945, %gather3A_1955 : vector<16xf32>
          %lt3A_1957 = arith.constant 0 : i32
          %lt3A_1958 = vector.broadcast %lt3A_1957 : i32 to vector<16xi32>
          %lt3A_1959 = arith.cmpi slt, %xor3A_22, %lt3A_1958 : vector<16xi32>
          %add3A_1960 = arith.constant 16 : i32
          %add3A_1961 = vector.broadcast %add3A_1960 : i32 to vector<16xi32>
          %add3A_1962 = arith.addi %xor3A_22, %add3A_1961 : vector<16xi32>
          %select_n3A_1963 = arith.select %lt3A_1959, %add3A_1962, %xor3A_22 : vector<16xi1>, vector<16xi32>
          %broadcast_in_dim3A_1964 = vector.shape_cast %select_n3A_1963 : vector<16xi32> to vector<16x1xi32>
          %gather3A_1965 = vector.shape_cast %broadcast_in_dim3A_1964 : vector<16x1xi32> to vector<16xi32>
          %gather3A_1966 = tpu.dynamic_gather %add3A_1956[%gather3A_1965] in [0] : vector<16xf32>, vector<16xi32> -> vector<16xf32>
          %add3A_1967 = arith.addf %add3A_1956, %gather3A_1966 : vector<16xf32>
          %ge3A_1968 = arith.constant 6.400000e+01 : f32
          %ge3A_1969 = vector.broadcast %ge3A_1968 : f32 to vector<16xf32>
          %ge3A_1970 = arith.cmpf oge, %add3A_1967, %ge3A_1969 : vector<16xf32>
          %select_n3A_1971 = arith.select %ge3A_1970, %mul3A_1700, %select_n3A_1695 : vector<16xi1>, vector<16xf32>
          %select_n3A_1972 = arith.select %ge3A_1970, %select_n3A_1696, %mul3A_1700 : vector<16xi1>, vector<16xf32>
          %add3A_1973 = arith.addf %select_n3A_1971, %select_n3A_1972 : vector<16xf32>
          %mul3A_1974 = arith.constant 5.000000e-01 : f32
          %mul3A_1975 = vector.broadcast %mul3A_1974 : f32 to vector<16xf32>
          %mul3A_1976 = arith.mulf %mul3A_1975, %add3A_1973 : vector<16xf32>
          %ge3A_1977 = arith.cmpf oge, %get3A_49, %mul3A_1976 : vector<16xf32>
          %jit3A_1978 = arith.constant 1.000000e+00 : f32
          %jit3A_1979 = arith.constant 0.000000e+00 : f32
          %broadcast_in_dim3A_1980 = vector.broadcast %jit3A_1978 : f32 to vector<16xf32>
          %broadcast_in_dim3A_1981 = vector.broadcast %jit3A_1979 : f32 to vector<16xf32>
          %select_n3A_1982 = arith.select %ge3A_1977, %broadcast_in_dim3A_1980, %broadcast_in_dim3A_1981 : vector<16xi1>, vector<16xf32>
          %ge3A_1983 = arith.cmpf oge, %get3A_53, %mul3A_1976 : vector<16xf32>
          %jit3A_1984 = arith.constant 1.000000e+00 : f32
          %jit3A_1985 = arith.constant 0.000000e+00 : f32
          %broadcast_in_dim3A_1986 = vector.broadcast %jit3A_1984 : f32 to vector<16xf32>
          %broadcast_in_dim3A_1987 = vector.broadcast %jit3A_1985 : f32 to vector<16xf32>
          %select_n3A_1988 = arith.select %ge3A_1983, %broadcast_in_dim3A_1986, %broadcast_in_dim3A_1987 : vector<16xi1>, vector<16xf32>
          %add3A_1989 = arith.addf %select_n3A_1982, %select_n3A_1988 : vector<16xf32>
          %ge3A_1990 = arith.cmpf oge, %get3A_57, %mul3A_1976 : vector<16xf32>
          %jit3A_1991 = arith.constant 1.000000e+00 : f32
          %jit3A_1992 = arith.constant 0.000000e+00 : f32
          %broadcast_in_dim3A_1993 = vector.broadcast %jit3A_1991 : f32 to vector<16xf32>
          %broadcast_in_dim3A_1994 = vector.broadcast %jit3A_1992 : f32 to vector<16xf32>
          %select_n3A_1995 = arith.select %ge3A_1990, %broadcast_in_dim3A_1993, %broadcast_in_dim3A_1994 : vector<16xi1>, vector<16xf32>
          %add3A_1996 = arith.addf %add3A_1989, %select_n3A_1995 : vector<16xf32>
          %ge3A_1997 = arith.cmpf oge, %get3A_61, %mul3A_1976 : vector<16xf32>
          %jit3A_1998 = arith.constant 1.000000e+00 : f32
          %jit3A_1999 = arith.constant 0.000000e+00 : f32
          %broadcast_in_dim3A_2000 = vector.broadcast %jit3A_1998 : f32 to vector<16xf32>
          %broadcast_in_dim3A_2001 = vector.broadcast %jit3A_1999 : f32 to vector<16xf32>
          %select_n3A_2002 = arith.select %ge3A_1997, %broadcast_in_dim3A_2000, %broadcast_in_dim3A_2001 : vector<16xi1>, vector<16xf32>
          %add3A_2003 = arith.addf %add3A_1996, %select_n3A_2002 : vector<16xf32>
          %ge3A_2004 = arith.cmpf oge, %get3A_65, %mul3A_1976 : vector<16xf32>
          %jit3A_2005 = arith.constant 1.000000e+00 : f32
          %jit3A_2006 = arith.constant 0.000000e+00 : f32
          %broadcast_in_dim3A_2007 = vector.broadcast %jit3A_2005 : f32 to vector<16xf32>
          %broadcast_in_dim3A_2008 = vector.broadcast %jit3A_2006 : f32 to vector<16xf32>
          %select_n3A_2009 = arith.select %ge3A_2004, %broadcast_in_dim3A_2007, %broadcast_in_dim3A_2008 : vector<16xi1>, vector<16xf32>
          %add3A_2010 = arith.addf %add3A_2003, %select_n3A_2009 : vector<16xf32>
          %ge3A_2011 = arith.cmpf oge, %get3A_69, %mul3A_1976 : vector<16xf32>
          %jit3A_2012 = arith.constant 1.000000e+00 : f32
          %jit3A_2013 = arith.constant 0.000000e+00 : f32
          %broadcast_in_dim3A_2014 = vector.broadcast %jit3A_2012 : f32 to vector<16xf32>
          %broadcast_in_dim3A_2015 = vector.broadcast %jit3A_2013 : f32 to vector<16xf32>
          %select_n3A_2016 = arith.select %ge3A_2011, %broadcast_in_dim3A_2014, %broadcast_in_dim3A_2015 : vector<16xi1>, vector<16xf32>
          %add3A_2017 = arith.addf %add3A_2010, %select_n3A_2016 : vector<16xf32>
          %ge3A_2018 = arith.cmpf oge, %get3A_73, %mul3A_1976 : vector<16xf32>
          %jit3A_2019 = arith.constant 1.000000e+00 : f32
          %jit3A_2020 = arith.constant 0.000000e+00 : f32
          %broadcast_in_dim3A_2021 = vector.broadcast %jit3A_2019 : f32 to vector<16xf32>
          %broadcast_in_dim3A_2022 = vector.broadcast %jit3A_2020 : f32 to vector<16xf32>
          %select_n3A_2023 = arith.select %ge3A_2018, %broadcast_in_dim3A_2021, %broadcast_in_dim3A_2022 : vector<16xi1>, vector<16xf32>
          %add3A_2024 = arith.addf %add3A_2017, %select_n3A_2023 : vector<16xf32>
          %ge3A_2025 = arith.cmpf oge, %get3A_77, %mul3A_1976 : vector<16xf32>
          %jit3A_2026 = arith.constant 1.000000e+00 : f32
          %jit3A_2027 = arith.constant 0.000000e+00 : f32
          %broadcast_in_dim3A_2028 = vector.broadcast %jit3A_2026 : f32 to vector<16xf32>
          %broadcast_in_dim3A_2029 = vector.broadcast %jit3A_2027 : f32 to vector<16xf32>
          %select_n3A_2030 = arith.select %ge3A_2025, %broadcast_in_dim3A_2028, %broadcast_in_dim3A_2029 : vector<16xi1>, vector<16xf32>
          %add3A_2031 = arith.addf %add3A_2024, %select_n3A_2030 : vector<16xf32>
          %ge3A_2032 = arith.cmpf oge, %get3A_81, %mul3A_1976 : vector<16xf32>
          %jit3A_2033 = arith.constant 1.000000e+00 : f32
          %jit3A_2034 = arith.constant 0.000000e+00 : f32
          %broadcast_in_dim3A_2035 = vector.broadcast %jit3A_2033 : f32 to vector<16xf32>
          %broadcast_in_dim3A_2036 = vector.broadcast %jit3A_2034 : f32 to vector<16xf32>
          %select_n3A_2037 = arith.select %ge3A_2032, %broadcast_in_dim3A_2035, %broadcast_in_dim3A_2036 : vector<16xi1>, vector<16xf32>
          %add3A_2038 = arith.addf %add3A_2031, %select_n3A_2037 : vector<16xf32>
          %ge3A_2039 = arith.cmpf oge, %get3A_85, %mul3A_1976 : vector<16xf32>
          %jit3A_2040 = arith.constant 1.000000e+00 : f32
          %jit3A_2041 = arith.constant 0.000000e+00 : f32
          %broadcast_in_dim3A_2042 = vector.broadcast %jit3A_2040 : f32 to vector<16xf32>
          %broadcast_in_dim3A_2043 = vector.broadcast %jit3A_2041 : f32 to vector<16xf32>
          %select_n3A_2044 = arith.select %ge3A_2039, %broadcast_in_dim3A_2042, %broadcast_in_dim3A_2043 : vector<16xi1>, vector<16xf32>
          %add3A_2045 = arith.addf %add3A_2038, %select_n3A_2044 : vector<16xf32>
          %ge3A_2046 = arith.cmpf oge, %get3A_89, %mul3A_1976 : vector<16xf32>
          %jit3A_2047 = arith.constant 1.000000e+00 : f32
          %jit3A_2048 = arith.constant 0.000000e+00 : f32
          %broadcast_in_dim3A_2049 = vector.broadcast %jit3A_2047 : f32 to vector<16xf32>
          %broadcast_in_dim3A_2050 = vector.broadcast %jit3A_2048 : f32 to vector<16xf32>
          %select_n3A_2051 = arith.select %ge3A_2046, %broadcast_in_dim3A_2049, %broadcast_in_dim3A_2050 : vector<16xi1>, vector<16xf32>
          %add3A_2052 = arith.addf %add3A_2045, %select_n3A_2051 : vector<16xf32>
          %ge3A_2053 = arith.cmpf oge, %get3A_93, %mul3A_1976 : vector<16xf32>
          %jit3A_2054 = arith.constant 1.000000e+00 : f32
          %jit3A_2055 = arith.constant 0.000000e+00 : f32
          %broadcast_in_dim3A_2056 = vector.broadcast %jit3A_2054 : f32 to vector<16xf32>
          %broadcast_in_dim3A_2057 = vector.broadcast %jit3A_2055 : f32 to vector<16xf32>
          %select_n3A_2058 = arith.select %ge3A_2053, %broadcast_in_dim3A_2056, %broadcast_in_dim3A_2057 : vector<16xi1>, vector<16xf32>
          %add3A_2059 = arith.addf %add3A_2052, %select_n3A_2058 : vector<16xf32>
          %ge3A_2060 = arith.cmpf oge, %get3A_97, %mul3A_1976 : vector<16xf32>
          %jit3A_2061 = arith.constant 1.000000e+00 : f32
          %jit3A_2062 = arith.constant 0.000000e+00 : f32
          %broadcast_in_dim3A_2063 = vector.broadcast %jit3A_2061 : f32 to vector<16xf32>
          %broadcast_in_dim3A_2064 = vector.broadcast %jit3A_2062 : f32 to vector<16xf32>
          %select_n3A_2065 = arith.select %ge3A_2060, %broadcast_in_dim3A_2063, %broadcast_in_dim3A_2064 : vector<16xi1>, vector<16xf32>
          %add3A_2066 = arith.addf %add3A_2059, %select_n3A_2065 : vector<16xf32>
          %ge3A_2067 = arith.cmpf oge, %get3A_101, %mul3A_1976 : vector<16xf32>
          %jit3A_2068 = arith.constant 1.000000e+00 : f32
          %jit3A_2069 = arith.constant 0.000000e+00 : f32
          %broadcast_in_dim3A_2070 = vector.broadcast %jit3A_2068 : f32 to vector<16xf32>
          %broadcast_in_dim3A_2071 = vector.broadcast %jit3A_2069 : f32 to vector<16xf32>
          %select_n3A_2072 = arith.select %ge3A_2067, %broadcast_in_dim3A_2070, %broadcast_in_dim3A_2071 : vector<16xi1>, vector<16xf32>
          %add3A_2073 = arith.addf %add3A_2066, %select_n3A_2072 : vector<16xf32>
          %ge3A_2074 = arith.cmpf oge, %get3A_105, %mul3A_1976 : vector<16xf32>
          %jit3A_2075 = arith.constant 1.000000e+00 : f32
          %jit3A_2076 = arith.constant 0.000000e+00 : f32
          %broadcast_in_dim3A_2077 = vector.broadcast %jit3A_2075 : f32 to vector<16xf32>
          %broadcast_in_dim3A_2078 = vector.broadcast %jit3A_2076 : f32 to vector<16xf32>
          %select_n3A_2079 = arith.select %ge3A_2074, %broadcast_in_dim3A_2077, %broadcast_in_dim3A_2078 : vector<16xi1>, vector<16xf32>
          %add3A_2080 = arith.addf %add3A_2073, %select_n3A_2079 : vector<16xf32>
          %ge3A_2081 = arith.cmpf oge, %get3A_109, %mul3A_1976 : vector<16xf32>
          %jit3A_2082 = arith.constant 1.000000e+00 : f32
          %jit3A_2083 = arith.constant 0.000000e+00 : f32
          %broadcast_in_dim3A_2084 = vector.broadcast %jit3A_2082 : f32 to vector<16xf32>
          %broadcast_in_dim3A_2085 = vector.broadcast %jit3A_2083 : f32 to vector<16xf32>
          %select_n3A_2086 = arith.select %ge3A_2081, %broadcast_in_dim3A_2084, %broadcast_in_dim3A_2085 : vector<16xi1>, vector<16xf32>
          %add3A_2087 = arith.addf %add3A_2080, %select_n3A_2086 : vector<16xf32>
          %ge3A_2088 = arith.cmpf oge, %get3A_113, %mul3A_1976 : vector<16xf32>
          %jit3A_2089 = arith.constant 1.000000e+00 : f32
          %jit3A_2090 = arith.constant 0.000000e+00 : f32
          %broadcast_in_dim3A_2091 = vector.broadcast %jit3A_2089 : f32 to vector<16xf32>
          %broadcast_in_dim3A_2092 = vector.broadcast %jit3A_2090 : f32 to vector<16xf32>
          %select_n3A_2093 = arith.select %ge3A_2088, %broadcast_in_dim3A_2091, %broadcast_in_dim3A_2092 : vector<16xi1>, vector<16xf32>
          %add3A_2094 = arith.addf %add3A_2087, %select_n3A_2093 : vector<16xf32>
          %ge3A_2095 = arith.cmpf oge, %get3A_117, %mul3A_1976 : vector<16xf32>
          %jit3A_2096 = arith.constant 1.000000e+00 : f32
          %jit3A_2097 = arith.constant 0.000000e+00 : f32
          %broadcast_in_dim3A_2098 = vector.broadcast %jit3A_2096 : f32 to vector<16xf32>
          %broadcast_in_dim3A_2099 = vector.broadcast %jit3A_2097 : f32 to vector<16xf32>
          %select_n3A_2100 = arith.select %ge3A_2095, %broadcast_in_dim3A_2098, %broadcast_in_dim3A_2099 : vector<16xi1>, vector<16xf32>
          %add3A_2101 = arith.addf %add3A_2094, %select_n3A_2100 : vector<16xf32>
          %ge3A_2102 = arith.cmpf oge, %get3A_121, %mul3A_1976 : vector<16xf32>
          %jit3A_2103 = arith.constant 1.000000e+00 : f32
          %jit3A_2104 = arith.constant 0.000000e+00 : f32
          %broadcast_in_dim3A_2105 = vector.broadcast %jit3A_2103 : f32 to vector<16xf32>
          %broadcast_in_dim3A_2106 = vector.broadcast %jit3A_2104 : f32 to vector<16xf32>
          %select_n3A_2107 = arith.select %ge3A_2102, %broadcast_in_dim3A_2105, %broadcast_in_dim3A_2106 : vector<16xi1>, vector<16xf32>
          %add3A_2108 = arith.addf %add3A_2101, %select_n3A_2107 : vector<16xf32>
          %ge3A_2109 = arith.cmpf oge, %get3A_125, %mul3A_1976 : vector<16xf32>
          %jit3A_2110 = arith.constant 1.000000e+00 : f32
          %jit3A_2111 = arith.constant 0.000000e+00 : f32
          %broadcast_in_dim3A_2112 = vector.broadcast %jit3A_2110 : f32 to vector<16xf32>
          %broadcast_in_dim3A_2113 = vector.broadcast %jit3A_2111 : f32 to vector<16xf32>
          %select_n3A_2114 = arith.select %ge3A_2109, %broadcast_in_dim3A_2112, %broadcast_in_dim3A_2113 : vector<16xi1>, vector<16xf32>
          %add3A_2115 = arith.addf %add3A_2108, %select_n3A_2114 : vector<16xf32>
          %ge3A_2116 = arith.cmpf oge, %get3A_129, %mul3A_1976 : vector<16xf32>
          %jit3A_2117 = arith.constant 1.000000e+00 : f32
          %jit3A_2118 = arith.constant 0.000000e+00 : f32
          %broadcast_in_dim3A_2119 = vector.broadcast %jit3A_2117 : f32 to vector<16xf32>
          %broadcast_in_dim3A_2120 = vector.broadcast %jit3A_2118 : f32 to vector<16xf32>
          %select_n3A_2121 = arith.select %ge3A_2116, %broadcast_in_dim3A_2119, %broadcast_in_dim3A_2120 : vector<16xi1>, vector<16xf32>
          %add3A_2122 = arith.addf %add3A_2115, %select_n3A_2121 : vector<16xf32>
          %ge3A_2123 = arith.cmpf oge, %get3A_133, %mul3A_1976 : vector<16xf32>
          %jit3A_2124 = arith.constant 1.000000e+00 : f32
          %jit3A_2125 = arith.constant 0.000000e+00 : f32
          %broadcast_in_dim3A_2126 = vector.broadcast %jit3A_2124 : f32 to vector<16xf32>
          %broadcast_in_dim3A_2127 = vector.broadcast %jit3A_2125 : f32 to vector<16xf32>
          %select_n3A_2128 = arith.select %ge3A_2123, %broadcast_in_dim3A_2126, %broadcast_in_dim3A_2127 : vector<16xi1>, vector<16xf32>
          %add3A_2129 = arith.addf %add3A_2122, %select_n3A_2128 : vector<16xf32>
          %ge3A_2130 = arith.cmpf oge, %get3A_137, %mul3A_1976 : vector<16xf32>
          %jit3A_2131 = arith.constant 1.000000e+00 : f32
          %jit3A_2132 = arith.constant 0.000000e+00 : f32
          %broadcast_in_dim3A_2133 = vector.broadcast %jit3A_2131 : f32 to vector<16xf32>
          %broadcast_in_dim3A_2134 = vector.broadcast %jit3A_2132 : f32 to vector<16xf32>
          %select_n3A_2135 = arith.select %ge3A_2130, %broadcast_in_dim3A_2133, %broadcast_in_dim3A_2134 : vector<16xi1>, vector<16xf32>
          %add3A_2136 = arith.addf %add3A_2129, %select_n3A_2135 : vector<16xf32>
          %ge3A_2137 = arith.cmpf oge, %get3A_141, %mul3A_1976 : vector<16xf32>
          %jit3A_2138 = arith.constant 1.000000e+00 : f32
          %jit3A_2139 = arith.constant 0.000000e+00 : f32
          %broadcast_in_dim3A_2140 = vector.broadcast %jit3A_2138 : f32 to vector<16xf32>
          %broadcast_in_dim3A_2141 = vector.broadcast %jit3A_2139 : f32 to vector<16xf32>
          %select_n3A_2142 = arith.select %ge3A_2137, %broadcast_in_dim3A_2140, %broadcast_in_dim3A_2141 : vector<16xi1>, vector<16xf32>
          %add3A_2143 = arith.addf %add3A_2136, %select_n3A_2142 : vector<16xf32>
          %ge3A_2144 = arith.cmpf oge, %get3A_145, %mul3A_1976 : vector<16xf32>
          %jit3A_2145 = arith.constant 1.000000e+00 : f32
          %jit3A_2146 = arith.constant 0.000000e+00 : f32
          %broadcast_in_dim3A_2147 = vector.broadcast %jit3A_2145 : f32 to vector<16xf32>
          %broadcast_in_dim3A_2148 = vector.broadcast %jit3A_2146 : f32 to vector<16xf32>
          %select_n3A_2149 = arith.select %ge3A_2144, %broadcast_in_dim3A_2147, %broadcast_in_dim3A_2148 : vector<16xi1>, vector<16xf32>
          %add3A_2150 = arith.addf %add3A_2143, %select_n3A_2149 : vector<16xf32>
          %ge3A_2151 = arith.cmpf oge, %get3A_149, %mul3A_1976 : vector<16xf32>
          %jit3A_2152 = arith.constant 1.000000e+00 : f32
          %jit3A_2153 = arith.constant 0.000000e+00 : f32
          %broadcast_in_dim3A_2154 = vector.broadcast %jit3A_2152 : f32 to vector<16xf32>
          %broadcast_in_dim3A_2155 = vector.broadcast %jit3A_2153 : f32 to vector<16xf32>
          %select_n3A_2156 = arith.select %ge3A_2151, %broadcast_in_dim3A_2154, %broadcast_in_dim3A_2155 : vector<16xi1>, vector<16xf32>
          %add3A_2157 = arith.addf %add3A_2150, %select_n3A_2156 : vector<16xf32>
          %ge3A_2158 = arith.cmpf oge, %get3A_153, %mul3A_1976 : vector<16xf32>
          %jit3A_2159 = arith.constant 1.000000e+00 : f32
          %jit3A_2160 = arith.constant 0.000000e+00 : f32
          %broadcast_in_dim3A_2161 = vector.broadcast %jit3A_2159 : f32 to vector<16xf32>
          %broadcast_in_dim3A_2162 = vector.broadcast %jit3A_2160 : f32 to vector<16xf32>
          %select_n3A_2163 = arith.select %ge3A_2158, %broadcast_in_dim3A_2161, %broadcast_in_dim3A_2162 : vector<16xi1>, vector<16xf32>
          %add3A_2164 = arith.addf %add3A_2157, %select_n3A_2163 : vector<16xf32>
          %ge3A_2165 = arith.cmpf oge, %get3A_157, %mul3A_1976 : vector<16xf32>
          %jit3A_2166 = arith.constant 1.000000e+00 : f32
          %jit3A_2167 = arith.constant 0.000000e+00 : f32
          %broadcast_in_dim3A_2168 = vector.broadcast %jit3A_2166 : f32 to vector<16xf32>
          %broadcast_in_dim3A_2169 = vector.broadcast %jit3A_2167 : f32 to vector<16xf32>
          %select_n3A_2170 = arith.select %ge3A_2165, %broadcast_in_dim3A_2168, %broadcast_in_dim3A_2169 : vector<16xi1>, vector<16xf32>
          %add3A_2171 = arith.addf %add3A_2164, %select_n3A_2170 : vector<16xf32>
          %ge3A_2172 = arith.cmpf oge, %get3A_161, %mul3A_1976 : vector<16xf32>
          %jit3A_2173 = arith.constant 1.000000e+00 : f32
          %jit3A_2174 = arith.constant 0.000000e+00 : f32
          %broadcast_in_dim3A_2175 = vector.broadcast %jit3A_2173 : f32 to vector<16xf32>
          %broadcast_in_dim3A_2176 = vector.broadcast %jit3A_2174 : f32 to vector<16xf32>
          %select_n3A_2177 = arith.select %ge3A_2172, %broadcast_in_dim3A_2175, %broadcast_in_dim3A_2176 : vector<16xi1>, vector<16xf32>
          %add3A_2178 = arith.addf %add3A_2171, %select_n3A_2177 : vector<16xf32>
          %ge3A_2179 = arith.cmpf oge, %get3A_165, %mul3A_1976 : vector<16xf32>
          %jit3A_2180 = arith.constant 1.000000e+00 : f32
          %jit3A_2181 = arith.constant 0.000000e+00 : f32
          %broadcast_in_dim3A_2182 = vector.broadcast %jit3A_2180 : f32 to vector<16xf32>
          %broadcast_in_dim3A_2183 = vector.broadcast %jit3A_2181 : f32 to vector<16xf32>
          %select_n3A_2184 = arith.select %ge3A_2179, %broadcast_in_dim3A_2182, %broadcast_in_dim3A_2183 : vector<16xi1>, vector<16xf32>
          %add3A_2185 = arith.addf %add3A_2178, %select_n3A_2184 : vector<16xf32>
          %ge3A_2186 = arith.cmpf oge, %get3A_169, %mul3A_1976 : vector<16xf32>
          %jit3A_2187 = arith.constant 1.000000e+00 : f32
          %jit3A_2188 = arith.constant 0.000000e+00 : f32
          %broadcast_in_dim3A_2189 = vector.broadcast %jit3A_2187 : f32 to vector<16xf32>
          %broadcast_in_dim3A_2190 = vector.broadcast %jit3A_2188 : f32 to vector<16xf32>
          %select_n3A_2191 = arith.select %ge3A_2186, %broadcast_in_dim3A_2189, %broadcast_in_dim3A_2190 : vector<16xi1>, vector<16xf32>
          %add3A_2192 = arith.addf %add3A_2185, %select_n3A_2191 : vector<16xf32>
          %ge3A_2193 = arith.cmpf oge, %get3A_173, %mul3A_1976 : vector<16xf32>
          %jit3A_2194 = arith.constant 1.000000e+00 : f32
          %jit3A_2195 = arith.constant 0.000000e+00 : f32
          %broadcast_in_dim3A_2196 = vector.broadcast %jit3A_2194 : f32 to vector<16xf32>
          %broadcast_in_dim3A_2197 = vector.broadcast %jit3A_2195 : f32 to vector<16xf32>
          %select_n3A_2198 = arith.select %ge3A_2193, %broadcast_in_dim3A_2196, %broadcast_in_dim3A_2197 : vector<16xi1>, vector<16xf32>
          %add3A_2199 = arith.addf %add3A_2192, %select_n3A_2198 : vector<16xf32>
          %lt3A_2200 = arith.constant 0 : i32
          %lt3A_2201 = vector.broadcast %lt3A_2200 : i32 to vector<16xi32>
          %lt3A_2202 = arith.cmpi slt, %xor3A_13, %lt3A_2201 : vector<16xi32>
          %add3A_2203 = arith.constant 16 : i32
          %add3A_2204 = vector.broadcast %add3A_2203 : i32 to vector<16xi32>
          %add3A_2205 = arith.addi %xor3A_13, %add3A_2204 : vector<16xi32>
          %select_n3A_2206 = arith.select %lt3A_2202, %add3A_2205, %xor3A_13 : vector<16xi1>, vector<16xi32>
          %broadcast_in_dim3A_2207 = vector.shape_cast %select_n3A_2206 : vector<16xi32> to vector<16x1xi32>
          %gather3A_2208 = vector.shape_cast %broadcast_in_dim3A_2207 : vector<16x1xi32> to vector<16xi32>
          %gather3A_2209 = tpu.dynamic_gather %add3A_2199[%gather3A_2208] in [0] : vector<16xf32>, vector<16xi32> -> vector<16xf32>
          %add3A_2210 = arith.addf %add3A_2199, %gather3A_2209 : vector<16xf32>
          %lt3A_2211 = arith.constant 0 : i32
          %lt3A_2212 = vector.broadcast %lt3A_2211 : i32 to vector<16xi32>
          %lt3A_2213 = arith.cmpi slt, %xor3A_16, %lt3A_2212 : vector<16xi32>
          %add3A_2214 = arith.constant 16 : i32
          %add3A_2215 = vector.broadcast %add3A_2214 : i32 to vector<16xi32>
          %add3A_2216 = arith.addi %xor3A_16, %add3A_2215 : vector<16xi32>
          %select_n3A_2217 = arith.select %lt3A_2213, %add3A_2216, %xor3A_16 : vector<16xi1>, vector<16xi32>
          %broadcast_in_dim3A_2218 = vector.shape_cast %select_n3A_2217 : vector<16xi32> to vector<16x1xi32>
          %gather3A_2219 = vector.shape_cast %broadcast_in_dim3A_2218 : vector<16x1xi32> to vector<16xi32>
          %gather3A_2220 = tpu.dynamic_gather %add3A_2210[%gather3A_2219] in [0] : vector<16xf32>, vector<16xi32> -> vector<16xf32>
          %add3A_2221 = arith.addf %add3A_2210, %gather3A_2220 : vector<16xf32>
          %lt3A_2222 = arith.constant 0 : i32
          %lt3A_2223 = vector.broadcast %lt3A_2222 : i32 to vector<16xi32>
          %lt3A_2224 = arith.cmpi slt, %xor3A_19, %lt3A_2223 : vector<16xi32>
          %add3A_2225 = arith.constant 16 : i32
          %add3A_2226 = vector.broadcast %add3A_2225 : i32 to vector<16xi32>
          %add3A_2227 = arith.addi %xor3A_19, %add3A_2226 : vector<16xi32>
          %select_n3A_2228 = arith.select %lt3A_2224, %add3A_2227, %xor3A_19 : vector<16xi1>, vector<16xi32>
          %broadcast_in_dim3A_2229 = vector.shape_cast %select_n3A_2228 : vector<16xi32> to vector<16x1xi32>
          %gather3A_2230 = vector.shape_cast %broadcast_in_dim3A_2229 : vector<16x1xi32> to vector<16xi32>
          %gather3A_2231 = tpu.dynamic_gather %add3A_2221[%gather3A_2230] in [0] : vector<16xf32>, vector<16xi32> -> vector<16xf32>
          %add3A_2232 = arith.addf %add3A_2221, %gather3A_2231 : vector<16xf32>
          %lt3A_2233 = arith.constant 0 : i32
          %lt3A_2234 = vector.broadcast %lt3A_2233 : i32 to vector<16xi32>
          %lt3A_2235 = arith.cmpi slt, %xor3A_22, %lt3A_2234 : vector<16xi32>
          %add3A_2236 = arith.constant 16 : i32
          %add3A_2237 = vector.broadcast %add3A_2236 : i32 to vector<16xi32>
          %add3A_2238 = arith.addi %xor3A_22, %add3A_2237 : vector<16xi32>
          %select_n3A_2239 = arith.select %lt3A_2235, %add3A_2238, %xor3A_22 : vector<16xi1>, vector<16xi32>
          %broadcast_in_dim3A_2240 = vector.shape_cast %select_n3A_2239 : vector<16xi32> to vector<16x1xi32>
          %gather3A_2241 = vector.shape_cast %broadcast_in_dim3A_2240 : vector<16x1xi32> to vector<16xi32>
          %gather3A_2242 = tpu.dynamic_gather %add3A_2232[%gather3A_2241] in [0] : vector<16xf32>, vector<16xi32> -> vector<16xf32>
          %add3A_2243 = arith.addf %add3A_2232, %gather3A_2242 : vector<16xf32>
          %ge3A_2244 = arith.constant 6.400000e+01 : f32
          %ge3A_2245 = vector.broadcast %ge3A_2244 : f32 to vector<16xf32>
          %ge3A_2246 = arith.cmpf oge, %add3A_2243, %ge3A_2245 : vector<16xf32>
          %select_n3A_2247 = arith.select %ge3A_2246, %mul3A_1976, %select_n3A_1971 : vector<16xi1>, vector<16xf32>
          %select_n3A_2248 = arith.select %ge3A_2246, %select_n3A_1972, %mul3A_1976 : vector<16xi1>, vector<16xf32>
          %add3A_2249 = arith.addf %select_n3A_2247, %select_n3A_2248 : vector<16xf32>
          %mul3A_2250 = arith.constant 5.000000e-01 : f32
          %mul3A_2251 = vector.broadcast %mul3A_2250 : f32 to vector<16xf32>
          %mul3A_2252 = arith.mulf %mul3A_2251, %add3A_2249 : vector<16xf32>
          %ge3A_2253 = arith.cmpf oge, %get3A_49, %mul3A_2252 : vector<16xf32>
          %jit3A_2254 = arith.constant 1.000000e+00 : f32
          %jit3A_2255 = arith.constant 0.000000e+00 : f32
          %broadcast_in_dim3A_2256 = vector.broadcast %jit3A_2254 : f32 to vector<16xf32>
          %broadcast_in_dim3A_2257 = vector.broadcast %jit3A_2255 : f32 to vector<16xf32>
          %select_n3A_2258 = arith.select %ge3A_2253, %broadcast_in_dim3A_2256, %broadcast_in_dim3A_2257 : vector<16xi1>, vector<16xf32>
          %ge3A_2259 = arith.cmpf oge, %get3A_53, %mul3A_2252 : vector<16xf32>
          %jit3A_2260 = arith.constant 1.000000e+00 : f32
          %jit3A_2261 = arith.constant 0.000000e+00 : f32
          %broadcast_in_dim3A_2262 = vector.broadcast %jit3A_2260 : f32 to vector<16xf32>
          %broadcast_in_dim3A_2263 = vector.broadcast %jit3A_2261 : f32 to vector<16xf32>
          %select_n3A_2264 = arith.select %ge3A_2259, %broadcast_in_dim3A_2262, %broadcast_in_dim3A_2263 : vector<16xi1>, vector<16xf32>
          %add3A_2265 = arith.addf %select_n3A_2258, %select_n3A_2264 : vector<16xf32>
          %ge3A_2266 = arith.cmpf oge, %get3A_57, %mul3A_2252 : vector<16xf32>
          %jit3A_2267 = arith.constant 1.000000e+00 : f32
          %jit3A_2268 = arith.constant 0.000000e+00 : f32
          %broadcast_in_dim3A_2269 = vector.broadcast %jit3A_2267 : f32 to vector<16xf32>
          %broadcast_in_dim3A_2270 = vector.broadcast %jit3A_2268 : f32 to vector<16xf32>
          %select_n3A_2271 = arith.select %ge3A_2266, %broadcast_in_dim3A_2269, %broadcast_in_dim3A_2270 : vector<16xi1>, vector<16xf32>
          %add3A_2272 = arith.addf %add3A_2265, %select_n3A_2271 : vector<16xf32>
          %ge3A_2273 = arith.cmpf oge, %get3A_61, %mul3A_2252 : vector<16xf32>
          %jit3A_2274 = arith.constant 1.000000e+00 : f32
          %jit3A_2275 = arith.constant 0.000000e+00 : f32
          %broadcast_in_dim3A_2276 = vector.broadcast %jit3A_2274 : f32 to vector<16xf32>
          %broadcast_in_dim3A_2277 = vector.broadcast %jit3A_2275 : f32 to vector<16xf32>
          %select_n3A_2278 = arith.select %ge3A_2273, %broadcast_in_dim3A_2276, %broadcast_in_dim3A_2277 : vector<16xi1>, vector<16xf32>
          %add3A_2279 = arith.addf %add3A_2272, %select_n3A_2278 : vector<16xf32>
          %ge3A_2280 = arith.cmpf oge, %get3A_65, %mul3A_2252 : vector<16xf32>
          %jit3A_2281 = arith.constant 1.000000e+00 : f32
          %jit3A_2282 = arith.constant 0.000000e+00 : f32
          %broadcast_in_dim3A_2283 = vector.broadcast %jit3A_2281 : f32 to vector<16xf32>
          %broadcast_in_dim3A_2284 = vector.broadcast %jit3A_2282 : f32 to vector<16xf32>
          %select_n3A_2285 = arith.select %ge3A_2280, %broadcast_in_dim3A_2283, %broadcast_in_dim3A_2284 : vector<16xi1>, vector<16xf32>
          %add3A_2286 = arith.addf %add3A_2279, %select_n3A_2285 : vector<16xf32>
          %ge3A_2287 = arith.cmpf oge, %get3A_69, %mul3A_2252 : vector<16xf32>
          %jit3A_2288 = arith.constant 1.000000e+00 : f32
          %jit3A_2289 = arith.constant 0.000000e+00 : f32
          %broadcast_in_dim3A_2290 = vector.broadcast %jit3A_2288 : f32 to vector<16xf32>
          %broadcast_in_dim3A_2291 = vector.broadcast %jit3A_2289 : f32 to vector<16xf32>
          %select_n3A_2292 = arith.select %ge3A_2287, %broadcast_in_dim3A_2290, %broadcast_in_dim3A_2291 : vector<16xi1>, vector<16xf32>
          %add3A_2293 = arith.addf %add3A_2286, %select_n3A_2292 : vector<16xf32>
          %ge3A_2294 = arith.cmpf oge, %get3A_73, %mul3A_2252 : vector<16xf32>
          %jit3A_2295 = arith.constant 1.000000e+00 : f32
          %jit3A_2296 = arith.constant 0.000000e+00 : f32
          %broadcast_in_dim3A_2297 = vector.broadcast %jit3A_2295 : f32 to vector<16xf32>
          %broadcast_in_dim3A_2298 = vector.broadcast %jit3A_2296 : f32 to vector<16xf32>
          %select_n3A_2299 = arith.select %ge3A_2294, %broadcast_in_dim3A_2297, %broadcast_in_dim3A_2298 : vector<16xi1>, vector<16xf32>
          %add3A_2300 = arith.addf %add3A_2293, %select_n3A_2299 : vector<16xf32>
          %ge3A_2301 = arith.cmpf oge, %get3A_77, %mul3A_2252 : vector<16xf32>
          %jit3A_2302 = arith.constant 1.000000e+00 : f32
          %jit3A_2303 = arith.constant 0.000000e+00 : f32
          %broadcast_in_dim3A_2304 = vector.broadcast %jit3A_2302 : f32 to vector<16xf32>
          %broadcast_in_dim3A_2305 = vector.broadcast %jit3A_2303 : f32 to vector<16xf32>
          %select_n3A_2306 = arith.select %ge3A_2301, %broadcast_in_dim3A_2304, %broadcast_in_dim3A_2305 : vector<16xi1>, vector<16xf32>
          %add3A_2307 = arith.addf %add3A_2300, %select_n3A_2306 : vector<16xf32>
          %ge3A_2308 = arith.cmpf oge, %get3A_81, %mul3A_2252 : vector<16xf32>
          %jit3A_2309 = arith.constant 1.000000e+00 : f32
          %jit3A_2310 = arith.constant 0.000000e+00 : f32
          %broadcast_in_dim3A_2311 = vector.broadcast %jit3A_2309 : f32 to vector<16xf32>
          %broadcast_in_dim3A_2312 = vector.broadcast %jit3A_2310 : f32 to vector<16xf32>
          %select_n3A_2313 = arith.select %ge3A_2308, %broadcast_in_dim3A_2311, %broadcast_in_dim3A_2312 : vector<16xi1>, vector<16xf32>
          %add3A_2314 = arith.addf %add3A_2307, %select_n3A_2313 : vector<16xf32>
          %ge3A_2315 = arith.cmpf oge, %get3A_85, %mul3A_2252 : vector<16xf32>
          %jit3A_2316 = arith.constant 1.000000e+00 : f32
          %jit3A_2317 = arith.constant 0.000000e+00 : f32
          %broadcast_in_dim3A_2318 = vector.broadcast %jit3A_2316 : f32 to vector<16xf32>
          %broadcast_in_dim3A_2319 = vector.broadcast %jit3A_2317 : f32 to vector<16xf32>
          %select_n3A_2320 = arith.select %ge3A_2315, %broadcast_in_dim3A_2318, %broadcast_in_dim3A_2319 : vector<16xi1>, vector<16xf32>
          %add3A_2321 = arith.addf %add3A_2314, %select_n3A_2320 : vector<16xf32>
          %ge3A_2322 = arith.cmpf oge, %get3A_89, %mul3A_2252 : vector<16xf32>
          %jit3A_2323 = arith.constant 1.000000e+00 : f32
          %jit3A_2324 = arith.constant 0.000000e+00 : f32
          %broadcast_in_dim3A_2325 = vector.broadcast %jit3A_2323 : f32 to vector<16xf32>
          %broadcast_in_dim3A_2326 = vector.broadcast %jit3A_2324 : f32 to vector<16xf32>
          %select_n3A_2327 = arith.select %ge3A_2322, %broadcast_in_dim3A_2325, %broadcast_in_dim3A_2326 : vector<16xi1>, vector<16xf32>
          %add3A_2328 = arith.addf %add3A_2321, %select_n3A_2327 : vector<16xf32>
          %ge3A_2329 = arith.cmpf oge, %get3A_93, %mul3A_2252 : vector<16xf32>
          %jit3A_2330 = arith.constant 1.000000e+00 : f32
          %jit3A_2331 = arith.constant 0.000000e+00 : f32
          %broadcast_in_dim3A_2332 = vector.broadcast %jit3A_2330 : f32 to vector<16xf32>
          %broadcast_in_dim3A_2333 = vector.broadcast %jit3A_2331 : f32 to vector<16xf32>
          %select_n3A_2334 = arith.select %ge3A_2329, %broadcast_in_dim3A_2332, %broadcast_in_dim3A_2333 : vector<16xi1>, vector<16xf32>
          %add3A_2335 = arith.addf %add3A_2328, %select_n3A_2334 : vector<16xf32>
          %ge3A_2336 = arith.cmpf oge, %get3A_97, %mul3A_2252 : vector<16xf32>
          %jit3A_2337 = arith.constant 1.000000e+00 : f32
          %jit3A_2338 = arith.constant 0.000000e+00 : f32
          %broadcast_in_dim3A_2339 = vector.broadcast %jit3A_2337 : f32 to vector<16xf32>
          %broadcast_in_dim3A_2340 = vector.broadcast %jit3A_2338 : f32 to vector<16xf32>
          %select_n3A_2341 = arith.select %ge3A_2336, %broadcast_in_dim3A_2339, %broadcast_in_dim3A_2340 : vector<16xi1>, vector<16xf32>
          %add3A_2342 = arith.addf %add3A_2335, %select_n3A_2341 : vector<16xf32>
          %ge3A_2343 = arith.cmpf oge, %get3A_101, %mul3A_2252 : vector<16xf32>
          %jit3A_2344 = arith.constant 1.000000e+00 : f32
          %jit3A_2345 = arith.constant 0.000000e+00 : f32
          %broadcast_in_dim3A_2346 = vector.broadcast %jit3A_2344 : f32 to vector<16xf32>
          %broadcast_in_dim3A_2347 = vector.broadcast %jit3A_2345 : f32 to vector<16xf32>
          %select_n3A_2348 = arith.select %ge3A_2343, %broadcast_in_dim3A_2346, %broadcast_in_dim3A_2347 : vector<16xi1>, vector<16xf32>
          %add3A_2349 = arith.addf %add3A_2342, %select_n3A_2348 : vector<16xf32>
          %ge3A_2350 = arith.cmpf oge, %get3A_105, %mul3A_2252 : vector<16xf32>
          %jit3A_2351 = arith.constant 1.000000e+00 : f32
          %jit3A_2352 = arith.constant 0.000000e+00 : f32
          %broadcast_in_dim3A_2353 = vector.broadcast %jit3A_2351 : f32 to vector<16xf32>
          %broadcast_in_dim3A_2354 = vector.broadcast %jit3A_2352 : f32 to vector<16xf32>
          %select_n3A_2355 = arith.select %ge3A_2350, %broadcast_in_dim3A_2353, %broadcast_in_dim3A_2354 : vector<16xi1>, vector<16xf32>
          %add3A_2356 = arith.addf %add3A_2349, %select_n3A_2355 : vector<16xf32>
          %ge3A_2357 = arith.cmpf oge, %get3A_109, %mul3A_2252 : vector<16xf32>
          %jit3A_2358 = arith.constant 1.000000e+00 : f32
          %jit3A_2359 = arith.constant 0.000000e+00 : f32
          %broadcast_in_dim3A_2360 = vector.broadcast %jit3A_2358 : f32 to vector<16xf32>
          %broadcast_in_dim3A_2361 = vector.broadcast %jit3A_2359 : f32 to vector<16xf32>
          %select_n3A_2362 = arith.select %ge3A_2357, %broadcast_in_dim3A_2360, %broadcast_in_dim3A_2361 : vector<16xi1>, vector<16xf32>
          %add3A_2363 = arith.addf %add3A_2356, %select_n3A_2362 : vector<16xf32>
          %ge3A_2364 = arith.cmpf oge, %get3A_113, %mul3A_2252 : vector<16xf32>
          %jit3A_2365 = arith.constant 1.000000e+00 : f32
          %jit3A_2366 = arith.constant 0.000000e+00 : f32
          %broadcast_in_dim3A_2367 = vector.broadcast %jit3A_2365 : f32 to vector<16xf32>
          %broadcast_in_dim3A_2368 = vector.broadcast %jit3A_2366 : f32 to vector<16xf32>
          %select_n3A_2369 = arith.select %ge3A_2364, %broadcast_in_dim3A_2367, %broadcast_in_dim3A_2368 : vector<16xi1>, vector<16xf32>
          %add3A_2370 = arith.addf %add3A_2363, %select_n3A_2369 : vector<16xf32>
          %ge3A_2371 = arith.cmpf oge, %get3A_117, %mul3A_2252 : vector<16xf32>
          %jit3A_2372 = arith.constant 1.000000e+00 : f32
          %jit3A_2373 = arith.constant 0.000000e+00 : f32
          %broadcast_in_dim3A_2374 = vector.broadcast %jit3A_2372 : f32 to vector<16xf32>
          %broadcast_in_dim3A_2375 = vector.broadcast %jit3A_2373 : f32 to vector<16xf32>
          %select_n3A_2376 = arith.select %ge3A_2371, %broadcast_in_dim3A_2374, %broadcast_in_dim3A_2375 : vector<16xi1>, vector<16xf32>
          %add3A_2377 = arith.addf %add3A_2370, %select_n3A_2376 : vector<16xf32>
          %ge3A_2378 = arith.cmpf oge, %get3A_121, %mul3A_2252 : vector<16xf32>
          %jit3A_2379 = arith.constant 1.000000e+00 : f32
          %jit3A_2380 = arith.constant 0.000000e+00 : f32
          %broadcast_in_dim3A_2381 = vector.broadcast %jit3A_2379 : f32 to vector<16xf32>
          %broadcast_in_dim3A_2382 = vector.broadcast %jit3A_2380 : f32 to vector<16xf32>
          %select_n3A_2383 = arith.select %ge3A_2378, %broadcast_in_dim3A_2381, %broadcast_in_dim3A_2382 : vector<16xi1>, vector<16xf32>
          %add3A_2384 = arith.addf %add3A_2377, %select_n3A_2383 : vector<16xf32>
          %ge3A_2385 = arith.cmpf oge, %get3A_125, %mul3A_2252 : vector<16xf32>
          %jit3A_2386 = arith.constant 1.000000e+00 : f32
          %jit3A_2387 = arith.constant 0.000000e+00 : f32
          %broadcast_in_dim3A_2388 = vector.broadcast %jit3A_2386 : f32 to vector<16xf32>
          %broadcast_in_dim3A_2389 = vector.broadcast %jit3A_2387 : f32 to vector<16xf32>
          %select_n3A_2390 = arith.select %ge3A_2385, %broadcast_in_dim3A_2388, %broadcast_in_dim3A_2389 : vector<16xi1>, vector<16xf32>
          %add3A_2391 = arith.addf %add3A_2384, %select_n3A_2390 : vector<16xf32>
          %ge3A_2392 = arith.cmpf oge, %get3A_129, %mul3A_2252 : vector<16xf32>
          %jit3A_2393 = arith.constant 1.000000e+00 : f32
          %jit3A_2394 = arith.constant 0.000000e+00 : f32
          %broadcast_in_dim3A_2395 = vector.broadcast %jit3A_2393 : f32 to vector<16xf32>
          %broadcast_in_dim3A_2396 = vector.broadcast %jit3A_2394 : f32 to vector<16xf32>
          %select_n3A_2397 = arith.select %ge3A_2392, %broadcast_in_dim3A_2395, %broadcast_in_dim3A_2396 : vector<16xi1>, vector<16xf32>
          %add3A_2398 = arith.addf %add3A_2391, %select_n3A_2397 : vector<16xf32>
          %ge3A_2399 = arith.cmpf oge, %get3A_133, %mul3A_2252 : vector<16xf32>
          %jit3A_2400 = arith.constant 1.000000e+00 : f32
          %jit3A_2401 = arith.constant 0.000000e+00 : f32
          %broadcast_in_dim3A_2402 = vector.broadcast %jit3A_2400 : f32 to vector<16xf32>
          %broadcast_in_dim3A_2403 = vector.broadcast %jit3A_2401 : f32 to vector<16xf32>
          %select_n3A_2404 = arith.select %ge3A_2399, %broadcast_in_dim3A_2402, %broadcast_in_dim3A_2403 : vector<16xi1>, vector<16xf32>
          %add3A_2405 = arith.addf %add3A_2398, %select_n3A_2404 : vector<16xf32>
          %ge3A_2406 = arith.cmpf oge, %get3A_137, %mul3A_2252 : vector<16xf32>
          %jit3A_2407 = arith.constant 1.000000e+00 : f32
          %jit3A_2408 = arith.constant 0.000000e+00 : f32
          %broadcast_in_dim3A_2409 = vector.broadcast %jit3A_2407 : f32 to vector<16xf32>
          %broadcast_in_dim3A_2410 = vector.broadcast %jit3A_2408 : f32 to vector<16xf32>
          %select_n3A_2411 = arith.select %ge3A_2406, %broadcast_in_dim3A_2409, %broadcast_in_dim3A_2410 : vector<16xi1>, vector<16xf32>
          %add3A_2412 = arith.addf %add3A_2405, %select_n3A_2411 : vector<16xf32>
          %ge3A_2413 = arith.cmpf oge, %get3A_141, %mul3A_2252 : vector<16xf32>
          %jit3A_2414 = arith.constant 1.000000e+00 : f32
          %jit3A_2415 = arith.constant 0.000000e+00 : f32
          %broadcast_in_dim3A_2416 = vector.broadcast %jit3A_2414 : f32 to vector<16xf32>
          %broadcast_in_dim3A_2417 = vector.broadcast %jit3A_2415 : f32 to vector<16xf32>
          %select_n3A_2418 = arith.select %ge3A_2413, %broadcast_in_dim3A_2416, %broadcast_in_dim3A_2417 : vector<16xi1>, vector<16xf32>
          %add3A_2419 = arith.addf %add3A_2412, %select_n3A_2418 : vector<16xf32>
          %ge3A_2420 = arith.cmpf oge, %get3A_145, %mul3A_2252 : vector<16xf32>
          %jit3A_2421 = arith.constant 1.000000e+00 : f32
          %jit3A_2422 = arith.constant 0.000000e+00 : f32
          %broadcast_in_dim3A_2423 = vector.broadcast %jit3A_2421 : f32 to vector<16xf32>
          %broadcast_in_dim3A_2424 = vector.broadcast %jit3A_2422 : f32 to vector<16xf32>
          %select_n3A_2425 = arith.select %ge3A_2420, %broadcast_in_dim3A_2423, %broadcast_in_dim3A_2424 : vector<16xi1>, vector<16xf32>
          %add3A_2426 = arith.addf %add3A_2419, %select_n3A_2425 : vector<16xf32>
          %ge3A_2427 = arith.cmpf oge, %get3A_149, %mul3A_2252 : vector<16xf32>
          %jit3A_2428 = arith.constant 1.000000e+00 : f32
          %jit3A_2429 = arith.constant 0.000000e+00 : f32
          %broadcast_in_dim3A_2430 = vector.broadcast %jit3A_2428 : f32 to vector<16xf32>
          %broadcast_in_dim3A_2431 = vector.broadcast %jit3A_2429 : f32 to vector<16xf32>
          %select_n3A_2432 = arith.select %ge3A_2427, %broadcast_in_dim3A_2430, %broadcast_in_dim3A_2431 : vector<16xi1>, vector<16xf32>
          %add3A_2433 = arith.addf %add3A_2426, %select_n3A_2432 : vector<16xf32>
          %ge3A_2434 = arith.cmpf oge, %get3A_153, %mul3A_2252 : vector<16xf32>
          %jit3A_2435 = arith.constant 1.000000e+00 : f32
          %jit3A_2436 = arith.constant 0.000000e+00 : f32
          %broadcast_in_dim3A_2437 = vector.broadcast %jit3A_2435 : f32 to vector<16xf32>
          %broadcast_in_dim3A_2438 = vector.broadcast %jit3A_2436 : f32 to vector<16xf32>
          %select_n3A_2439 = arith.select %ge3A_2434, %broadcast_in_dim3A_2437, %broadcast_in_dim3A_2438 : vector<16xi1>, vector<16xf32>
          %add3A_2440 = arith.addf %add3A_2433, %select_n3A_2439 : vector<16xf32>
          %ge3A_2441 = arith.cmpf oge, %get3A_157, %mul3A_2252 : vector<16xf32>
          %jit3A_2442 = arith.constant 1.000000e+00 : f32
          %jit3A_2443 = arith.constant 0.000000e+00 : f32
          %broadcast_in_dim3A_2444 = vector.broadcast %jit3A_2442 : f32 to vector<16xf32>
          %broadcast_in_dim3A_2445 = vector.broadcast %jit3A_2443 : f32 to vector<16xf32>
          %select_n3A_2446 = arith.select %ge3A_2441, %broadcast_in_dim3A_2444, %broadcast_in_dim3A_2445 : vector<16xi1>, vector<16xf32>
          %add3A_2447 = arith.addf %add3A_2440, %select_n3A_2446 : vector<16xf32>
          %ge3A_2448 = arith.cmpf oge, %get3A_161, %mul3A_2252 : vector<16xf32>
          %jit3A_2449 = arith.constant 1.000000e+00 : f32
          %jit3A_2450 = arith.constant 0.000000e+00 : f32
          %broadcast_in_dim3A_2451 = vector.broadcast %jit3A_2449 : f32 to vector<16xf32>
          %broadcast_in_dim3A_2452 = vector.broadcast %jit3A_2450 : f32 to vector<16xf32>
          %select_n3A_2453 = arith.select %ge3A_2448, %broadcast_in_dim3A_2451, %broadcast_in_dim3A_2452 : vector<16xi1>, vector<16xf32>
          %add3A_2454 = arith.addf %add3A_2447, %select_n3A_2453 : vector<16xf32>
          %ge3A_2455 = arith.cmpf oge, %get3A_165, %mul3A_2252 : vector<16xf32>
          %jit3A_2456 = arith.constant 1.000000e+00 : f32
          %jit3A_2457 = arith.constant 0.000000e+00 : f32
          %broadcast_in_dim3A_2458 = vector.broadcast %jit3A_2456 : f32 to vector<16xf32>
          %broadcast_in_dim3A_2459 = vector.broadcast %jit3A_2457 : f32 to vector<16xf32>
          %select_n3A_2460 = arith.select %ge3A_2455, %broadcast_in_dim3A_2458, %broadcast_in_dim3A_2459 : vector<16xi1>, vector<16xf32>
          %add3A_2461 = arith.addf %add3A_2454, %select_n3A_2460 : vector<16xf32>
          %ge3A_2462 = arith.cmpf oge, %get3A_169, %mul3A_2252 : vector<16xf32>
          %jit3A_2463 = arith.constant 1.000000e+00 : f32
          %jit3A_2464 = arith.constant 0.000000e+00 : f32
          %broadcast_in_dim3A_2465 = vector.broadcast %jit3A_2463 : f32 to vector<16xf32>
          %broadcast_in_dim3A_2466 = vector.broadcast %jit3A_2464 : f32 to vector<16xf32>
          %select_n3A_2467 = arith.select %ge3A_2462, %broadcast_in_dim3A_2465, %broadcast_in_dim3A_2466 : vector<16xi1>, vector<16xf32>
          %add3A_2468 = arith.addf %add3A_2461, %select_n3A_2467 : vector<16xf32>
          %ge3A_2469 = arith.cmpf oge, %get3A_173, %mul3A_2252 : vector<16xf32>
          %jit3A_2470 = arith.constant 1.000000e+00 : f32
          %jit3A_2471 = arith.constant 0.000000e+00 : f32
          %broadcast_in_dim3A_2472 = vector.broadcast %jit3A_2470 : f32 to vector<16xf32>
          %broadcast_in_dim3A_2473 = vector.broadcast %jit3A_2471 : f32 to vector<16xf32>
          %select_n3A_2474 = arith.select %ge3A_2469, %broadcast_in_dim3A_2472, %broadcast_in_dim3A_2473 : vector<16xi1>, vector<16xf32>
          %add3A_2475 = arith.addf %add3A_2468, %select_n3A_2474 : vector<16xf32>
          %lt3A_2476 = arith.constant 0 : i32
          %lt3A_2477 = vector.broadcast %lt3A_2476 : i32 to vector<16xi32>
          %lt3A_2478 = arith.cmpi slt, %xor3A_13, %lt3A_2477 : vector<16xi32>
          %add3A_2479 = arith.constant 16 : i32
          %add3A_2480 = vector.broadcast %add3A_2479 : i32 to vector<16xi32>
          %add3A_2481 = arith.addi %xor3A_13, %add3A_2480 : vector<16xi32>
          %select_n3A_2482 = arith.select %lt3A_2478, %add3A_2481, %xor3A_13 : vector<16xi1>, vector<16xi32>
          %broadcast_in_dim3A_2483 = vector.shape_cast %select_n3A_2482 : vector<16xi32> to vector<16x1xi32>
          %gather3A_2484 = vector.shape_cast %broadcast_in_dim3A_2483 : vector<16x1xi32> to vector<16xi32>
          %gather3A_2485 = tpu.dynamic_gather %add3A_2475[%gather3A_2484] in [0] : vector<16xf32>, vector<16xi32> -> vector<16xf32>
          %add3A_2486 = arith.addf %add3A_2475, %gather3A_2485 : vector<16xf32>
          %lt3A_2487 = arith.constant 0 : i32
          %lt3A_2488 = vector.broadcast %lt3A_2487 : i32 to vector<16xi32>
          %lt3A_2489 = arith.cmpi slt, %xor3A_16, %lt3A_2488 : vector<16xi32>
          %add3A_2490 = arith.constant 16 : i32
          %add3A_2491 = vector.broadcast %add3A_2490 : i32 to vector<16xi32>
          %add3A_2492 = arith.addi %xor3A_16, %add3A_2491 : vector<16xi32>
          %select_n3A_2493 = arith.select %lt3A_2489, %add3A_2492, %xor3A_16 : vector<16xi1>, vector<16xi32>
          %broadcast_in_dim3A_2494 = vector.shape_cast %select_n3A_2493 : vector<16xi32> to vector<16x1xi32>
          %gather3A_2495 = vector.shape_cast %broadcast_in_dim3A_2494 : vector<16x1xi32> to vector<16xi32>
          %gather3A_2496 = tpu.dynamic_gather %add3A_2486[%gather3A_2495] in [0] : vector<16xf32>, vector<16xi32> -> vector<16xf32>
          %add3A_2497 = arith.addf %add3A_2486, %gather3A_2496 : vector<16xf32>
          %lt3A_2498 = arith.constant 0 : i32
          %lt3A_2499 = vector.broadcast %lt3A_2498 : i32 to vector<16xi32>
          %lt3A_2500 = arith.cmpi slt, %xor3A_19, %lt3A_2499 : vector<16xi32>
          %add3A_2501 = arith.constant 16 : i32
          %add3A_2502 = vector.broadcast %add3A_2501 : i32 to vector<16xi32>
          %add3A_2503 = arith.addi %xor3A_19, %add3A_2502 : vector<16xi32>
          %select_n3A_2504 = arith.select %lt3A_2500, %add3A_2503, %xor3A_19 : vector<16xi1>, vector<16xi32>
          %broadcast_in_dim3A_2505 = vector.shape_cast %select_n3A_2504 : vector<16xi32> to vector<16x1xi32>
          %gather3A_2506 = vector.shape_cast %broadcast_in_dim3A_2505 : vector<16x1xi32> to vector<16xi32>
          %gather3A_2507 = tpu.dynamic_gather %add3A_2497[%gather3A_2506] in [0] : vector<16xf32>, vector<16xi32> -> vector<16xf32>
          %add3A_2508 = arith.addf %add3A_2497, %gather3A_2507 : vector<16xf32>
          %lt3A_2509 = arith.constant 0 : i32
          %lt3A_2510 = vector.broadcast %lt3A_2509 : i32 to vector<16xi32>
          %lt3A_2511 = arith.cmpi slt, %xor3A_22, %lt3A_2510 : vector<16xi32>
          %add3A_2512 = arith.constant 16 : i32
          %add3A_2513 = vector.broadcast %add3A_2512 : i32 to vector<16xi32>
          %add3A_2514 = arith.addi %xor3A_22, %add3A_2513 : vector<16xi32>
          %select_n3A_2515 = arith.select %lt3A_2511, %add3A_2514, %xor3A_22 : vector<16xi1>, vector<16xi32>
          %broadcast_in_dim3A_2516 = vector.shape_cast %select_n3A_2515 : vector<16xi32> to vector<16x1xi32>
          %gather3A_2517 = vector.shape_cast %broadcast_in_dim3A_2516 : vector<16x1xi32> to vector<16xi32>
          %gather3A_2518 = tpu.dynamic_gather %add3A_2508[%gather3A_2517] in [0] : vector<16xf32>, vector<16xi32> -> vector<16xf32>
          %add3A_2519 = arith.addf %add3A_2508, %gather3A_2518 : vector<16xf32>
          %ge3A_2520 = arith.constant 6.400000e+01 : f32
          %ge3A_2521 = vector.broadcast %ge3A_2520 : f32 to vector<16xf32>
          %ge3A_2522 = arith.cmpf oge, %add3A_2519, %ge3A_2521 : vector<16xf32>
          %select_n3A_2523 = arith.select %ge3A_2522, %mul3A_2252, %select_n3A_2247 : vector<16xi1>, vector<16xf32>
          %select_n3A_2524 = arith.select %ge3A_2522, %select_n3A_2248, %mul3A_2252 : vector<16xi1>, vector<16xf32>
          %add3A_2525 = arith.addf %select_n3A_2523, %select_n3A_2524 : vector<16xf32>
          %mul3A_2526 = arith.constant 5.000000e-01 : f32
          %mul3A_2527 = vector.broadcast %mul3A_2526 : f32 to vector<16xf32>
          %mul3A_2528 = arith.mulf %mul3A_2527, %add3A_2525 : vector<16xf32>
          %ge3A_2529 = arith.cmpf oge, %get3A_49, %mul3A_2528 : vector<16xf32>
          %jit3A_2530 = arith.constant 1.000000e+00 : f32
          %jit3A_2531 = arith.constant 0.000000e+00 : f32
          %broadcast_in_dim3A_2532 = vector.broadcast %jit3A_2530 : f32 to vector<16xf32>
          %broadcast_in_dim3A_2533 = vector.broadcast %jit3A_2531 : f32 to vector<16xf32>
          %select_n3A_2534 = arith.select %ge3A_2529, %broadcast_in_dim3A_2532, %broadcast_in_dim3A_2533 : vector<16xi1>, vector<16xf32>
          %ge3A_2535 = arith.cmpf oge, %get3A_53, %mul3A_2528 : vector<16xf32>
          %jit3A_2536 = arith.constant 1.000000e+00 : f32
          %jit3A_2537 = arith.constant 0.000000e+00 : f32
          %broadcast_in_dim3A_2538 = vector.broadcast %jit3A_2536 : f32 to vector<16xf32>
          %broadcast_in_dim3A_2539 = vector.broadcast %jit3A_2537 : f32 to vector<16xf32>
          %select_n3A_2540 = arith.select %ge3A_2535, %broadcast_in_dim3A_2538, %broadcast_in_dim3A_2539 : vector<16xi1>, vector<16xf32>
          %add3A_2541 = arith.addf %select_n3A_2534, %select_n3A_2540 : vector<16xf32>
          %ge3A_2542 = arith.cmpf oge, %get3A_57, %mul3A_2528 : vector<16xf32>
          %jit3A_2543 = arith.constant 1.000000e+00 : f32
          %jit3A_2544 = arith.constant 0.000000e+00 : f32
          %broadcast_in_dim3A_2545 = vector.broadcast %jit3A_2543 : f32 to vector<16xf32>
          %broadcast_in_dim3A_2546 = vector.broadcast %jit3A_2544 : f32 to vector<16xf32>
          %select_n3A_2547 = arith.select %ge3A_2542, %broadcast_in_dim3A_2545, %broadcast_in_dim3A_2546 : vector<16xi1>, vector<16xf32>
          %add3A_2548 = arith.addf %add3A_2541, %select_n3A_2547 : vector<16xf32>
          %ge3A_2549 = arith.cmpf oge, %get3A_61, %mul3A_2528 : vector<16xf32>
          %jit3A_2550 = arith.constant 1.000000e+00 : f32
          %jit3A_2551 = arith.constant 0.000000e+00 : f32
          %broadcast_in_dim3A_2552 = vector.broadcast %jit3A_2550 : f32 to vector<16xf32>
          %broadcast_in_dim3A_2553 = vector.broadcast %jit3A_2551 : f32 to vector<16xf32>
          %select_n3A_2554 = arith.select %ge3A_2549, %broadcast_in_dim3A_2552, %broadcast_in_dim3A_2553 : vector<16xi1>, vector<16xf32>
          %add3A_2555 = arith.addf %add3A_2548, %select_n3A_2554 : vector<16xf32>
          %ge3A_2556 = arith.cmpf oge, %get3A_65, %mul3A_2528 : vector<16xf32>
          %jit3A_2557 = arith.constant 1.000000e+00 : f32
          %jit3A_2558 = arith.constant 0.000000e+00 : f32
          %broadcast_in_dim3A_2559 = vector.broadcast %jit3A_2557 : f32 to vector<16xf32>
          %broadcast_in_dim3A_2560 = vector.broadcast %jit3A_2558 : f32 to vector<16xf32>
          %select_n3A_2561 = arith.select %ge3A_2556, %broadcast_in_dim3A_2559, %broadcast_in_dim3A_2560 : vector<16xi1>, vector<16xf32>
          %add3A_2562 = arith.addf %add3A_2555, %select_n3A_2561 : vector<16xf32>
          %ge3A_2563 = arith.cmpf oge, %get3A_69, %mul3A_2528 : vector<16xf32>
          %jit3A_2564 = arith.constant 1.000000e+00 : f32
          %jit3A_2565 = arith.constant 0.000000e+00 : f32
          %broadcast_in_dim3A_2566 = vector.broadcast %jit3A_2564 : f32 to vector<16xf32>
          %broadcast_in_dim3A_2567 = vector.broadcast %jit3A_2565 : f32 to vector<16xf32>
          %select_n3A_2568 = arith.select %ge3A_2563, %broadcast_in_dim3A_2566, %broadcast_in_dim3A_2567 : vector<16xi1>, vector<16xf32>
          %add3A_2569 = arith.addf %add3A_2562, %select_n3A_2568 : vector<16xf32>
          %ge3A_2570 = arith.cmpf oge, %get3A_73, %mul3A_2528 : vector<16xf32>
          %jit3A_2571 = arith.constant 1.000000e+00 : f32
          %jit3A_2572 = arith.constant 0.000000e+00 : f32
          %broadcast_in_dim3A_2573 = vector.broadcast %jit3A_2571 : f32 to vector<16xf32>
          %broadcast_in_dim3A_2574 = vector.broadcast %jit3A_2572 : f32 to vector<16xf32>
          %select_n3A_2575 = arith.select %ge3A_2570, %broadcast_in_dim3A_2573, %broadcast_in_dim3A_2574 : vector<16xi1>, vector<16xf32>
          %add3A_2576 = arith.addf %add3A_2569, %select_n3A_2575 : vector<16xf32>
          %ge3A_2577 = arith.cmpf oge, %get3A_77, %mul3A_2528 : vector<16xf32>
          %jit3A_2578 = arith.constant 1.000000e+00 : f32
          %jit3A_2579 = arith.constant 0.000000e+00 : f32
          %broadcast_in_dim3A_2580 = vector.broadcast %jit3A_2578 : f32 to vector<16xf32>
          %broadcast_in_dim3A_2581 = vector.broadcast %jit3A_2579 : f32 to vector<16xf32>
          %select_n3A_2582 = arith.select %ge3A_2577, %broadcast_in_dim3A_2580, %broadcast_in_dim3A_2581 : vector<16xi1>, vector<16xf32>
          %add3A_2583 = arith.addf %add3A_2576, %select_n3A_2582 : vector<16xf32>
          %ge3A_2584 = arith.cmpf oge, %get3A_81, %mul3A_2528 : vector<16xf32>
          %jit3A_2585 = arith.constant 1.000000e+00 : f32
          %jit3A_2586 = arith.constant 0.000000e+00 : f32
          %broadcast_in_dim3A_2587 = vector.broadcast %jit3A_2585 : f32 to vector<16xf32>
          %broadcast_in_dim3A_2588 = vector.broadcast %jit3A_2586 : f32 to vector<16xf32>
          %select_n3A_2589 = arith.select %ge3A_2584, %broadcast_in_dim3A_2587, %broadcast_in_dim3A_2588 : vector<16xi1>, vector<16xf32>
          %add3A_2590 = arith.addf %add3A_2583, %select_n3A_2589 : vector<16xf32>
          %ge3A_2591 = arith.cmpf oge, %get3A_85, %mul3A_2528 : vector<16xf32>
          %jit3A_2592 = arith.constant 1.000000e+00 : f32
          %jit3A_2593 = arith.constant 0.000000e+00 : f32
          %broadcast_in_dim3A_2594 = vector.broadcast %jit3A_2592 : f32 to vector<16xf32>
          %broadcast_in_dim3A_2595 = vector.broadcast %jit3A_2593 : f32 to vector<16xf32>
          %select_n3A_2596 = arith.select %ge3A_2591, %broadcast_in_dim3A_2594, %broadcast_in_dim3A_2595 : vector<16xi1>, vector<16xf32>
          %add3A_2597 = arith.addf %add3A_2590, %select_n3A_2596 : vector<16xf32>
          %ge3A_2598 = arith.cmpf oge, %get3A_89, %mul3A_2528 : vector<16xf32>
          %jit3A_2599 = arith.constant 1.000000e+00 : f32
          %jit3A_2600 = arith.constant 0.000000e+00 : f32
          %broadcast_in_dim3A_2601 = vector.broadcast %jit3A_2599 : f32 to vector<16xf32>
          %broadcast_in_dim3A_2602 = vector.broadcast %jit3A_2600 : f32 to vector<16xf32>
          %select_n3A_2603 = arith.select %ge3A_2598, %broadcast_in_dim3A_2601, %broadcast_in_dim3A_2602 : vector<16xi1>, vector<16xf32>
          %add3A_2604 = arith.addf %add3A_2597, %select_n3A_2603 : vector<16xf32>
          %ge3A_2605 = arith.cmpf oge, %get3A_93, %mul3A_2528 : vector<16xf32>
          %jit3A_2606 = arith.constant 1.000000e+00 : f32
          %jit3A_2607 = arith.constant 0.000000e+00 : f32
          %broadcast_in_dim3A_2608 = vector.broadcast %jit3A_2606 : f32 to vector<16xf32>
          %broadcast_in_dim3A_2609 = vector.broadcast %jit3A_2607 : f32 to vector<16xf32>
          %select_n3A_2610 = arith.select %ge3A_2605, %broadcast_in_dim3A_2608, %broadcast_in_dim3A_2609 : vector<16xi1>, vector<16xf32>
          %add3A_2611 = arith.addf %add3A_2604, %select_n3A_2610 : vector<16xf32>
          %ge3A_2612 = arith.cmpf oge, %get3A_97, %mul3A_2528 : vector<16xf32>
          %jit3A_2613 = arith.constant 1.000000e+00 : f32
          %jit3A_2614 = arith.constant 0.000000e+00 : f32
          %broadcast_in_dim3A_2615 = vector.broadcast %jit3A_2613 : f32 to vector<16xf32>
          %broadcast_in_dim3A_2616 = vector.broadcast %jit3A_2614 : f32 to vector<16xf32>
          %select_n3A_2617 = arith.select %ge3A_2612, %broadcast_in_dim3A_2615, %broadcast_in_dim3A_2616 : vector<16xi1>, vector<16xf32>
          %add3A_2618 = arith.addf %add3A_2611, %select_n3A_2617 : vector<16xf32>
          %ge3A_2619 = arith.cmpf oge, %get3A_101, %mul3A_2528 : vector<16xf32>
          %jit3A_2620 = arith.constant 1.000000e+00 : f32
          %jit3A_2621 = arith.constant 0.000000e+00 : f32
          %broadcast_in_dim3A_2622 = vector.broadcast %jit3A_2620 : f32 to vector<16xf32>
          %broadcast_in_dim3A_2623 = vector.broadcast %jit3A_2621 : f32 to vector<16xf32>
          %select_n3A_2624 = arith.select %ge3A_2619, %broadcast_in_dim3A_2622, %broadcast_in_dim3A_2623 : vector<16xi1>, vector<16xf32>
          %add3A_2625 = arith.addf %add3A_2618, %select_n3A_2624 : vector<16xf32>
          %ge3A_2626 = arith.cmpf oge, %get3A_105, %mul3A_2528 : vector<16xf32>
          %jit3A_2627 = arith.constant 1.000000e+00 : f32
          %jit3A_2628 = arith.constant 0.000000e+00 : f32
          %broadcast_in_dim3A_2629 = vector.broadcast %jit3A_2627 : f32 to vector<16xf32>
          %broadcast_in_dim3A_2630 = vector.broadcast %jit3A_2628 : f32 to vector<16xf32>
          %select_n3A_2631 = arith.select %ge3A_2626, %broadcast_in_dim3A_2629, %broadcast_in_dim3A_2630 : vector<16xi1>, vector<16xf32>
          %add3A_2632 = arith.addf %add3A_2625, %select_n3A_2631 : vector<16xf32>
          %ge3A_2633 = arith.cmpf oge, %get3A_109, %mul3A_2528 : vector<16xf32>
          %jit3A_2634 = arith.constant 1.000000e+00 : f32
          %jit3A_2635 = arith.constant 0.000000e+00 : f32
          %broadcast_in_dim3A_2636 = vector.broadcast %jit3A_2634 : f32 to vector<16xf32>
          %broadcast_in_dim3A_2637 = vector.broadcast %jit3A_2635 : f32 to vector<16xf32>
          %select_n3A_2638 = arith.select %ge3A_2633, %broadcast_in_dim3A_2636, %broadcast_in_dim3A_2637 : vector<16xi1>, vector<16xf32>
          %add3A_2639 = arith.addf %add3A_2632, %select_n3A_2638 : vector<16xf32>
          %ge3A_2640 = arith.cmpf oge, %get3A_113, %mul3A_2528 : vector<16xf32>
          %jit3A_2641 = arith.constant 1.000000e+00 : f32
          %jit3A_2642 = arith.constant 0.000000e+00 : f32
          %broadcast_in_dim3A_2643 = vector.broadcast %jit3A_2641 : f32 to vector<16xf32>
          %broadcast_in_dim3A_2644 = vector.broadcast %jit3A_2642 : f32 to vector<16xf32>
          %select_n3A_2645 = arith.select %ge3A_2640, %broadcast_in_dim3A_2643, %broadcast_in_dim3A_2644 : vector<16xi1>, vector<16xf32>
          %add3A_2646 = arith.addf %add3A_2639, %select_n3A_2645 : vector<16xf32>
          %ge3A_2647 = arith.cmpf oge, %get3A_117, %mul3A_2528 : vector<16xf32>
          %jit3A_2648 = arith.constant 1.000000e+00 : f32
          %jit3A_2649 = arith.constant 0.000000e+00 : f32
          %broadcast_in_dim3A_2650 = vector.broadcast %jit3A_2648 : f32 to vector<16xf32>
          %broadcast_in_dim3A_2651 = vector.broadcast %jit3A_2649 : f32 to vector<16xf32>
          %select_n3A_2652 = arith.select %ge3A_2647, %broadcast_in_dim3A_2650, %broadcast_in_dim3A_2651 : vector<16xi1>, vector<16xf32>
          %add3A_2653 = arith.addf %add3A_2646, %select_n3A_2652 : vector<16xf32>
          %ge3A_2654 = arith.cmpf oge, %get3A_121, %mul3A_2528 : vector<16xf32>
          %jit3A_2655 = arith.constant 1.000000e+00 : f32
          %jit3A_2656 = arith.constant 0.000000e+00 : f32
          %broadcast_in_dim3A_2657 = vector.broadcast %jit3A_2655 : f32 to vector<16xf32>
          %broadcast_in_dim3A_2658 = vector.broadcast %jit3A_2656 : f32 to vector<16xf32>
          %select_n3A_2659 = arith.select %ge3A_2654, %broadcast_in_dim3A_2657, %broadcast_in_dim3A_2658 : vector<16xi1>, vector<16xf32>
          %add3A_2660 = arith.addf %add3A_2653, %select_n3A_2659 : vector<16xf32>
          %ge3A_2661 = arith.cmpf oge, %get3A_125, %mul3A_2528 : vector<16xf32>
          %jit3A_2662 = arith.constant 1.000000e+00 : f32
          %jit3A_2663 = arith.constant 0.000000e+00 : f32
          %broadcast_in_dim3A_2664 = vector.broadcast %jit3A_2662 : f32 to vector<16xf32>
          %broadcast_in_dim3A_2665 = vector.broadcast %jit3A_2663 : f32 to vector<16xf32>
          %select_n3A_2666 = arith.select %ge3A_2661, %broadcast_in_dim3A_2664, %broadcast_in_dim3A_2665 : vector<16xi1>, vector<16xf32>
          %add3A_2667 = arith.addf %add3A_2660, %select_n3A_2666 : vector<16xf32>
          %ge3A_2668 = arith.cmpf oge, %get3A_129, %mul3A_2528 : vector<16xf32>
          %jit3A_2669 = arith.constant 1.000000e+00 : f32
          %jit3A_2670 = arith.constant 0.000000e+00 : f32
          %broadcast_in_dim3A_2671 = vector.broadcast %jit3A_2669 : f32 to vector<16xf32>
          %broadcast_in_dim3A_2672 = vector.broadcast %jit3A_2670 : f32 to vector<16xf32>
          %select_n3A_2673 = arith.select %ge3A_2668, %broadcast_in_dim3A_2671, %broadcast_in_dim3A_2672 : vector<16xi1>, vector<16xf32>
          %add3A_2674 = arith.addf %add3A_2667, %select_n3A_2673 : vector<16xf32>
          %ge3A_2675 = arith.cmpf oge, %get3A_133, %mul3A_2528 : vector<16xf32>
          %jit3A_2676 = arith.constant 1.000000e+00 : f32
          %jit3A_2677 = arith.constant 0.000000e+00 : f32
          %broadcast_in_dim3A_2678 = vector.broadcast %jit3A_2676 : f32 to vector<16xf32>
          %broadcast_in_dim3A_2679 = vector.broadcast %jit3A_2677 : f32 to vector<16xf32>
          %select_n3A_2680 = arith.select %ge3A_2675, %broadcast_in_dim3A_2678, %broadcast_in_dim3A_2679 : vector<16xi1>, vector<16xf32>
          %add3A_2681 = arith.addf %add3A_2674, %select_n3A_2680 : vector<16xf32>
          %ge3A_2682 = arith.cmpf oge, %get3A_137, %mul3A_2528 : vector<16xf32>
          %jit3A_2683 = arith.constant 1.000000e+00 : f32
          %jit3A_2684 = arith.constant 0.000000e+00 : f32
          %broadcast_in_dim3A_2685 = vector.broadcast %jit3A_2683 : f32 to vector<16xf32>
          %broadcast_in_dim3A_2686 = vector.broadcast %jit3A_2684 : f32 to vector<16xf32>
          %select_n3A_2687 = arith.select %ge3A_2682, %broadcast_in_dim3A_2685, %broadcast_in_dim3A_2686 : vector<16xi1>, vector<16xf32>
          %add3A_2688 = arith.addf %add3A_2681, %select_n3A_2687 : vector<16xf32>
          %ge3A_2689 = arith.cmpf oge, %get3A_141, %mul3A_2528 : vector<16xf32>
          %jit3A_2690 = arith.constant 1.000000e+00 : f32
          %jit3A_2691 = arith.constant 0.000000e+00 : f32
          %broadcast_in_dim3A_2692 = vector.broadcast %jit3A_2690 : f32 to vector<16xf32>
          %broadcast_in_dim3A_2693 = vector.broadcast %jit3A_2691 : f32 to vector<16xf32>
          %select_n3A_2694 = arith.select %ge3A_2689, %broadcast_in_dim3A_2692, %broadcast_in_dim3A_2693 : vector<16xi1>, vector<16xf32>
          %add3A_2695 = arith.addf %add3A_2688, %select_n3A_2694 : vector<16xf32>
          %ge3A_2696 = arith.cmpf oge, %get3A_145, %mul3A_2528 : vector<16xf32>
          %jit3A_2697 = arith.constant 1.000000e+00 : f32
          %jit3A_2698 = arith.constant 0.000000e+00 : f32
          %broadcast_in_dim3A_2699 = vector.broadcast %jit3A_2697 : f32 to vector<16xf32>
          %broadcast_in_dim3A_2700 = vector.broadcast %jit3A_2698 : f32 to vector<16xf32>
          %select_n3A_2701 = arith.select %ge3A_2696, %broadcast_in_dim3A_2699, %broadcast_in_dim3A_2700 : vector<16xi1>, vector<16xf32>
          %add3A_2702 = arith.addf %add3A_2695, %select_n3A_2701 : vector<16xf32>
          %ge3A_2703 = arith.cmpf oge, %get3A_149, %mul3A_2528 : vector<16xf32>
          %jit3A_2704 = arith.constant 1.000000e+00 : f32
          %jit3A_2705 = arith.constant 0.000000e+00 : f32
          %broadcast_in_dim3A_2706 = vector.broadcast %jit3A_2704 : f32 to vector<16xf32>
          %broadcast_in_dim3A_2707 = vector.broadcast %jit3A_2705 : f32 to vector<16xf32>
          %select_n3A_2708 = arith.select %ge3A_2703, %broadcast_in_dim3A_2706, %broadcast_in_dim3A_2707 : vector<16xi1>, vector<16xf32>
          %add3A_2709 = arith.addf %add3A_2702, %select_n3A_2708 : vector<16xf32>
          %ge3A_2710 = arith.cmpf oge, %get3A_153, %mul3A_2528 : vector<16xf32>
          %jit3A_2711 = arith.constant 1.000000e+00 : f32
          %jit3A_2712 = arith.constant 0.000000e+00 : f32
          %broadcast_in_dim3A_2713 = vector.broadcast %jit3A_2711 : f32 to vector<16xf32>
          %broadcast_in_dim3A_2714 = vector.broadcast %jit3A_2712 : f32 to vector<16xf32>
          %select_n3A_2715 = arith.select %ge3A_2710, %broadcast_in_dim3A_2713, %broadcast_in_dim3A_2714 : vector<16xi1>, vector<16xf32>
          %add3A_2716 = arith.addf %add3A_2709, %select_n3A_2715 : vector<16xf32>
          %ge3A_2717 = arith.cmpf oge, %get3A_157, %mul3A_2528 : vector<16xf32>
          %jit3A_2718 = arith.constant 1.000000e+00 : f32
          %jit3A_2719 = arith.constant 0.000000e+00 : f32
          %broadcast_in_dim3A_2720 = vector.broadcast %jit3A_2718 : f32 to vector<16xf32>
          %broadcast_in_dim3A_2721 = vector.broadcast %jit3A_2719 : f32 to vector<16xf32>
          %select_n3A_2722 = arith.select %ge3A_2717, %broadcast_in_dim3A_2720, %broadcast_in_dim3A_2721 : vector<16xi1>, vector<16xf32>
          %add3A_2723 = arith.addf %add3A_2716, %select_n3A_2722 : vector<16xf32>
          %ge3A_2724 = arith.cmpf oge, %get3A_161, %mul3A_2528 : vector<16xf32>
          %jit3A_2725 = arith.constant 1.000000e+00 : f32
          %jit3A_2726 = arith.constant 0.000000e+00 : f32
          %broadcast_in_dim3A_2727 = vector.broadcast %jit3A_2725 : f32 to vector<16xf32>
          %broadcast_in_dim3A_2728 = vector.broadcast %jit3A_2726 : f32 to vector<16xf32>
          %select_n3A_2729 = arith.select %ge3A_2724, %broadcast_in_dim3A_2727, %broadcast_in_dim3A_2728 : vector<16xi1>, vector<16xf32>
          %add3A_2730 = arith.addf %add3A_2723, %select_n3A_2729 : vector<16xf32>
          %ge3A_2731 = arith.cmpf oge, %get3A_165, %mul3A_2528 : vector<16xf32>
          %jit3A_2732 = arith.constant 1.000000e+00 : f32
          %jit3A_2733 = arith.constant 0.000000e+00 : f32
          %broadcast_in_dim3A_2734 = vector.broadcast %jit3A_2732 : f32 to vector<16xf32>
          %broadcast_in_dim3A_2735 = vector.broadcast %jit3A_2733 : f32 to vector<16xf32>
          %select_n3A_2736 = arith.select %ge3A_2731, %broadcast_in_dim3A_2734, %broadcast_in_dim3A_2735 : vector<16xi1>, vector<16xf32>
          %add3A_2737 = arith.addf %add3A_2730, %select_n3A_2736 : vector<16xf32>
          %ge3A_2738 = arith.cmpf oge, %get3A_169, %mul3A_2528 : vector<16xf32>
          %jit3A_2739 = arith.constant 1.000000e+00 : f32
          %jit3A_2740 = arith.constant 0.000000e+00 : f32
          %broadcast_in_dim3A_2741 = vector.broadcast %jit3A_2739 : f32 to vector<16xf32>
          %broadcast_in_dim3A_2742 = vector.broadcast %jit3A_2740 : f32 to vector<16xf32>
          %select_n3A_2743 = arith.select %ge3A_2738, %broadcast_in_dim3A_2741, %broadcast_in_dim3A_2742 : vector<16xi1>, vector<16xf32>
          %add3A_2744 = arith.addf %add3A_2737, %select_n3A_2743 : vector<16xf32>
          %ge3A_2745 = arith.cmpf oge, %get3A_173, %mul3A_2528 : vector<16xf32>
          %jit3A_2746 = arith.constant 1.000000e+00 : f32
          %jit3A_2747 = arith.constant 0.000000e+00 : f32
          %broadcast_in_dim3A_2748 = vector.broadcast %jit3A_2746 : f32 to vector<16xf32>
          %broadcast_in_dim3A_2749 = vector.broadcast %jit3A_2747 : f32 to vector<16xf32>
          %select_n3A_2750 = arith.select %ge3A_2745, %broadcast_in_dim3A_2748, %broadcast_in_dim3A_2749 : vector<16xi1>, vector<16xf32>
          %add3A_2751 = arith.addf %add3A_2744, %select_n3A_2750 : vector<16xf32>
          %lt3A_2752 = arith.constant 0 : i32
          %lt3A_2753 = vector.broadcast %lt3A_2752 : i32 to vector<16xi32>
          %lt3A_2754 = arith.cmpi slt, %xor3A_13, %lt3A_2753 : vector<16xi32>
          %add3A_2755 = arith.constant 16 : i32
          %add3A_2756 = vector.broadcast %add3A_2755 : i32 to vector<16xi32>
          %add3A_2757 = arith.addi %xor3A_13, %add3A_2756 : vector<16xi32>
          %select_n3A_2758 = arith.select %lt3A_2754, %add3A_2757, %xor3A_13 : vector<16xi1>, vector<16xi32>
          %broadcast_in_dim3A_2759 = vector.shape_cast %select_n3A_2758 : vector<16xi32> to vector<16x1xi32>
          %gather3A_2760 = vector.shape_cast %broadcast_in_dim3A_2759 : vector<16x1xi32> to vector<16xi32>
          %gather3A_2761 = tpu.dynamic_gather %add3A_2751[%gather3A_2760] in [0] : vector<16xf32>, vector<16xi32> -> vector<16xf32>
          %add3A_2762 = arith.addf %add3A_2751, %gather3A_2761 : vector<16xf32>
          %lt3A_2763 = arith.constant 0 : i32
          %lt3A_2764 = vector.broadcast %lt3A_2763 : i32 to vector<16xi32>
          %lt3A_2765 = arith.cmpi slt, %xor3A_16, %lt3A_2764 : vector<16xi32>
          %add3A_2766 = arith.constant 16 : i32
          %add3A_2767 = vector.broadcast %add3A_2766 : i32 to vector<16xi32>
          %add3A_2768 = arith.addi %xor3A_16, %add3A_2767 : vector<16xi32>
          %select_n3A_2769 = arith.select %lt3A_2765, %add3A_2768, %xor3A_16 : vector<16xi1>, vector<16xi32>
          %broadcast_in_dim3A_2770 = vector.shape_cast %select_n3A_2769 : vector<16xi32> to vector<16x1xi32>
          %gather3A_2771 = vector.shape_cast %broadcast_in_dim3A_2770 : vector<16x1xi32> to vector<16xi32>
          %gather3A_2772 = tpu.dynamic_gather %add3A_2762[%gather3A_2771] in [0] : vector<16xf32>, vector<16xi32> -> vector<16xf32>
          %add3A_2773 = arith.addf %add3A_2762, %gather3A_2772 : vector<16xf32>
          %lt3A_2774 = arith.constant 0 : i32
          %lt3A_2775 = vector.broadcast %lt3A_2774 : i32 to vector<16xi32>
          %lt3A_2776 = arith.cmpi slt, %xor3A_19, %lt3A_2775 : vector<16xi32>
          %add3A_2777 = arith.constant 16 : i32
          %add3A_2778 = vector.broadcast %add3A_2777 : i32 to vector<16xi32>
          %add3A_2779 = arith.addi %xor3A_19, %add3A_2778 : vector<16xi32>
          %select_n3A_2780 = arith.select %lt3A_2776, %add3A_2779, %xor3A_19 : vector<16xi1>, vector<16xi32>
          %broadcast_in_dim3A_2781 = vector.shape_cast %select_n3A_2780 : vector<16xi32> to vector<16x1xi32>
          %gather3A_2782 = vector.shape_cast %broadcast_in_dim3A_2781 : vector<16x1xi32> to vector<16xi32>
          %gather3A_2783 = tpu.dynamic_gather %add3A_2773[%gather3A_2782] in [0] : vector<16xf32>, vector<16xi32> -> vector<16xf32>
          %add3A_2784 = arith.addf %add3A_2773, %gather3A_2783 : vector<16xf32>
          %lt3A_2785 = arith.constant 0 : i32
          %lt3A_2786 = vector.broadcast %lt3A_2785 : i32 to vector<16xi32>
          %lt3A_2787 = arith.cmpi slt, %xor3A_22, %lt3A_2786 : vector<16xi32>
          %add3A_2788 = arith.constant 16 : i32
          %add3A_2789 = vector.broadcast %add3A_2788 : i32 to vector<16xi32>
          %add3A_2790 = arith.addi %xor3A_22, %add3A_2789 : vector<16xi32>
          %select_n3A_2791 = arith.select %lt3A_2787, %add3A_2790, %xor3A_22 : vector<16xi1>, vector<16xi32>
          %broadcast_in_dim3A_2792 = vector.shape_cast %select_n3A_2791 : vector<16xi32> to vector<16x1xi32>
          %gather3A_2793 = vector.shape_cast %broadcast_in_dim3A_2792 : vector<16x1xi32> to vector<16xi32>
          %gather3A_2794 = tpu.dynamic_gather %add3A_2784[%gather3A_2793] in [0] : vector<16xf32>, vector<16xi32> -> vector<16xf32>
          %add3A_2795 = arith.addf %add3A_2784, %gather3A_2794 : vector<16xf32>
          %ge3A_2796 = arith.constant 6.400000e+01 : f32
          %ge3A_2797 = vector.broadcast %ge3A_2796 : f32 to vector<16xf32>
          %ge3A_2798 = arith.cmpf oge, %add3A_2795, %ge3A_2797 : vector<16xf32>
          %select_n3A_2799 = arith.select %ge3A_2798, %mul3A_2528, %select_n3A_2523 : vector<16xi1>, vector<16xf32>
          %select_n3A_2800 = arith.select %ge3A_2798, %select_n3A_2524, %mul3A_2528 : vector<16xi1>, vector<16xf32>
          %add3A_2801 = arith.addf %select_n3A_2799, %select_n3A_2800 : vector<16xf32>
          %mul3A_2802 = arith.constant 5.000000e-01 : f32
          %mul3A_2803 = vector.broadcast %mul3A_2802 : f32 to vector<16xf32>
          %mul3A_2804 = arith.mulf %mul3A_2803, %add3A_2801 : vector<16xf32>
          %ge3A_2805 = arith.cmpf oge, %get3A_49, %mul3A_2804 : vector<16xf32>
          %jit3A_2806 = arith.constant 1.000000e+00 : f32
          %jit3A_2807 = arith.constant 0.000000e+00 : f32
          %broadcast_in_dim3A_2808 = vector.broadcast %jit3A_2806 : f32 to vector<16xf32>
          %broadcast_in_dim3A_2809 = vector.broadcast %jit3A_2807 : f32 to vector<16xf32>
          %select_n3A_2810 = arith.select %ge3A_2805, %broadcast_in_dim3A_2808, %broadcast_in_dim3A_2809 : vector<16xi1>, vector<16xf32>
          %ge3A_2811 = arith.cmpf oge, %get3A_53, %mul3A_2804 : vector<16xf32>
          %jit3A_2812 = arith.constant 1.000000e+00 : f32
          %jit3A_2813 = arith.constant 0.000000e+00 : f32
          %broadcast_in_dim3A_2814 = vector.broadcast %jit3A_2812 : f32 to vector<16xf32>
          %broadcast_in_dim3A_2815 = vector.broadcast %jit3A_2813 : f32 to vector<16xf32>
          %select_n3A_2816 = arith.select %ge3A_2811, %broadcast_in_dim3A_2814, %broadcast_in_dim3A_2815 : vector<16xi1>, vector<16xf32>
          %add3A_2817 = arith.addf %select_n3A_2810, %select_n3A_2816 : vector<16xf32>
          %ge3A_2818 = arith.cmpf oge, %get3A_57, %mul3A_2804 : vector<16xf32>
          %jit3A_2819 = arith.constant 1.000000e+00 : f32
          %jit3A_2820 = arith.constant 0.000000e+00 : f32
          %broadcast_in_dim3A_2821 = vector.broadcast %jit3A_2819 : f32 to vector<16xf32>
          %broadcast_in_dim3A_2822 = vector.broadcast %jit3A_2820 : f32 to vector<16xf32>
          %select_n3A_2823 = arith.select %ge3A_2818, %broadcast_in_dim3A_2821, %broadcast_in_dim3A_2822 : vector<16xi1>, vector<16xf32>
          %add3A_2824 = arith.addf %add3A_2817, %select_n3A_2823 : vector<16xf32>
          %ge3A_2825 = arith.cmpf oge, %get3A_61, %mul3A_2804 : vector<16xf32>
          %jit3A_2826 = arith.constant 1.000000e+00 : f32
          %jit3A_2827 = arith.constant 0.000000e+00 : f32
          %broadcast_in_dim3A_2828 = vector.broadcast %jit3A_2826 : f32 to vector<16xf32>
          %broadcast_in_dim3A_2829 = vector.broadcast %jit3A_2827 : f32 to vector<16xf32>
          %select_n3A_2830 = arith.select %ge3A_2825, %broadcast_in_dim3A_2828, %broadcast_in_dim3A_2829 : vector<16xi1>, vector<16xf32>
          %add3A_2831 = arith.addf %add3A_2824, %select_n3A_2830 : vector<16xf32>
          %ge3A_2832 = arith.cmpf oge, %get3A_65, %mul3A_2804 : vector<16xf32>
          %jit3A_2833 = arith.constant 1.000000e+00 : f32
          %jit3A_2834 = arith.constant 0.000000e+00 : f32
          %broadcast_in_dim3A_2835 = vector.broadcast %jit3A_2833 : f32 to vector<16xf32>
          %broadcast_in_dim3A_2836 = vector.broadcast %jit3A_2834 : f32 to vector<16xf32>
          %select_n3A_2837 = arith.select %ge3A_2832, %broadcast_in_dim3A_2835, %broadcast_in_dim3A_2836 : vector<16xi1>, vector<16xf32>
          %add3A_2838 = arith.addf %add3A_2831, %select_n3A_2837 : vector<16xf32>
          %ge3A_2839 = arith.cmpf oge, %get3A_69, %mul3A_2804 : vector<16xf32>
          %jit3A_2840 = arith.constant 1.000000e+00 : f32
          %jit3A_2841 = arith.constant 0.000000e+00 : f32
          %broadcast_in_dim3A_2842 = vector.broadcast %jit3A_2840 : f32 to vector<16xf32>
          %broadcast_in_dim3A_2843 = vector.broadcast %jit3A_2841 : f32 to vector<16xf32>
          %select_n3A_2844 = arith.select %ge3A_2839, %broadcast_in_dim3A_2842, %broadcast_in_dim3A_2843 : vector<16xi1>, vector<16xf32>
          %add3A_2845 = arith.addf %add3A_2838, %select_n3A_2844 : vector<16xf32>
          %ge3A_2846 = arith.cmpf oge, %get3A_73, %mul3A_2804 : vector<16xf32>
          %jit3A_2847 = arith.constant 1.000000e+00 : f32
          %jit3A_2848 = arith.constant 0.000000e+00 : f32
          %broadcast_in_dim3A_2849 = vector.broadcast %jit3A_2847 : f32 to vector<16xf32>
          %broadcast_in_dim3A_2850 = vector.broadcast %jit3A_2848 : f32 to vector<16xf32>
          %select_n3A_2851 = arith.select %ge3A_2846, %broadcast_in_dim3A_2849, %broadcast_in_dim3A_2850 : vector<16xi1>, vector<16xf32>
          %add3A_2852 = arith.addf %add3A_2845, %select_n3A_2851 : vector<16xf32>
          %ge3A_2853 = arith.cmpf oge, %get3A_77, %mul3A_2804 : vector<16xf32>
          %jit3A_2854 = arith.constant 1.000000e+00 : f32
          %jit3A_2855 = arith.constant 0.000000e+00 : f32
          %broadcast_in_dim3A_2856 = vector.broadcast %jit3A_2854 : f32 to vector<16xf32>
          %broadcast_in_dim3A_2857 = vector.broadcast %jit3A_2855 : f32 to vector<16xf32>
          %select_n3A_2858 = arith.select %ge3A_2853, %broadcast_in_dim3A_2856, %broadcast_in_dim3A_2857 : vector<16xi1>, vector<16xf32>
          %add3A_2859 = arith.addf %add3A_2852, %select_n3A_2858 : vector<16xf32>
          %ge3A_2860 = arith.cmpf oge, %get3A_81, %mul3A_2804 : vector<16xf32>
          %jit3A_2861 = arith.constant 1.000000e+00 : f32
          %jit3A_2862 = arith.constant 0.000000e+00 : f32
          %broadcast_in_dim3A_2863 = vector.broadcast %jit3A_2861 : f32 to vector<16xf32>
          %broadcast_in_dim3A_2864 = vector.broadcast %jit3A_2862 : f32 to vector<16xf32>
          %select_n3A_2865 = arith.select %ge3A_2860, %broadcast_in_dim3A_2863, %broadcast_in_dim3A_2864 : vector<16xi1>, vector<16xf32>
          %add3A_2866 = arith.addf %add3A_2859, %select_n3A_2865 : vector<16xf32>
          %ge3A_2867 = arith.cmpf oge, %get3A_85, %mul3A_2804 : vector<16xf32>
          %jit3A_2868 = arith.constant 1.000000e+00 : f32
          %jit3A_2869 = arith.constant 0.000000e+00 : f32
          %broadcast_in_dim3A_2870 = vector.broadcast %jit3A_2868 : f32 to vector<16xf32>
          %broadcast_in_dim3A_2871 = vector.broadcast %jit3A_2869 : f32 to vector<16xf32>
          %select_n3A_2872 = arith.select %ge3A_2867, %broadcast_in_dim3A_2870, %broadcast_in_dim3A_2871 : vector<16xi1>, vector<16xf32>
          %add3A_2873 = arith.addf %add3A_2866, %select_n3A_2872 : vector<16xf32>
          %ge3A_2874 = arith.cmpf oge, %get3A_89, %mul3A_2804 : vector<16xf32>
          %jit3A_2875 = arith.constant 1.000000e+00 : f32
          %jit3A_2876 = arith.constant 0.000000e+00 : f32
          %broadcast_in_dim3A_2877 = vector.broadcast %jit3A_2875 : f32 to vector<16xf32>
          %broadcast_in_dim3A_2878 = vector.broadcast %jit3A_2876 : f32 to vector<16xf32>
          %select_n3A_2879 = arith.select %ge3A_2874, %broadcast_in_dim3A_2877, %broadcast_in_dim3A_2878 : vector<16xi1>, vector<16xf32>
          %add3A_2880 = arith.addf %add3A_2873, %select_n3A_2879 : vector<16xf32>
          %ge3A_2881 = arith.cmpf oge, %get3A_93, %mul3A_2804 : vector<16xf32>
          %jit3A_2882 = arith.constant 1.000000e+00 : f32
          %jit3A_2883 = arith.constant 0.000000e+00 : f32
          %broadcast_in_dim3A_2884 = vector.broadcast %jit3A_2882 : f32 to vector<16xf32>
          %broadcast_in_dim3A_2885 = vector.broadcast %jit3A_2883 : f32 to vector<16xf32>
          %select_n3A_2886 = arith.select %ge3A_2881, %broadcast_in_dim3A_2884, %broadcast_in_dim3A_2885 : vector<16xi1>, vector<16xf32>
          %add3A_2887 = arith.addf %add3A_2880, %select_n3A_2886 : vector<16xf32>
          %ge3A_2888 = arith.cmpf oge, %get3A_97, %mul3A_2804 : vector<16xf32>
          %jit3A_2889 = arith.constant 1.000000e+00 : f32
          %jit3A_2890 = arith.constant 0.000000e+00 : f32
          %broadcast_in_dim3A_2891 = vector.broadcast %jit3A_2889 : f32 to vector<16xf32>
          %broadcast_in_dim3A_2892 = vector.broadcast %jit3A_2890 : f32 to vector<16xf32>
          %select_n3A_2893 = arith.select %ge3A_2888, %broadcast_in_dim3A_2891, %broadcast_in_dim3A_2892 : vector<16xi1>, vector<16xf32>
          %add3A_2894 = arith.addf %add3A_2887, %select_n3A_2893 : vector<16xf32>
          %ge3A_2895 = arith.cmpf oge, %get3A_101, %mul3A_2804 : vector<16xf32>
          %jit3A_2896 = arith.constant 1.000000e+00 : f32
          %jit3A_2897 = arith.constant 0.000000e+00 : f32
          %broadcast_in_dim3A_2898 = vector.broadcast %jit3A_2896 : f32 to vector<16xf32>
          %broadcast_in_dim3A_2899 = vector.broadcast %jit3A_2897 : f32 to vector<16xf32>
          %select_n3A_2900 = arith.select %ge3A_2895, %broadcast_in_dim3A_2898, %broadcast_in_dim3A_2899 : vector<16xi1>, vector<16xf32>
          %add3A_2901 = arith.addf %add3A_2894, %select_n3A_2900 : vector<16xf32>
          %ge3A_2902 = arith.cmpf oge, %get3A_105, %mul3A_2804 : vector<16xf32>
          %jit3A_2903 = arith.constant 1.000000e+00 : f32
          %jit3A_2904 = arith.constant 0.000000e+00 : f32
          %broadcast_in_dim3A_2905 = vector.broadcast %jit3A_2903 : f32 to vector<16xf32>
          %broadcast_in_dim3A_2906 = vector.broadcast %jit3A_2904 : f32 to vector<16xf32>
          %select_n3A_2907 = arith.select %ge3A_2902, %broadcast_in_dim3A_2905, %broadcast_in_dim3A_2906 : vector<16xi1>, vector<16xf32>
          %add3A_2908 = arith.addf %add3A_2901, %select_n3A_2907 : vector<16xf32>
          %ge3A_2909 = arith.cmpf oge, %get3A_109, %mul3A_2804 : vector<16xf32>
          %jit3A_2910 = arith.constant 1.000000e+00 : f32
          %jit3A_2911 = arith.constant 0.000000e+00 : f32
          %broadcast_in_dim3A_2912 = vector.broadcast %jit3A_2910 : f32 to vector<16xf32>
          %broadcast_in_dim3A_2913 = vector.broadcast %jit3A_2911 : f32 to vector<16xf32>
          %select_n3A_2914 = arith.select %ge3A_2909, %broadcast_in_dim3A_2912, %broadcast_in_dim3A_2913 : vector<16xi1>, vector<16xf32>
          %add3A_2915 = arith.addf %add3A_2908, %select_n3A_2914 : vector<16xf32>
          %ge3A_2916 = arith.cmpf oge, %get3A_113, %mul3A_2804 : vector<16xf32>
          %jit3A_2917 = arith.constant 1.000000e+00 : f32
          %jit3A_2918 = arith.constant 0.000000e+00 : f32
          %broadcast_in_dim3A_2919 = vector.broadcast %jit3A_2917 : f32 to vector<16xf32>
          %broadcast_in_dim3A_2920 = vector.broadcast %jit3A_2918 : f32 to vector<16xf32>
          %select_n3A_2921 = arith.select %ge3A_2916, %broadcast_in_dim3A_2919, %broadcast_in_dim3A_2920 : vector<16xi1>, vector<16xf32>
          %add3A_2922 = arith.addf %add3A_2915, %select_n3A_2921 : vector<16xf32>
          %ge3A_2923 = arith.cmpf oge, %get3A_117, %mul3A_2804 : vector<16xf32>
          %jit3A_2924 = arith.constant 1.000000e+00 : f32
          %jit3A_2925 = arith.constant 0.000000e+00 : f32
          %broadcast_in_dim3A_2926 = vector.broadcast %jit3A_2924 : f32 to vector<16xf32>
          %broadcast_in_dim3A_2927 = vector.broadcast %jit3A_2925 : f32 to vector<16xf32>
          %select_n3A_2928 = arith.select %ge3A_2923, %broadcast_in_dim3A_2926, %broadcast_in_dim3A_2927 : vector<16xi1>, vector<16xf32>
          %add3A_2929 = arith.addf %add3A_2922, %select_n3A_2928 : vector<16xf32>
          %ge3A_2930 = arith.cmpf oge, %get3A_121, %mul3A_2804 : vector<16xf32>
          %jit3A_2931 = arith.constant 1.000000e+00 : f32
          %jit3A_2932 = arith.constant 0.000000e+00 : f32
          %broadcast_in_dim3A_2933 = vector.broadcast %jit3A_2931 : f32 to vector<16xf32>
          %broadcast_in_dim3A_2934 = vector.broadcast %jit3A_2932 : f32 to vector<16xf32>
          %select_n3A_2935 = arith.select %ge3A_2930, %broadcast_in_dim3A_2933, %broadcast_in_dim3A_2934 : vector<16xi1>, vector<16xf32>
          %add3A_2936 = arith.addf %add3A_2929, %select_n3A_2935 : vector<16xf32>
          %ge3A_2937 = arith.cmpf oge, %get3A_125, %mul3A_2804 : vector<16xf32>
          %jit3A_2938 = arith.constant 1.000000e+00 : f32
          %jit3A_2939 = arith.constant 0.000000e+00 : f32
          %broadcast_in_dim3A_2940 = vector.broadcast %jit3A_2938 : f32 to vector<16xf32>
          %broadcast_in_dim3A_2941 = vector.broadcast %jit3A_2939 : f32 to vector<16xf32>
          %select_n3A_2942 = arith.select %ge3A_2937, %broadcast_in_dim3A_2940, %broadcast_in_dim3A_2941 : vector<16xi1>, vector<16xf32>
          %add3A_2943 = arith.addf %add3A_2936, %select_n3A_2942 : vector<16xf32>
          %ge3A_2944 = arith.cmpf oge, %get3A_129, %mul3A_2804 : vector<16xf32>
          %jit3A_2945 = arith.constant 1.000000e+00 : f32
          %jit3A_2946 = arith.constant 0.000000e+00 : f32
          %broadcast_in_dim3A_2947 = vector.broadcast %jit3A_2945 : f32 to vector<16xf32>
          %broadcast_in_dim3A_2948 = vector.broadcast %jit3A_2946 : f32 to vector<16xf32>
          %select_n3A_2949 = arith.select %ge3A_2944, %broadcast_in_dim3A_2947, %broadcast_in_dim3A_2948 : vector<16xi1>, vector<16xf32>
          %add3A_2950 = arith.addf %add3A_2943, %select_n3A_2949 : vector<16xf32>
          %ge3A_2951 = arith.cmpf oge, %get3A_133, %mul3A_2804 : vector<16xf32>
          %jit3A_2952 = arith.constant 1.000000e+00 : f32
          %jit3A_2953 = arith.constant 0.000000e+00 : f32
          %broadcast_in_dim3A_2954 = vector.broadcast %jit3A_2952 : f32 to vector<16xf32>
          %broadcast_in_dim3A_2955 = vector.broadcast %jit3A_2953 : f32 to vector<16xf32>
          %select_n3A_2956 = arith.select %ge3A_2951, %broadcast_in_dim3A_2954, %broadcast_in_dim3A_2955 : vector<16xi1>, vector<16xf32>
          %add3A_2957 = arith.addf %add3A_2950, %select_n3A_2956 : vector<16xf32>
          %ge3A_2958 = arith.cmpf oge, %get3A_137, %mul3A_2804 : vector<16xf32>
          %jit3A_2959 = arith.constant 1.000000e+00 : f32
          %jit3A_2960 = arith.constant 0.000000e+00 : f32
          %broadcast_in_dim3A_2961 = vector.broadcast %jit3A_2959 : f32 to vector<16xf32>
          %broadcast_in_dim3A_2962 = vector.broadcast %jit3A_2960 : f32 to vector<16xf32>
          %select_n3A_2963 = arith.select %ge3A_2958, %broadcast_in_dim3A_2961, %broadcast_in_dim3A_2962 : vector<16xi1>, vector<16xf32>
          %add3A_2964 = arith.addf %add3A_2957, %select_n3A_2963 : vector<16xf32>
          %ge3A_2965 = arith.cmpf oge, %get3A_141, %mul3A_2804 : vector<16xf32>
          %jit3A_2966 = arith.constant 1.000000e+00 : f32
          %jit3A_2967 = arith.constant 0.000000e+00 : f32
          %broadcast_in_dim3A_2968 = vector.broadcast %jit3A_2966 : f32 to vector<16xf32>
          %broadcast_in_dim3A_2969 = vector.broadcast %jit3A_2967 : f32 to vector<16xf32>
          %select_n3A_2970 = arith.select %ge3A_2965, %broadcast_in_dim3A_2968, %broadcast_in_dim3A_2969 : vector<16xi1>, vector<16xf32>
          %add3A_2971 = arith.addf %add3A_2964, %select_n3A_2970 : vector<16xf32>
          %ge3A_2972 = arith.cmpf oge, %get3A_145, %mul3A_2804 : vector<16xf32>
          %jit3A_2973 = arith.constant 1.000000e+00 : f32
          %jit3A_2974 = arith.constant 0.000000e+00 : f32
          %broadcast_in_dim3A_2975 = vector.broadcast %jit3A_2973 : f32 to vector<16xf32>
          %broadcast_in_dim3A_2976 = vector.broadcast %jit3A_2974 : f32 to vector<16xf32>
          %select_n3A_2977 = arith.select %ge3A_2972, %broadcast_in_dim3A_2975, %broadcast_in_dim3A_2976 : vector<16xi1>, vector<16xf32>
          %add3A_2978 = arith.addf %add3A_2971, %select_n3A_2977 : vector<16xf32>
          %ge3A_2979 = arith.cmpf oge, %get3A_149, %mul3A_2804 : vector<16xf32>
          %jit3A_2980 = arith.constant 1.000000e+00 : f32
          %jit3A_2981 = arith.constant 0.000000e+00 : f32
          %broadcast_in_dim3A_2982 = vector.broadcast %jit3A_2980 : f32 to vector<16xf32>
          %broadcast_in_dim3A_2983 = vector.broadcast %jit3A_2981 : f32 to vector<16xf32>
          %select_n3A_2984 = arith.select %ge3A_2979, %broadcast_in_dim3A_2982, %broadcast_in_dim3A_2983 : vector<16xi1>, vector<16xf32>
          %add3A_2985 = arith.addf %add3A_2978, %select_n3A_2984 : vector<16xf32>
          %ge3A_2986 = arith.cmpf oge, %get3A_153, %mul3A_2804 : vector<16xf32>
          %jit3A_2987 = arith.constant 1.000000e+00 : f32
          %jit3A_2988 = arith.constant 0.000000e+00 : f32
          %broadcast_in_dim3A_2989 = vector.broadcast %jit3A_2987 : f32 to vector<16xf32>
          %broadcast_in_dim3A_2990 = vector.broadcast %jit3A_2988 : f32 to vector<16xf32>
          %select_n3A_2991 = arith.select %ge3A_2986, %broadcast_in_dim3A_2989, %broadcast_in_dim3A_2990 : vector<16xi1>, vector<16xf32>
          %add3A_2992 = arith.addf %add3A_2985, %select_n3A_2991 : vector<16xf32>
          %ge3A_2993 = arith.cmpf oge, %get3A_157, %mul3A_2804 : vector<16xf32>
          %jit3A_2994 = arith.constant 1.000000e+00 : f32
          %jit3A_2995 = arith.constant 0.000000e+00 : f32
          %broadcast_in_dim3A_2996 = vector.broadcast %jit3A_2994 : f32 to vector<16xf32>
          %broadcast_in_dim3A_2997 = vector.broadcast %jit3A_2995 : f32 to vector<16xf32>
          %select_n3A_2998 = arith.select %ge3A_2993, %broadcast_in_dim3A_2996, %broadcast_in_dim3A_2997 : vector<16xi1>, vector<16xf32>
          %add3A_2999 = arith.addf %add3A_2992, %select_n3A_2998 : vector<16xf32>
          %ge3A_3000 = arith.cmpf oge, %get3A_161, %mul3A_2804 : vector<16xf32>
          %jit3A_3001 = arith.constant 1.000000e+00 : f32
          %jit3A_3002 = arith.constant 0.000000e+00 : f32
          %broadcast_in_dim3A_3003 = vector.broadcast %jit3A_3001 : f32 to vector<16xf32>
          %broadcast_in_dim3A_3004 = vector.broadcast %jit3A_3002 : f32 to vector<16xf32>
          %select_n3A_3005 = arith.select %ge3A_3000, %broadcast_in_dim3A_3003, %broadcast_in_dim3A_3004 : vector<16xi1>, vector<16xf32>
          %add3A_3006 = arith.addf %add3A_2999, %select_n3A_3005 : vector<16xf32>
          %ge3A_3007 = arith.cmpf oge, %get3A_165, %mul3A_2804 : vector<16xf32>
          %jit3A_3008 = arith.constant 1.000000e+00 : f32
          %jit3A_3009 = arith.constant 0.000000e+00 : f32
          %broadcast_in_dim3A_3010 = vector.broadcast %jit3A_3008 : f32 to vector<16xf32>
          %broadcast_in_dim3A_3011 = vector.broadcast %jit3A_3009 : f32 to vector<16xf32>
          %select_n3A_3012 = arith.select %ge3A_3007, %broadcast_in_dim3A_3010, %broadcast_in_dim3A_3011 : vector<16xi1>, vector<16xf32>
          %add3A_3013 = arith.addf %add3A_3006, %select_n3A_3012 : vector<16xf32>
          %ge3A_3014 = arith.cmpf oge, %get3A_169, %mul3A_2804 : vector<16xf32>
          %jit3A_3015 = arith.constant 1.000000e+00 : f32
          %jit3A_3016 = arith.constant 0.000000e+00 : f32
          %broadcast_in_dim3A_3017 = vector.broadcast %jit3A_3015 : f32 to vector<16xf32>
          %broadcast_in_dim3A_3018 = vector.broadcast %jit3A_3016 : f32 to vector<16xf32>
          %select_n3A_3019 = arith.select %ge3A_3014, %broadcast_in_dim3A_3017, %broadcast_in_dim3A_3018 : vector<16xi1>, vector<16xf32>
          %add3A_3020 = arith.addf %add3A_3013, %select_n3A_3019 : vector<16xf32>
          %ge3A_3021 = arith.cmpf oge, %get3A_173, %mul3A_2804 : vector<16xf32>
          %jit3A_3022 = arith.constant 1.000000e+00 : f32
          %jit3A_3023 = arith.constant 0.000000e+00 : f32
          %broadcast_in_dim3A_3024 = vector.broadcast %jit3A_3022 : f32 to vector<16xf32>
          %broadcast_in_dim3A_3025 = vector.broadcast %jit3A_3023 : f32 to vector<16xf32>
          %select_n3A_3026 = arith.select %ge3A_3021, %broadcast_in_dim3A_3024, %broadcast_in_dim3A_3025 : vector<16xi1>, vector<16xf32>
          %add3A_3027 = arith.addf %add3A_3020, %select_n3A_3026 : vector<16xf32>
          %lt3A_3028 = arith.constant 0 : i32
          %lt3A_3029 = vector.broadcast %lt3A_3028 : i32 to vector<16xi32>
          %lt3A_3030 = arith.cmpi slt, %xor3A_13, %lt3A_3029 : vector<16xi32>
          %add3A_3031 = arith.constant 16 : i32
          %add3A_3032 = vector.broadcast %add3A_3031 : i32 to vector<16xi32>
          %add3A_3033 = arith.addi %xor3A_13, %add3A_3032 : vector<16xi32>
          %select_n3A_3034 = arith.select %lt3A_3030, %add3A_3033, %xor3A_13 : vector<16xi1>, vector<16xi32>
          %broadcast_in_dim3A_3035 = vector.shape_cast %select_n3A_3034 : vector<16xi32> to vector<16x1xi32>
          %gather3A_3036 = vector.shape_cast %broadcast_in_dim3A_3035 : vector<16x1xi32> to vector<16xi32>
          %gather3A_3037 = tpu.dynamic_gather %add3A_3027[%gather3A_3036] in [0] : vector<16xf32>, vector<16xi32> -> vector<16xf32>
          %add3A_3038 = arith.addf %add3A_3027, %gather3A_3037 : vector<16xf32>
          %lt3A_3039 = arith.constant 0 : i32
          %lt3A_3040 = vector.broadcast %lt3A_3039 : i32 to vector<16xi32>
          %lt3A_3041 = arith.cmpi slt, %xor3A_16, %lt3A_3040 : vector<16xi32>
          %add3A_3042 = arith.constant 16 : i32
          %add3A_3043 = vector.broadcast %add3A_3042 : i32 to vector<16xi32>
          %add3A_3044 = arith.addi %xor3A_16, %add3A_3043 : vector<16xi32>
          %select_n3A_3045 = arith.select %lt3A_3041, %add3A_3044, %xor3A_16 : vector<16xi1>, vector<16xi32>
          %broadcast_in_dim3A_3046 = vector.shape_cast %select_n3A_3045 : vector<16xi32> to vector<16x1xi32>
          %gather3A_3047 = vector.shape_cast %broadcast_in_dim3A_3046 : vector<16x1xi32> to vector<16xi32>
          %gather3A_3048 = tpu.dynamic_gather %add3A_3038[%gather3A_3047] in [0] : vector<16xf32>, vector<16xi32> -> vector<16xf32>
          %add3A_3049 = arith.addf %add3A_3038, %gather3A_3048 : vector<16xf32>
          %lt3A_3050 = arith.constant 0 : i32
          %lt3A_3051 = vector.broadcast %lt3A_3050 : i32 to vector<16xi32>
          %lt3A_3052 = arith.cmpi slt, %xor3A_19, %lt3A_3051 : vector<16xi32>
          %add3A_3053 = arith.constant 16 : i32
          %add3A_3054 = vector.broadcast %add3A_3053 : i32 to vector<16xi32>
          %add3A_3055 = arith.addi %xor3A_19, %add3A_3054 : vector<16xi32>
          %select_n3A_3056 = arith.select %lt3A_3052, %add3A_3055, %xor3A_19 : vector<16xi1>, vector<16xi32>
          %broadcast_in_dim3A_3057 = vector.shape_cast %select_n3A_3056 : vector<16xi32> to vector<16x1xi32>
          %gather3A_3058 = vector.shape_cast %broadcast_in_dim3A_3057 : vector<16x1xi32> to vector<16xi32>
          %gather3A_3059 = tpu.dynamic_gather %add3A_3049[%gather3A_3058] in [0] : vector<16xf32>, vector<16xi32> -> vector<16xf32>
          %add3A_3060 = arith.addf %add3A_3049, %gather3A_3059 : vector<16xf32>
          %lt3A_3061 = arith.constant 0 : i32
          %lt3A_3062 = vector.broadcast %lt3A_3061 : i32 to vector<16xi32>
          %lt3A_3063 = arith.cmpi slt, %xor3A_22, %lt3A_3062 : vector<16xi32>
          %add3A_3064 = arith.constant 16 : i32
          %add3A_3065 = vector.broadcast %add3A_3064 : i32 to vector<16xi32>
          %add3A_3066 = arith.addi %xor3A_22, %add3A_3065 : vector<16xi32>
          %select_n3A_3067 = arith.select %lt3A_3063, %add3A_3066, %xor3A_22 : vector<16xi1>, vector<16xi32>
          %broadcast_in_dim3A_3068 = vector.shape_cast %select_n3A_3067 : vector<16xi32> to vector<16x1xi32>
          %gather3A_3069 = vector.shape_cast %broadcast_in_dim3A_3068 : vector<16x1xi32> to vector<16xi32>
          %gather3A_3070 = tpu.dynamic_gather %add3A_3060[%gather3A_3069] in [0] : vector<16xf32>, vector<16xi32> -> vector<16xf32>
          %add3A_3071 = arith.addf %add3A_3060, %gather3A_3070 : vector<16xf32>
          %ge3A_3072 = arith.constant 6.400000e+01 : f32
          %ge3A_3073 = vector.broadcast %ge3A_3072 : f32 to vector<16xf32>
          %ge3A_3074 = arith.cmpf oge, %add3A_3071, %ge3A_3073 : vector<16xf32>
          %select_n3A_3075 = arith.select %ge3A_3074, %mul3A_2804, %select_n3A_2799 : vector<16xi1>, vector<16xf32>
          %select_n3A_3076 = arith.select %ge3A_3074, %select_n3A_2800, %mul3A_2804 : vector<16xi1>, vector<16xf32>
          %add3A_3077 = arith.addf %select_n3A_3075, %select_n3A_3076 : vector<16xf32>
          %mul3A_3078 = arith.constant 5.000000e-01 : f32
          %mul3A_3079 = vector.broadcast %mul3A_3078 : f32 to vector<16xf32>
          %mul3A_3080 = arith.mulf %mul3A_3079, %add3A_3077 : vector<16xf32>
          %ge3A_3081 = arith.cmpf oge, %get3A_49, %mul3A_3080 : vector<16xf32>
          %jit3A_3082 = arith.constant 1.000000e+00 : f32
          %jit3A_3083 = arith.constant 0.000000e+00 : f32
          %broadcast_in_dim3A_3084 = vector.broadcast %jit3A_3082 : f32 to vector<16xf32>
          %broadcast_in_dim3A_3085 = vector.broadcast %jit3A_3083 : f32 to vector<16xf32>
          %select_n3A_3086 = arith.select %ge3A_3081, %broadcast_in_dim3A_3084, %broadcast_in_dim3A_3085 : vector<16xi1>, vector<16xf32>
          %ge3A_3087 = arith.cmpf oge, %get3A_53, %mul3A_3080 : vector<16xf32>
          %jit3A_3088 = arith.constant 1.000000e+00 : f32
          %jit3A_3089 = arith.constant 0.000000e+00 : f32
          %broadcast_in_dim3A_3090 = vector.broadcast %jit3A_3088 : f32 to vector<16xf32>
          %broadcast_in_dim3A_3091 = vector.broadcast %jit3A_3089 : f32 to vector<16xf32>
          %select_n3A_3092 = arith.select %ge3A_3087, %broadcast_in_dim3A_3090, %broadcast_in_dim3A_3091 : vector<16xi1>, vector<16xf32>
          %add3A_3093 = arith.addf %select_n3A_3086, %select_n3A_3092 : vector<16xf32>
          %ge3A_3094 = arith.cmpf oge, %get3A_57, %mul3A_3080 : vector<16xf32>
          %jit3A_3095 = arith.constant 1.000000e+00 : f32
          %jit3A_3096 = arith.constant 0.000000e+00 : f32
          %broadcast_in_dim3A_3097 = vector.broadcast %jit3A_3095 : f32 to vector<16xf32>
          %broadcast_in_dim3A_3098 = vector.broadcast %jit3A_3096 : f32 to vector<16xf32>
          %select_n3A_3099 = arith.select %ge3A_3094, %broadcast_in_dim3A_3097, %broadcast_in_dim3A_3098 : vector<16xi1>, vector<16xf32>
          %add3A_3100 = arith.addf %add3A_3093, %select_n3A_3099 : vector<16xf32>
          %ge3A_3101 = arith.cmpf oge, %get3A_61, %mul3A_3080 : vector<16xf32>
          %jit3A_3102 = arith.constant 1.000000e+00 : f32
          %jit3A_3103 = arith.constant 0.000000e+00 : f32
          %broadcast_in_dim3A_3104 = vector.broadcast %jit3A_3102 : f32 to vector<16xf32>
          %broadcast_in_dim3A_3105 = vector.broadcast %jit3A_3103 : f32 to vector<16xf32>
          %select_n3A_3106 = arith.select %ge3A_3101, %broadcast_in_dim3A_3104, %broadcast_in_dim3A_3105 : vector<16xi1>, vector<16xf32>
          %add3A_3107 = arith.addf %add3A_3100, %select_n3A_3106 : vector<16xf32>
          %ge3A_3108 = arith.cmpf oge, %get3A_65, %mul3A_3080 : vector<16xf32>
          %jit3A_3109 = arith.constant 1.000000e+00 : f32
          %jit3A_3110 = arith.constant 0.000000e+00 : f32
          %broadcast_in_dim3A_3111 = vector.broadcast %jit3A_3109 : f32 to vector<16xf32>
          %broadcast_in_dim3A_3112 = vector.broadcast %jit3A_3110 : f32 to vector<16xf32>
          %select_n3A_3113 = arith.select %ge3A_3108, %broadcast_in_dim3A_3111, %broadcast_in_dim3A_3112 : vector<16xi1>, vector<16xf32>
          %add3A_3114 = arith.addf %add3A_3107, %select_n3A_3113 : vector<16xf32>
          %ge3A_3115 = arith.cmpf oge, %get3A_69, %mul3A_3080 : vector<16xf32>
          %jit3A_3116 = arith.constant 1.000000e+00 : f32
          %jit3A_3117 = arith.constant 0.000000e+00 : f32
          %broadcast_in_dim3A_3118 = vector.broadcast %jit3A_3116 : f32 to vector<16xf32>
          %broadcast_in_dim3A_3119 = vector.broadcast %jit3A_3117 : f32 to vector<16xf32>
          %select_n3A_3120 = arith.select %ge3A_3115, %broadcast_in_dim3A_3118, %broadcast_in_dim3A_3119 : vector<16xi1>, vector<16xf32>
          %add3A_3121 = arith.addf %add3A_3114, %select_n3A_3120 : vector<16xf32>
          %ge3A_3122 = arith.cmpf oge, %get3A_73, %mul3A_3080 : vector<16xf32>
          %jit3A_3123 = arith.constant 1.000000e+00 : f32
          %jit3A_3124 = arith.constant 0.000000e+00 : f32
          %broadcast_in_dim3A_3125 = vector.broadcast %jit3A_3123 : f32 to vector<16xf32>
          %broadcast_in_dim3A_3126 = vector.broadcast %jit3A_3124 : f32 to vector<16xf32>
          %select_n3A_3127 = arith.select %ge3A_3122, %broadcast_in_dim3A_3125, %broadcast_in_dim3A_3126 : vector<16xi1>, vector<16xf32>
          %add3A_3128 = arith.addf %add3A_3121, %select_n3A_3127 : vector<16xf32>
          %ge3A_3129 = arith.cmpf oge, %get3A_77, %mul3A_3080 : vector<16xf32>
          %jit3A_3130 = arith.constant 1.000000e+00 : f32
          %jit3A_3131 = arith.constant 0.000000e+00 : f32
          %broadcast_in_dim3A_3132 = vector.broadcast %jit3A_3130 : f32 to vector<16xf32>
          %broadcast_in_dim3A_3133 = vector.broadcast %jit3A_3131 : f32 to vector<16xf32>
          %select_n3A_3134 = arith.select %ge3A_3129, %broadcast_in_dim3A_3132, %broadcast_in_dim3A_3133 : vector<16xi1>, vector<16xf32>
          %add3A_3135 = arith.addf %add3A_3128, %select_n3A_3134 : vector<16xf32>
          %ge3A_3136 = arith.cmpf oge, %get3A_81, %mul3A_3080 : vector<16xf32>
          %jit3A_3137 = arith.constant 1.000000e+00 : f32
          %jit3A_3138 = arith.constant 0.000000e+00 : f32
          %broadcast_in_dim3A_3139 = vector.broadcast %jit3A_3137 : f32 to vector<16xf32>
          %broadcast_in_dim3A_3140 = vector.broadcast %jit3A_3138 : f32 to vector<16xf32>
          %select_n3A_3141 = arith.select %ge3A_3136, %broadcast_in_dim3A_3139, %broadcast_in_dim3A_3140 : vector<16xi1>, vector<16xf32>
          %add3A_3142 = arith.addf %add3A_3135, %select_n3A_3141 : vector<16xf32>
          %ge3A_3143 = arith.cmpf oge, %get3A_85, %mul3A_3080 : vector<16xf32>
          %jit3A_3144 = arith.constant 1.000000e+00 : f32
          %jit3A_3145 = arith.constant 0.000000e+00 : f32
          %broadcast_in_dim3A_3146 = vector.broadcast %jit3A_3144 : f32 to vector<16xf32>
          %broadcast_in_dim3A_3147 = vector.broadcast %jit3A_3145 : f32 to vector<16xf32>
          %select_n3A_3148 = arith.select %ge3A_3143, %broadcast_in_dim3A_3146, %broadcast_in_dim3A_3147 : vector<16xi1>, vector<16xf32>
          %add3A_3149 = arith.addf %add3A_3142, %select_n3A_3148 : vector<16xf32>
          %ge3A_3150 = arith.cmpf oge, %get3A_89, %mul3A_3080 : vector<16xf32>
          %jit3A_3151 = arith.constant 1.000000e+00 : f32
          %jit3A_3152 = arith.constant 0.000000e+00 : f32
          %broadcast_in_dim3A_3153 = vector.broadcast %jit3A_3151 : f32 to vector<16xf32>
          %broadcast_in_dim3A_3154 = vector.broadcast %jit3A_3152 : f32 to vector<16xf32>
          %select_n3A_3155 = arith.select %ge3A_3150, %broadcast_in_dim3A_3153, %broadcast_in_dim3A_3154 : vector<16xi1>, vector<16xf32>
          %add3A_3156 = arith.addf %add3A_3149, %select_n3A_3155 : vector<16xf32>
          %ge3A_3157 = arith.cmpf oge, %get3A_93, %mul3A_3080 : vector<16xf32>
          %jit3A_3158 = arith.constant 1.000000e+00 : f32
          %jit3A_3159 = arith.constant 0.000000e+00 : f32
          %broadcast_in_dim3A_3160 = vector.broadcast %jit3A_3158 : f32 to vector<16xf32>
          %broadcast_in_dim3A_3161 = vector.broadcast %jit3A_3159 : f32 to vector<16xf32>
          %select_n3A_3162 = arith.select %ge3A_3157, %broadcast_in_dim3A_3160, %broadcast_in_dim3A_3161 : vector<16xi1>, vector<16xf32>
          %add3A_3163 = arith.addf %add3A_3156, %select_n3A_3162 : vector<16xf32>
          %ge3A_3164 = arith.cmpf oge, %get3A_97, %mul3A_3080 : vector<16xf32>
          %jit3A_3165 = arith.constant 1.000000e+00 : f32
          %jit3A_3166 = arith.constant 0.000000e+00 : f32
          %broadcast_in_dim3A_3167 = vector.broadcast %jit3A_3165 : f32 to vector<16xf32>
          %broadcast_in_dim3A_3168 = vector.broadcast %jit3A_3166 : f32 to vector<16xf32>
          %select_n3A_3169 = arith.select %ge3A_3164, %broadcast_in_dim3A_3167, %broadcast_in_dim3A_3168 : vector<16xi1>, vector<16xf32>
          %add3A_3170 = arith.addf %add3A_3163, %select_n3A_3169 : vector<16xf32>
          %ge3A_3171 = arith.cmpf oge, %get3A_101, %mul3A_3080 : vector<16xf32>
          %jit3A_3172 = arith.constant 1.000000e+00 : f32
          %jit3A_3173 = arith.constant 0.000000e+00 : f32
          %broadcast_in_dim3A_3174 = vector.broadcast %jit3A_3172 : f32 to vector<16xf32>
          %broadcast_in_dim3A_3175 = vector.broadcast %jit3A_3173 : f32 to vector<16xf32>
          %select_n3A_3176 = arith.select %ge3A_3171, %broadcast_in_dim3A_3174, %broadcast_in_dim3A_3175 : vector<16xi1>, vector<16xf32>
          %add3A_3177 = arith.addf %add3A_3170, %select_n3A_3176 : vector<16xf32>
          %ge3A_3178 = arith.cmpf oge, %get3A_105, %mul3A_3080 : vector<16xf32>
          %jit3A_3179 = arith.constant 1.000000e+00 : f32
          %jit3A_3180 = arith.constant 0.000000e+00 : f32
          %broadcast_in_dim3A_3181 = vector.broadcast %jit3A_3179 : f32 to vector<16xf32>
          %broadcast_in_dim3A_3182 = vector.broadcast %jit3A_3180 : f32 to vector<16xf32>
          %select_n3A_3183 = arith.select %ge3A_3178, %broadcast_in_dim3A_3181, %broadcast_in_dim3A_3182 : vector<16xi1>, vector<16xf32>
          %add3A_3184 = arith.addf %add3A_3177, %select_n3A_3183 : vector<16xf32>
          %ge3A_3185 = arith.cmpf oge, %get3A_109, %mul3A_3080 : vector<16xf32>
          %jit3A_3186 = arith.constant 1.000000e+00 : f32
          %jit3A_3187 = arith.constant 0.000000e+00 : f32
          %broadcast_in_dim3A_3188 = vector.broadcast %jit3A_3186 : f32 to vector<16xf32>
          %broadcast_in_dim3A_3189 = vector.broadcast %jit3A_3187 : f32 to vector<16xf32>
          %select_n3A_3190 = arith.select %ge3A_3185, %broadcast_in_dim3A_3188, %broadcast_in_dim3A_3189 : vector<16xi1>, vector<16xf32>
          %add3A_3191 = arith.addf %add3A_3184, %select_n3A_3190 : vector<16xf32>
          %ge3A_3192 = arith.cmpf oge, %get3A_113, %mul3A_3080 : vector<16xf32>
          %jit3A_3193 = arith.constant 1.000000e+00 : f32
          %jit3A_3194 = arith.constant 0.000000e+00 : f32
          %broadcast_in_dim3A_3195 = vector.broadcast %jit3A_3193 : f32 to vector<16xf32>
          %broadcast_in_dim3A_3196 = vector.broadcast %jit3A_3194 : f32 to vector<16xf32>
          %select_n3A_3197 = arith.select %ge3A_3192, %broadcast_in_dim3A_3195, %broadcast_in_dim3A_3196 : vector<16xi1>, vector<16xf32>
          %add3A_3198 = arith.addf %add3A_3191, %select_n3A_3197 : vector<16xf32>
          %ge3A_3199 = arith.cmpf oge, %get3A_117, %mul3A_3080 : vector<16xf32>
          %jit3A_3200 = arith.constant 1.000000e+00 : f32
          %jit3A_3201 = arith.constant 0.000000e+00 : f32
          %broadcast_in_dim3A_3202 = vector.broadcast %jit3A_3200 : f32 to vector<16xf32>
          %broadcast_in_dim3A_3203 = vector.broadcast %jit3A_3201 : f32 to vector<16xf32>
          %select_n3A_3204 = arith.select %ge3A_3199, %broadcast_in_dim3A_3202, %broadcast_in_dim3A_3203 : vector<16xi1>, vector<16xf32>
          %add3A_3205 = arith.addf %add3A_3198, %select_n3A_3204 : vector<16xf32>
          %ge3A_3206 = arith.cmpf oge, %get3A_121, %mul3A_3080 : vector<16xf32>
          %jit3A_3207 = arith.constant 1.000000e+00 : f32
          %jit3A_3208 = arith.constant 0.000000e+00 : f32
          %broadcast_in_dim3A_3209 = vector.broadcast %jit3A_3207 : f32 to vector<16xf32>
          %broadcast_in_dim3A_3210 = vector.broadcast %jit3A_3208 : f32 to vector<16xf32>
          %select_n3A_3211 = arith.select %ge3A_3206, %broadcast_in_dim3A_3209, %broadcast_in_dim3A_3210 : vector<16xi1>, vector<16xf32>
          %add3A_3212 = arith.addf %add3A_3205, %select_n3A_3211 : vector<16xf32>
          %ge3A_3213 = arith.cmpf oge, %get3A_125, %mul3A_3080 : vector<16xf32>
          %jit3A_3214 = arith.constant 1.000000e+00 : f32
          %jit3A_3215 = arith.constant 0.000000e+00 : f32
          %broadcast_in_dim3A_3216 = vector.broadcast %jit3A_3214 : f32 to vector<16xf32>
          %broadcast_in_dim3A_3217 = vector.broadcast %jit3A_3215 : f32 to vector<16xf32>
          %select_n3A_3218 = arith.select %ge3A_3213, %broadcast_in_dim3A_3216, %broadcast_in_dim3A_3217 : vector<16xi1>, vector<16xf32>
          %add3A_3219 = arith.addf %add3A_3212, %select_n3A_3218 : vector<16xf32>
          %ge3A_3220 = arith.cmpf oge, %get3A_129, %mul3A_3080 : vector<16xf32>
          %jit3A_3221 = arith.constant 1.000000e+00 : f32
          %jit3A_3222 = arith.constant 0.000000e+00 : f32
          %broadcast_in_dim3A_3223 = vector.broadcast %jit3A_3221 : f32 to vector<16xf32>
          %broadcast_in_dim3A_3224 = vector.broadcast %jit3A_3222 : f32 to vector<16xf32>
          %select_n3A_3225 = arith.select %ge3A_3220, %broadcast_in_dim3A_3223, %broadcast_in_dim3A_3224 : vector<16xi1>, vector<16xf32>
          %add3A_3226 = arith.addf %add3A_3219, %select_n3A_3225 : vector<16xf32>
          %ge3A_3227 = arith.cmpf oge, %get3A_133, %mul3A_3080 : vector<16xf32>
          %jit3A_3228 = arith.constant 1.000000e+00 : f32
          %jit3A_3229 = arith.constant 0.000000e+00 : f32
          %broadcast_in_dim3A_3230 = vector.broadcast %jit3A_3228 : f32 to vector<16xf32>
          %broadcast_in_dim3A_3231 = vector.broadcast %jit3A_3229 : f32 to vector<16xf32>
          %select_n3A_3232 = arith.select %ge3A_3227, %broadcast_in_dim3A_3230, %broadcast_in_dim3A_3231 : vector<16xi1>, vector<16xf32>
          %add3A_3233 = arith.addf %add3A_3226, %select_n3A_3232 : vector<16xf32>
          %ge3A_3234 = arith.cmpf oge, %get3A_137, %mul3A_3080 : vector<16xf32>
          %jit3A_3235 = arith.constant 1.000000e+00 : f32
          %jit3A_3236 = arith.constant 0.000000e+00 : f32
          %broadcast_in_dim3A_3237 = vector.broadcast %jit3A_3235 : f32 to vector<16xf32>
          %broadcast_in_dim3A_3238 = vector.broadcast %jit3A_3236 : f32 to vector<16xf32>
          %select_n3A_3239 = arith.select %ge3A_3234, %broadcast_in_dim3A_3237, %broadcast_in_dim3A_3238 : vector<16xi1>, vector<16xf32>
          %add3A_3240 = arith.addf %add3A_3233, %select_n3A_3239 : vector<16xf32>
          %ge3A_3241 = arith.cmpf oge, %get3A_141, %mul3A_3080 : vector<16xf32>
          %jit3A_3242 = arith.constant 1.000000e+00 : f32
          %jit3A_3243 = arith.constant 0.000000e+00 : f32
          %broadcast_in_dim3A_3244 = vector.broadcast %jit3A_3242 : f32 to vector<16xf32>
          %broadcast_in_dim3A_3245 = vector.broadcast %jit3A_3243 : f32 to vector<16xf32>
          %select_n3A_3246 = arith.select %ge3A_3241, %broadcast_in_dim3A_3244, %broadcast_in_dim3A_3245 : vector<16xi1>, vector<16xf32>
          %add3A_3247 = arith.addf %add3A_3240, %select_n3A_3246 : vector<16xf32>
          %ge3A_3248 = arith.cmpf oge, %get3A_145, %mul3A_3080 : vector<16xf32>
          %jit3A_3249 = arith.constant 1.000000e+00 : f32
          %jit3A_3250 = arith.constant 0.000000e+00 : f32
          %broadcast_in_dim3A_3251 = vector.broadcast %jit3A_3249 : f32 to vector<16xf32>
          %broadcast_in_dim3A_3252 = vector.broadcast %jit3A_3250 : f32 to vector<16xf32>
          %select_n3A_3253 = arith.select %ge3A_3248, %broadcast_in_dim3A_3251, %broadcast_in_dim3A_3252 : vector<16xi1>, vector<16xf32>
          %add3A_3254 = arith.addf %add3A_3247, %select_n3A_3253 : vector<16xf32>
          %ge3A_3255 = arith.cmpf oge, %get3A_149, %mul3A_3080 : vector<16xf32>
          %jit3A_3256 = arith.constant 1.000000e+00 : f32
          %jit3A_3257 = arith.constant 0.000000e+00 : f32
          %broadcast_in_dim3A_3258 = vector.broadcast %jit3A_3256 : f32 to vector<16xf32>
          %broadcast_in_dim3A_3259 = vector.broadcast %jit3A_3257 : f32 to vector<16xf32>
          %select_n3A_3260 = arith.select %ge3A_3255, %broadcast_in_dim3A_3258, %broadcast_in_dim3A_3259 : vector<16xi1>, vector<16xf32>
          %add3A_3261 = arith.addf %add3A_3254, %select_n3A_3260 : vector<16xf32>
          %ge3A_3262 = arith.cmpf oge, %get3A_153, %mul3A_3080 : vector<16xf32>
          %jit3A_3263 = arith.constant 1.000000e+00 : f32
          %jit3A_3264 = arith.constant 0.000000e+00 : f32
          %broadcast_in_dim3A_3265 = vector.broadcast %jit3A_3263 : f32 to vector<16xf32>
          %broadcast_in_dim3A_3266 = vector.broadcast %jit3A_3264 : f32 to vector<16xf32>
          %select_n3A_3267 = arith.select %ge3A_3262, %broadcast_in_dim3A_3265, %broadcast_in_dim3A_3266 : vector<16xi1>, vector<16xf32>
          %add3A_3268 = arith.addf %add3A_3261, %select_n3A_3267 : vector<16xf32>
          %ge3A_3269 = arith.cmpf oge, %get3A_157, %mul3A_3080 : vector<16xf32>
          %jit3A_3270 = arith.constant 1.000000e+00 : f32
          %jit3A_3271 = arith.constant 0.000000e+00 : f32
          %broadcast_in_dim3A_3272 = vector.broadcast %jit3A_3270 : f32 to vector<16xf32>
          %broadcast_in_dim3A_3273 = vector.broadcast %jit3A_3271 : f32 to vector<16xf32>
          %select_n3A_3274 = arith.select %ge3A_3269, %broadcast_in_dim3A_3272, %broadcast_in_dim3A_3273 : vector<16xi1>, vector<16xf32>
          %add3A_3275 = arith.addf %add3A_3268, %select_n3A_3274 : vector<16xf32>
          %ge3A_3276 = arith.cmpf oge, %get3A_161, %mul3A_3080 : vector<16xf32>
          %jit3A_3277 = arith.constant 1.000000e+00 : f32
          %jit3A_3278 = arith.constant 0.000000e+00 : f32
          %broadcast_in_dim3A_3279 = vector.broadcast %jit3A_3277 : f32 to vector<16xf32>
          %broadcast_in_dim3A_3280 = vector.broadcast %jit3A_3278 : f32 to vector<16xf32>
          %select_n3A_3281 = arith.select %ge3A_3276, %broadcast_in_dim3A_3279, %broadcast_in_dim3A_3280 : vector<16xi1>, vector<16xf32>
          %add3A_3282 = arith.addf %add3A_3275, %select_n3A_3281 : vector<16xf32>
          %ge3A_3283 = arith.cmpf oge, %get3A_165, %mul3A_3080 : vector<16xf32>
          %jit3A_3284 = arith.constant 1.000000e+00 : f32
          %jit3A_3285 = arith.constant 0.000000e+00 : f32
          %broadcast_in_dim3A_3286 = vector.broadcast %jit3A_3284 : f32 to vector<16xf32>
          %broadcast_in_dim3A_3287 = vector.broadcast %jit3A_3285 : f32 to vector<16xf32>
          %select_n3A_3288 = arith.select %ge3A_3283, %broadcast_in_dim3A_3286, %broadcast_in_dim3A_3287 : vector<16xi1>, vector<16xf32>
          %add3A_3289 = arith.addf %add3A_3282, %select_n3A_3288 : vector<16xf32>
          %ge3A_3290 = arith.cmpf oge, %get3A_169, %mul3A_3080 : vector<16xf32>
          %jit3A_3291 = arith.constant 1.000000e+00 : f32
          %jit3A_3292 = arith.constant 0.000000e+00 : f32
          %broadcast_in_dim3A_3293 = vector.broadcast %jit3A_3291 : f32 to vector<16xf32>
          %broadcast_in_dim3A_3294 = vector.broadcast %jit3A_3292 : f32 to vector<16xf32>
          %select_n3A_3295 = arith.select %ge3A_3290, %broadcast_in_dim3A_3293, %broadcast_in_dim3A_3294 : vector<16xi1>, vector<16xf32>
          %add3A_3296 = arith.addf %add3A_3289, %select_n3A_3295 : vector<16xf32>
          %ge3A_3297 = arith.cmpf oge, %get3A_173, %mul3A_3080 : vector<16xf32>
          %jit3A_3298 = arith.constant 1.000000e+00 : f32
          %jit3A_3299 = arith.constant 0.000000e+00 : f32
          %broadcast_in_dim3A_3300 = vector.broadcast %jit3A_3298 : f32 to vector<16xf32>
          %broadcast_in_dim3A_3301 = vector.broadcast %jit3A_3299 : f32 to vector<16xf32>
          %select_n3A_3302 = arith.select %ge3A_3297, %broadcast_in_dim3A_3300, %broadcast_in_dim3A_3301 : vector<16xi1>, vector<16xf32>
          %add3A_3303 = arith.addf %add3A_3296, %select_n3A_3302 : vector<16xf32>
          %lt3A_3304 = arith.constant 0 : i32
          %lt3A_3305 = vector.broadcast %lt3A_3304 : i32 to vector<16xi32>
          %lt3A_3306 = arith.cmpi slt, %xor3A_13, %lt3A_3305 : vector<16xi32>
          %add3A_3307 = arith.constant 16 : i32
          %add3A_3308 = vector.broadcast %add3A_3307 : i32 to vector<16xi32>
          %add3A_3309 = arith.addi %xor3A_13, %add3A_3308 : vector<16xi32>
          %select_n3A_3310 = arith.select %lt3A_3306, %add3A_3309, %xor3A_13 : vector<16xi1>, vector<16xi32>
          %broadcast_in_dim3A_3311 = vector.shape_cast %select_n3A_3310 : vector<16xi32> to vector<16x1xi32>
          %gather3A_3312 = vector.shape_cast %broadcast_in_dim3A_3311 : vector<16x1xi32> to vector<16xi32>
          %gather3A_3313 = tpu.dynamic_gather %add3A_3303[%gather3A_3312] in [0] : vector<16xf32>, vector<16xi32> -> vector<16xf32>
          %add3A_3314 = arith.addf %add3A_3303, %gather3A_3313 : vector<16xf32>
          %lt3A_3315 = arith.constant 0 : i32
          %lt3A_3316 = vector.broadcast %lt3A_3315 : i32 to vector<16xi32>
          %lt3A_3317 = arith.cmpi slt, %xor3A_16, %lt3A_3316 : vector<16xi32>
          %add3A_3318 = arith.constant 16 : i32
          %add3A_3319 = vector.broadcast %add3A_3318 : i32 to vector<16xi32>
          %add3A_3320 = arith.addi %xor3A_16, %add3A_3319 : vector<16xi32>
          %select_n3A_3321 = arith.select %lt3A_3317, %add3A_3320, %xor3A_16 : vector<16xi1>, vector<16xi32>
          %broadcast_in_dim3A_3322 = vector.shape_cast %select_n3A_3321 : vector<16xi32> to vector<16x1xi32>
          %gather3A_3323 = vector.shape_cast %broadcast_in_dim3A_3322 : vector<16x1xi32> to vector<16xi32>
          %gather3A_3324 = tpu.dynamic_gather %add3A_3314[%gather3A_3323] in [0] : vector<16xf32>, vector<16xi32> -> vector<16xf32>
          %add3A_3325 = arith.addf %add3A_3314, %gather3A_3324 : vector<16xf32>
          %lt3A_3326 = arith.constant 0 : i32
          %lt3A_3327 = vector.broadcast %lt3A_3326 : i32 to vector<16xi32>
          %lt3A_3328 = arith.cmpi slt, %xor3A_19, %lt3A_3327 : vector<16xi32>
          %add3A_3329 = arith.constant 16 : i32
          %add3A_3330 = vector.broadcast %add3A_3329 : i32 to vector<16xi32>
          %add3A_3331 = arith.addi %xor3A_19, %add3A_3330 : vector<16xi32>
          %select_n3A_3332 = arith.select %lt3A_3328, %add3A_3331, %xor3A_19 : vector<16xi1>, vector<16xi32>
          %broadcast_in_dim3A_3333 = vector.shape_cast %select_n3A_3332 : vector<16xi32> to vector<16x1xi32>
          %gather3A_3334 = vector.shape_cast %broadcast_in_dim3A_3333 : vector<16x1xi32> to vector<16xi32>
          %gather3A_3335 = tpu.dynamic_gather %add3A_3325[%gather3A_3334] in [0] : vector<16xf32>, vector<16xi32> -> vector<16xf32>
          %add3A_3336 = arith.addf %add3A_3325, %gather3A_3335 : vector<16xf32>
          %lt3A_3337 = arith.constant 0 : i32
          %lt3A_3338 = vector.broadcast %lt3A_3337 : i32 to vector<16xi32>
          %lt3A_3339 = arith.cmpi slt, %xor3A_22, %lt3A_3338 : vector<16xi32>
          %add3A_3340 = arith.constant 16 : i32
          %add3A_3341 = vector.broadcast %add3A_3340 : i32 to vector<16xi32>
          %add3A_3342 = arith.addi %xor3A_22, %add3A_3341 : vector<16xi32>
          %select_n3A_3343 = arith.select %lt3A_3339, %add3A_3342, %xor3A_22 : vector<16xi1>, vector<16xi32>
          %broadcast_in_dim3A_3344 = vector.shape_cast %select_n3A_3343 : vector<16xi32> to vector<16x1xi32>
          %gather3A_3345 = vector.shape_cast %broadcast_in_dim3A_3344 : vector<16x1xi32> to vector<16xi32>
          %gather3A_3346 = tpu.dynamic_gather %add3A_3336[%gather3A_3345] in [0] : vector<16xf32>, vector<16xi32> -> vector<16xf32>
          %add3A_3347 = arith.addf %add3A_3336, %gather3A_3346 : vector<16xf32>
          %ge3A_3348 = arith.constant 6.400000e+01 : f32
          %ge3A_3349 = vector.broadcast %ge3A_3348 : f32 to vector<16xf32>
          %ge3A_3350 = arith.cmpf oge, %add3A_3347, %ge3A_3349 : vector<16xf32>
          %select_n3A_3351 = arith.select %ge3A_3350, %mul3A_3080, %select_n3A_3075 : vector<16xi1>, vector<16xf32>
          %select_n3A_3352 = arith.select %ge3A_3350, %select_n3A_3076, %mul3A_3080 : vector<16xi1>, vector<16xf32>
          %add3A_3353 = arith.addf %select_n3A_3351, %select_n3A_3352 : vector<16xf32>
          %mul3A_3354 = arith.constant 5.000000e-01 : f32
          %mul3A_3355 = vector.broadcast %mul3A_3354 : f32 to vector<16xf32>
          %mul3A_3356 = arith.mulf %mul3A_3355, %add3A_3353 : vector<16xf32>
          %ge3A_3357 = arith.cmpf oge, %get3A_49, %mul3A_3356 : vector<16xf32>
          %jit3A_3358 = arith.constant 1.000000e+00 : f32
          %jit3A_3359 = arith.constant 0.000000e+00 : f32
          %broadcast_in_dim3A_3360 = vector.broadcast %jit3A_3358 : f32 to vector<16xf32>
          %broadcast_in_dim3A_3361 = vector.broadcast %jit3A_3359 : f32 to vector<16xf32>
          %select_n3A_3362 = arith.select %ge3A_3357, %broadcast_in_dim3A_3360, %broadcast_in_dim3A_3361 : vector<16xi1>, vector<16xf32>
          %ge3A_3363 = arith.cmpf oge, %get3A_53, %mul3A_3356 : vector<16xf32>
          %jit3A_3364 = arith.constant 1.000000e+00 : f32
          %jit3A_3365 = arith.constant 0.000000e+00 : f32
          %broadcast_in_dim3A_3366 = vector.broadcast %jit3A_3364 : f32 to vector<16xf32>
          %broadcast_in_dim3A_3367 = vector.broadcast %jit3A_3365 : f32 to vector<16xf32>
          %select_n3A_3368 = arith.select %ge3A_3363, %broadcast_in_dim3A_3366, %broadcast_in_dim3A_3367 : vector<16xi1>, vector<16xf32>
          %add3A_3369 = arith.addf %select_n3A_3362, %select_n3A_3368 : vector<16xf32>
          %ge3A_3370 = arith.cmpf oge, %get3A_57, %mul3A_3356 : vector<16xf32>
          %jit3A_3371 = arith.constant 1.000000e+00 : f32
          %jit3A_3372 = arith.constant 0.000000e+00 : f32
          %broadcast_in_dim3A_3373 = vector.broadcast %jit3A_3371 : f32 to vector<16xf32>
          %broadcast_in_dim3A_3374 = vector.broadcast %jit3A_3372 : f32 to vector<16xf32>
          %select_n3A_3375 = arith.select %ge3A_3370, %broadcast_in_dim3A_3373, %broadcast_in_dim3A_3374 : vector<16xi1>, vector<16xf32>
          %add3A_3376 = arith.addf %add3A_3369, %select_n3A_3375 : vector<16xf32>
          %ge3A_3377 = arith.cmpf oge, %get3A_61, %mul3A_3356 : vector<16xf32>
          %jit3A_3378 = arith.constant 1.000000e+00 : f32
          %jit3A_3379 = arith.constant 0.000000e+00 : f32
          %broadcast_in_dim3A_3380 = vector.broadcast %jit3A_3378 : f32 to vector<16xf32>
          %broadcast_in_dim3A_3381 = vector.broadcast %jit3A_3379 : f32 to vector<16xf32>
          %select_n3A_3382 = arith.select %ge3A_3377, %broadcast_in_dim3A_3380, %broadcast_in_dim3A_3381 : vector<16xi1>, vector<16xf32>
          %add3A_3383 = arith.addf %add3A_3376, %select_n3A_3382 : vector<16xf32>
          %ge3A_3384 = arith.cmpf oge, %get3A_65, %mul3A_3356 : vector<16xf32>
          %jit3A_3385 = arith.constant 1.000000e+00 : f32
          %jit3A_3386 = arith.constant 0.000000e+00 : f32
          %broadcast_in_dim3A_3387 = vector.broadcast %jit3A_3385 : f32 to vector<16xf32>
          %broadcast_in_dim3A_3388 = vector.broadcast %jit3A_3386 : f32 to vector<16xf32>
          %select_n3A_3389 = arith.select %ge3A_3384, %broadcast_in_dim3A_3387, %broadcast_in_dim3A_3388 : vector<16xi1>, vector<16xf32>
          %add3A_3390 = arith.addf %add3A_3383, %select_n3A_3389 : vector<16xf32>
          %ge3A_3391 = arith.cmpf oge, %get3A_69, %mul3A_3356 : vector<16xf32>
          %jit3A_3392 = arith.constant 1.000000e+00 : f32
          %jit3A_3393 = arith.constant 0.000000e+00 : f32
          %broadcast_in_dim3A_3394 = vector.broadcast %jit3A_3392 : f32 to vector<16xf32>
          %broadcast_in_dim3A_3395 = vector.broadcast %jit3A_3393 : f32 to vector<16xf32>
          %select_n3A_3396 = arith.select %ge3A_3391, %broadcast_in_dim3A_3394, %broadcast_in_dim3A_3395 : vector<16xi1>, vector<16xf32>
          %add3A_3397 = arith.addf %add3A_3390, %select_n3A_3396 : vector<16xf32>
          %ge3A_3398 = arith.cmpf oge, %get3A_73, %mul3A_3356 : vector<16xf32>
          %jit3A_3399 = arith.constant 1.000000e+00 : f32
          %jit3A_3400 = arith.constant 0.000000e+00 : f32
          %broadcast_in_dim3A_3401 = vector.broadcast %jit3A_3399 : f32 to vector<16xf32>
          %broadcast_in_dim3A_3402 = vector.broadcast %jit3A_3400 : f32 to vector<16xf32>
          %select_n3A_3403 = arith.select %ge3A_3398, %broadcast_in_dim3A_3401, %broadcast_in_dim3A_3402 : vector<16xi1>, vector<16xf32>
          %add3A_3404 = arith.addf %add3A_3397, %select_n3A_3403 : vector<16xf32>
          %ge3A_3405 = arith.cmpf oge, %get3A_77, %mul3A_3356 : vector<16xf32>
          %jit3A_3406 = arith.constant 1.000000e+00 : f32
          %jit3A_3407 = arith.constant 0.000000e+00 : f32
          %broadcast_in_dim3A_3408 = vector.broadcast %jit3A_3406 : f32 to vector<16xf32>
          %broadcast_in_dim3A_3409 = vector.broadcast %jit3A_3407 : f32 to vector<16xf32>
          %select_n3A_3410 = arith.select %ge3A_3405, %broadcast_in_dim3A_3408, %broadcast_in_dim3A_3409 : vector<16xi1>, vector<16xf32>
          %add3A_3411 = arith.addf %add3A_3404, %select_n3A_3410 : vector<16xf32>
          %ge3A_3412 = arith.cmpf oge, %get3A_81, %mul3A_3356 : vector<16xf32>
          %jit3A_3413 = arith.constant 1.000000e+00 : f32
          %jit3A_3414 = arith.constant 0.000000e+00 : f32
          %broadcast_in_dim3A_3415 = vector.broadcast %jit3A_3413 : f32 to vector<16xf32>
          %broadcast_in_dim3A_3416 = vector.broadcast %jit3A_3414 : f32 to vector<16xf32>
          %select_n3A_3417 = arith.select %ge3A_3412, %broadcast_in_dim3A_3415, %broadcast_in_dim3A_3416 : vector<16xi1>, vector<16xf32>
          %add3A_3418 = arith.addf %add3A_3411, %select_n3A_3417 : vector<16xf32>
          %ge3A_3419 = arith.cmpf oge, %get3A_85, %mul3A_3356 : vector<16xf32>
          %jit3A_3420 = arith.constant 1.000000e+00 : f32
          %jit3A_3421 = arith.constant 0.000000e+00 : f32
          %broadcast_in_dim3A_3422 = vector.broadcast %jit3A_3420 : f32 to vector<16xf32>
          %broadcast_in_dim3A_3423 = vector.broadcast %jit3A_3421 : f32 to vector<16xf32>
          %select_n3A_3424 = arith.select %ge3A_3419, %broadcast_in_dim3A_3422, %broadcast_in_dim3A_3423 : vector<16xi1>, vector<16xf32>
          %add3A_3425 = arith.addf %add3A_3418, %select_n3A_3424 : vector<16xf32>
          %ge3A_3426 = arith.cmpf oge, %get3A_89, %mul3A_3356 : vector<16xf32>
          %jit3A_3427 = arith.constant 1.000000e+00 : f32
          %jit3A_3428 = arith.constant 0.000000e+00 : f32
          %broadcast_in_dim3A_3429 = vector.broadcast %jit3A_3427 : f32 to vector<16xf32>
          %broadcast_in_dim3A_3430 = vector.broadcast %jit3A_3428 : f32 to vector<16xf32>
          %select_n3A_3431 = arith.select %ge3A_3426, %broadcast_in_dim3A_3429, %broadcast_in_dim3A_3430 : vector<16xi1>, vector<16xf32>
          %add3A_3432 = arith.addf %add3A_3425, %select_n3A_3431 : vector<16xf32>
          %ge3A_3433 = arith.cmpf oge, %get3A_93, %mul3A_3356 : vector<16xf32>
          %jit3A_3434 = arith.constant 1.000000e+00 : f32
          %jit3A_3435 = arith.constant 0.000000e+00 : f32
          %broadcast_in_dim3A_3436 = vector.broadcast %jit3A_3434 : f32 to vector<16xf32>
          %broadcast_in_dim3A_3437 = vector.broadcast %jit3A_3435 : f32 to vector<16xf32>
          %select_n3A_3438 = arith.select %ge3A_3433, %broadcast_in_dim3A_3436, %broadcast_in_dim3A_3437 : vector<16xi1>, vector<16xf32>
          %add3A_3439 = arith.addf %add3A_3432, %select_n3A_3438 : vector<16xf32>
          %ge3A_3440 = arith.cmpf oge, %get3A_97, %mul3A_3356 : vector<16xf32>
          %jit3A_3441 = arith.constant 1.000000e+00 : f32
          %jit3A_3442 = arith.constant 0.000000e+00 : f32
          %broadcast_in_dim3A_3443 = vector.broadcast %jit3A_3441 : f32 to vector<16xf32>
          %broadcast_in_dim3A_3444 = vector.broadcast %jit3A_3442 : f32 to vector<16xf32>
          %select_n3A_3445 = arith.select %ge3A_3440, %broadcast_in_dim3A_3443, %broadcast_in_dim3A_3444 : vector<16xi1>, vector<16xf32>
          %add3A_3446 = arith.addf %add3A_3439, %select_n3A_3445 : vector<16xf32>
          %ge3A_3447 = arith.cmpf oge, %get3A_101, %mul3A_3356 : vector<16xf32>
          %jit3A_3448 = arith.constant 1.000000e+00 : f32
          %jit3A_3449 = arith.constant 0.000000e+00 : f32
          %broadcast_in_dim3A_3450 = vector.broadcast %jit3A_3448 : f32 to vector<16xf32>
          %broadcast_in_dim3A_3451 = vector.broadcast %jit3A_3449 : f32 to vector<16xf32>
          %select_n3A_3452 = arith.select %ge3A_3447, %broadcast_in_dim3A_3450, %broadcast_in_dim3A_3451 : vector<16xi1>, vector<16xf32>
          %add3A_3453 = arith.addf %add3A_3446, %select_n3A_3452 : vector<16xf32>
          %ge3A_3454 = arith.cmpf oge, %get3A_105, %mul3A_3356 : vector<16xf32>
          %jit3A_3455 = arith.constant 1.000000e+00 : f32
          %jit3A_3456 = arith.constant 0.000000e+00 : f32
          %broadcast_in_dim3A_3457 = vector.broadcast %jit3A_3455 : f32 to vector<16xf32>
          %broadcast_in_dim3A_3458 = vector.broadcast %jit3A_3456 : f32 to vector<16xf32>
          %select_n3A_3459 = arith.select %ge3A_3454, %broadcast_in_dim3A_3457, %broadcast_in_dim3A_3458 : vector<16xi1>, vector<16xf32>
          %add3A_3460 = arith.addf %add3A_3453, %select_n3A_3459 : vector<16xf32>
          %ge3A_3461 = arith.cmpf oge, %get3A_109, %mul3A_3356 : vector<16xf32>
          %jit3A_3462 = arith.constant 1.000000e+00 : f32
          %jit3A_3463 = arith.constant 0.000000e+00 : f32
          %broadcast_in_dim3A_3464 = vector.broadcast %jit3A_3462 : f32 to vector<16xf32>
          %broadcast_in_dim3A_3465 = vector.broadcast %jit3A_3463 : f32 to vector<16xf32>
          %select_n3A_3466 = arith.select %ge3A_3461, %broadcast_in_dim3A_3464, %broadcast_in_dim3A_3465 : vector<16xi1>, vector<16xf32>
          %add3A_3467 = arith.addf %add3A_3460, %select_n3A_3466 : vector<16xf32>
          %ge3A_3468 = arith.cmpf oge, %get3A_113, %mul3A_3356 : vector<16xf32>
          %jit3A_3469 = arith.constant 1.000000e+00 : f32
          %jit3A_3470 = arith.constant 0.000000e+00 : f32
          %broadcast_in_dim3A_3471 = vector.broadcast %jit3A_3469 : f32 to vector<16xf32>
          %broadcast_in_dim3A_3472 = vector.broadcast %jit3A_3470 : f32 to vector<16xf32>
          %select_n3A_3473 = arith.select %ge3A_3468, %broadcast_in_dim3A_3471, %broadcast_in_dim3A_3472 : vector<16xi1>, vector<16xf32>
          %add3A_3474 = arith.addf %add3A_3467, %select_n3A_3473 : vector<16xf32>
          %ge3A_3475 = arith.cmpf oge, %get3A_117, %mul3A_3356 : vector<16xf32>
          %jit3A_3476 = arith.constant 1.000000e+00 : f32
          %jit3A_3477 = arith.constant 0.000000e+00 : f32
          %broadcast_in_dim3A_3478 = vector.broadcast %jit3A_3476 : f32 to vector<16xf32>
          %broadcast_in_dim3A_3479 = vector.broadcast %jit3A_3477 : f32 to vector<16xf32>
          %select_n3A_3480 = arith.select %ge3A_3475, %broadcast_in_dim3A_3478, %broadcast_in_dim3A_3479 : vector<16xi1>, vector<16xf32>
          %add3A_3481 = arith.addf %add3A_3474, %select_n3A_3480 : vector<16xf32>
          %ge3A_3482 = arith.cmpf oge, %get3A_121, %mul3A_3356 : vector<16xf32>
          %jit3A_3483 = arith.constant 1.000000e+00 : f32
          %jit3A_3484 = arith.constant 0.000000e+00 : f32
          %broadcast_in_dim3A_3485 = vector.broadcast %jit3A_3483 : f32 to vector<16xf32>
          %broadcast_in_dim3A_3486 = vector.broadcast %jit3A_3484 : f32 to vector<16xf32>
          %select_n3A_3487 = arith.select %ge3A_3482, %broadcast_in_dim3A_3485, %broadcast_in_dim3A_3486 : vector<16xi1>, vector<16xf32>
          %add3A_3488 = arith.addf %add3A_3481, %select_n3A_3487 : vector<16xf32>
          %ge3A_3489 = arith.cmpf oge, %get3A_125, %mul3A_3356 : vector<16xf32>
          %jit3A_3490 = arith.constant 1.000000e+00 : f32
          %jit3A_3491 = arith.constant 0.000000e+00 : f32
          %broadcast_in_dim3A_3492 = vector.broadcast %jit3A_3490 : f32 to vector<16xf32>
          %broadcast_in_dim3A_3493 = vector.broadcast %jit3A_3491 : f32 to vector<16xf32>
          %select_n3A_3494 = arith.select %ge3A_3489, %broadcast_in_dim3A_3492, %broadcast_in_dim3A_3493 : vector<16xi1>, vector<16xf32>
          %add3A_3495 = arith.addf %add3A_3488, %select_n3A_3494 : vector<16xf32>
          %ge3A_3496 = arith.cmpf oge, %get3A_129, %mul3A_3356 : vector<16xf32>
          %jit3A_3497 = arith.constant 1.000000e+00 : f32
          %jit3A_3498 = arith.constant 0.000000e+00 : f32
          %broadcast_in_dim3A_3499 = vector.broadcast %jit3A_3497 : f32 to vector<16xf32>
          %broadcast_in_dim3A_3500 = vector.broadcast %jit3A_3498 : f32 to vector<16xf32>
          %select_n3A_3501 = arith.select %ge3A_3496, %broadcast_in_dim3A_3499, %broadcast_in_dim3A_3500 : vector<16xi1>, vector<16xf32>
          %add3A_3502 = arith.addf %add3A_3495, %select_n3A_3501 : vector<16xf32>
          %ge3A_3503 = arith.cmpf oge, %get3A_133, %mul3A_3356 : vector<16xf32>
          %jit3A_3504 = arith.constant 1.000000e+00 : f32
          %jit3A_3505 = arith.constant 0.000000e+00 : f32
          %broadcast_in_dim3A_3506 = vector.broadcast %jit3A_3504 : f32 to vector<16xf32>
          %broadcast_in_dim3A_3507 = vector.broadcast %jit3A_3505 : f32 to vector<16xf32>
          %select_n3A_3508 = arith.select %ge3A_3503, %broadcast_in_dim3A_3506, %broadcast_in_dim3A_3507 : vector<16xi1>, vector<16xf32>
          %add3A_3509 = arith.addf %add3A_3502, %select_n3A_3508 : vector<16xf32>
          %ge3A_3510 = arith.cmpf oge, %get3A_137, %mul3A_3356 : vector<16xf32>
          %jit3A_3511 = arith.constant 1.000000e+00 : f32
          %jit3A_3512 = arith.constant 0.000000e+00 : f32
          %broadcast_in_dim3A_3513 = vector.broadcast %jit3A_3511 : f32 to vector<16xf32>
          %broadcast_in_dim3A_3514 = vector.broadcast %jit3A_3512 : f32 to vector<16xf32>
          %select_n3A_3515 = arith.select %ge3A_3510, %broadcast_in_dim3A_3513, %broadcast_in_dim3A_3514 : vector<16xi1>, vector<16xf32>
          %add3A_3516 = arith.addf %add3A_3509, %select_n3A_3515 : vector<16xf32>
          %ge3A_3517 = arith.cmpf oge, %get3A_141, %mul3A_3356 : vector<16xf32>
          %jit3A_3518 = arith.constant 1.000000e+00 : f32
          %jit3A_3519 = arith.constant 0.000000e+00 : f32
          %broadcast_in_dim3A_3520 = vector.broadcast %jit3A_3518 : f32 to vector<16xf32>
          %broadcast_in_dim3A_3521 = vector.broadcast %jit3A_3519 : f32 to vector<16xf32>
          %select_n3A_3522 = arith.select %ge3A_3517, %broadcast_in_dim3A_3520, %broadcast_in_dim3A_3521 : vector<16xi1>, vector<16xf32>
          %add3A_3523 = arith.addf %add3A_3516, %select_n3A_3522 : vector<16xf32>
          %ge3A_3524 = arith.cmpf oge, %get3A_145, %mul3A_3356 : vector<16xf32>
          %jit3A_3525 = arith.constant 1.000000e+00 : f32
          %jit3A_3526 = arith.constant 0.000000e+00 : f32
          %broadcast_in_dim3A_3527 = vector.broadcast %jit3A_3525 : f32 to vector<16xf32>
          %broadcast_in_dim3A_3528 = vector.broadcast %jit3A_3526 : f32 to vector<16xf32>
          %select_n3A_3529 = arith.select %ge3A_3524, %broadcast_in_dim3A_3527, %broadcast_in_dim3A_3528 : vector<16xi1>, vector<16xf32>
          %add3A_3530 = arith.addf %add3A_3523, %select_n3A_3529 : vector<16xf32>
          %ge3A_3531 = arith.cmpf oge, %get3A_149, %mul3A_3356 : vector<16xf32>
          %jit3A_3532 = arith.constant 1.000000e+00 : f32
          %jit3A_3533 = arith.constant 0.000000e+00 : f32
          %broadcast_in_dim3A_3534 = vector.broadcast %jit3A_3532 : f32 to vector<16xf32>
          %broadcast_in_dim3A_3535 = vector.broadcast %jit3A_3533 : f32 to vector<16xf32>
          %select_n3A_3536 = arith.select %ge3A_3531, %broadcast_in_dim3A_3534, %broadcast_in_dim3A_3535 : vector<16xi1>, vector<16xf32>
          %add3A_3537 = arith.addf %add3A_3530, %select_n3A_3536 : vector<16xf32>
          %ge3A_3538 = arith.cmpf oge, %get3A_153, %mul3A_3356 : vector<16xf32>
          %jit3A_3539 = arith.constant 1.000000e+00 : f32
          %jit3A_3540 = arith.constant 0.000000e+00 : f32
          %broadcast_in_dim3A_3541 = vector.broadcast %jit3A_3539 : f32 to vector<16xf32>
          %broadcast_in_dim3A_3542 = vector.broadcast %jit3A_3540 : f32 to vector<16xf32>
          %select_n3A_3543 = arith.select %ge3A_3538, %broadcast_in_dim3A_3541, %broadcast_in_dim3A_3542 : vector<16xi1>, vector<16xf32>
          %add3A_3544 = arith.addf %add3A_3537, %select_n3A_3543 : vector<16xf32>
          %ge3A_3545 = arith.cmpf oge, %get3A_157, %mul3A_3356 : vector<16xf32>
          %jit3A_3546 = arith.constant 1.000000e+00 : f32
          %jit3A_3547 = arith.constant 0.000000e+00 : f32
          %broadcast_in_dim3A_3548 = vector.broadcast %jit3A_3546 : f32 to vector<16xf32>
          %broadcast_in_dim3A_3549 = vector.broadcast %jit3A_3547 : f32 to vector<16xf32>
          %select_n3A_3550 = arith.select %ge3A_3545, %broadcast_in_dim3A_3548, %broadcast_in_dim3A_3549 : vector<16xi1>, vector<16xf32>
          %add3A_3551 = arith.addf %add3A_3544, %select_n3A_3550 : vector<16xf32>
          %ge3A_3552 = arith.cmpf oge, %get3A_161, %mul3A_3356 : vector<16xf32>
          %jit3A_3553 = arith.constant 1.000000e+00 : f32
          %jit3A_3554 = arith.constant 0.000000e+00 : f32
          %broadcast_in_dim3A_3555 = vector.broadcast %jit3A_3553 : f32 to vector<16xf32>
          %broadcast_in_dim3A_3556 = vector.broadcast %jit3A_3554 : f32 to vector<16xf32>
          %select_n3A_3557 = arith.select %ge3A_3552, %broadcast_in_dim3A_3555, %broadcast_in_dim3A_3556 : vector<16xi1>, vector<16xf32>
          %add3A_3558 = arith.addf %add3A_3551, %select_n3A_3557 : vector<16xf32>
          %ge3A_3559 = arith.cmpf oge, %get3A_165, %mul3A_3356 : vector<16xf32>
          %jit3A_3560 = arith.constant 1.000000e+00 : f32
          %jit3A_3561 = arith.constant 0.000000e+00 : f32
          %broadcast_in_dim3A_3562 = vector.broadcast %jit3A_3560 : f32 to vector<16xf32>
          %broadcast_in_dim3A_3563 = vector.broadcast %jit3A_3561 : f32 to vector<16xf32>
          %select_n3A_3564 = arith.select %ge3A_3559, %broadcast_in_dim3A_3562, %broadcast_in_dim3A_3563 : vector<16xi1>, vector<16xf32>
          %add3A_3565 = arith.addf %add3A_3558, %select_n3A_3564 : vector<16xf32>
          %ge3A_3566 = arith.cmpf oge, %get3A_169, %mul3A_3356 : vector<16xf32>
          %jit3A_3567 = arith.constant 1.000000e+00 : f32
          %jit3A_3568 = arith.constant 0.000000e+00 : f32
          %broadcast_in_dim3A_3569 = vector.broadcast %jit3A_3567 : f32 to vector<16xf32>
          %broadcast_in_dim3A_3570 = vector.broadcast %jit3A_3568 : f32 to vector<16xf32>
          %select_n3A_3571 = arith.select %ge3A_3566, %broadcast_in_dim3A_3569, %broadcast_in_dim3A_3570 : vector<16xi1>, vector<16xf32>
          %add3A_3572 = arith.addf %add3A_3565, %select_n3A_3571 : vector<16xf32>
          %ge3A_3573 = arith.cmpf oge, %get3A_173, %mul3A_3356 : vector<16xf32>
          %jit3A_3574 = arith.constant 1.000000e+00 : f32
          %jit3A_3575 = arith.constant 0.000000e+00 : f32
          %broadcast_in_dim3A_3576 = vector.broadcast %jit3A_3574 : f32 to vector<16xf32>
          %broadcast_in_dim3A_3577 = vector.broadcast %jit3A_3575 : f32 to vector<16xf32>
          %select_n3A_3578 = arith.select %ge3A_3573, %broadcast_in_dim3A_3576, %broadcast_in_dim3A_3577 : vector<16xi1>, vector<16xf32>
          %add3A_3579 = arith.addf %add3A_3572, %select_n3A_3578 : vector<16xf32>
          %lt3A_3580 = arith.constant 0 : i32
          %lt3A_3581 = vector.broadcast %lt3A_3580 : i32 to vector<16xi32>
          %lt3A_3582 = arith.cmpi slt, %xor3A_13, %lt3A_3581 : vector<16xi32>
          %add3A_3583 = arith.constant 16 : i32
          %add3A_3584 = vector.broadcast %add3A_3583 : i32 to vector<16xi32>
          %add3A_3585 = arith.addi %xor3A_13, %add3A_3584 : vector<16xi32>
          %select_n3A_3586 = arith.select %lt3A_3582, %add3A_3585, %xor3A_13 : vector<16xi1>, vector<16xi32>
          %broadcast_in_dim3A_3587 = vector.shape_cast %select_n3A_3586 : vector<16xi32> to vector<16x1xi32>
          %gather3A_3588 = vector.shape_cast %broadcast_in_dim3A_3587 : vector<16x1xi32> to vector<16xi32>
          %gather3A_3589 = tpu.dynamic_gather %add3A_3579[%gather3A_3588] in [0] : vector<16xf32>, vector<16xi32> -> vector<16xf32>
          %add3A_3590 = arith.addf %add3A_3579, %gather3A_3589 : vector<16xf32>
          %lt3A_3591 = arith.constant 0 : i32
          %lt3A_3592 = vector.broadcast %lt3A_3591 : i32 to vector<16xi32>
          %lt3A_3593 = arith.cmpi slt, %xor3A_16, %lt3A_3592 : vector<16xi32>
          %add3A_3594 = arith.constant 16 : i32
          %add3A_3595 = vector.broadcast %add3A_3594 : i32 to vector<16xi32>
          %add3A_3596 = arith.addi %xor3A_16, %add3A_3595 : vector<16xi32>
          %select_n3A_3597 = arith.select %lt3A_3593, %add3A_3596, %xor3A_16 : vector<16xi1>, vector<16xi32>
          %broadcast_in_dim3A_3598 = vector.shape_cast %select_n3A_3597 : vector<16xi32> to vector<16x1xi32>
          %gather3A_3599 = vector.shape_cast %broadcast_in_dim3A_3598 : vector<16x1xi32> to vector<16xi32>
          %gather3A_3600 = tpu.dynamic_gather %add3A_3590[%gather3A_3599] in [0] : vector<16xf32>, vector<16xi32> -> vector<16xf32>
          %add3A_3601 = arith.addf %add3A_3590, %gather3A_3600 : vector<16xf32>
          %lt3A_3602 = arith.constant 0 : i32
          %lt3A_3603 = vector.broadcast %lt3A_3602 : i32 to vector<16xi32>
          %lt3A_3604 = arith.cmpi slt, %xor3A_19, %lt3A_3603 : vector<16xi32>
          %add3A_3605 = arith.constant 16 : i32
          %add3A_3606 = vector.broadcast %add3A_3605 : i32 to vector<16xi32>
          %add3A_3607 = arith.addi %xor3A_19, %add3A_3606 : vector<16xi32>
          %select_n3A_3608 = arith.select %lt3A_3604, %add3A_3607, %xor3A_19 : vector<16xi1>, vector<16xi32>
          %broadcast_in_dim3A_3609 = vector.shape_cast %select_n3A_3608 : vector<16xi32> to vector<16x1xi32>
          %gather3A_3610 = vector.shape_cast %broadcast_in_dim3A_3609 : vector<16x1xi32> to vector<16xi32>
          %gather3A_3611 = tpu.dynamic_gather %add3A_3601[%gather3A_3610] in [0] : vector<16xf32>, vector<16xi32> -> vector<16xf32>
          %add3A_3612 = arith.addf %add3A_3601, %gather3A_3611 : vector<16xf32>
          %lt3A_3613 = arith.constant 0 : i32
          %lt3A_3614 = vector.broadcast %lt3A_3613 : i32 to vector<16xi32>
          %lt3A_3615 = arith.cmpi slt, %xor3A_22, %lt3A_3614 : vector<16xi32>
          %add3A_3616 = arith.constant 16 : i32
          %add3A_3617 = vector.broadcast %add3A_3616 : i32 to vector<16xi32>
          %add3A_3618 = arith.addi %xor3A_22, %add3A_3617 : vector<16xi32>
          %select_n3A_3619 = arith.select %lt3A_3615, %add3A_3618, %xor3A_22 : vector<16xi1>, vector<16xi32>
          %broadcast_in_dim3A_3620 = vector.shape_cast %select_n3A_3619 : vector<16xi32> to vector<16x1xi32>
          %gather3A_3621 = vector.shape_cast %broadcast_in_dim3A_3620 : vector<16x1xi32> to vector<16xi32>
          %gather3A_3622 = tpu.dynamic_gather %add3A_3612[%gather3A_3621] in [0] : vector<16xf32>, vector<16xi32> -> vector<16xf32>
          %add3A_3623 = arith.addf %add3A_3612, %gather3A_3622 : vector<16xf32>
          %ge3A_3624 = arith.constant 6.400000e+01 : f32
          %ge3A_3625 = vector.broadcast %ge3A_3624 : f32 to vector<16xf32>
          %ge3A_3626 = arith.cmpf oge, %add3A_3623, %ge3A_3625 : vector<16xf32>
          %select_n3A_3627 = arith.select %ge3A_3626, %mul3A_3356, %select_n3A_3351 : vector<16xi1>, vector<16xf32>
          %select_n3A_3628 = arith.select %ge3A_3626, %select_n3A_3352, %mul3A_3356 : vector<16xi1>, vector<16xf32>
          %add3A_3629 = arith.addf %select_n3A_3627, %select_n3A_3628 : vector<16xf32>
          %mul3A_3630 = arith.constant 5.000000e-01 : f32
          %mul3A_3631 = vector.broadcast %mul3A_3630 : f32 to vector<16xf32>
          %mul3A_3632 = arith.mulf %mul3A_3631, %add3A_3629 : vector<16xf32>
          %ge3A_3633 = arith.cmpf oge, %get3A_49, %mul3A_3632 : vector<16xf32>
          %jit3A_3634 = arith.constant 1.000000e+00 : f32
          %jit3A_3635 = arith.constant 0.000000e+00 : f32
          %broadcast_in_dim3A_3636 = vector.broadcast %jit3A_3634 : f32 to vector<16xf32>
          %broadcast_in_dim3A_3637 = vector.broadcast %jit3A_3635 : f32 to vector<16xf32>
          %select_n3A_3638 = arith.select %ge3A_3633, %broadcast_in_dim3A_3636, %broadcast_in_dim3A_3637 : vector<16xi1>, vector<16xf32>
          %ge3A_3639 = arith.cmpf oge, %get3A_53, %mul3A_3632 : vector<16xf32>
          %jit3A_3640 = arith.constant 1.000000e+00 : f32
          %jit3A_3641 = arith.constant 0.000000e+00 : f32
          %broadcast_in_dim3A_3642 = vector.broadcast %jit3A_3640 : f32 to vector<16xf32>
          %broadcast_in_dim3A_3643 = vector.broadcast %jit3A_3641 : f32 to vector<16xf32>
          %select_n3A_3644 = arith.select %ge3A_3639, %broadcast_in_dim3A_3642, %broadcast_in_dim3A_3643 : vector<16xi1>, vector<16xf32>
          %add3A_3645 = arith.addf %select_n3A_3638, %select_n3A_3644 : vector<16xf32>
          %ge3A_3646 = arith.cmpf oge, %get3A_57, %mul3A_3632 : vector<16xf32>
          %jit3A_3647 = arith.constant 1.000000e+00 : f32
          %jit3A_3648 = arith.constant 0.000000e+00 : f32
          %broadcast_in_dim3A_3649 = vector.broadcast %jit3A_3647 : f32 to vector<16xf32>
          %broadcast_in_dim3A_3650 = vector.broadcast %jit3A_3648 : f32 to vector<16xf32>
          %select_n3A_3651 = arith.select %ge3A_3646, %broadcast_in_dim3A_3649, %broadcast_in_dim3A_3650 : vector<16xi1>, vector<16xf32>
          %add3A_3652 = arith.addf %add3A_3645, %select_n3A_3651 : vector<16xf32>
          %ge3A_3653 = arith.cmpf oge, %get3A_61, %mul3A_3632 : vector<16xf32>
          %jit3A_3654 = arith.constant 1.000000e+00 : f32
          %jit3A_3655 = arith.constant 0.000000e+00 : f32
          %broadcast_in_dim3A_3656 = vector.broadcast %jit3A_3654 : f32 to vector<16xf32>
          %broadcast_in_dim3A_3657 = vector.broadcast %jit3A_3655 : f32 to vector<16xf32>
          %select_n3A_3658 = arith.select %ge3A_3653, %broadcast_in_dim3A_3656, %broadcast_in_dim3A_3657 : vector<16xi1>, vector<16xf32>
          %add3A_3659 = arith.addf %add3A_3652, %select_n3A_3658 : vector<16xf32>
          %ge3A_3660 = arith.cmpf oge, %get3A_65, %mul3A_3632 : vector<16xf32>
          %jit3A_3661 = arith.constant 1.000000e+00 : f32
          %jit3A_3662 = arith.constant 0.000000e+00 : f32
          %broadcast_in_dim3A_3663 = vector.broadcast %jit3A_3661 : f32 to vector<16xf32>
          %broadcast_in_dim3A_3664 = vector.broadcast %jit3A_3662 : f32 to vector<16xf32>
          %select_n3A_3665 = arith.select %ge3A_3660, %broadcast_in_dim3A_3663, %broadcast_in_dim3A_3664 : vector<16xi1>, vector<16xf32>
          %add3A_3666 = arith.addf %add3A_3659, %select_n3A_3665 : vector<16xf32>
          %ge3A_3667 = arith.cmpf oge, %get3A_69, %mul3A_3632 : vector<16xf32>
          %jit3A_3668 = arith.constant 1.000000e+00 : f32
          %jit3A_3669 = arith.constant 0.000000e+00 : f32
          %broadcast_in_dim3A_3670 = vector.broadcast %jit3A_3668 : f32 to vector<16xf32>
          %broadcast_in_dim3A_3671 = vector.broadcast %jit3A_3669 : f32 to vector<16xf32>
          %select_n3A_3672 = arith.select %ge3A_3667, %broadcast_in_dim3A_3670, %broadcast_in_dim3A_3671 : vector<16xi1>, vector<16xf32>
          %add3A_3673 = arith.addf %add3A_3666, %select_n3A_3672 : vector<16xf32>
          %ge3A_3674 = arith.cmpf oge, %get3A_73, %mul3A_3632 : vector<16xf32>
          %jit3A_3675 = arith.constant 1.000000e+00 : f32
          %jit3A_3676 = arith.constant 0.000000e+00 : f32
          %broadcast_in_dim3A_3677 = vector.broadcast %jit3A_3675 : f32 to vector<16xf32>
          %broadcast_in_dim3A_3678 = vector.broadcast %jit3A_3676 : f32 to vector<16xf32>
          %select_n3A_3679 = arith.select %ge3A_3674, %broadcast_in_dim3A_3677, %broadcast_in_dim3A_3678 : vector<16xi1>, vector<16xf32>
          %add3A_3680 = arith.addf %add3A_3673, %select_n3A_3679 : vector<16xf32>
          %ge3A_3681 = arith.cmpf oge, %get3A_77, %mul3A_3632 : vector<16xf32>
          %jit3A_3682 = arith.constant 1.000000e+00 : f32
          %jit3A_3683 = arith.constant 0.000000e+00 : f32
          %broadcast_in_dim3A_3684 = vector.broadcast %jit3A_3682 : f32 to vector<16xf32>
          %broadcast_in_dim3A_3685 = vector.broadcast %jit3A_3683 : f32 to vector<16xf32>
          %select_n3A_3686 = arith.select %ge3A_3681, %broadcast_in_dim3A_3684, %broadcast_in_dim3A_3685 : vector<16xi1>, vector<16xf32>
          %add3A_3687 = arith.addf %add3A_3680, %select_n3A_3686 : vector<16xf32>
          %ge3A_3688 = arith.cmpf oge, %get3A_81, %mul3A_3632 : vector<16xf32>
          %jit3A_3689 = arith.constant 1.000000e+00 : f32
          %jit3A_3690 = arith.constant 0.000000e+00 : f32
          %broadcast_in_dim3A_3691 = vector.broadcast %jit3A_3689 : f32 to vector<16xf32>
          %broadcast_in_dim3A_3692 = vector.broadcast %jit3A_3690 : f32 to vector<16xf32>
          %select_n3A_3693 = arith.select %ge3A_3688, %broadcast_in_dim3A_3691, %broadcast_in_dim3A_3692 : vector<16xi1>, vector<16xf32>
          %add3A_3694 = arith.addf %add3A_3687, %select_n3A_3693 : vector<16xf32>
          %ge3A_3695 = arith.cmpf oge, %get3A_85, %mul3A_3632 : vector<16xf32>
          %jit3A_3696 = arith.constant 1.000000e+00 : f32
          %jit3A_3697 = arith.constant 0.000000e+00 : f32
          %broadcast_in_dim3A_3698 = vector.broadcast %jit3A_3696 : f32 to vector<16xf32>
          %broadcast_in_dim3A_3699 = vector.broadcast %jit3A_3697 : f32 to vector<16xf32>
          %select_n3A_3700 = arith.select %ge3A_3695, %broadcast_in_dim3A_3698, %broadcast_in_dim3A_3699 : vector<16xi1>, vector<16xf32>
          %add3A_3701 = arith.addf %add3A_3694, %select_n3A_3700 : vector<16xf32>
          %ge3A_3702 = arith.cmpf oge, %get3A_89, %mul3A_3632 : vector<16xf32>
          %jit3A_3703 = arith.constant 1.000000e+00 : f32
          %jit3A_3704 = arith.constant 0.000000e+00 : f32
          %broadcast_in_dim3A_3705 = vector.broadcast %jit3A_3703 : f32 to vector<16xf32>
          %broadcast_in_dim3A_3706 = vector.broadcast %jit3A_3704 : f32 to vector<16xf32>
          %select_n3A_3707 = arith.select %ge3A_3702, %broadcast_in_dim3A_3705, %broadcast_in_dim3A_3706 : vector<16xi1>, vector<16xf32>
          %add3A_3708 = arith.addf %add3A_3701, %select_n3A_3707 : vector<16xf32>
          %ge3A_3709 = arith.cmpf oge, %get3A_93, %mul3A_3632 : vector<16xf32>
          %jit3A_3710 = arith.constant 1.000000e+00 : f32
          %jit3A_3711 = arith.constant 0.000000e+00 : f32
          %broadcast_in_dim3A_3712 = vector.broadcast %jit3A_3710 : f32 to vector<16xf32>
          %broadcast_in_dim3A_3713 = vector.broadcast %jit3A_3711 : f32 to vector<16xf32>
          %select_n3A_3714 = arith.select %ge3A_3709, %broadcast_in_dim3A_3712, %broadcast_in_dim3A_3713 : vector<16xi1>, vector<16xf32>
          %add3A_3715 = arith.addf %add3A_3708, %select_n3A_3714 : vector<16xf32>
          %ge3A_3716 = arith.cmpf oge, %get3A_97, %mul3A_3632 : vector<16xf32>
          %jit3A_3717 = arith.constant 1.000000e+00 : f32
          %jit3A_3718 = arith.constant 0.000000e+00 : f32
          %broadcast_in_dim3A_3719 = vector.broadcast %jit3A_3717 : f32 to vector<16xf32>
          %broadcast_in_dim3A_3720 = vector.broadcast %jit3A_3718 : f32 to vector<16xf32>
          %select_n3A_3721 = arith.select %ge3A_3716, %broadcast_in_dim3A_3719, %broadcast_in_dim3A_3720 : vector<16xi1>, vector<16xf32>
          %add3A_3722 = arith.addf %add3A_3715, %select_n3A_3721 : vector<16xf32>
          %ge3A_3723 = arith.cmpf oge, %get3A_101, %mul3A_3632 : vector<16xf32>
          %jit3A_3724 = arith.constant 1.000000e+00 : f32
          %jit3A_3725 = arith.constant 0.000000e+00 : f32
          %broadcast_in_dim3A_3726 = vector.broadcast %jit3A_3724 : f32 to vector<16xf32>
          %broadcast_in_dim3A_3727 = vector.broadcast %jit3A_3725 : f32 to vector<16xf32>
          %select_n3A_3728 = arith.select %ge3A_3723, %broadcast_in_dim3A_3726, %broadcast_in_dim3A_3727 : vector<16xi1>, vector<16xf32>
          %add3A_3729 = arith.addf %add3A_3722, %select_n3A_3728 : vector<16xf32>
          %ge3A_3730 = arith.cmpf oge, %get3A_105, %mul3A_3632 : vector<16xf32>
          %jit3A_3731 = arith.constant 1.000000e+00 : f32
          %jit3A_3732 = arith.constant 0.000000e+00 : f32
          %broadcast_in_dim3A_3733 = vector.broadcast %jit3A_3731 : f32 to vector<16xf32>
          %broadcast_in_dim3A_3734 = vector.broadcast %jit3A_3732 : f32 to vector<16xf32>
          %select_n3A_3735 = arith.select %ge3A_3730, %broadcast_in_dim3A_3733, %broadcast_in_dim3A_3734 : vector<16xi1>, vector<16xf32>
          %add3A_3736 = arith.addf %add3A_3729, %select_n3A_3735 : vector<16xf32>
          %ge3A_3737 = arith.cmpf oge, %get3A_109, %mul3A_3632 : vector<16xf32>
          %jit3A_3738 = arith.constant 1.000000e+00 : f32
          %jit3A_3739 = arith.constant 0.000000e+00 : f32
          %broadcast_in_dim3A_3740 = vector.broadcast %jit3A_3738 : f32 to vector<16xf32>
          %broadcast_in_dim3A_3741 = vector.broadcast %jit3A_3739 : f32 to vector<16xf32>
          %select_n3A_3742 = arith.select %ge3A_3737, %broadcast_in_dim3A_3740, %broadcast_in_dim3A_3741 : vector<16xi1>, vector<16xf32>
          %add3A_3743 = arith.addf %add3A_3736, %select_n3A_3742 : vector<16xf32>
          %ge3A_3744 = arith.cmpf oge, %get3A_113, %mul3A_3632 : vector<16xf32>
          %jit3A_3745 = arith.constant 1.000000e+00 : f32
          %jit3A_3746 = arith.constant 0.000000e+00 : f32
          %broadcast_in_dim3A_3747 = vector.broadcast %jit3A_3745 : f32 to vector<16xf32>
          %broadcast_in_dim3A_3748 = vector.broadcast %jit3A_3746 : f32 to vector<16xf32>
          %select_n3A_3749 = arith.select %ge3A_3744, %broadcast_in_dim3A_3747, %broadcast_in_dim3A_3748 : vector<16xi1>, vector<16xf32>
          %add3A_3750 = arith.addf %add3A_3743, %select_n3A_3749 : vector<16xf32>
          %ge3A_3751 = arith.cmpf oge, %get3A_117, %mul3A_3632 : vector<16xf32>
          %jit3A_3752 = arith.constant 1.000000e+00 : f32
          %jit3A_3753 = arith.constant 0.000000e+00 : f32
          %broadcast_in_dim3A_3754 = vector.broadcast %jit3A_3752 : f32 to vector<16xf32>
          %broadcast_in_dim3A_3755 = vector.broadcast %jit3A_3753 : f32 to vector<16xf32>
          %select_n3A_3756 = arith.select %ge3A_3751, %broadcast_in_dim3A_3754, %broadcast_in_dim3A_3755 : vector<16xi1>, vector<16xf32>
          %add3A_3757 = arith.addf %add3A_3750, %select_n3A_3756 : vector<16xf32>
          %ge3A_3758 = arith.cmpf oge, %get3A_121, %mul3A_3632 : vector<16xf32>
          %jit3A_3759 = arith.constant 1.000000e+00 : f32
          %jit3A_3760 = arith.constant 0.000000e+00 : f32
          %broadcast_in_dim3A_3761 = vector.broadcast %jit3A_3759 : f32 to vector<16xf32>
          %broadcast_in_dim3A_3762 = vector.broadcast %jit3A_3760 : f32 to vector<16xf32>
          %select_n3A_3763 = arith.select %ge3A_3758, %broadcast_in_dim3A_3761, %broadcast_in_dim3A_3762 : vector<16xi1>, vector<16xf32>
          %add3A_3764 = arith.addf %add3A_3757, %select_n3A_3763 : vector<16xf32>
          %ge3A_3765 = arith.cmpf oge, %get3A_125, %mul3A_3632 : vector<16xf32>
          %jit3A_3766 = arith.constant 1.000000e+00 : f32
          %jit3A_3767 = arith.constant 0.000000e+00 : f32
          %broadcast_in_dim3A_3768 = vector.broadcast %jit3A_3766 : f32 to vector<16xf32>
          %broadcast_in_dim3A_3769 = vector.broadcast %jit3A_3767 : f32 to vector<16xf32>
          %select_n3A_3770 = arith.select %ge3A_3765, %broadcast_in_dim3A_3768, %broadcast_in_dim3A_3769 : vector<16xi1>, vector<16xf32>
          %add3A_3771 = arith.addf %add3A_3764, %select_n3A_3770 : vector<16xf32>
          %ge3A_3772 = arith.cmpf oge, %get3A_129, %mul3A_3632 : vector<16xf32>
          %jit3A_3773 = arith.constant 1.000000e+00 : f32
          %jit3A_3774 = arith.constant 0.000000e+00 : f32
          %broadcast_in_dim3A_3775 = vector.broadcast %jit3A_3773 : f32 to vector<16xf32>
          %broadcast_in_dim3A_3776 = vector.broadcast %jit3A_3774 : f32 to vector<16xf32>
          %select_n3A_3777 = arith.select %ge3A_3772, %broadcast_in_dim3A_3775, %broadcast_in_dim3A_3776 : vector<16xi1>, vector<16xf32>
          %add3A_3778 = arith.addf %add3A_3771, %select_n3A_3777 : vector<16xf32>
          %ge3A_3779 = arith.cmpf oge, %get3A_133, %mul3A_3632 : vector<16xf32>
          %jit3A_3780 = arith.constant 1.000000e+00 : f32
          %jit3A_3781 = arith.constant 0.000000e+00 : f32
          %broadcast_in_dim3A_3782 = vector.broadcast %jit3A_3780 : f32 to vector<16xf32>
          %broadcast_in_dim3A_3783 = vector.broadcast %jit3A_3781 : f32 to vector<16xf32>
          %select_n3A_3784 = arith.select %ge3A_3779, %broadcast_in_dim3A_3782, %broadcast_in_dim3A_3783 : vector<16xi1>, vector<16xf32>
          %add3A_3785 = arith.addf %add3A_3778, %select_n3A_3784 : vector<16xf32>
          %ge3A_3786 = arith.cmpf oge, %get3A_137, %mul3A_3632 : vector<16xf32>
          %jit3A_3787 = arith.constant 1.000000e+00 : f32
          %jit3A_3788 = arith.constant 0.000000e+00 : f32
          %broadcast_in_dim3A_3789 = vector.broadcast %jit3A_3787 : f32 to vector<16xf32>
          %broadcast_in_dim3A_3790 = vector.broadcast %jit3A_3788 : f32 to vector<16xf32>
          %select_n3A_3791 = arith.select %ge3A_3786, %broadcast_in_dim3A_3789, %broadcast_in_dim3A_3790 : vector<16xi1>, vector<16xf32>
          %add3A_3792 = arith.addf %add3A_3785, %select_n3A_3791 : vector<16xf32>
          %ge3A_3793 = arith.cmpf oge, %get3A_141, %mul3A_3632 : vector<16xf32>
          %jit3A_3794 = arith.constant 1.000000e+00 : f32
          %jit3A_3795 = arith.constant 0.000000e+00 : f32
          %broadcast_in_dim3A_3796 = vector.broadcast %jit3A_3794 : f32 to vector<16xf32>
          %broadcast_in_dim3A_3797 = vector.broadcast %jit3A_3795 : f32 to vector<16xf32>
          %select_n3A_3798 = arith.select %ge3A_3793, %broadcast_in_dim3A_3796, %broadcast_in_dim3A_3797 : vector<16xi1>, vector<16xf32>
          %add3A_3799 = arith.addf %add3A_3792, %select_n3A_3798 : vector<16xf32>
          %ge3A_3800 = arith.cmpf oge, %get3A_145, %mul3A_3632 : vector<16xf32>
          %jit3A_3801 = arith.constant 1.000000e+00 : f32
          %jit3A_3802 = arith.constant 0.000000e+00 : f32
          %broadcast_in_dim3A_3803 = vector.broadcast %jit3A_3801 : f32 to vector<16xf32>
          %broadcast_in_dim3A_3804 = vector.broadcast %jit3A_3802 : f32 to vector<16xf32>
          %select_n3A_3805 = arith.select %ge3A_3800, %broadcast_in_dim3A_3803, %broadcast_in_dim3A_3804 : vector<16xi1>, vector<16xf32>
          %add3A_3806 = arith.addf %add3A_3799, %select_n3A_3805 : vector<16xf32>
          %ge3A_3807 = arith.cmpf oge, %get3A_149, %mul3A_3632 : vector<16xf32>
          %jit3A_3808 = arith.constant 1.000000e+00 : f32
          %jit3A_3809 = arith.constant 0.000000e+00 : f32
          %broadcast_in_dim3A_3810 = vector.broadcast %jit3A_3808 : f32 to vector<16xf32>
          %broadcast_in_dim3A_3811 = vector.broadcast %jit3A_3809 : f32 to vector<16xf32>
          %select_n3A_3812 = arith.select %ge3A_3807, %broadcast_in_dim3A_3810, %broadcast_in_dim3A_3811 : vector<16xi1>, vector<16xf32>
          %add3A_3813 = arith.addf %add3A_3806, %select_n3A_3812 : vector<16xf32>
          %ge3A_3814 = arith.cmpf oge, %get3A_153, %mul3A_3632 : vector<16xf32>
          %jit3A_3815 = arith.constant 1.000000e+00 : f32
          %jit3A_3816 = arith.constant 0.000000e+00 : f32
          %broadcast_in_dim3A_3817 = vector.broadcast %jit3A_3815 : f32 to vector<16xf32>
          %broadcast_in_dim3A_3818 = vector.broadcast %jit3A_3816 : f32 to vector<16xf32>
          %select_n3A_3819 = arith.select %ge3A_3814, %broadcast_in_dim3A_3817, %broadcast_in_dim3A_3818 : vector<16xi1>, vector<16xf32>
          %add3A_3820 = arith.addf %add3A_3813, %select_n3A_3819 : vector<16xf32>
          %ge3A_3821 = arith.cmpf oge, %get3A_157, %mul3A_3632 : vector<16xf32>
          %jit3A_3822 = arith.constant 1.000000e+00 : f32
          %jit3A_3823 = arith.constant 0.000000e+00 : f32
          %broadcast_in_dim3A_3824 = vector.broadcast %jit3A_3822 : f32 to vector<16xf32>
          %broadcast_in_dim3A_3825 = vector.broadcast %jit3A_3823 : f32 to vector<16xf32>
          %select_n3A_3826 = arith.select %ge3A_3821, %broadcast_in_dim3A_3824, %broadcast_in_dim3A_3825 : vector<16xi1>, vector<16xf32>
          %add3A_3827 = arith.addf %add3A_3820, %select_n3A_3826 : vector<16xf32>
          %ge3A_3828 = arith.cmpf oge, %get3A_161, %mul3A_3632 : vector<16xf32>
          %jit3A_3829 = arith.constant 1.000000e+00 : f32
          %jit3A_3830 = arith.constant 0.000000e+00 : f32
          %broadcast_in_dim3A_3831 = vector.broadcast %jit3A_3829 : f32 to vector<16xf32>
          %broadcast_in_dim3A_3832 = vector.broadcast %jit3A_3830 : f32 to vector<16xf32>
          %select_n3A_3833 = arith.select %ge3A_3828, %broadcast_in_dim3A_3831, %broadcast_in_dim3A_3832 : vector<16xi1>, vector<16xf32>
          %add3A_3834 = arith.addf %add3A_3827, %select_n3A_3833 : vector<16xf32>
          %ge3A_3835 = arith.cmpf oge, %get3A_165, %mul3A_3632 : vector<16xf32>
          %jit3A_3836 = arith.constant 1.000000e+00 : f32
          %jit3A_3837 = arith.constant 0.000000e+00 : f32
          %broadcast_in_dim3A_3838 = vector.broadcast %jit3A_3836 : f32 to vector<16xf32>
          %broadcast_in_dim3A_3839 = vector.broadcast %jit3A_3837 : f32 to vector<16xf32>
          %select_n3A_3840 = arith.select %ge3A_3835, %broadcast_in_dim3A_3838, %broadcast_in_dim3A_3839 : vector<16xi1>, vector<16xf32>
          %add3A_3841 = arith.addf %add3A_3834, %select_n3A_3840 : vector<16xf32>
          %ge3A_3842 = arith.cmpf oge, %get3A_169, %mul3A_3632 : vector<16xf32>
          %jit3A_3843 = arith.constant 1.000000e+00 : f32
          %jit3A_3844 = arith.constant 0.000000e+00 : f32
          %broadcast_in_dim3A_3845 = vector.broadcast %jit3A_3843 : f32 to vector<16xf32>
          %broadcast_in_dim3A_3846 = vector.broadcast %jit3A_3844 : f32 to vector<16xf32>
          %select_n3A_3847 = arith.select %ge3A_3842, %broadcast_in_dim3A_3845, %broadcast_in_dim3A_3846 : vector<16xi1>, vector<16xf32>
          %add3A_3848 = arith.addf %add3A_3841, %select_n3A_3847 : vector<16xf32>
          %ge3A_3849 = arith.cmpf oge, %get3A_173, %mul3A_3632 : vector<16xf32>
          %jit3A_3850 = arith.constant 1.000000e+00 : f32
          %jit3A_3851 = arith.constant 0.000000e+00 : f32
          %broadcast_in_dim3A_3852 = vector.broadcast %jit3A_3850 : f32 to vector<16xf32>
          %broadcast_in_dim3A_3853 = vector.broadcast %jit3A_3851 : f32 to vector<16xf32>
          %select_n3A_3854 = arith.select %ge3A_3849, %broadcast_in_dim3A_3852, %broadcast_in_dim3A_3853 : vector<16xi1>, vector<16xf32>
          %add3A_3855 = arith.addf %add3A_3848, %select_n3A_3854 : vector<16xf32>
          %lt3A_3856 = arith.constant 0 : i32
          %lt3A_3857 = vector.broadcast %lt3A_3856 : i32 to vector<16xi32>
          %lt3A_3858 = arith.cmpi slt, %xor3A_13, %lt3A_3857 : vector<16xi32>
          %add3A_3859 = arith.constant 16 : i32
          %add3A_3860 = vector.broadcast %add3A_3859 : i32 to vector<16xi32>
          %add3A_3861 = arith.addi %xor3A_13, %add3A_3860 : vector<16xi32>
          %select_n3A_3862 = arith.select %lt3A_3858, %add3A_3861, %xor3A_13 : vector<16xi1>, vector<16xi32>
          %broadcast_in_dim3A_3863 = vector.shape_cast %select_n3A_3862 : vector<16xi32> to vector<16x1xi32>
          %gather3A_3864 = vector.shape_cast %broadcast_in_dim3A_3863 : vector<16x1xi32> to vector<16xi32>
          %gather3A_3865 = tpu.dynamic_gather %add3A_3855[%gather3A_3864] in [0] : vector<16xf32>, vector<16xi32> -> vector<16xf32>
          %add3A_3866 = arith.addf %add3A_3855, %gather3A_3865 : vector<16xf32>
          %lt3A_3867 = arith.constant 0 : i32
          %lt3A_3868 = vector.broadcast %lt3A_3867 : i32 to vector<16xi32>
          %lt3A_3869 = arith.cmpi slt, %xor3A_16, %lt3A_3868 : vector<16xi32>
          %add3A_3870 = arith.constant 16 : i32
          %add3A_3871 = vector.broadcast %add3A_3870 : i32 to vector<16xi32>
          %add3A_3872 = arith.addi %xor3A_16, %add3A_3871 : vector<16xi32>
          %select_n3A_3873 = arith.select %lt3A_3869, %add3A_3872, %xor3A_16 : vector<16xi1>, vector<16xi32>
          %broadcast_in_dim3A_3874 = vector.shape_cast %select_n3A_3873 : vector<16xi32> to vector<16x1xi32>
          %gather3A_3875 = vector.shape_cast %broadcast_in_dim3A_3874 : vector<16x1xi32> to vector<16xi32>
          %gather3A_3876 = tpu.dynamic_gather %add3A_3866[%gather3A_3875] in [0] : vector<16xf32>, vector<16xi32> -> vector<16xf32>
          %add3A_3877 = arith.addf %add3A_3866, %gather3A_3876 : vector<16xf32>
          %lt3A_3878 = arith.constant 0 : i32
          %lt3A_3879 = vector.broadcast %lt3A_3878 : i32 to vector<16xi32>
          %lt3A_3880 = arith.cmpi slt, %xor3A_19, %lt3A_3879 : vector<16xi32>
          %add3A_3881 = arith.constant 16 : i32
          %add3A_3882 = vector.broadcast %add3A_3881 : i32 to vector<16xi32>
          %add3A_3883 = arith.addi %xor3A_19, %add3A_3882 : vector<16xi32>
          %select_n3A_3884 = arith.select %lt3A_3880, %add3A_3883, %xor3A_19 : vector<16xi1>, vector<16xi32>
          %broadcast_in_dim3A_3885 = vector.shape_cast %select_n3A_3884 : vector<16xi32> to vector<16x1xi32>
          %gather3A_3886 = vector.shape_cast %broadcast_in_dim3A_3885 : vector<16x1xi32> to vector<16xi32>
          %gather3A_3887 = tpu.dynamic_gather %add3A_3877[%gather3A_3886] in [0] : vector<16xf32>, vector<16xi32> -> vector<16xf32>
          %add3A_3888 = arith.addf %add3A_3877, %gather3A_3887 : vector<16xf32>
          %lt3A_3889 = arith.constant 0 : i32
          %lt3A_3890 = vector.broadcast %lt3A_3889 : i32 to vector<16xi32>
          %lt3A_3891 = arith.cmpi slt, %xor3A_22, %lt3A_3890 : vector<16xi32>
          %add3A_3892 = arith.constant 16 : i32
          %add3A_3893 = vector.broadcast %add3A_3892 : i32 to vector<16xi32>
          %add3A_3894 = arith.addi %xor3A_22, %add3A_3893 : vector<16xi32>
          %select_n3A_3895 = arith.select %lt3A_3891, %add3A_3894, %xor3A_22 : vector<16xi1>, vector<16xi32>
          %broadcast_in_dim3A_3896 = vector.shape_cast %select_n3A_3895 : vector<16xi32> to vector<16x1xi32>
          %gather3A_3897 = vector.shape_cast %broadcast_in_dim3A_3896 : vector<16x1xi32> to vector<16xi32>
          %gather3A_3898 = tpu.dynamic_gather %add3A_3888[%gather3A_3897] in [0] : vector<16xf32>, vector<16xi32> -> vector<16xf32>
          %add3A_3899 = arith.addf %add3A_3888, %gather3A_3898 : vector<16xf32>
          %ge3A_3900 = arith.constant 6.400000e+01 : f32
          %ge3A_3901 = vector.broadcast %ge3A_3900 : f32 to vector<16xf32>
          %ge3A_3902 = arith.cmpf oge, %add3A_3899, %ge3A_3901 : vector<16xf32>
          %select_n3A_3903 = arith.select %ge3A_3902, %mul3A_3632, %select_n3A_3627 : vector<16xi1>, vector<16xf32>
          %select_n3A_3904 = arith.select %ge3A_3902, %select_n3A_3628, %mul3A_3632 : vector<16xi1>, vector<16xf32>
          %add3A_3905 = arith.addf %select_n3A_3903, %select_n3A_3904 : vector<16xf32>
          %mul3A_3906 = arith.constant 5.000000e-01 : f32
          %mul3A_3907 = vector.broadcast %mul3A_3906 : f32 to vector<16xf32>
          %mul3A_3908 = arith.mulf %mul3A_3907, %add3A_3905 : vector<16xf32>
          %ge3A_3909 = arith.cmpf oge, %get3A_49, %mul3A_3908 : vector<16xf32>
          %jit3A_3910 = arith.constant 1.000000e+00 : f32
          %jit3A_3911 = arith.constant 0.000000e+00 : f32
          %broadcast_in_dim3A_3912 = vector.broadcast %jit3A_3910 : f32 to vector<16xf32>
          %broadcast_in_dim3A_3913 = vector.broadcast %jit3A_3911 : f32 to vector<16xf32>
          %select_n3A_3914 = arith.select %ge3A_3909, %broadcast_in_dim3A_3912, %broadcast_in_dim3A_3913 : vector<16xi1>, vector<16xf32>
          %ge3A_3915 = arith.cmpf oge, %get3A_53, %mul3A_3908 : vector<16xf32>
          %jit3A_3916 = arith.constant 1.000000e+00 : f32
          %jit3A_3917 = arith.constant 0.000000e+00 : f32
          %broadcast_in_dim3A_3918 = vector.broadcast %jit3A_3916 : f32 to vector<16xf32>
          %broadcast_in_dim3A_3919 = vector.broadcast %jit3A_3917 : f32 to vector<16xf32>
          %select_n3A_3920 = arith.select %ge3A_3915, %broadcast_in_dim3A_3918, %broadcast_in_dim3A_3919 : vector<16xi1>, vector<16xf32>
          %add3A_3921 = arith.addf %select_n3A_3914, %select_n3A_3920 : vector<16xf32>
          %ge3A_3922 = arith.cmpf oge, %get3A_57, %mul3A_3908 : vector<16xf32>
          %jit3A_3923 = arith.constant 1.000000e+00 : f32
          %jit3A_3924 = arith.constant 0.000000e+00 : f32
          %broadcast_in_dim3A_3925 = vector.broadcast %jit3A_3923 : f32 to vector<16xf32>
          %broadcast_in_dim3A_3926 = vector.broadcast %jit3A_3924 : f32 to vector<16xf32>
          %select_n3A_3927 = arith.select %ge3A_3922, %broadcast_in_dim3A_3925, %broadcast_in_dim3A_3926 : vector<16xi1>, vector<16xf32>
          %add3A_3928 = arith.addf %add3A_3921, %select_n3A_3927 : vector<16xf32>
          %ge3A_3929 = arith.cmpf oge, %get3A_61, %mul3A_3908 : vector<16xf32>
          %jit3A_3930 = arith.constant 1.000000e+00 : f32
          %jit3A_3931 = arith.constant 0.000000e+00 : f32
          %broadcast_in_dim3A_3932 = vector.broadcast %jit3A_3930 : f32 to vector<16xf32>
          %broadcast_in_dim3A_3933 = vector.broadcast %jit3A_3931 : f32 to vector<16xf32>
          %select_n3A_3934 = arith.select %ge3A_3929, %broadcast_in_dim3A_3932, %broadcast_in_dim3A_3933 : vector<16xi1>, vector<16xf32>
          %add3A_3935 = arith.addf %add3A_3928, %select_n3A_3934 : vector<16xf32>
          %ge3A_3936 = arith.cmpf oge, %get3A_65, %mul3A_3908 : vector<16xf32>
          %jit3A_3937 = arith.constant 1.000000e+00 : f32
          %jit3A_3938 = arith.constant 0.000000e+00 : f32
          %broadcast_in_dim3A_3939 = vector.broadcast %jit3A_3937 : f32 to vector<16xf32>
          %broadcast_in_dim3A_3940 = vector.broadcast %jit3A_3938 : f32 to vector<16xf32>
          %select_n3A_3941 = arith.select %ge3A_3936, %broadcast_in_dim3A_3939, %broadcast_in_dim3A_3940 : vector<16xi1>, vector<16xf32>
          %add3A_3942 = arith.addf %add3A_3935, %select_n3A_3941 : vector<16xf32>
          %ge3A_3943 = arith.cmpf oge, %get3A_69, %mul3A_3908 : vector<16xf32>
          %jit3A_3944 = arith.constant 1.000000e+00 : f32
          %jit3A_3945 = arith.constant 0.000000e+00 : f32
          %broadcast_in_dim3A_3946 = vector.broadcast %jit3A_3944 : f32 to vector<16xf32>
          %broadcast_in_dim3A_3947 = vector.broadcast %jit3A_3945 : f32 to vector<16xf32>
          %select_n3A_3948 = arith.select %ge3A_3943, %broadcast_in_dim3A_3946, %broadcast_in_dim3A_3947 : vector<16xi1>, vector<16xf32>
          %add3A_3949 = arith.addf %add3A_3942, %select_n3A_3948 : vector<16xf32>
          %ge3A_3950 = arith.cmpf oge, %get3A_73, %mul3A_3908 : vector<16xf32>
          %jit3A_3951 = arith.constant 1.000000e+00 : f32
          %jit3A_3952 = arith.constant 0.000000e+00 : f32
          %broadcast_in_dim3A_3953 = vector.broadcast %jit3A_3951 : f32 to vector<16xf32>
          %broadcast_in_dim3A_3954 = vector.broadcast %jit3A_3952 : f32 to vector<16xf32>
          %select_n3A_3955 = arith.select %ge3A_3950, %broadcast_in_dim3A_3953, %broadcast_in_dim3A_3954 : vector<16xi1>, vector<16xf32>
          %add3A_3956 = arith.addf %add3A_3949, %select_n3A_3955 : vector<16xf32>
          %ge3A_3957 = arith.cmpf oge, %get3A_77, %mul3A_3908 : vector<16xf32>
          %jit3A_3958 = arith.constant 1.000000e+00 : f32
          %jit3A_3959 = arith.constant 0.000000e+00 : f32
          %broadcast_in_dim3A_3960 = vector.broadcast %jit3A_3958 : f32 to vector<16xf32>
          %broadcast_in_dim3A_3961 = vector.broadcast %jit3A_3959 : f32 to vector<16xf32>
          %select_n3A_3962 = arith.select %ge3A_3957, %broadcast_in_dim3A_3960, %broadcast_in_dim3A_3961 : vector<16xi1>, vector<16xf32>
          %add3A_3963 = arith.addf %add3A_3956, %select_n3A_3962 : vector<16xf32>
          %ge3A_3964 = arith.cmpf oge, %get3A_81, %mul3A_3908 : vector<16xf32>
          %jit3A_3965 = arith.constant 1.000000e+00 : f32
          %jit3A_3966 = arith.constant 0.000000e+00 : f32
          %broadcast_in_dim3A_3967 = vector.broadcast %jit3A_3965 : f32 to vector<16xf32>
          %broadcast_in_dim3A_3968 = vector.broadcast %jit3A_3966 : f32 to vector<16xf32>
          %select_n3A_3969 = arith.select %ge3A_3964, %broadcast_in_dim3A_3967, %broadcast_in_dim3A_3968 : vector<16xi1>, vector<16xf32>
          %add3A_3970 = arith.addf %add3A_3963, %select_n3A_3969 : vector<16xf32>
          %ge3A_3971 = arith.cmpf oge, %get3A_85, %mul3A_3908 : vector<16xf32>
          %jit3A_3972 = arith.constant 1.000000e+00 : f32
          %jit3A_3973 = arith.constant 0.000000e+00 : f32
          %broadcast_in_dim3A_3974 = vector.broadcast %jit3A_3972 : f32 to vector<16xf32>
          %broadcast_in_dim3A_3975 = vector.broadcast %jit3A_3973 : f32 to vector<16xf32>
          %select_n3A_3976 = arith.select %ge3A_3971, %broadcast_in_dim3A_3974, %broadcast_in_dim3A_3975 : vector<16xi1>, vector<16xf32>
          %add3A_3977 = arith.addf %add3A_3970, %select_n3A_3976 : vector<16xf32>
          %ge3A_3978 = arith.cmpf oge, %get3A_89, %mul3A_3908 : vector<16xf32>
          %jit3A_3979 = arith.constant 1.000000e+00 : f32
          %jit3A_3980 = arith.constant 0.000000e+00 : f32
          %broadcast_in_dim3A_3981 = vector.broadcast %jit3A_3979 : f32 to vector<16xf32>
          %broadcast_in_dim3A_3982 = vector.broadcast %jit3A_3980 : f32 to vector<16xf32>
          %select_n3A_3983 = arith.select %ge3A_3978, %broadcast_in_dim3A_3981, %broadcast_in_dim3A_3982 : vector<16xi1>, vector<16xf32>
          %add3A_3984 = arith.addf %add3A_3977, %select_n3A_3983 : vector<16xf32>
          %ge3A_3985 = arith.cmpf oge, %get3A_93, %mul3A_3908 : vector<16xf32>
          %jit3A_3986 = arith.constant 1.000000e+00 : f32
          %jit3A_3987 = arith.constant 0.000000e+00 : f32
          %broadcast_in_dim3A_3988 = vector.broadcast %jit3A_3986 : f32 to vector<16xf32>
          %broadcast_in_dim3A_3989 = vector.broadcast %jit3A_3987 : f32 to vector<16xf32>
          %select_n3A_3990 = arith.select %ge3A_3985, %broadcast_in_dim3A_3988, %broadcast_in_dim3A_3989 : vector<16xi1>, vector<16xf32>
          %add3A_3991 = arith.addf %add3A_3984, %select_n3A_3990 : vector<16xf32>
          %ge3A_3992 = arith.cmpf oge, %get3A_97, %mul3A_3908 : vector<16xf32>
          %jit3A_3993 = arith.constant 1.000000e+00 : f32
          %jit3A_3994 = arith.constant 0.000000e+00 : f32
          %broadcast_in_dim3A_3995 = vector.broadcast %jit3A_3993 : f32 to vector<16xf32>
          %broadcast_in_dim3A_3996 = vector.broadcast %jit3A_3994 : f32 to vector<16xf32>
          %select_n3A_3997 = arith.select %ge3A_3992, %broadcast_in_dim3A_3995, %broadcast_in_dim3A_3996 : vector<16xi1>, vector<16xf32>
          %add3A_3998 = arith.addf %add3A_3991, %select_n3A_3997 : vector<16xf32>
          %ge3A_3999 = arith.cmpf oge, %get3A_101, %mul3A_3908 : vector<16xf32>
          %jit3A_4000 = arith.constant 1.000000e+00 : f32
          %jit3A_4001 = arith.constant 0.000000e+00 : f32
          %broadcast_in_dim3A_4002 = vector.broadcast %jit3A_4000 : f32 to vector<16xf32>
          %broadcast_in_dim3A_4003 = vector.broadcast %jit3A_4001 : f32 to vector<16xf32>
          %select_n3A_4004 = arith.select %ge3A_3999, %broadcast_in_dim3A_4002, %broadcast_in_dim3A_4003 : vector<16xi1>, vector<16xf32>
          %add3A_4005 = arith.addf %add3A_3998, %select_n3A_4004 : vector<16xf32>
          %ge3A_4006 = arith.cmpf oge, %get3A_105, %mul3A_3908 : vector<16xf32>
          %jit3A_4007 = arith.constant 1.000000e+00 : f32
          %jit3A_4008 = arith.constant 0.000000e+00 : f32
          %broadcast_in_dim3A_4009 = vector.broadcast %jit3A_4007 : f32 to vector<16xf32>
          %broadcast_in_dim3A_4010 = vector.broadcast %jit3A_4008 : f32 to vector<16xf32>
          %select_n3A_4011 = arith.select %ge3A_4006, %broadcast_in_dim3A_4009, %broadcast_in_dim3A_4010 : vector<16xi1>, vector<16xf32>
          %add3A_4012 = arith.addf %add3A_4005, %select_n3A_4011 : vector<16xf32>
          %ge3A_4013 = arith.cmpf oge, %get3A_109, %mul3A_3908 : vector<16xf32>
          %jit3A_4014 = arith.constant 1.000000e+00 : f32
          %jit3A_4015 = arith.constant 0.000000e+00 : f32
          %broadcast_in_dim3A_4016 = vector.broadcast %jit3A_4014 : f32 to vector<16xf32>
          %broadcast_in_dim3A_4017 = vector.broadcast %jit3A_4015 : f32 to vector<16xf32>
          %select_n3A_4018 = arith.select %ge3A_4013, %broadcast_in_dim3A_4016, %broadcast_in_dim3A_4017 : vector<16xi1>, vector<16xf32>
          %add3A_4019 = arith.addf %add3A_4012, %select_n3A_4018 : vector<16xf32>
          %ge3A_4020 = arith.cmpf oge, %get3A_113, %mul3A_3908 : vector<16xf32>
          %jit3A_4021 = arith.constant 1.000000e+00 : f32
          %jit3A_4022 = arith.constant 0.000000e+00 : f32
          %broadcast_in_dim3A_4023 = vector.broadcast %jit3A_4021 : f32 to vector<16xf32>
          %broadcast_in_dim3A_4024 = vector.broadcast %jit3A_4022 : f32 to vector<16xf32>
          %select_n3A_4025 = arith.select %ge3A_4020, %broadcast_in_dim3A_4023, %broadcast_in_dim3A_4024 : vector<16xi1>, vector<16xf32>
          %add3A_4026 = arith.addf %add3A_4019, %select_n3A_4025 : vector<16xf32>
          %ge3A_4027 = arith.cmpf oge, %get3A_117, %mul3A_3908 : vector<16xf32>
          %jit3A_4028 = arith.constant 1.000000e+00 : f32
          %jit3A_4029 = arith.constant 0.000000e+00 : f32
          %broadcast_in_dim3A_4030 = vector.broadcast %jit3A_4028 : f32 to vector<16xf32>
          %broadcast_in_dim3A_4031 = vector.broadcast %jit3A_4029 : f32 to vector<16xf32>
          %select_n3A_4032 = arith.select %ge3A_4027, %broadcast_in_dim3A_4030, %broadcast_in_dim3A_4031 : vector<16xi1>, vector<16xf32>
          %add3A_4033 = arith.addf %add3A_4026, %select_n3A_4032 : vector<16xf32>
          %ge3A_4034 = arith.cmpf oge, %get3A_121, %mul3A_3908 : vector<16xf32>
          %jit3A_4035 = arith.constant 1.000000e+00 : f32
          %jit3A_4036 = arith.constant 0.000000e+00 : f32
          %broadcast_in_dim3A_4037 = vector.broadcast %jit3A_4035 : f32 to vector<16xf32>
          %broadcast_in_dim3A_4038 = vector.broadcast %jit3A_4036 : f32 to vector<16xf32>
          %select_n3A_4039 = arith.select %ge3A_4034, %broadcast_in_dim3A_4037, %broadcast_in_dim3A_4038 : vector<16xi1>, vector<16xf32>
          %add3A_4040 = arith.addf %add3A_4033, %select_n3A_4039 : vector<16xf32>
          %ge3A_4041 = arith.cmpf oge, %get3A_125, %mul3A_3908 : vector<16xf32>
          %jit3A_4042 = arith.constant 1.000000e+00 : f32
          %jit3A_4043 = arith.constant 0.000000e+00 : f32
          %broadcast_in_dim3A_4044 = vector.broadcast %jit3A_4042 : f32 to vector<16xf32>
          %broadcast_in_dim3A_4045 = vector.broadcast %jit3A_4043 : f32 to vector<16xf32>
          %select_n3A_4046 = arith.select %ge3A_4041, %broadcast_in_dim3A_4044, %broadcast_in_dim3A_4045 : vector<16xi1>, vector<16xf32>
          %add3A_4047 = arith.addf %add3A_4040, %select_n3A_4046 : vector<16xf32>
          %ge3A_4048 = arith.cmpf oge, %get3A_129, %mul3A_3908 : vector<16xf32>
          %jit3A_4049 = arith.constant 1.000000e+00 : f32
          %jit3A_4050 = arith.constant 0.000000e+00 : f32
          %broadcast_in_dim3A_4051 = vector.broadcast %jit3A_4049 : f32 to vector<16xf32>
          %broadcast_in_dim3A_4052 = vector.broadcast %jit3A_4050 : f32 to vector<16xf32>
          %select_n3A_4053 = arith.select %ge3A_4048, %broadcast_in_dim3A_4051, %broadcast_in_dim3A_4052 : vector<16xi1>, vector<16xf32>
          %add3A_4054 = arith.addf %add3A_4047, %select_n3A_4053 : vector<16xf32>
          %ge3A_4055 = arith.cmpf oge, %get3A_133, %mul3A_3908 : vector<16xf32>
          %jit3A_4056 = arith.constant 1.000000e+00 : f32
          %jit3A_4057 = arith.constant 0.000000e+00 : f32
          %broadcast_in_dim3A_4058 = vector.broadcast %jit3A_4056 : f32 to vector<16xf32>
          %broadcast_in_dim3A_4059 = vector.broadcast %jit3A_4057 : f32 to vector<16xf32>
          %select_n3A_4060 = arith.select %ge3A_4055, %broadcast_in_dim3A_4058, %broadcast_in_dim3A_4059 : vector<16xi1>, vector<16xf32>
          %add3A_4061 = arith.addf %add3A_4054, %select_n3A_4060 : vector<16xf32>
          %ge3A_4062 = arith.cmpf oge, %get3A_137, %mul3A_3908 : vector<16xf32>
          %jit3A_4063 = arith.constant 1.000000e+00 : f32
          %jit3A_4064 = arith.constant 0.000000e+00 : f32
          %broadcast_in_dim3A_4065 = vector.broadcast %jit3A_4063 : f32 to vector<16xf32>
          %broadcast_in_dim3A_4066 = vector.broadcast %jit3A_4064 : f32 to vector<16xf32>
          %select_n3A_4067 = arith.select %ge3A_4062, %broadcast_in_dim3A_4065, %broadcast_in_dim3A_4066 : vector<16xi1>, vector<16xf32>
          %add3A_4068 = arith.addf %add3A_4061, %select_n3A_4067 : vector<16xf32>
          %ge3A_4069 = arith.cmpf oge, %get3A_141, %mul3A_3908 : vector<16xf32>
          %jit3A_4070 = arith.constant 1.000000e+00 : f32
          %jit3A_4071 = arith.constant 0.000000e+00 : f32
          %broadcast_in_dim3A_4072 = vector.broadcast %jit3A_4070 : f32 to vector<16xf32>
          %broadcast_in_dim3A_4073 = vector.broadcast %jit3A_4071 : f32 to vector<16xf32>
          %select_n3A_4074 = arith.select %ge3A_4069, %broadcast_in_dim3A_4072, %broadcast_in_dim3A_4073 : vector<16xi1>, vector<16xf32>
          %add3A_4075 = arith.addf %add3A_4068, %select_n3A_4074 : vector<16xf32>
          %ge3A_4076 = arith.cmpf oge, %get3A_145, %mul3A_3908 : vector<16xf32>
          %jit3A_4077 = arith.constant 1.000000e+00 : f32
          %jit3A_4078 = arith.constant 0.000000e+00 : f32
          %broadcast_in_dim3A_4079 = vector.broadcast %jit3A_4077 : f32 to vector<16xf32>
          %broadcast_in_dim3A_4080 = vector.broadcast %jit3A_4078 : f32 to vector<16xf32>
          %select_n3A_4081 = arith.select %ge3A_4076, %broadcast_in_dim3A_4079, %broadcast_in_dim3A_4080 : vector<16xi1>, vector<16xf32>
          %add3A_4082 = arith.addf %add3A_4075, %select_n3A_4081 : vector<16xf32>
          %ge3A_4083 = arith.cmpf oge, %get3A_149, %mul3A_3908 : vector<16xf32>
          %jit3A_4084 = arith.constant 1.000000e+00 : f32
          %jit3A_4085 = arith.constant 0.000000e+00 : f32
          %broadcast_in_dim3A_4086 = vector.broadcast %jit3A_4084 : f32 to vector<16xf32>
          %broadcast_in_dim3A_4087 = vector.broadcast %jit3A_4085 : f32 to vector<16xf32>
          %select_n3A_4088 = arith.select %ge3A_4083, %broadcast_in_dim3A_4086, %broadcast_in_dim3A_4087 : vector<16xi1>, vector<16xf32>
          %add3A_4089 = arith.addf %add3A_4082, %select_n3A_4088 : vector<16xf32>
          %ge3A_4090 = arith.cmpf oge, %get3A_153, %mul3A_3908 : vector<16xf32>
          %jit3A_4091 = arith.constant 1.000000e+00 : f32
          %jit3A_4092 = arith.constant 0.000000e+00 : f32
          %broadcast_in_dim3A_4093 = vector.broadcast %jit3A_4091 : f32 to vector<16xf32>
          %broadcast_in_dim3A_4094 = vector.broadcast %jit3A_4092 : f32 to vector<16xf32>
          %select_n3A_4095 = arith.select %ge3A_4090, %broadcast_in_dim3A_4093, %broadcast_in_dim3A_4094 : vector<16xi1>, vector<16xf32>
          %add3A_4096 = arith.addf %add3A_4089, %select_n3A_4095 : vector<16xf32>
          %ge3A_4097 = arith.cmpf oge, %get3A_157, %mul3A_3908 : vector<16xf32>
          %jit3A_4098 = arith.constant 1.000000e+00 : f32
          %jit3A_4099 = arith.constant 0.000000e+00 : f32
          %broadcast_in_dim3A_4100 = vector.broadcast %jit3A_4098 : f32 to vector<16xf32>
          %broadcast_in_dim3A_4101 = vector.broadcast %jit3A_4099 : f32 to vector<16xf32>
          %select_n3A_4102 = arith.select %ge3A_4097, %broadcast_in_dim3A_4100, %broadcast_in_dim3A_4101 : vector<16xi1>, vector<16xf32>
          %add3A_4103 = arith.addf %add3A_4096, %select_n3A_4102 : vector<16xf32>
          %ge3A_4104 = arith.cmpf oge, %get3A_161, %mul3A_3908 : vector<16xf32>
          %jit3A_4105 = arith.constant 1.000000e+00 : f32
          %jit3A_4106 = arith.constant 0.000000e+00 : f32
          %broadcast_in_dim3A_4107 = vector.broadcast %jit3A_4105 : f32 to vector<16xf32>
          %broadcast_in_dim3A_4108 = vector.broadcast %jit3A_4106 : f32 to vector<16xf32>
          %select_n3A_4109 = arith.select %ge3A_4104, %broadcast_in_dim3A_4107, %broadcast_in_dim3A_4108 : vector<16xi1>, vector<16xf32>
          %add3A_4110 = arith.addf %add3A_4103, %select_n3A_4109 : vector<16xf32>
          %ge3A_4111 = arith.cmpf oge, %get3A_165, %mul3A_3908 : vector<16xf32>
          %jit3A_4112 = arith.constant 1.000000e+00 : f32
          %jit3A_4113 = arith.constant 0.000000e+00 : f32
          %broadcast_in_dim3A_4114 = vector.broadcast %jit3A_4112 : f32 to vector<16xf32>
          %broadcast_in_dim3A_4115 = vector.broadcast %jit3A_4113 : f32 to vector<16xf32>
          %select_n3A_4116 = arith.select %ge3A_4111, %broadcast_in_dim3A_4114, %broadcast_in_dim3A_4115 : vector<16xi1>, vector<16xf32>
          %add3A_4117 = arith.addf %add3A_4110, %select_n3A_4116 : vector<16xf32>
          %ge3A_4118 = arith.cmpf oge, %get3A_169, %mul3A_3908 : vector<16xf32>
          %jit3A_4119 = arith.constant 1.000000e+00 : f32
          %jit3A_4120 = arith.constant 0.000000e+00 : f32
          %broadcast_in_dim3A_4121 = vector.broadcast %jit3A_4119 : f32 to vector<16xf32>
          %broadcast_in_dim3A_4122 = vector.broadcast %jit3A_4120 : f32 to vector<16xf32>
          %select_n3A_4123 = arith.select %ge3A_4118, %broadcast_in_dim3A_4121, %broadcast_in_dim3A_4122 : vector<16xi1>, vector<16xf32>
          %add3A_4124 = arith.addf %add3A_4117, %select_n3A_4123 : vector<16xf32>
          %ge3A_4125 = arith.cmpf oge, %get3A_173, %mul3A_3908 : vector<16xf32>
          %jit3A_4126 = arith.constant 1.000000e+00 : f32
          %jit3A_4127 = arith.constant 0.000000e+00 : f32
          %broadcast_in_dim3A_4128 = vector.broadcast %jit3A_4126 : f32 to vector<16xf32>
          %broadcast_in_dim3A_4129 = vector.broadcast %jit3A_4127 : f32 to vector<16xf32>
          %select_n3A_4130 = arith.select %ge3A_4125, %broadcast_in_dim3A_4128, %broadcast_in_dim3A_4129 : vector<16xi1>, vector<16xf32>
          %add3A_4131 = arith.addf %add3A_4124, %select_n3A_4130 : vector<16xf32>
          %lt3A_4132 = arith.constant 0 : i32
          %lt3A_4133 = vector.broadcast %lt3A_4132 : i32 to vector<16xi32>
          %lt3A_4134 = arith.cmpi slt, %xor3A_13, %lt3A_4133 : vector<16xi32>
          %add3A_4135 = arith.constant 16 : i32
          %add3A_4136 = vector.broadcast %add3A_4135 : i32 to vector<16xi32>
          %add3A_4137 = arith.addi %xor3A_13, %add3A_4136 : vector<16xi32>
          %select_n3A_4138 = arith.select %lt3A_4134, %add3A_4137, %xor3A_13 : vector<16xi1>, vector<16xi32>
          %broadcast_in_dim3A_4139 = vector.shape_cast %select_n3A_4138 : vector<16xi32> to vector<16x1xi32>
          %gather3A_4140 = vector.shape_cast %broadcast_in_dim3A_4139 : vector<16x1xi32> to vector<16xi32>
          %gather3A_4141 = tpu.dynamic_gather %add3A_4131[%gather3A_4140] in [0] : vector<16xf32>, vector<16xi32> -> vector<16xf32>
          %add3A_4142 = arith.addf %add3A_4131, %gather3A_4141 : vector<16xf32>
          %lt3A_4143 = arith.constant 0 : i32
          %lt3A_4144 = vector.broadcast %lt3A_4143 : i32 to vector<16xi32>
          %lt3A_4145 = arith.cmpi slt, %xor3A_16, %lt3A_4144 : vector<16xi32>
          %add3A_4146 = arith.constant 16 : i32
          %add3A_4147 = vector.broadcast %add3A_4146 : i32 to vector<16xi32>
          %add3A_4148 = arith.addi %xor3A_16, %add3A_4147 : vector<16xi32>
          %select_n3A_4149 = arith.select %lt3A_4145, %add3A_4148, %xor3A_16 : vector<16xi1>, vector<16xi32>
          %broadcast_in_dim3A_4150 = vector.shape_cast %select_n3A_4149 : vector<16xi32> to vector<16x1xi32>
          %gather3A_4151 = vector.shape_cast %broadcast_in_dim3A_4150 : vector<16x1xi32> to vector<16xi32>
          %gather3A_4152 = tpu.dynamic_gather %add3A_4142[%gather3A_4151] in [0] : vector<16xf32>, vector<16xi32> -> vector<16xf32>
          %add3A_4153 = arith.addf %add3A_4142, %gather3A_4152 : vector<16xf32>
          %lt3A_4154 = arith.constant 0 : i32
          %lt3A_4155 = vector.broadcast %lt3A_4154 : i32 to vector<16xi32>
          %lt3A_4156 = arith.cmpi slt, %xor3A_19, %lt3A_4155 : vector<16xi32>
          %add3A_4157 = arith.constant 16 : i32
          %add3A_4158 = vector.broadcast %add3A_4157 : i32 to vector<16xi32>
          %add3A_4159 = arith.addi %xor3A_19, %add3A_4158 : vector<16xi32>
          %select_n3A_4160 = arith.select %lt3A_4156, %add3A_4159, %xor3A_19 : vector<16xi1>, vector<16xi32>
          %broadcast_in_dim3A_4161 = vector.shape_cast %select_n3A_4160 : vector<16xi32> to vector<16x1xi32>
          %gather3A_4162 = vector.shape_cast %broadcast_in_dim3A_4161 : vector<16x1xi32> to vector<16xi32>
          %gather3A_4163 = tpu.dynamic_gather %add3A_4153[%gather3A_4162] in [0] : vector<16xf32>, vector<16xi32> -> vector<16xf32>
          %add3A_4164 = arith.addf %add3A_4153, %gather3A_4163 : vector<16xf32>
          %lt3A_4165 = arith.constant 0 : i32
          %lt3A_4166 = vector.broadcast %lt3A_4165 : i32 to vector<16xi32>
          %lt3A_4167 = arith.cmpi slt, %xor3A_22, %lt3A_4166 : vector<16xi32>
          %add3A_4168 = arith.constant 16 : i32
          %add3A_4169 = vector.broadcast %add3A_4168 : i32 to vector<16xi32>
          %add3A_4170 = arith.addi %xor3A_22, %add3A_4169 : vector<16xi32>
          %select_n3A_4171 = arith.select %lt3A_4167, %add3A_4170, %xor3A_22 : vector<16xi1>, vector<16xi32>
          %broadcast_in_dim3A_4172 = vector.shape_cast %select_n3A_4171 : vector<16xi32> to vector<16x1xi32>
          %gather3A_4173 = vector.shape_cast %broadcast_in_dim3A_4172 : vector<16x1xi32> to vector<16xi32>
          %gather3A_4174 = tpu.dynamic_gather %add3A_4164[%gather3A_4173] in [0] : vector<16xf32>, vector<16xi32> -> vector<16xf32>
          %add3A_4175 = arith.addf %add3A_4164, %gather3A_4174 : vector<16xf32>
          %ge3A_4176 = arith.constant 6.400000e+01 : f32
          %ge3A_4177 = vector.broadcast %ge3A_4176 : f32 to vector<16xf32>
          %ge3A_4178 = arith.cmpf oge, %add3A_4175, %ge3A_4177 : vector<16xf32>
          %select_n3A_4179 = arith.select %ge3A_4178, %mul3A_3908, %select_n3A_3903 : vector<16xi1>, vector<16xf32>
          %select_n3A_4180 = arith.select %ge3A_4178, %select_n3A_3904, %mul3A_3908 : vector<16xi1>, vector<16xf32>
          %add3A_4181 = arith.addf %select_n3A_4179, %select_n3A_4180 : vector<16xf32>
          %mul3A_4182 = arith.constant 5.000000e-01 : f32
          %mul3A_4183 = vector.broadcast %mul3A_4182 : f32 to vector<16xf32>
          %mul3A_4184 = arith.mulf %mul3A_4183, %add3A_4181 : vector<16xf32>
          %ge3A_4185 = arith.cmpf oge, %get3A_49, %mul3A_4184 : vector<16xf32>
          %jit3A_4186 = arith.constant 1.000000e+00 : f32
          %jit3A_4187 = arith.constant 0.000000e+00 : f32
          %broadcast_in_dim3A_4188 = vector.broadcast %jit3A_4186 : f32 to vector<16xf32>
          %broadcast_in_dim3A_4189 = vector.broadcast %jit3A_4187 : f32 to vector<16xf32>
          %select_n3A_4190 = arith.select %ge3A_4185, %broadcast_in_dim3A_4188, %broadcast_in_dim3A_4189 : vector<16xi1>, vector<16xf32>
          %ge3A_4191 = arith.cmpf oge, %get3A_53, %mul3A_4184 : vector<16xf32>
          %jit3A_4192 = arith.constant 1.000000e+00 : f32
          %jit3A_4193 = arith.constant 0.000000e+00 : f32
          %broadcast_in_dim3A_4194 = vector.broadcast %jit3A_4192 : f32 to vector<16xf32>
          %broadcast_in_dim3A_4195 = vector.broadcast %jit3A_4193 : f32 to vector<16xf32>
          %select_n3A_4196 = arith.select %ge3A_4191, %broadcast_in_dim3A_4194, %broadcast_in_dim3A_4195 : vector<16xi1>, vector<16xf32>
          %add3A_4197 = arith.addf %select_n3A_4190, %select_n3A_4196 : vector<16xf32>
          %ge3A_4198 = arith.cmpf oge, %get3A_57, %mul3A_4184 : vector<16xf32>
          %jit3A_4199 = arith.constant 1.000000e+00 : f32
          %jit3A_4200 = arith.constant 0.000000e+00 : f32
          %broadcast_in_dim3A_4201 = vector.broadcast %jit3A_4199 : f32 to vector<16xf32>
          %broadcast_in_dim3A_4202 = vector.broadcast %jit3A_4200 : f32 to vector<16xf32>
          %select_n3A_4203 = arith.select %ge3A_4198, %broadcast_in_dim3A_4201, %broadcast_in_dim3A_4202 : vector<16xi1>, vector<16xf32>
          %add3A_4204 = arith.addf %add3A_4197, %select_n3A_4203 : vector<16xf32>
          %ge3A_4205 = arith.cmpf oge, %get3A_61, %mul3A_4184 : vector<16xf32>
          %jit3A_4206 = arith.constant 1.000000e+00 : f32
          %jit3A_4207 = arith.constant 0.000000e+00 : f32
          %broadcast_in_dim3A_4208 = vector.broadcast %jit3A_4206 : f32 to vector<16xf32>
          %broadcast_in_dim3A_4209 = vector.broadcast %jit3A_4207 : f32 to vector<16xf32>
          %select_n3A_4210 = arith.select %ge3A_4205, %broadcast_in_dim3A_4208, %broadcast_in_dim3A_4209 : vector<16xi1>, vector<16xf32>
          %add3A_4211 = arith.addf %add3A_4204, %select_n3A_4210 : vector<16xf32>
          %ge3A_4212 = arith.cmpf oge, %get3A_65, %mul3A_4184 : vector<16xf32>
          %jit3A_4213 = arith.constant 1.000000e+00 : f32
          %jit3A_4214 = arith.constant 0.000000e+00 : f32
          %broadcast_in_dim3A_4215 = vector.broadcast %jit3A_4213 : f32 to vector<16xf32>
          %broadcast_in_dim3A_4216 = vector.broadcast %jit3A_4214 : f32 to vector<16xf32>
          %select_n3A_4217 = arith.select %ge3A_4212, %broadcast_in_dim3A_4215, %broadcast_in_dim3A_4216 : vector<16xi1>, vector<16xf32>
          %add3A_4218 = arith.addf %add3A_4211, %select_n3A_4217 : vector<16xf32>
          %ge3A_4219 = arith.cmpf oge, %get3A_69, %mul3A_4184 : vector<16xf32>
          %jit3A_4220 = arith.constant 1.000000e+00 : f32
          %jit3A_4221 = arith.constant 0.000000e+00 : f32
          %broadcast_in_dim3A_4222 = vector.broadcast %jit3A_4220 : f32 to vector<16xf32>
          %broadcast_in_dim3A_4223 = vector.broadcast %jit3A_4221 : f32 to vector<16xf32>
          %select_n3A_4224 = arith.select %ge3A_4219, %broadcast_in_dim3A_4222, %broadcast_in_dim3A_4223 : vector<16xi1>, vector<16xf32>
          %add3A_4225 = arith.addf %add3A_4218, %select_n3A_4224 : vector<16xf32>
          %ge3A_4226 = arith.cmpf oge, %get3A_73, %mul3A_4184 : vector<16xf32>
          %jit3A_4227 = arith.constant 1.000000e+00 : f32
          %jit3A_4228 = arith.constant 0.000000e+00 : f32
          %broadcast_in_dim3A_4229 = vector.broadcast %jit3A_4227 : f32 to vector<16xf32>
          %broadcast_in_dim3A_4230 = vector.broadcast %jit3A_4228 : f32 to vector<16xf32>
          %select_n3A_4231 = arith.select %ge3A_4226, %broadcast_in_dim3A_4229, %broadcast_in_dim3A_4230 : vector<16xi1>, vector<16xf32>
          %add3A_4232 = arith.addf %add3A_4225, %select_n3A_4231 : vector<16xf32>
          %ge3A_4233 = arith.cmpf oge, %get3A_77, %mul3A_4184 : vector<16xf32>
          %jit3A_4234 = arith.constant 1.000000e+00 : f32
          %jit3A_4235 = arith.constant 0.000000e+00 : f32
          %broadcast_in_dim3A_4236 = vector.broadcast %jit3A_4234 : f32 to vector<16xf32>
          %broadcast_in_dim3A_4237 = vector.broadcast %jit3A_4235 : f32 to vector<16xf32>
          %select_n3A_4238 = arith.select %ge3A_4233, %broadcast_in_dim3A_4236, %broadcast_in_dim3A_4237 : vector<16xi1>, vector<16xf32>
          %add3A_4239 = arith.addf %add3A_4232, %select_n3A_4238 : vector<16xf32>
          %ge3A_4240 = arith.cmpf oge, %get3A_81, %mul3A_4184 : vector<16xf32>
          %jit3A_4241 = arith.constant 1.000000e+00 : f32
          %jit3A_4242 = arith.constant 0.000000e+00 : f32
          %broadcast_in_dim3A_4243 = vector.broadcast %jit3A_4241 : f32 to vector<16xf32>
          %broadcast_in_dim3A_4244 = vector.broadcast %jit3A_4242 : f32 to vector<16xf32>
          %select_n3A_4245 = arith.select %ge3A_4240, %broadcast_in_dim3A_4243, %broadcast_in_dim3A_4244 : vector<16xi1>, vector<16xf32>
          %add3A_4246 = arith.addf %add3A_4239, %select_n3A_4245 : vector<16xf32>
          %ge3A_4247 = arith.cmpf oge, %get3A_85, %mul3A_4184 : vector<16xf32>
          %jit3A_4248 = arith.constant 1.000000e+00 : f32
          %jit3A_4249 = arith.constant 0.000000e+00 : f32
          %broadcast_in_dim3A_4250 = vector.broadcast %jit3A_4248 : f32 to vector<16xf32>
          %broadcast_in_dim3A_4251 = vector.broadcast %jit3A_4249 : f32 to vector<16xf32>
          %select_n3A_4252 = arith.select %ge3A_4247, %broadcast_in_dim3A_4250, %broadcast_in_dim3A_4251 : vector<16xi1>, vector<16xf32>
          %add3A_4253 = arith.addf %add3A_4246, %select_n3A_4252 : vector<16xf32>
          %ge3A_4254 = arith.cmpf oge, %get3A_89, %mul3A_4184 : vector<16xf32>
          %jit3A_4255 = arith.constant 1.000000e+00 : f32
          %jit3A_4256 = arith.constant 0.000000e+00 : f32
          %broadcast_in_dim3A_4257 = vector.broadcast %jit3A_4255 : f32 to vector<16xf32>
          %broadcast_in_dim3A_4258 = vector.broadcast %jit3A_4256 : f32 to vector<16xf32>
          %select_n3A_4259 = arith.select %ge3A_4254, %broadcast_in_dim3A_4257, %broadcast_in_dim3A_4258 : vector<16xi1>, vector<16xf32>
          %add3A_4260 = arith.addf %add3A_4253, %select_n3A_4259 : vector<16xf32>
          %ge3A_4261 = arith.cmpf oge, %get3A_93, %mul3A_4184 : vector<16xf32>
          %jit3A_4262 = arith.constant 1.000000e+00 : f32
          %jit3A_4263 = arith.constant 0.000000e+00 : f32
          %broadcast_in_dim3A_4264 = vector.broadcast %jit3A_4262 : f32 to vector<16xf32>
          %broadcast_in_dim3A_4265 = vector.broadcast %jit3A_4263 : f32 to vector<16xf32>
          %select_n3A_4266 = arith.select %ge3A_4261, %broadcast_in_dim3A_4264, %broadcast_in_dim3A_4265 : vector<16xi1>, vector<16xf32>
          %add3A_4267 = arith.addf %add3A_4260, %select_n3A_4266 : vector<16xf32>
          %ge3A_4268 = arith.cmpf oge, %get3A_97, %mul3A_4184 : vector<16xf32>
          %jit3A_4269 = arith.constant 1.000000e+00 : f32
          %jit3A_4270 = arith.constant 0.000000e+00 : f32
          %broadcast_in_dim3A_4271 = vector.broadcast %jit3A_4269 : f32 to vector<16xf32>
          %broadcast_in_dim3A_4272 = vector.broadcast %jit3A_4270 : f32 to vector<16xf32>
          %select_n3A_4273 = arith.select %ge3A_4268, %broadcast_in_dim3A_4271, %broadcast_in_dim3A_4272 : vector<16xi1>, vector<16xf32>
          %add3A_4274 = arith.addf %add3A_4267, %select_n3A_4273 : vector<16xf32>
          %ge3A_4275 = arith.cmpf oge, %get3A_101, %mul3A_4184 : vector<16xf32>
          %jit3A_4276 = arith.constant 1.000000e+00 : f32
          %jit3A_4277 = arith.constant 0.000000e+00 : f32
          %broadcast_in_dim3A_4278 = vector.broadcast %jit3A_4276 : f32 to vector<16xf32>
          %broadcast_in_dim3A_4279 = vector.broadcast %jit3A_4277 : f32 to vector<16xf32>
          %select_n3A_4280 = arith.select %ge3A_4275, %broadcast_in_dim3A_4278, %broadcast_in_dim3A_4279 : vector<16xi1>, vector<16xf32>
          %add3A_4281 = arith.addf %add3A_4274, %select_n3A_4280 : vector<16xf32>
          %ge3A_4282 = arith.cmpf oge, %get3A_105, %mul3A_4184 : vector<16xf32>
          %jit3A_4283 = arith.constant 1.000000e+00 : f32
          %jit3A_4284 = arith.constant 0.000000e+00 : f32
          %broadcast_in_dim3A_4285 = vector.broadcast %jit3A_4283 : f32 to vector<16xf32>
          %broadcast_in_dim3A_4286 = vector.broadcast %jit3A_4284 : f32 to vector<16xf32>
          %select_n3A_4287 = arith.select %ge3A_4282, %broadcast_in_dim3A_4285, %broadcast_in_dim3A_4286 : vector<16xi1>, vector<16xf32>
          %add3A_4288 = arith.addf %add3A_4281, %select_n3A_4287 : vector<16xf32>
          %ge3A_4289 = arith.cmpf oge, %get3A_109, %mul3A_4184 : vector<16xf32>
          %jit3A_4290 = arith.constant 1.000000e+00 : f32
          %jit3A_4291 = arith.constant 0.000000e+00 : f32
          %broadcast_in_dim3A_4292 = vector.broadcast %jit3A_4290 : f32 to vector<16xf32>
          %broadcast_in_dim3A_4293 = vector.broadcast %jit3A_4291 : f32 to vector<16xf32>
          %select_n3A_4294 = arith.select %ge3A_4289, %broadcast_in_dim3A_4292, %broadcast_in_dim3A_4293 : vector<16xi1>, vector<16xf32>
          %add3A_4295 = arith.addf %add3A_4288, %select_n3A_4294 : vector<16xf32>
          %ge3A_4296 = arith.cmpf oge, %get3A_113, %mul3A_4184 : vector<16xf32>
          %jit3A_4297 = arith.constant 1.000000e+00 : f32
          %jit3A_4298 = arith.constant 0.000000e+00 : f32
          %broadcast_in_dim3A_4299 = vector.broadcast %jit3A_4297 : f32 to vector<16xf32>
          %broadcast_in_dim3A_4300 = vector.broadcast %jit3A_4298 : f32 to vector<16xf32>
          %select_n3A_4301 = arith.select %ge3A_4296, %broadcast_in_dim3A_4299, %broadcast_in_dim3A_4300 : vector<16xi1>, vector<16xf32>
          %add3A_4302 = arith.addf %add3A_4295, %select_n3A_4301 : vector<16xf32>
          %ge3A_4303 = arith.cmpf oge, %get3A_117, %mul3A_4184 : vector<16xf32>
          %jit3A_4304 = arith.constant 1.000000e+00 : f32
          %jit3A_4305 = arith.constant 0.000000e+00 : f32
          %broadcast_in_dim3A_4306 = vector.broadcast %jit3A_4304 : f32 to vector<16xf32>
          %broadcast_in_dim3A_4307 = vector.broadcast %jit3A_4305 : f32 to vector<16xf32>
          %select_n3A_4308 = arith.select %ge3A_4303, %broadcast_in_dim3A_4306, %broadcast_in_dim3A_4307 : vector<16xi1>, vector<16xf32>
          %add3A_4309 = arith.addf %add3A_4302, %select_n3A_4308 : vector<16xf32>
          %ge3A_4310 = arith.cmpf oge, %get3A_121, %mul3A_4184 : vector<16xf32>
          %jit3A_4311 = arith.constant 1.000000e+00 : f32
          %jit3A_4312 = arith.constant 0.000000e+00 : f32
          %broadcast_in_dim3A_4313 = vector.broadcast %jit3A_4311 : f32 to vector<16xf32>
          %broadcast_in_dim3A_4314 = vector.broadcast %jit3A_4312 : f32 to vector<16xf32>
          %select_n3A_4315 = arith.select %ge3A_4310, %broadcast_in_dim3A_4313, %broadcast_in_dim3A_4314 : vector<16xi1>, vector<16xf32>
          %add3A_4316 = arith.addf %add3A_4309, %select_n3A_4315 : vector<16xf32>
          %ge3A_4317 = arith.cmpf oge, %get3A_125, %mul3A_4184 : vector<16xf32>
          %jit3A_4318 = arith.constant 1.000000e+00 : f32
          %jit3A_4319 = arith.constant 0.000000e+00 : f32
          %broadcast_in_dim3A_4320 = vector.broadcast %jit3A_4318 : f32 to vector<16xf32>
          %broadcast_in_dim3A_4321 = vector.broadcast %jit3A_4319 : f32 to vector<16xf32>
          %select_n3A_4322 = arith.select %ge3A_4317, %broadcast_in_dim3A_4320, %broadcast_in_dim3A_4321 : vector<16xi1>, vector<16xf32>
          %add3A_4323 = arith.addf %add3A_4316, %select_n3A_4322 : vector<16xf32>
          %ge3A_4324 = arith.cmpf oge, %get3A_129, %mul3A_4184 : vector<16xf32>
          %jit3A_4325 = arith.constant 1.000000e+00 : f32
          %jit3A_4326 = arith.constant 0.000000e+00 : f32
          %broadcast_in_dim3A_4327 = vector.broadcast %jit3A_4325 : f32 to vector<16xf32>
          %broadcast_in_dim3A_4328 = vector.broadcast %jit3A_4326 : f32 to vector<16xf32>
          %select_n3A_4329 = arith.select %ge3A_4324, %broadcast_in_dim3A_4327, %broadcast_in_dim3A_4328 : vector<16xi1>, vector<16xf32>
          %add3A_4330 = arith.addf %add3A_4323, %select_n3A_4329 : vector<16xf32>
          %ge3A_4331 = arith.cmpf oge, %get3A_133, %mul3A_4184 : vector<16xf32>
          %jit3A_4332 = arith.constant 1.000000e+00 : f32
          %jit3A_4333 = arith.constant 0.000000e+00 : f32
          %broadcast_in_dim3A_4334 = vector.broadcast %jit3A_4332 : f32 to vector<16xf32>
          %broadcast_in_dim3A_4335 = vector.broadcast %jit3A_4333 : f32 to vector<16xf32>
          %select_n3A_4336 = arith.select %ge3A_4331, %broadcast_in_dim3A_4334, %broadcast_in_dim3A_4335 : vector<16xi1>, vector<16xf32>
          %add3A_4337 = arith.addf %add3A_4330, %select_n3A_4336 : vector<16xf32>
          %ge3A_4338 = arith.cmpf oge, %get3A_137, %mul3A_4184 : vector<16xf32>
          %jit3A_4339 = arith.constant 1.000000e+00 : f32
          %jit3A_4340 = arith.constant 0.000000e+00 : f32
          %broadcast_in_dim3A_4341 = vector.broadcast %jit3A_4339 : f32 to vector<16xf32>
          %broadcast_in_dim3A_4342 = vector.broadcast %jit3A_4340 : f32 to vector<16xf32>
          %select_n3A_4343 = arith.select %ge3A_4338, %broadcast_in_dim3A_4341, %broadcast_in_dim3A_4342 : vector<16xi1>, vector<16xf32>
          %add3A_4344 = arith.addf %add3A_4337, %select_n3A_4343 : vector<16xf32>
          %ge3A_4345 = arith.cmpf oge, %get3A_141, %mul3A_4184 : vector<16xf32>
          %jit3A_4346 = arith.constant 1.000000e+00 : f32
          %jit3A_4347 = arith.constant 0.000000e+00 : f32
          %broadcast_in_dim3A_4348 = vector.broadcast %jit3A_4346 : f32 to vector<16xf32>
          %broadcast_in_dim3A_4349 = vector.broadcast %jit3A_4347 : f32 to vector<16xf32>
          %select_n3A_4350 = arith.select %ge3A_4345, %broadcast_in_dim3A_4348, %broadcast_in_dim3A_4349 : vector<16xi1>, vector<16xf32>
          %add3A_4351 = arith.addf %add3A_4344, %select_n3A_4350 : vector<16xf32>
          %ge3A_4352 = arith.cmpf oge, %get3A_145, %mul3A_4184 : vector<16xf32>
          %jit3A_4353 = arith.constant 1.000000e+00 : f32
          %jit3A_4354 = arith.constant 0.000000e+00 : f32
          %broadcast_in_dim3A_4355 = vector.broadcast %jit3A_4353 : f32 to vector<16xf32>
          %broadcast_in_dim3A_4356 = vector.broadcast %jit3A_4354 : f32 to vector<16xf32>
          %select_n3A_4357 = arith.select %ge3A_4352, %broadcast_in_dim3A_4355, %broadcast_in_dim3A_4356 : vector<16xi1>, vector<16xf32>
          %add3A_4358 = arith.addf %add3A_4351, %select_n3A_4357 : vector<16xf32>
          %ge3A_4359 = arith.cmpf oge, %get3A_149, %mul3A_4184 : vector<16xf32>
          %jit3A_4360 = arith.constant 1.000000e+00 : f32
          %jit3A_4361 = arith.constant 0.000000e+00 : f32
          %broadcast_in_dim3A_4362 = vector.broadcast %jit3A_4360 : f32 to vector<16xf32>
          %broadcast_in_dim3A_4363 = vector.broadcast %jit3A_4361 : f32 to vector<16xf32>
          %select_n3A_4364 = arith.select %ge3A_4359, %broadcast_in_dim3A_4362, %broadcast_in_dim3A_4363 : vector<16xi1>, vector<16xf32>
          %add3A_4365 = arith.addf %add3A_4358, %select_n3A_4364 : vector<16xf32>
          %ge3A_4366 = arith.cmpf oge, %get3A_153, %mul3A_4184 : vector<16xf32>
          %jit3A_4367 = arith.constant 1.000000e+00 : f32
          %jit3A_4368 = arith.constant 0.000000e+00 : f32
          %broadcast_in_dim3A_4369 = vector.broadcast %jit3A_4367 : f32 to vector<16xf32>
          %broadcast_in_dim3A_4370 = vector.broadcast %jit3A_4368 : f32 to vector<16xf32>
          %select_n3A_4371 = arith.select %ge3A_4366, %broadcast_in_dim3A_4369, %broadcast_in_dim3A_4370 : vector<16xi1>, vector<16xf32>
          %add3A_4372 = arith.addf %add3A_4365, %select_n3A_4371 : vector<16xf32>
          %ge3A_4373 = arith.cmpf oge, %get3A_157, %mul3A_4184 : vector<16xf32>
          %jit3A_4374 = arith.constant 1.000000e+00 : f32
          %jit3A_4375 = arith.constant 0.000000e+00 : f32
          %broadcast_in_dim3A_4376 = vector.broadcast %jit3A_4374 : f32 to vector<16xf32>
          %broadcast_in_dim3A_4377 = vector.broadcast %jit3A_4375 : f32 to vector<16xf32>
          %select_n3A_4378 = arith.select %ge3A_4373, %broadcast_in_dim3A_4376, %broadcast_in_dim3A_4377 : vector<16xi1>, vector<16xf32>
          %add3A_4379 = arith.addf %add3A_4372, %select_n3A_4378 : vector<16xf32>
          %ge3A_4380 = arith.cmpf oge, %get3A_161, %mul3A_4184 : vector<16xf32>
          %jit3A_4381 = arith.constant 1.000000e+00 : f32
          %jit3A_4382 = arith.constant 0.000000e+00 : f32
          %broadcast_in_dim3A_4383 = vector.broadcast %jit3A_4381 : f32 to vector<16xf32>
          %broadcast_in_dim3A_4384 = vector.broadcast %jit3A_4382 : f32 to vector<16xf32>
          %select_n3A_4385 = arith.select %ge3A_4380, %broadcast_in_dim3A_4383, %broadcast_in_dim3A_4384 : vector<16xi1>, vector<16xf32>
          %add3A_4386 = arith.addf %add3A_4379, %select_n3A_4385 : vector<16xf32>
          %ge3A_4387 = arith.cmpf oge, %get3A_165, %mul3A_4184 : vector<16xf32>
          %jit3A_4388 = arith.constant 1.000000e+00 : f32
          %jit3A_4389 = arith.constant 0.000000e+00 : f32
          %broadcast_in_dim3A_4390 = vector.broadcast %jit3A_4388 : f32 to vector<16xf32>
          %broadcast_in_dim3A_4391 = vector.broadcast %jit3A_4389 : f32 to vector<16xf32>
          %select_n3A_4392 = arith.select %ge3A_4387, %broadcast_in_dim3A_4390, %broadcast_in_dim3A_4391 : vector<16xi1>, vector<16xf32>
          %add3A_4393 = arith.addf %add3A_4386, %select_n3A_4392 : vector<16xf32>
          %ge3A_4394 = arith.cmpf oge, %get3A_169, %mul3A_4184 : vector<16xf32>
          %jit3A_4395 = arith.constant 1.000000e+00 : f32
          %jit3A_4396 = arith.constant 0.000000e+00 : f32
          %broadcast_in_dim3A_4397 = vector.broadcast %jit3A_4395 : f32 to vector<16xf32>
          %broadcast_in_dim3A_4398 = vector.broadcast %jit3A_4396 : f32 to vector<16xf32>
          %select_n3A_4399 = arith.select %ge3A_4394, %broadcast_in_dim3A_4397, %broadcast_in_dim3A_4398 : vector<16xi1>, vector<16xf32>
          %add3A_4400 = arith.addf %add3A_4393, %select_n3A_4399 : vector<16xf32>
          %ge3A_4401 = arith.cmpf oge, %get3A_173, %mul3A_4184 : vector<16xf32>
          %jit3A_4402 = arith.constant 1.000000e+00 : f32
          %jit3A_4403 = arith.constant 0.000000e+00 : f32
          %broadcast_in_dim3A_4404 = vector.broadcast %jit3A_4402 : f32 to vector<16xf32>
          %broadcast_in_dim3A_4405 = vector.broadcast %jit3A_4403 : f32 to vector<16xf32>
          %select_n3A_4406 = arith.select %ge3A_4401, %broadcast_in_dim3A_4404, %broadcast_in_dim3A_4405 : vector<16xi1>, vector<16xf32>
          %add3A_4407 = arith.addf %add3A_4400, %select_n3A_4406 : vector<16xf32>
          %lt3A_4408 = arith.constant 0 : i32
          %lt3A_4409 = vector.broadcast %lt3A_4408 : i32 to vector<16xi32>
          %lt3A_4410 = arith.cmpi slt, %xor3A_13, %lt3A_4409 : vector<16xi32>
          %add3A_4411 = arith.constant 16 : i32
          %add3A_4412 = vector.broadcast %add3A_4411 : i32 to vector<16xi32>
          %add3A_4413 = arith.addi %xor3A_13, %add3A_4412 : vector<16xi32>
          %select_n3A_4414 = arith.select %lt3A_4410, %add3A_4413, %xor3A_13 : vector<16xi1>, vector<16xi32>
          %broadcast_in_dim3A_4415 = vector.shape_cast %select_n3A_4414 : vector<16xi32> to vector<16x1xi32>
          %gather3A_4416 = vector.shape_cast %broadcast_in_dim3A_4415 : vector<16x1xi32> to vector<16xi32>
          %gather3A_4417 = tpu.dynamic_gather %add3A_4407[%gather3A_4416] in [0] : vector<16xf32>, vector<16xi32> -> vector<16xf32>
          %add3A_4418 = arith.addf %add3A_4407, %gather3A_4417 : vector<16xf32>
          %lt3A_4419 = arith.constant 0 : i32
          %lt3A_4420 = vector.broadcast %lt3A_4419 : i32 to vector<16xi32>
          %lt3A_4421 = arith.cmpi slt, %xor3A_16, %lt3A_4420 : vector<16xi32>
          %add3A_4422 = arith.constant 16 : i32
          %add3A_4423 = vector.broadcast %add3A_4422 : i32 to vector<16xi32>
          %add3A_4424 = arith.addi %xor3A_16, %add3A_4423 : vector<16xi32>
          %select_n3A_4425 = arith.select %lt3A_4421, %add3A_4424, %xor3A_16 : vector<16xi1>, vector<16xi32>
          %broadcast_in_dim3A_4426 = vector.shape_cast %select_n3A_4425 : vector<16xi32> to vector<16x1xi32>
          %gather3A_4427 = vector.shape_cast %broadcast_in_dim3A_4426 : vector<16x1xi32> to vector<16xi32>
          %gather3A_4428 = tpu.dynamic_gather %add3A_4418[%gather3A_4427] in [0] : vector<16xf32>, vector<16xi32> -> vector<16xf32>
          %add3A_4429 = arith.addf %add3A_4418, %gather3A_4428 : vector<16xf32>
          %lt3A_4430 = arith.constant 0 : i32
          %lt3A_4431 = vector.broadcast %lt3A_4430 : i32 to vector<16xi32>
          %lt3A_4432 = arith.cmpi slt, %xor3A_19, %lt3A_4431 : vector<16xi32>
          %add3A_4433 = arith.constant 16 : i32
          %add3A_4434 = vector.broadcast %add3A_4433 : i32 to vector<16xi32>
          %add3A_4435 = arith.addi %xor3A_19, %add3A_4434 : vector<16xi32>
          %select_n3A_4436 = arith.select %lt3A_4432, %add3A_4435, %xor3A_19 : vector<16xi1>, vector<16xi32>
          %broadcast_in_dim3A_4437 = vector.shape_cast %select_n3A_4436 : vector<16xi32> to vector<16x1xi32>
          %gather3A_4438 = vector.shape_cast %broadcast_in_dim3A_4437 : vector<16x1xi32> to vector<16xi32>
          %gather3A_4439 = tpu.dynamic_gather %add3A_4429[%gather3A_4438] in [0] : vector<16xf32>, vector<16xi32> -> vector<16xf32>
          %add3A_4440 = arith.addf %add3A_4429, %gather3A_4439 : vector<16xf32>
          %lt3A_4441 = arith.constant 0 : i32
          %lt3A_4442 = vector.broadcast %lt3A_4441 : i32 to vector<16xi32>
          %lt3A_4443 = arith.cmpi slt, %xor3A_22, %lt3A_4442 : vector<16xi32>
          %add3A_4444 = arith.constant 16 : i32
          %add3A_4445 = vector.broadcast %add3A_4444 : i32 to vector<16xi32>
          %add3A_4446 = arith.addi %xor3A_22, %add3A_4445 : vector<16xi32>
          %select_n3A_4447 = arith.select %lt3A_4443, %add3A_4446, %xor3A_22 : vector<16xi1>, vector<16xi32>
          %broadcast_in_dim3A_4448 = vector.shape_cast %select_n3A_4447 : vector<16xi32> to vector<16x1xi32>
          %gather3A_4449 = vector.shape_cast %broadcast_in_dim3A_4448 : vector<16x1xi32> to vector<16xi32>
          %gather3A_4450 = tpu.dynamic_gather %add3A_4440[%gather3A_4449] in [0] : vector<16xf32>, vector<16xi32> -> vector<16xf32>
          %add3A_4451 = arith.addf %add3A_4440, %gather3A_4450 : vector<16xf32>
          %ge3A_4452 = arith.constant 6.400000e+01 : f32
          %ge3A_4453 = vector.broadcast %ge3A_4452 : f32 to vector<16xf32>
          %ge3A_4454 = arith.cmpf oge, %add3A_4451, %ge3A_4453 : vector<16xf32>
          %select_n3A_4455 = arith.select %ge3A_4454, %mul3A_4184, %select_n3A_4179 : vector<16xi1>, vector<16xf32>
          %select_n3A_4456 = arith.select %ge3A_4454, %select_n3A_4180, %mul3A_4184 : vector<16xi1>, vector<16xf32>
          %add3A_4457 = arith.addf %select_n3A_4455, %select_n3A_4456 : vector<16xf32>
          %mul3A_4458 = arith.constant 5.000000e-01 : f32
          %mul3A_4459 = vector.broadcast %mul3A_4458 : f32 to vector<16xf32>
          %mul3A_4460 = arith.mulf %mul3A_4459, %add3A_4457 : vector<16xf32>
          %ge3A_4461 = arith.cmpf oge, %get3A_49, %mul3A_4460 : vector<16xf32>
          %jit3A_4462 = arith.constant 1.000000e+00 : f32
          %jit3A_4463 = arith.constant 0.000000e+00 : f32
          %broadcast_in_dim3A_4464 = vector.broadcast %jit3A_4462 : f32 to vector<16xf32>
          %broadcast_in_dim3A_4465 = vector.broadcast %jit3A_4463 : f32 to vector<16xf32>
          %select_n3A_4466 = arith.select %ge3A_4461, %broadcast_in_dim3A_4464, %broadcast_in_dim3A_4465 : vector<16xi1>, vector<16xf32>
          %ge3A_4467 = arith.cmpf oge, %get3A_53, %mul3A_4460 : vector<16xf32>
          %jit3A_4468 = arith.constant 1.000000e+00 : f32
          %jit3A_4469 = arith.constant 0.000000e+00 : f32
          %broadcast_in_dim3A_4470 = vector.broadcast %jit3A_4468 : f32 to vector<16xf32>
          %broadcast_in_dim3A_4471 = vector.broadcast %jit3A_4469 : f32 to vector<16xf32>
          %select_n3A_4472 = arith.select %ge3A_4467, %broadcast_in_dim3A_4470, %broadcast_in_dim3A_4471 : vector<16xi1>, vector<16xf32>
          %add3A_4473 = arith.addf %select_n3A_4466, %select_n3A_4472 : vector<16xf32>
          %ge3A_4474 = arith.cmpf oge, %get3A_57, %mul3A_4460 : vector<16xf32>
          %jit3A_4475 = arith.constant 1.000000e+00 : f32
          %jit3A_4476 = arith.constant 0.000000e+00 : f32
          %broadcast_in_dim3A_4477 = vector.broadcast %jit3A_4475 : f32 to vector<16xf32>
          %broadcast_in_dim3A_4478 = vector.broadcast %jit3A_4476 : f32 to vector<16xf32>
          %select_n3A_4479 = arith.select %ge3A_4474, %broadcast_in_dim3A_4477, %broadcast_in_dim3A_4478 : vector<16xi1>, vector<16xf32>
          %add3A_4480 = arith.addf %add3A_4473, %select_n3A_4479 : vector<16xf32>
          %ge3A_4481 = arith.cmpf oge, %get3A_61, %mul3A_4460 : vector<16xf32>
          %jit3A_4482 = arith.constant 1.000000e+00 : f32
          %jit3A_4483 = arith.constant 0.000000e+00 : f32
          %broadcast_in_dim3A_4484 = vector.broadcast %jit3A_4482 : f32 to vector<16xf32>
          %broadcast_in_dim3A_4485 = vector.broadcast %jit3A_4483 : f32 to vector<16xf32>
          %select_n3A_4486 = arith.select %ge3A_4481, %broadcast_in_dim3A_4484, %broadcast_in_dim3A_4485 : vector<16xi1>, vector<16xf32>
          %add3A_4487 = arith.addf %add3A_4480, %select_n3A_4486 : vector<16xf32>
          %ge3A_4488 = arith.cmpf oge, %get3A_65, %mul3A_4460 : vector<16xf32>
          %jit3A_4489 = arith.constant 1.000000e+00 : f32
          %jit3A_4490 = arith.constant 0.000000e+00 : f32
          %broadcast_in_dim3A_4491 = vector.broadcast %jit3A_4489 : f32 to vector<16xf32>
          %broadcast_in_dim3A_4492 = vector.broadcast %jit3A_4490 : f32 to vector<16xf32>
          %select_n3A_4493 = arith.select %ge3A_4488, %broadcast_in_dim3A_4491, %broadcast_in_dim3A_4492 : vector<16xi1>, vector<16xf32>
          %add3A_4494 = arith.addf %add3A_4487, %select_n3A_4493 : vector<16xf32>
          %ge3A_4495 = arith.cmpf oge, %get3A_69, %mul3A_4460 : vector<16xf32>
          %jit3A_4496 = arith.constant 1.000000e+00 : f32
          %jit3A_4497 = arith.constant 0.000000e+00 : f32
          %broadcast_in_dim3A_4498 = vector.broadcast %jit3A_4496 : f32 to vector<16xf32>
          %broadcast_in_dim3A_4499 = vector.broadcast %jit3A_4497 : f32 to vector<16xf32>
          %select_n3A_4500 = arith.select %ge3A_4495, %broadcast_in_dim3A_4498, %broadcast_in_dim3A_4499 : vector<16xi1>, vector<16xf32>
          %add3A_4501 = arith.addf %add3A_4494, %select_n3A_4500 : vector<16xf32>
          %ge3A_4502 = arith.cmpf oge, %get3A_73, %mul3A_4460 : vector<16xf32>
          %jit3A_4503 = arith.constant 1.000000e+00 : f32
          %jit3A_4504 = arith.constant 0.000000e+00 : f32
          %broadcast_in_dim3A_4505 = vector.broadcast %jit3A_4503 : f32 to vector<16xf32>
          %broadcast_in_dim3A_4506 = vector.broadcast %jit3A_4504 : f32 to vector<16xf32>
          %select_n3A_4507 = arith.select %ge3A_4502, %broadcast_in_dim3A_4505, %broadcast_in_dim3A_4506 : vector<16xi1>, vector<16xf32>
          %add3A_4508 = arith.addf %add3A_4501, %select_n3A_4507 : vector<16xf32>
          %ge3A_4509 = arith.cmpf oge, %get3A_77, %mul3A_4460 : vector<16xf32>
          %jit3A_4510 = arith.constant 1.000000e+00 : f32
          %jit3A_4511 = arith.constant 0.000000e+00 : f32
          %broadcast_in_dim3A_4512 = vector.broadcast %jit3A_4510 : f32 to vector<16xf32>
          %broadcast_in_dim3A_4513 = vector.broadcast %jit3A_4511 : f32 to vector<16xf32>
          %select_n3A_4514 = arith.select %ge3A_4509, %broadcast_in_dim3A_4512, %broadcast_in_dim3A_4513 : vector<16xi1>, vector<16xf32>
          %add3A_4515 = arith.addf %add3A_4508, %select_n3A_4514 : vector<16xf32>
          %ge3A_4516 = arith.cmpf oge, %get3A_81, %mul3A_4460 : vector<16xf32>
          %jit3A_4517 = arith.constant 1.000000e+00 : f32
          %jit3A_4518 = arith.constant 0.000000e+00 : f32
          %broadcast_in_dim3A_4519 = vector.broadcast %jit3A_4517 : f32 to vector<16xf32>
          %broadcast_in_dim3A_4520 = vector.broadcast %jit3A_4518 : f32 to vector<16xf32>
          %select_n3A_4521 = arith.select %ge3A_4516, %broadcast_in_dim3A_4519, %broadcast_in_dim3A_4520 : vector<16xi1>, vector<16xf32>
          %add3A_4522 = arith.addf %add3A_4515, %select_n3A_4521 : vector<16xf32>
          %ge3A_4523 = arith.cmpf oge, %get3A_85, %mul3A_4460 : vector<16xf32>
          %jit3A_4524 = arith.constant 1.000000e+00 : f32
          %jit3A_4525 = arith.constant 0.000000e+00 : f32
          %broadcast_in_dim3A_4526 = vector.broadcast %jit3A_4524 : f32 to vector<16xf32>
          %broadcast_in_dim3A_4527 = vector.broadcast %jit3A_4525 : f32 to vector<16xf32>
          %select_n3A_4528 = arith.select %ge3A_4523, %broadcast_in_dim3A_4526, %broadcast_in_dim3A_4527 : vector<16xi1>, vector<16xf32>
          %add3A_4529 = arith.addf %add3A_4522, %select_n3A_4528 : vector<16xf32>
          %ge3A_4530 = arith.cmpf oge, %get3A_89, %mul3A_4460 : vector<16xf32>
          %jit3A_4531 = arith.constant 1.000000e+00 : f32
          %jit3A_4532 = arith.constant 0.000000e+00 : f32
          %broadcast_in_dim3A_4533 = vector.broadcast %jit3A_4531 : f32 to vector<16xf32>
          %broadcast_in_dim3A_4534 = vector.broadcast %jit3A_4532 : f32 to vector<16xf32>
          %select_n3A_4535 = arith.select %ge3A_4530, %broadcast_in_dim3A_4533, %broadcast_in_dim3A_4534 : vector<16xi1>, vector<16xf32>
          %add3A_4536 = arith.addf %add3A_4529, %select_n3A_4535 : vector<16xf32>
          %ge3A_4537 = arith.cmpf oge, %get3A_93, %mul3A_4460 : vector<16xf32>
          %jit3A_4538 = arith.constant 1.000000e+00 : f32
          %jit3A_4539 = arith.constant 0.000000e+00 : f32
          %broadcast_in_dim3A_4540 = vector.broadcast %jit3A_4538 : f32 to vector<16xf32>
          %broadcast_in_dim3A_4541 = vector.broadcast %jit3A_4539 : f32 to vector<16xf32>
          %select_n3A_4542 = arith.select %ge3A_4537, %broadcast_in_dim3A_4540, %broadcast_in_dim3A_4541 : vector<16xi1>, vector<16xf32>
          %add3A_4543 = arith.addf %add3A_4536, %select_n3A_4542 : vector<16xf32>
          %ge3A_4544 = arith.cmpf oge, %get3A_97, %mul3A_4460 : vector<16xf32>
          %jit3A_4545 = arith.constant 1.000000e+00 : f32
          %jit3A_4546 = arith.constant 0.000000e+00 : f32
          %broadcast_in_dim3A_4547 = vector.broadcast %jit3A_4545 : f32 to vector<16xf32>
          %broadcast_in_dim3A_4548 = vector.broadcast %jit3A_4546 : f32 to vector<16xf32>
          %select_n3A_4549 = arith.select %ge3A_4544, %broadcast_in_dim3A_4547, %broadcast_in_dim3A_4548 : vector<16xi1>, vector<16xf32>
          %add3A_4550 = arith.addf %add3A_4543, %select_n3A_4549 : vector<16xf32>
          %ge3A_4551 = arith.cmpf oge, %get3A_101, %mul3A_4460 : vector<16xf32>
          %jit3A_4552 = arith.constant 1.000000e+00 : f32
          %jit3A_4553 = arith.constant 0.000000e+00 : f32
          %broadcast_in_dim3A_4554 = vector.broadcast %jit3A_4552 : f32 to vector<16xf32>
          %broadcast_in_dim3A_4555 = vector.broadcast %jit3A_4553 : f32 to vector<16xf32>
          %select_n3A_4556 = arith.select %ge3A_4551, %broadcast_in_dim3A_4554, %broadcast_in_dim3A_4555 : vector<16xi1>, vector<16xf32>
          %add3A_4557 = arith.addf %add3A_4550, %select_n3A_4556 : vector<16xf32>
          %ge3A_4558 = arith.cmpf oge, %get3A_105, %mul3A_4460 : vector<16xf32>
          %jit3A_4559 = arith.constant 1.000000e+00 : f32
          %jit3A_4560 = arith.constant 0.000000e+00 : f32
          %broadcast_in_dim3A_4561 = vector.broadcast %jit3A_4559 : f32 to vector<16xf32>
          %broadcast_in_dim3A_4562 = vector.broadcast %jit3A_4560 : f32 to vector<16xf32>
          %select_n3A_4563 = arith.select %ge3A_4558, %broadcast_in_dim3A_4561, %broadcast_in_dim3A_4562 : vector<16xi1>, vector<16xf32>
          %add3A_4564 = arith.addf %add3A_4557, %select_n3A_4563 : vector<16xf32>
          %ge3A_4565 = arith.cmpf oge, %get3A_109, %mul3A_4460 : vector<16xf32>
          %jit3A_4566 = arith.constant 1.000000e+00 : f32
          %jit3A_4567 = arith.constant 0.000000e+00 : f32
          %broadcast_in_dim3A_4568 = vector.broadcast %jit3A_4566 : f32 to vector<16xf32>
          %broadcast_in_dim3A_4569 = vector.broadcast %jit3A_4567 : f32 to vector<16xf32>
          %select_n3A_4570 = arith.select %ge3A_4565, %broadcast_in_dim3A_4568, %broadcast_in_dim3A_4569 : vector<16xi1>, vector<16xf32>
          %add3A_4571 = arith.addf %add3A_4564, %select_n3A_4570 : vector<16xf32>
          %ge3A_4572 = arith.cmpf oge, %get3A_113, %mul3A_4460 : vector<16xf32>
          %jit3A_4573 = arith.constant 1.000000e+00 : f32
          %jit3A_4574 = arith.constant 0.000000e+00 : f32
          %broadcast_in_dim3A_4575 = vector.broadcast %jit3A_4573 : f32 to vector<16xf32>
          %broadcast_in_dim3A_4576 = vector.broadcast %jit3A_4574 : f32 to vector<16xf32>
          %select_n3A_4577 = arith.select %ge3A_4572, %broadcast_in_dim3A_4575, %broadcast_in_dim3A_4576 : vector<16xi1>, vector<16xf32>
          %add3A_4578 = arith.addf %add3A_4571, %select_n3A_4577 : vector<16xf32>
          %ge3A_4579 = arith.cmpf oge, %get3A_117, %mul3A_4460 : vector<16xf32>
          %jit3A_4580 = arith.constant 1.000000e+00 : f32
          %jit3A_4581 = arith.constant 0.000000e+00 : f32
          %broadcast_in_dim3A_4582 = vector.broadcast %jit3A_4580 : f32 to vector<16xf32>
          %broadcast_in_dim3A_4583 = vector.broadcast %jit3A_4581 : f32 to vector<16xf32>
          %select_n3A_4584 = arith.select %ge3A_4579, %broadcast_in_dim3A_4582, %broadcast_in_dim3A_4583 : vector<16xi1>, vector<16xf32>
          %add3A_4585 = arith.addf %add3A_4578, %select_n3A_4584 : vector<16xf32>
          %ge3A_4586 = arith.cmpf oge, %get3A_121, %mul3A_4460 : vector<16xf32>
          %jit3A_4587 = arith.constant 1.000000e+00 : f32
          %jit3A_4588 = arith.constant 0.000000e+00 : f32
          %broadcast_in_dim3A_4589 = vector.broadcast %jit3A_4587 : f32 to vector<16xf32>
          %broadcast_in_dim3A_4590 = vector.broadcast %jit3A_4588 : f32 to vector<16xf32>
          %select_n3A_4591 = arith.select %ge3A_4586, %broadcast_in_dim3A_4589, %broadcast_in_dim3A_4590 : vector<16xi1>, vector<16xf32>
          %add3A_4592 = arith.addf %add3A_4585, %select_n3A_4591 : vector<16xf32>
          %ge3A_4593 = arith.cmpf oge, %get3A_125, %mul3A_4460 : vector<16xf32>
          %jit3A_4594 = arith.constant 1.000000e+00 : f32
          %jit3A_4595 = arith.constant 0.000000e+00 : f32
          %broadcast_in_dim3A_4596 = vector.broadcast %jit3A_4594 : f32 to vector<16xf32>
          %broadcast_in_dim3A_4597 = vector.broadcast %jit3A_4595 : f32 to vector<16xf32>
          %select_n3A_4598 = arith.select %ge3A_4593, %broadcast_in_dim3A_4596, %broadcast_in_dim3A_4597 : vector<16xi1>, vector<16xf32>
          %add3A_4599 = arith.addf %add3A_4592, %select_n3A_4598 : vector<16xf32>
          %ge3A_4600 = arith.cmpf oge, %get3A_129, %mul3A_4460 : vector<16xf32>
          %jit3A_4601 = arith.constant 1.000000e+00 : f32
          %jit3A_4602 = arith.constant 0.000000e+00 : f32
          %broadcast_in_dim3A_4603 = vector.broadcast %jit3A_4601 : f32 to vector<16xf32>
          %broadcast_in_dim3A_4604 = vector.broadcast %jit3A_4602 : f32 to vector<16xf32>
          %select_n3A_4605 = arith.select %ge3A_4600, %broadcast_in_dim3A_4603, %broadcast_in_dim3A_4604 : vector<16xi1>, vector<16xf32>
          %add3A_4606 = arith.addf %add3A_4599, %select_n3A_4605 : vector<16xf32>
          %ge3A_4607 = arith.cmpf oge, %get3A_133, %mul3A_4460 : vector<16xf32>
          %jit3A_4608 = arith.constant 1.000000e+00 : f32
          %jit3A_4609 = arith.constant 0.000000e+00 : f32
          %broadcast_in_dim3A_4610 = vector.broadcast %jit3A_4608 : f32 to vector<16xf32>
          %broadcast_in_dim3A_4611 = vector.broadcast %jit3A_4609 : f32 to vector<16xf32>
          %select_n3A_4612 = arith.select %ge3A_4607, %broadcast_in_dim3A_4610, %broadcast_in_dim3A_4611 : vector<16xi1>, vector<16xf32>
          %add3A_4613 = arith.addf %add3A_4606, %select_n3A_4612 : vector<16xf32>
          %ge3A_4614 = arith.cmpf oge, %get3A_137, %mul3A_4460 : vector<16xf32>
          %jit3A_4615 = arith.constant 1.000000e+00 : f32
          %jit3A_4616 = arith.constant 0.000000e+00 : f32
          %broadcast_in_dim3A_4617 = vector.broadcast %jit3A_4615 : f32 to vector<16xf32>
          %broadcast_in_dim3A_4618 = vector.broadcast %jit3A_4616 : f32 to vector<16xf32>
          %select_n3A_4619 = arith.select %ge3A_4614, %broadcast_in_dim3A_4617, %broadcast_in_dim3A_4618 : vector<16xi1>, vector<16xf32>
          %add3A_4620 = arith.addf %add3A_4613, %select_n3A_4619 : vector<16xf32>
          %ge3A_4621 = arith.cmpf oge, %get3A_141, %mul3A_4460 : vector<16xf32>
          %jit3A_4622 = arith.constant 1.000000e+00 : f32
          %jit3A_4623 = arith.constant 0.000000e+00 : f32
          %broadcast_in_dim3A_4624 = vector.broadcast %jit3A_4622 : f32 to vector<16xf32>
          %broadcast_in_dim3A_4625 = vector.broadcast %jit3A_4623 : f32 to vector<16xf32>
          %select_n3A_4626 = arith.select %ge3A_4621, %broadcast_in_dim3A_4624, %broadcast_in_dim3A_4625 : vector<16xi1>, vector<16xf32>
          %add3A_4627 = arith.addf %add3A_4620, %select_n3A_4626 : vector<16xf32>
          %ge3A_4628 = arith.cmpf oge, %get3A_145, %mul3A_4460 : vector<16xf32>
          %jit3A_4629 = arith.constant 1.000000e+00 : f32
          %jit3A_4630 = arith.constant 0.000000e+00 : f32
          %broadcast_in_dim3A_4631 = vector.broadcast %jit3A_4629 : f32 to vector<16xf32>
          %broadcast_in_dim3A_4632 = vector.broadcast %jit3A_4630 : f32 to vector<16xf32>
          %select_n3A_4633 = arith.select %ge3A_4628, %broadcast_in_dim3A_4631, %broadcast_in_dim3A_4632 : vector<16xi1>, vector<16xf32>
          %add3A_4634 = arith.addf %add3A_4627, %select_n3A_4633 : vector<16xf32>
          %ge3A_4635 = arith.cmpf oge, %get3A_149, %mul3A_4460 : vector<16xf32>
          %jit3A_4636 = arith.constant 1.000000e+00 : f32
          %jit3A_4637 = arith.constant 0.000000e+00 : f32
          %broadcast_in_dim3A_4638 = vector.broadcast %jit3A_4636 : f32 to vector<16xf32>
          %broadcast_in_dim3A_4639 = vector.broadcast %jit3A_4637 : f32 to vector<16xf32>
          %select_n3A_4640 = arith.select %ge3A_4635, %broadcast_in_dim3A_4638, %broadcast_in_dim3A_4639 : vector<16xi1>, vector<16xf32>
          %add3A_4641 = arith.addf %add3A_4634, %select_n3A_4640 : vector<16xf32>
          %ge3A_4642 = arith.cmpf oge, %get3A_153, %mul3A_4460 : vector<16xf32>
          %jit3A_4643 = arith.constant 1.000000e+00 : f32
          %jit3A_4644 = arith.constant 0.000000e+00 : f32
          %broadcast_in_dim3A_4645 = vector.broadcast %jit3A_4643 : f32 to vector<16xf32>
          %broadcast_in_dim3A_4646 = vector.broadcast %jit3A_4644 : f32 to vector<16xf32>
          %select_n3A_4647 = arith.select %ge3A_4642, %broadcast_in_dim3A_4645, %broadcast_in_dim3A_4646 : vector<16xi1>, vector<16xf32>
          %add3A_4648 = arith.addf %add3A_4641, %select_n3A_4647 : vector<16xf32>
          %ge3A_4649 = arith.cmpf oge, %get3A_157, %mul3A_4460 : vector<16xf32>
          %jit3A_4650 = arith.constant 1.000000e+00 : f32
          %jit3A_4651 = arith.constant 0.000000e+00 : f32
          %broadcast_in_dim3A_4652 = vector.broadcast %jit3A_4650 : f32 to vector<16xf32>
          %broadcast_in_dim3A_4653 = vector.broadcast %jit3A_4651 : f32 to vector<16xf32>
          %select_n3A_4654 = arith.select %ge3A_4649, %broadcast_in_dim3A_4652, %broadcast_in_dim3A_4653 : vector<16xi1>, vector<16xf32>
          %add3A_4655 = arith.addf %add3A_4648, %select_n3A_4654 : vector<16xf32>
          %ge3A_4656 = arith.cmpf oge, %get3A_161, %mul3A_4460 : vector<16xf32>
          %jit3A_4657 = arith.constant 1.000000e+00 : f32
          %jit3A_4658 = arith.constant 0.000000e+00 : f32
          %broadcast_in_dim3A_4659 = vector.broadcast %jit3A_4657 : f32 to vector<16xf32>
          %broadcast_in_dim3A_4660 = vector.broadcast %jit3A_4658 : f32 to vector<16xf32>
          %select_n3A_4661 = arith.select %ge3A_4656, %broadcast_in_dim3A_4659, %broadcast_in_dim3A_4660 : vector<16xi1>, vector<16xf32>
          %add3A_4662 = arith.addf %add3A_4655, %select_n3A_4661 : vector<16xf32>
          %ge3A_4663 = arith.cmpf oge, %get3A_165, %mul3A_4460 : vector<16xf32>
          %jit3A_4664 = arith.constant 1.000000e+00 : f32
          %jit3A_4665 = arith.constant 0.000000e+00 : f32
          %broadcast_in_dim3A_4666 = vector.broadcast %jit3A_4664 : f32 to vector<16xf32>
          %broadcast_in_dim3A_4667 = vector.broadcast %jit3A_4665 : f32 to vector<16xf32>
          %select_n3A_4668 = arith.select %ge3A_4663, %broadcast_in_dim3A_4666, %broadcast_in_dim3A_4667 : vector<16xi1>, vector<16xf32>
          %add3A_4669 = arith.addf %add3A_4662, %select_n3A_4668 : vector<16xf32>
          %ge3A_4670 = arith.cmpf oge, %get3A_169, %mul3A_4460 : vector<16xf32>
          %jit3A_4671 = arith.constant 1.000000e+00 : f32
          %jit3A_4672 = arith.constant 0.000000e+00 : f32
          %broadcast_in_dim3A_4673 = vector.broadcast %jit3A_4671 : f32 to vector<16xf32>
          %broadcast_in_dim3A_4674 = vector.broadcast %jit3A_4672 : f32 to vector<16xf32>
          %select_n3A_4675 = arith.select %ge3A_4670, %broadcast_in_dim3A_4673, %broadcast_in_dim3A_4674 : vector<16xi1>, vector<16xf32>
          %add3A_4676 = arith.addf %add3A_4669, %select_n3A_4675 : vector<16xf32>
          %ge3A_4677 = arith.cmpf oge, %get3A_173, %mul3A_4460 : vector<16xf32>
          %jit3A_4678 = arith.constant 1.000000e+00 : f32
          %jit3A_4679 = arith.constant 0.000000e+00 : f32
          %broadcast_in_dim3A_4680 = vector.broadcast %jit3A_4678 : f32 to vector<16xf32>
          %broadcast_in_dim3A_4681 = vector.broadcast %jit3A_4679 : f32 to vector<16xf32>
          %select_n3A_4682 = arith.select %ge3A_4677, %broadcast_in_dim3A_4680, %broadcast_in_dim3A_4681 : vector<16xi1>, vector<16xf32>
          %add3A_4683 = arith.addf %add3A_4676, %select_n3A_4682 : vector<16xf32>
          %lt3A_4684 = arith.constant 0 : i32
          %lt3A_4685 = vector.broadcast %lt3A_4684 : i32 to vector<16xi32>
          %lt3A_4686 = arith.cmpi slt, %xor3A_13, %lt3A_4685 : vector<16xi32>
          %add3A_4687 = arith.constant 16 : i32
          %add3A_4688 = vector.broadcast %add3A_4687 : i32 to vector<16xi32>
          %add3A_4689 = arith.addi %xor3A_13, %add3A_4688 : vector<16xi32>
          %select_n3A_4690 = arith.select %lt3A_4686, %add3A_4689, %xor3A_13 : vector<16xi1>, vector<16xi32>
          %broadcast_in_dim3A_4691 = vector.shape_cast %select_n3A_4690 : vector<16xi32> to vector<16x1xi32>
          %gather3A_4692 = vector.shape_cast %broadcast_in_dim3A_4691 : vector<16x1xi32> to vector<16xi32>
          %gather3A_4693 = tpu.dynamic_gather %add3A_4683[%gather3A_4692] in [0] : vector<16xf32>, vector<16xi32> -> vector<16xf32>
          %add3A_4694 = arith.addf %add3A_4683, %gather3A_4693 : vector<16xf32>
          %lt3A_4695 = arith.constant 0 : i32
          %lt3A_4696 = vector.broadcast %lt3A_4695 : i32 to vector<16xi32>
          %lt3A_4697 = arith.cmpi slt, %xor3A_16, %lt3A_4696 : vector<16xi32>
          %add3A_4698 = arith.constant 16 : i32
          %add3A_4699 = vector.broadcast %add3A_4698 : i32 to vector<16xi32>
          %add3A_4700 = arith.addi %xor3A_16, %add3A_4699 : vector<16xi32>
          %select_n3A_4701 = arith.select %lt3A_4697, %add3A_4700, %xor3A_16 : vector<16xi1>, vector<16xi32>
          %broadcast_in_dim3A_4702 = vector.shape_cast %select_n3A_4701 : vector<16xi32> to vector<16x1xi32>
          %gather3A_4703 = vector.shape_cast %broadcast_in_dim3A_4702 : vector<16x1xi32> to vector<16xi32>
          %gather3A_4704 = tpu.dynamic_gather %add3A_4694[%gather3A_4703] in [0] : vector<16xf32>, vector<16xi32> -> vector<16xf32>
          %add3A_4705 = arith.addf %add3A_4694, %gather3A_4704 : vector<16xf32>
          %lt3A_4706 = arith.constant 0 : i32
          %lt3A_4707 = vector.broadcast %lt3A_4706 : i32 to vector<16xi32>
          %lt3A_4708 = arith.cmpi slt, %xor3A_19, %lt3A_4707 : vector<16xi32>
          %add3A_4709 = arith.constant 16 : i32
          %add3A_4710 = vector.broadcast %add3A_4709 : i32 to vector<16xi32>
          %add3A_4711 = arith.addi %xor3A_19, %add3A_4710 : vector<16xi32>
          %select_n3A_4712 = arith.select %lt3A_4708, %add3A_4711, %xor3A_19 : vector<16xi1>, vector<16xi32>
          %broadcast_in_dim3A_4713 = vector.shape_cast %select_n3A_4712 : vector<16xi32> to vector<16x1xi32>
          %gather3A_4714 = vector.shape_cast %broadcast_in_dim3A_4713 : vector<16x1xi32> to vector<16xi32>
          %gather3A_4715 = tpu.dynamic_gather %add3A_4705[%gather3A_4714] in [0] : vector<16xf32>, vector<16xi32> -> vector<16xf32>
          %add3A_4716 = arith.addf %add3A_4705, %gather3A_4715 : vector<16xf32>
          %lt3A_4717 = arith.constant 0 : i32
          %lt3A_4718 = vector.broadcast %lt3A_4717 : i32 to vector<16xi32>
          %lt3A_4719 = arith.cmpi slt, %xor3A_22, %lt3A_4718 : vector<16xi32>
          %add3A_4720 = arith.constant 16 : i32
          %add3A_4721 = vector.broadcast %add3A_4720 : i32 to vector<16xi32>
          %add3A_4722 = arith.addi %xor3A_22, %add3A_4721 : vector<16xi32>
          %select_n3A_4723 = arith.select %lt3A_4719, %add3A_4722, %xor3A_22 : vector<16xi1>, vector<16xi32>
          %broadcast_in_dim3A_4724 = vector.shape_cast %select_n3A_4723 : vector<16xi32> to vector<16x1xi32>
          %gather3A_4725 = vector.shape_cast %broadcast_in_dim3A_4724 : vector<16x1xi32> to vector<16xi32>
          %gather3A_4726 = tpu.dynamic_gather %add3A_4716[%gather3A_4725] in [0] : vector<16xf32>, vector<16xi32> -> vector<16xf32>
          %add3A_4727 = arith.addf %add3A_4716, %gather3A_4726 : vector<16xf32>
          %ge3A_4728 = arith.constant 6.400000e+01 : f32
          %ge3A_4729 = vector.broadcast %ge3A_4728 : f32 to vector<16xf32>
          %ge3A_4730 = arith.cmpf oge, %add3A_4727, %ge3A_4729 : vector<16xf32>
          %select_n3A_4731 = arith.select %ge3A_4730, %mul3A_4460, %select_n3A_4455 : vector<16xi1>, vector<16xf32>
          %select_n3A_4732 = arith.select %ge3A_4730, %select_n3A_4456, %mul3A_4460 : vector<16xi1>, vector<16xf32>
          %eq3A = vector.broadcast %scan3A_42 : i32 to vector<16xi32>
          %eq3A_4733 = arith.cmpi eq, %iota3A, %eq3A : vector<16xi32>
          %select_n3A_4734 = arith.select %eq3A_4733, %select_n3A_4731, %scan3A_43 : vector<16xi1>, vector<16xf32>
          scf.yield %select_n3A_4734 : vector<16xf32>
        }
        %scan3A_36 = arith.constant 16 : i32
        %mul3A_37 = arith.constant 16 : i32
        %mul3A_38 = arith.muli %scan3A_29, %mul3A_37 : i32
        %swap3A = arith.index_cast %mul3A_38 : i32 to index
        %swap3A_39 = tpu.vector_load %arg5[%swap3A] {strides = array<i32>} : memref<128xf32, #tpu.memory_space<vmem>>, vector<16xf32>,
        %swap3A_40 = vector.shape_cast %swap3A_39 : vector<16xf32> to vector<16xf32>
        %swap3A_41 = vector.shape_cast %scan3A_35 : vector<16xf32> to vector<16xf32>
        tpu.vector_store %arg5[%swap3A], %swap3A_41 {strides = array<i32>} : memref<128xf32, #tpu.memory_space<vmem>>, vector<16xf32>,
      }
      %scan3A_28 = arith.constant 8 : i32
      "tpu.region"() ({
        %run_scoped3A = tpu.sem_alloc : memref<!tpu.dma_semaphore, #tpu.memory_space<semaphore_mem>>
        %dma_start3A = tpu.memref_slice %arg3[%add3A_11] : memref<32768xf32, #tpu.memory_space<hbm>> -> memref<128xf32, #tpu.memory_space<hbm>>
        %dma_start3A_29 = tpu.memref_slice %arg3[%add3A_11] : memref<32768xf32, #tpu.memory_space<hbm>> -> memref<128xf32, #tpu.memory_space<hbm>>
        tpu.enqueue_dma source(%arg5 : memref<128xf32, #tpu.memory_space<vmem>>) target(%dma_start3A_29 : memref<128xf32, #tpu.memory_space<hbm>>) target_semaphore(%run_scoped3A : memref<!tpu.dma_semaphore, #tpu.memory_space<semaphore_mem>>)
        %dma_wait3A = tpu.memref_slice %arg3[%add3A_11] : memref<32768xf32, #tpu.memory_space<hbm>> -> memref<128xf32, #tpu.memory_space<hbm>>
        %dma_wait3A_30 = tpu.memref_slice %arg3[%add3A_11] : memref<32768xf32, #tpu.memory_space<hbm>> -> memref<128xf32, #tpu.memory_space<hbm>>
        tpu.wait_dma2 semaphore(%run_scoped3A : memref<!tpu.dma_semaphore, #tpu.memory_space<semaphore_mem>>) src(%arg5 : memref<128xf32, #tpu.memory_space<vmem>>) dst(%dma_wait3A_30 : memref<128xf32, #tpu.memory_space<hbm>>)
        tpu.yield
      }) : () -> ()
    }
    %scan3A_7 = arith.constant 8 : i32
    return
  }
}

module attributes {stable_mosaic.version = 14 : i64} {
  func.func @_stage_a_body(%arg0: i32, %arg1: memref<512x768xf32, #tpu.memory_space<vmem>>, %arg2: memref<768x512xf32, #tpu.memory_space<vmem>>, %arg3: memref<512x512xf32, #tpu.memory_space<vmem>>) attributes {dimension_semantics = [#tpu.dimension_semantics<parallel>], iteration_bounds = array<i64: 64>, scalar_prefetch = 0 : i64, scratch_operands = 0 : i64, tpu.core_type = #tpu.core_type<tc>, window_params = [{transform_indices = @transform_0, window_bounds = array<i64: 512, 768>}, {pipeline_mode = #tpu.pipeline_mode<synchronous>, transform_indices = @transform_1, window_bounds = array<i64: 768, 512>}, {transform_indices = @transform_2, window_bounds = array<i64: 512, 512>}]} {
    %get3A = arith.constant 0 : index
    %get3A_0 = arith.constant 0 : index
    %get3A_1 = vector.load %arg1[%get3A, %get3A_0] : memref<512x768xf32, #tpu.memory_space<vmem>>, vector<512x768xf32>
    %get3A_2 = arith.constant 0 : index
    %get3A_3 = arith.constant 0 : index
    %get3A_4 = vector.load %arg2[%get3A_2, %get3A_3] : memref<768x512xf32, #tpu.memory_space<vmem>>, vector<768x512xf32>
    %dot_general3A = arith.constant dense<0.000000e+00> : vector<512x512xf32>
    %dot_general3A_5 = tpu.matmul %get3A_1, %get3A_4, %dot_general3A {dimension_numbers = #tpu.dot_dimension_numbers<[1], [0], [0], [1], [0, 0, 1, 1], [], []>, transpose_lhs_hint = false} : vector<512x768xf32>, vector<768x512xf32>, vector<512x512xf32> -> vector<512x512xf32>
    %swap3A = arith.constant 0 : index
    %swap3A_6 = arith.constant 0 : index
    %swap3A_7 = vector.load %arg3[%swap3A, %swap3A_6] : memref<512x512xf32, #tpu.memory_space<vmem>>, vector<512x512xf32>
    tpu.vector_store %arg3[%swap3A, %swap3A_6], %dot_general3A_5 {strides = array<i32>} : memref<512x512xf32, #tpu.memory_space<vmem>>, vector<512x512xf32>,
    return
  }
  func.func @transform_0(%arg0: i32) -> (i32, i32) {
    %c0_i32 = arith.constant 0 : i32
    %c0_i32_0 = arith.constant 0 : i32
    return %arg0, %c0_i32 : i32, i32
  }
  func.func @transform_1(%arg0: i32) -> (i32, i32) {
    %c0_i32 = arith.constant 0 : i32
    %c0_i32_0 = arith.constant 0 : i32
    %c0_i32_1 = arith.constant 0 : i32
    return %c0_i32, %c0_i32_0 : i32, i32
  }
  func.func @transform_2(%arg0: i32) -> (i32, i32) {
    %c0_i32 = arith.constant 0 : i32
    %c0_i32_0 = arith.constant 0 : i32
    return %arg0, %c0_i32 : i32, i32
  }
}

module attributes {stable_mosaic.version = 14 : i64} {
  func.func @_stage_c_body(%arg0: i32, %arg1: memref<512x768xf32, #tpu.memory_space<vmem>>, %arg2: memref<512x512xf32, #tpu.memory_space<vmem>>, %arg3: memref<1x512x1xf32, #tpu.memory_space<vmem>>, %arg4: memref<768x768xf32, #tpu.memory_space<vmem>>, %arg5: memref<512x768xf32, #tpu.memory_space<vmem>>, %arg6: memref<1x768xf32, #tpu.memory_space<vmem>>, %arg7: memref<512x768xf32, #tpu.memory_space<vmem>>) attributes {dimension_semantics = [#tpu.dimension_semantics<parallel>], iteration_bounds = array<i64: 64>, scalar_prefetch = 0 : i64, scratch_operands = 0 : i64, tpu.core_type = #tpu.core_type<tc>, window_params = [{transform_indices = @transform_0, window_bounds = array<i64: 512, 768>}, {transform_indices = @transform_1, window_bounds = array<i64: 512, 512>}, {transform_indices = @transform_2, window_bounds = array<i64: 1, 512, 1>}, {pipeline_mode = #tpu.pipeline_mode<synchronous>, transform_indices = @transform_3, window_bounds = array<i64: 768, 768>}, {pipeline_mode = #tpu.pipeline_mode<synchronous>, transform_indices = @transform_4, window_bounds = array<i64: 512, 768>}, {pipeline_mode = #tpu.pipeline_mode<synchronous>, transform_indices = @transform_5, window_bounds = array<i64: 1, 768>}, {transform_indices = @transform_6, window_bounds = array<i64: 512, 768>}]} {
    %get3A = arith.constant 0 : index
    %get3A_0 = arith.constant 0 : index
    %get3A_1 = arith.constant 0 : index
    %get3A_2 = vector.load %arg3[%get3A, %get3A_0, %get3A_1] : memref<1x512x1xf32, #tpu.memory_space<vmem>>, vector<1x512x1xf32>
    %get3A_3 = vector.shape_cast %get3A_2 : vector<1x512x1xf32> to vector<512x1xf32>
    %get3A_4 = arith.constant 0 : index
    %get3A_5 = arith.constant 0 : index
    %get3A_6 = vector.load %arg2[%get3A_4, %get3A_5] : memref<512x512xf32, #tpu.memory_space<vmem>>, vector<512x512xf32>
    %ge3A = vector.broadcast %get3A_3 : vector<512x1xf32> to vector<512x512xf32>
    %ge3A_7 = arith.cmpf oge, %get3A_6, %ge3A : vector<512x512xf32>
    %get3A_8 = arith.constant 0 : index
    %get3A_9 = arith.constant 0 : index
    %get3A_10 = vector.load %arg2[%get3A_8, %get3A_9] : memref<512x512xf32, #tpu.memory_space<vmem>>, vector<512x512xf32>
    %jit3A = arith.constant 0.000000e+00 : f32
    %broadcast_in_dim3A = vector.broadcast %jit3A : f32 to vector<512x512xf32>
    %select_n3A = arith.select %ge3A_7, %get3A_10, %broadcast_in_dim3A : vector<512x512xi1>, vector<512x512xf32>
    %get3A_11 = arith.constant 0 : index
    %get3A_12 = arith.constant 0 : index
    %get3A_13 = vector.load %arg1[%get3A_11, %get3A_12] : memref<512x768xf32, #tpu.memory_space<vmem>>, vector<512x768xf32>
    %get3A_14 = arith.constant 0 : index
    %get3A_15 = arith.constant 0 : index
    %get3A_16 = vector.load %arg4[%get3A_14, %get3A_15] : memref<768x768xf32, #tpu.memory_space<vmem>>, vector<768x768xf32>
    %dot_general3A = arith.constant dense<0.000000e+00> : vector<512x768xf32>
    %dot_general3A_17 = tpu.matmul %get3A_13, %get3A_16, %dot_general3A {dimension_numbers = #tpu.dot_dimension_numbers<[1], [0], [0], [1], [0, 0, 1, 1], [], []>, transpose_lhs_hint = false} : vector<512x768xf32>, vector<768x768xf32>, vector<512x768xf32> -> vector<512x768xf32>
    %get3A_18 = arith.constant 0 : index
    %get3A_19 = arith.constant 0 : index
    %get3A_20 = vector.load %arg6[%get3A_18, %get3A_19] : memref<1x768xf32, #tpu.memory_space<vmem>>, vector<1x768xf32>
    %add3A = vector.broadcast %get3A_20 : vector<1x768xf32> to vector<512x768xf32>
    %add3A_21 = arith.addf %dot_general3A_17, %add3A : vector<512x768xf32>
    %get3A_22 = arith.constant 0 : index
    %get3A_23 = arith.constant 0 : index
    %get3A_24 = vector.load %arg5[%get3A_22, %get3A_23] : memref<512x768xf32, #tpu.memory_space<vmem>>, vector<512x768xf32>
    %dot_general3A_25 = arith.constant dense<0.000000e+00> : vector<512x768xf32>
    %dot_general3A_26 = tpu.matmul %select_n3A, %get3A_24, %dot_general3A_25 {dimension_numbers = #tpu.dot_dimension_numbers<[1], [0], [0], [1], [0, 0, 1, 1], [], []>, transpose_lhs_hint = false} : vector<512x512xf32>, vector<512x768xf32>, vector<512x768xf32> -> vector<512x768xf32>
    %mul3A = arith.constant 2.000000e+00 : f32
    %mul3A_27 = vector.broadcast %mul3A : f32 to vector<512x768xf32>
    %mul3A_28 = arith.mulf %mul3A_27, %dot_general3A_26 : vector<512x768xf32>
    %add3A_29 = arith.addf %add3A_21, %mul3A_28 : vector<512x768xf32>
    %swap3A = arith.constant 0 : index
    %swap3A_30 = arith.constant 0 : index
    %swap3A_31 = vector.load %arg7[%swap3A, %swap3A_30] : memref<512x768xf32, #tpu.memory_space<vmem>>, vector<512x768xf32>
    tpu.vector_store %arg7[%swap3A, %swap3A_30], %add3A_29 {strides = array<i32>} : memref<512x768xf32, #tpu.memory_space<vmem>>, vector<512x768xf32>,
    return
  }
  func.func @transform_0(%arg0: i32) -> (i32, i32) {
    %c0_i32 = arith.constant 0 : i32
    %c0_i32_0 = arith.constant 0 : i32
    return %arg0, %c0_i32 : i32, i32
  }
  func.func @transform_1(%arg0: i32) -> (i32, i32) {
    %c0_i32 = arith.constant 0 : i32
    %c0_i32_0 = arith.constant 0 : i32
    return %arg0, %c0_i32 : i32, i32
  }
  func.func @transform_2(%arg0: i32) -> (i32, i32, i32) {
    %c0_i32 = arith.constant 0 : i32
    %c0_i32_0 = arith.constant 0 : i32
    %c0_i32_1 = arith.constant 0 : i32
    return %arg0, %c0_i32, %c0_i32_0 : i32, i32, i32
  }
  func.func @transform_3(%arg0: i32) -> (i32, i32) {
    %c0_i32 = arith.constant 0 : i32
    %c0_i32_0 = arith.constant 0 : i32
    %c0_i32_1 = arith.constant 0 : i32
    return %c0_i32, %c0_i32_0 : i32, i32
  }
  func.func @transform_4(%arg0: i32) -> (i32, i32) {
    %c0_i32 = arith.constant 0 : i32
    %c0_i32_0 = arith.constant 0 : i32
    %c0_i32_1 = arith.constant 0 : i32
    return %c0_i32, %c0_i32_0 : i32, i32
  }
  func.func @transform_5(%arg0: i32) -> (i32, i32) {
    %c0_i32 = arith.constant 0 : i32
    %c0_i32_0 = arith.constant 0 : i32
    %c0_i32_1 = arith.constant 0 : i32
    return %c0_i32, %c0_i32_0 : i32, i32
  }
  func.func @transform_6(%arg0: i32) -> (i32, i32) {
    %c0_i32 = arith.constant 0 : i32
    %c0_i32_0 = arith.constant 0 : i32
    return %arg0, %c0_i32 : i32, i32
  }
}

</mosaic_0001>

<sc_bundles>
// kernel: kernel.5.cloned.1.call-start
scs
__scs_entry_jumppad:
0x0: {  	(pc) =	sbr.rel $0x88, $3  }
0x1: {  	(tag) =	ssettag $0x0;
	lr =	simm.s32 $0x1  }
0x2: {  	[smem:$0x3F9C] =	sst lr;
	_ =	strace $0xD0000000  }
0x3: {  	_ = 	snop  }
0x4: {  	_ = 	snop  }
0x5: {  	_ = 	snop  }
0x6: {  	_ = 	snop  }
0x7: {  	_ = 	snop  }
__scs_overlays_trampoline_lowered:
0x8: {  	[smem:$0x3FAB] =	sst s0  }
0x9: {  	[smem:$0x3FAC] =	sst s1  }
0xa: {  	[smem:$0x3FAD] =	sst s2  }
0xb: {  	[smem:$0x3FAE] =	sst s3  }
0xc: {  	[smem:$0x3FAF] =	sst s4  }
0xd: {  	[smem:$0x3FB0] =	sst s5  }
0xe: {  	[smem:$0x3FB1] =	sst s6  }
0xf: {  	[smem:$0x3FB2] =	sst s7  }
0x10: {  	[smem:$0x3FB3] =	sst s8  }
0x11: {  	[smem:$0x3FB4] =	sst s9;
	s0 =	simm.s32 @!p0 $0x0  }
0x12: {  	s1 =	sld [smem:$0x3F9A];
	s0 =	simm.s32 @p0 $0x1  }
0x13: {  	[smem:$0x3FB5] =	sst s0;
	s0 =	simm.s32 @!p1 $0x0  }
0x14: {  	s2 =	sld [smem:$0x3F99];
	s0 =	simm.s32 @p1 $0x1  }
0x15: {  	[smem:$0x3FB6] =	sst s0;
	s0 =	simm.s32 @!p2 $0x0  }
0x16: {  	s3 =	sld [smem:$0x3FDB];
	s0 =	simm.s32 @p2 $0x1  }
0x17: {  	s4 =	simm.s32 $0x1BF5;
	[smem:$0x3FB8] =	sst s0  }
0x18: {  	s0 =	sld [smem:$0x3F9B];
	_ =	swait.ge [sflag:s4], $0x0  }
0x19: {  	s7 =	sld [smem:$0x3F9C]  }
0x1a: {  	s8 =	sadd.s32 $0xFFFFE003, lr  }
0x1b: {  	s9 =	sadd.s32 $0xFFFFFEF7, lr;
	s5 =	simm.s32 $0xFFFFFFFF;
	p2 =	slt.u32 s8, $0xFFFFF086  }
0x1c: {  	p1 =	slt.u32 s9, $0xF7A;
	s5 =	simm.s32 @!p2 $0x0  }
0x1d: {  	s5 =	simm.s32 @p1 $0x1;
	p0 =	seq.s32 s7, s2  }
0x1e: {  	s7 =	smul.u32 @!p0 $0xF7A, s2;
	p2 =	seq.s32 @!p0 s5, $0x0  }
0x1f: {  	s9 =	smul.u32 $0xF7A, s1;
	s8 =	simm.s32 @!p0 $0x1BF5;
	p2 =	por !p2, p0  }
0x20: {  	[sflag:s8] =	ssyncset.s32 @!p0 $0xFFFFF086;
	s6 =	sadd.s32 @!p0 s3, s7;
	s7 =	simm.s32 @!p0 $0x108  }
0x21: {  	s3 =	sadd.s32 s3, s9;
	s6 =	sadd.s32 @!p0 $0x88, s6;
	s7 =	simm.s32 @p2 $0x1082  }
0x22: {  	[simem:s7], [sflag:s8] =	dma.local @!p0 [hbm:s6], $0xF7A  }
0x23: {  	s9 =	sor.u32 $0xD0000000, s2;
	s6 =	simm.s32 $0x108;
	_ =	swait.ge @!p0 [sflag:s8], $0x0  }
0x24: {  	s3 =	sadd.s32 $0x88, s3;
	s6 =	simm.s32 @!p1 $0x1082;
	[sflag:s4] =	ssyncset.s32 $0xFFFFF086  }
0x25: {  	[simem:s6], [sflag:s4] =	dma.local [hbm:s3], $0xF7A  }
0x26: {  	[smem:$0x3F9C] =	sst s1;
	(tag) =	ssettag s2;
	_ =	strace s9  }
0x27: {  	s1 =	sld [smem:$0x3FAC]  }
0x28: {  	s2 =	sld [smem:$0x3FAD]  }
0x29: {  	s4 =	sld [smem:$0x3FAF]  }
0x2a: {  	p0 =	seq.s32 s5, $0x0;
	s5 =	sld [smem:$0x3FB0]  }
0x2b: {  	s6 =	sld [smem:$0x3FB1]  }
0x2c: {  	s7 =	sld [smem:$0x3FB2]  }
0x2d: {  	s3 =	simm.s32 $0x108;
	s8 =	sld [smem:$0x3FB3]  }
0x2e: {  	s3 =	simm.s32 @!p0 $0x1082;
	s9 =	sld [smem:$0x3FB4]  }
0x2f: {  	lr =	sadd.s32 s0, s3;
	s0 =	sld [smem:$0x3FAB]  }
0x30: {  	s3 =	sld [smem:$0x3FAE]  }
0x31: {  	[smem:$0x3FB7] =	sst s10  }
0x32: {  	s10 =	sld [smem:$0x3FB5];
	_ =	sdelay $0x3  }
0x33: {  	p0 =	seq.s32 s10, $0x1;
	s10 =	sld [smem:$0x3FB7];
	_ =	sdelay $0x3  }
0x34: {  	[smem:$0x3FB7] =	sst s10  }
0x35: {  	s10 =	sld [smem:$0x3FB6];
	_ =	sdelay $0x3  }
0x36: {  	p1 =	seq.s32 s10, $0x1;
	s10 =	sld [smem:$0x3FB7];
	_ =	sdelay $0x3  }
0x37: {  	[smem:$0x3FB7] =	sst s10  }
0x38: {  	s10 =	sld [smem:$0x3FB8]  }
0x39: {  	_ = 	snop;
	(pc) =	sbr.ind lr, $3  }
0x3a: {  	_ = 	snop  }
0x3b: {  	_ = 	snop  }
0x3c: {  	p2 =	seq.s32 s10, $0x1;
	s10 =	sld [smem:$0x3FB7]  }
0x3d: {  	_ =	shalt  }
0x3e: {  	_ =	shalt  }
0x3f: {  	_ =	shalt  }
0x40: {  	_ =	shalt  }
0x41: {  	_ =	shalt  }
0x42: {  	_ =	shalt  }
0x43: {  	_ =	shalt  }
0x44: {  	_ =	shalt  }
0x45: {  	_ =	shalt  }
0x46: {  	_ =	shalt  }
0x47: {  	_ =	shalt  }
0x48: {  	_ =	shalt  }
0x49: {  	_ =	shalt  }
0x4a: {  	_ =	shalt  }
0x4b: {  	_ =	shalt  }
0x4c: {  	_ =	shalt  }
0x4d: {  	_ =	shalt  }
0x4e: {  	_ =	shalt  }
0x4f: {  	_ =	shalt  }
0x50: {  	_ =	shalt  }
0x51: {  	_ =	shalt  }
0x52: {  	_ =	shalt  }
0x53: {  	_ =	shalt  }
0x54: {  	_ =	shalt  }
0x55: {  	_ =	shalt  }
0x56: {  	_ =	shalt  }
0x57: {  	_ =	shalt  }
0x58: {  	_ =	shalt  }
0x59: {  	_ =	shalt  }
0x5a: {  	_ =	shalt  }
0x5b: {  	_ =	shalt  }
0x5c: {  	_ =	shalt  }
0x5d: {  	_ =	shalt  }
0x5e: {  	_ =	shalt  }
0x5f: {  	_ =	shalt  }
0x60: {  	_ =	shalt  }
0x61: {  	_ =	shalt  }
0x62: {  	_ =	shalt  }
0x63: {  	_ =	shalt  }
0x64: {  	_ =	shalt  }
0x65: {  	_ =	shalt  }
0x66: {  	_ =	shalt  }
0x67: {  	_ =	shalt  }
0x68: {  	_ =	shalt  }
0x69: {  	_ =	shalt  }
0x6a: {  	_ =	shalt  }
0x6b: {  	_ =	shalt  }
0x6c: {  	_ =	shalt  }
0x6d: {  	_ =	shalt  }
0x6e: {  	_ =	shalt  }
0x6f: {  	_ =	shalt  }
0x70: {  	_ =	shalt  }
0x71: {  	_ =	shalt  }
0x72: {  	_ =	shalt  }
0x73: {  	_ =	shalt  }
0x74: {  	_ =	shalt  }
0x75: {  	_ =	shalt  }
0x76: {  	_ =	shalt  }
0x77: {  	_ =	shalt  }
0x78: {  	_ =	shalt  }
0x79: {  	_ =	shalt  }
0x7a: {  	_ =	shalt  }
0x7b: {  	_ =	shalt  }
0x7c: {  	_ =	shalt  }
0x7d: {  	_ =	shalt  }
0x7e: {  	_ =	shalt  }
0x7f: {  	_ =	shalt  }
0x80: {  	_ =	shalt  }
0x81: {  	_ =	shalt  }
0x82: {  	_ =	shalt  }
0x83: {  	_ =	shalt  }
0x84: {  	_ =	shalt  }
0x85: {  	_ =	shalt  }
0x86: {  	_ =	shalt  }
0x87: {  	_ =	shalt  }
.Lfunc_end0:
.L_simem_size_0:
called_computation_lowered:
.L_overlay_start_0:
0x88: {  	s2 =	sld [smem:$0x3FD9]  }
0x89: {  	s3 =	sld [smem:$0x3FFE];
	_ =	sdelay $0x1  }
0x8a: {  	s1 =	srdreg.scid  }
0x8b: {  	s0 =	sand.u32 $0x1, s1  }
0x8c: {  	s17 =	sshll.u32 s0, $0xA;
	s2 =	sadd.s32 s3, s2  }
0x8d: {  	s2 =	sadd.s32 s2, s17  }
0x8e: {  	[smem:$0x3FC3] =	sst s2  }
0x8f: {  	_ = 	snop  }
0x90: {  	s2 =	sld [smem:$0x3FD0];
	(tm) =	ssettm $0x1  }
0x91: {  	s18 =	sld [smem:$0x3FFB];
	_ =	sdelay $0x3  }
0x92: {  	_ =	strace s18  }
0x93: {  	s3 =	sld [smem:$0x3FFC];
	_ =	sdelay $0x3  }
0x94: {  	_ =	strace s3  }
0x95: {  	s3 =	sld [smem:$0x3FFD];
	_ =	sdelay $0x3  }
0x96: {  	_ =	strace s3  }
0x97: {  	_ =	strace $0x8FFFFFFF  }
0x98: {  	s19 =	sld [smem:$0x3FDB];
	_ =	sdelay $0x1  }
0x99: {  	s4 =	simm.s32 $_scs_section_size  }
0x9a: {  	s5 =	simm.s32 $_size__tile_overlayer_lowered;
	s6 =	simm.s32 $_tile_overlayer_lowered  }
0x9b: {  	s22 =	simm.s32 $0x1BFF;
	s21 =	sshll.u32 s6, $0x1;
	s3 =	sadd.s32 s4, s19  }
0x9c: {  	s7 =	simm.s32 $0x0;
	s20 =	sshll.u32 s5, $0x1;
	s5 =	sadd.s32 s21, s3  }
0x9d: {  	[timem:s7], [sflag:s22] =	dma.local [hbm:s5], s20  }
0x9e: {  	_ =	swait.ge [sflag:s22], s20  }
0x9f: {  	s4 =	ssub.s32 $0x0, s20;
	[sflag:s22] =	ssyncset.done $0x0  }
0xa0: {  	[sflag:s22] =	ssyncadd.s32 s4;
	_ =	sdelay $0x1  }
0xa1: {  	s23 =	simm.s32 $0x1B8B  }
0xa2: {  	_ =	swait.ge [sflag:s23], $0x1  }
0xa3: {  	[sflag:s23] =	ssyncset.done $0x0  }
0xa4: {  	s25 =	simm.s32 $0x1B8E;
	s24 =	sld [smem:$0x3FFE];
	[sflag:s23] =	ssyncadd.s32 $0xFFFFFFFF  }
0xa5: {  	s26 =	simm.s32 $execute0_lowered;
	[smem:$0x3FD2] =	sst s25  }
0xa6: {  	s5 =	sshll.u32 s26, $0x1;
	_ =	strace $0x80000046;
	[dreg:$0x1] =	wrdreg $0xFFFFFFFF  }
0xa7: {  	s28 =	simm.s32 $_size_execute0_lowered;
	s3 =	sadd.s32 s3, s5;
	[dreg:$0x0] =	wrdreg $0x0  }
0xa8: {  	s5 =	sshll.u32 s28, $0x1;
	[dreg:$0x2] =	wrdreg s3  }
0xa9: {  	[dreg:$0x3] =	wrdreg s5  }
0xaa: {  	[dreg:$0x4] =	wrdreg $0xC0  }
0xab: {  	_ =	task [dreg:s7], $0x5FFFF  }
0xac: {  	[dreg:$0x1] =	wrdreg $0xFFFFFFFF  }
0xad: {  	[dreg:$0x0] =	wrdreg $0x60  }
0xae: {  	[dreg:$0x2] =	wrdreg s24  }
0xaf: {  	[dreg:$0x3] =	wrdreg s2  }
0xb0: {  	[dreg:$0x4] =	wrdreg $0x9  }
0xb1: {  	_ =	task.clear_ibuf [dreg:s7], $0x5FFFF;
	_ =	strace $0x90000046  }
0xb2: {  	s29 =	simm.s32 $0x9;
	_ =	strace $0x80000048  }
0xb3: {  	_ =	swait.ge [sflag:s29], $0x1  }
0xb4: {  	[sflag:s29] =	ssyncadd.s32 $0xFFFFFFFF  }
0xb5: {  	_ =	strace $0x90000048  }
0xb6: {  	_ =	sfence  }
0xb7: {  	s30 =	sld [smem:$0x0];
	_ =	sdelay $0x2  }
0xb8: {  	s31 =	sshll.u32 s1, $0xD;
	s1 =	sshrl.u32 s1, $0x2  }
0xb9: {  	s3 =	sand.u32 $0x4000, s31;
	s1 =	sadd.s32 s1, s30  }
0xba: {  	s0 =	sor.u32 s3, s0;
	s1 =	sshll.u32 s1, $0x11  }
0xbb: {  	s0 =	sor.u32 s1, s0  }
0xbc: {  	s0 =	sadd.s32 $0x8F2B, s0  }
0xbd: {  	[sflag:s0] =	ssyncadd.remote.s32 $0x1  }
0xbe: {  	_ =	sfence.sel $0xFFFF  }
0xbf: {  	[dreg:$0x0] =	wrdreg $0xFFFFFFFF;
	(pc) =	sbr.abs _section_cstart, $3  }
0xc0: {  	[dreg:$0x1] =	wrdreg $0xFFFFFFFF  }
0xc1: {  	_ =	task.clear_ibuf [dreg:s7], $0x2FFFF;
	_ =	strace $0x9FFFFFFF  }
0xc2: {  	(tm) =	ssettm $0x7FFFFFFF  }
0xc3: {  	_ =	shalt  }
tec
execute0_lowered:
.L_overlay_start_1:
0x0: {  	(tag) =	ssettag $0x1  }
0x1: {  	v0 =	vimm.s32 $0x76543210;
	v1 =	vimm.s32 $0xFEDCBA98  }
0x2: {  	v2 =	vimm.s32 $0xBA98FEDC;
	v3 =	vimm.s32 $0x32107654;
	v4 =	vimm.s32 $0xDCFE98BA  }
0x3: {  	v5 =	vimm.s32 $0x54761032;
	v6 =	vimm.s32 $0xEFCDAB89;
	v7 =	vimm.s32 $0x67452301  }
0x4: {  	v0 =	vunpack.c.l.s4.s8 v0;
	v1 =	vunpack.c.l.s4.s8 v1;
	v2 =	vunpack.c.l.s4.s8 v2  }
0x5: {  	s4 =	rddreg [dreg:$0x0];
	v3 =	vunpack.c.l.s4.s8 v3;
	v4 =	vunpack.c.l.s4.s8 v4;
	v5 =	vunpack.c.l.s4.s8 v5  }
0x6: {  	s1 =	rddreg [dreg:$0x1];
	v6 =	vunpack.c.l.s4.s8 v6;
	v7 =	vunpack.c.l.s4.s8 v7;
	v2 =	vunpack.c.0.s8.s32 v2  }
0x7: {  	s3 =	srdreg.scid;
	s0 =	rddreg [dreg:$0x2];
	s2 =	simm.s32 $0x0;
	v3 =	vunpack.c.0.s8.s32 v3;
	v4 =	vunpack.c.0.s8.s32 v4;
	v5 =	vunpack.c.0.s8.s32 v5  }
0x8: {  	s8 =	simm.s32 $0x10000;
	s9 =	simm.s32 $0x0;
	s5 =	sand.u32 $0x1, s3;
	v1 =	vunpack.c.0.s8.s32 v1;
	v6 =	vunpack.c.0.s8.s32 v6;
	v7 =	vunpack.c.0.s8.s32 v7  }
0x9: {  	[smem:$0x7FF] =	sst s2;
	s3 =	stileid.u32;
	s6 =	ssub.s32 $0x2, s5;
	v0 =	vunpack.c.0.s8.s32 v0;
	v2 =	vcombine.low v3, v2  }
0xa: {  	s4 =	sadd.s32 $0xA00, s4;
	_ =	strace $0x80000047;
	s7 =	sshrl.u32 s6, $0x1;
	v3 =	vcombine.low v5, v4;
	v1 =	vand.u32 $0xF, v1;
	v4 =	vcombine.low v7, v6  }
0xb: {  	s31 =	sshll.u32 s3, $0xB;
	s5 =	sshll.u32 s5, $0xA;
	s6 =	ssub.s32 s6, s7;
	v5 =	vlaneseq.u32;
	v0 =	vcombine.low v1, v0;
	v1 =	vand.u32 $0xF, v2  }
0xc: {  	s5 =	sor.u32 s5, s31;
	s7 =	simm.s32 $0x1;
	s6 =	smax.u32 s6, $0x1;
	v2 =	vand.u32 $0xF, v3;
	v3 =	vand.u32 $0xF, v4;
	v4 =	vimm.f32 $0.0e+00  }
.LBB2_1:
0xd: {  	s10 =	simm.s32 $0x0  }
.LBB2_2:
0xe: {  	s11 =	sshll.u32 s10, $0x7  }
0xf: {  	s11 =	sadd.s32 s5, s11  }
0x10: {  	s12 =	sshll.u32 s11, $0x6  }
0x11: {  	s13 =	sadd.s32 s4, s12;
	s12 =	simm.s32 $0x0  }
0x12: {  	[tilespmem:s12], [sflag:$0x1] =	stream.linear.gather [hbm4b:s13+s12], $0x10000, $0x38;
	[tilespmem:$0x10080] =	vst v63  }
0x13: {  	_ =	swait.ge [sflag:s7], $0x10000  }
0x14: {  	[sflag:s7] =	ssyncset.done $0x0  }
0x15: {  	[sflag:s7] =	ssyncadd.s32 $0xFFFF0000  }
.LBB2_3:
0x16: {  	s13 =	sshll.u32 s12, $0xD;
	s14 =	simm.s32 $0x0  }
0x17: {  	v6 =	vimm.f32 $0.0e+00;
	s15 =	simm.s32 $0x0;
	s16 =	simm.s32 $0x0;
	s13 =	sand.u32 $0x3FFFE000, s13  }
.LBB2_4:
0x18: {  	s17 =	sand.u32 $0x1000, s14  }
0x19: {  	s18 =	sand.u32 $0x380, s15;
	s17 =	sadd.s32 s17, s13  }
0x1a: {  	s17 =	sadd.s32 s18, s17  }
0x1b: {  	v37 =	vld [tilespmem:s17+$0x0]  }
0x1c: {  	v38 =	vld [tilespmem:s17+$0x10]  }
0x1d: {  	v36 =	vld [tilespmem:s17+$0x20]  }
0x1e: {  	v35 =	vld [tilespmem:s17+$0x30]  }
0x1f: {  	v34 =	vld [tilespmem:s17+$0x40]  }
0x20: {  	v33 =	vld [tilespmem:s17+$0x50]  }
0x21: {  	v7 =	vld [tilespmem:s17+$0x60];
	v9 =	vmin.f32 v37, v38;
	v10 =	vmax.f32 v37, v38  }
0x22: {  	v8 =	vld [tilespmem:s17+$0x70];
	v11 =	vmin.f32 v9, v36;
	v10 =	vmax.f32 v10, v36  }
0x23: {  	v9 =	vld [tilespmem:s17+$0x400];
	v11 =	vmin.f32 v11, v35;
	v12 =	vmax.f32 v10, v35  }
0x24: {  	v10 =	vld [tilespmem:s17+$0x410];
	v13 =	vmin.f32 v11, v34;
	v12 =	vmax.f32 v12, v34  }
0x25: {  	v11 =	vld [tilespmem:s17+$0x420];
	v13 =	vmin.f32 v13, v33;
	v14 =	vmax.f32 v12, v33  }
0x26: {  	v12 =	vld [tilespmem:s17+$0x430];
	v15 =	vmin.f32 v13, v7;
	v14 =	vmax.f32 v14, v7  }
0x27: {  	v13 =	vld [tilespmem:s17+$0x440];
	v15 =	vmin.f32 v15, v8;
	v16 =	vmax.f32 v14, v8  }
0x28: {  	v14 =	vld [tilespmem:s17+$0x450];
	v17 =	vmin.f32 v15, v9;
	v16 =	vmax.f32 v16, v9  }
0x29: {  	v15 =	vld [tilespmem:s17+$0x460];
	v17 =	vmin.f32 v17, v10;
	v18 =	vmax.f32 v16, v10  }
0x2a: {  	v16 =	vld [tilespmem:s17+$0x470];
	v19 =	vmin.f32 v17, v11;
	v18 =	vmax.f32 v18, v11  }
0x2b: {  	v17 =	vld [tilespmem:s17+$0x800];
	v19 =	vmin.f32 v19, v12;
	v20 =	vmax.f32 v18, v12  }
0x2c: {  	v18 =	vld [tilespmem:s17+$0x810];
	v21 =	vmin.f32 v19, v13;
	v20 =	vmax.f32 v20, v13  }
0x2d: {  	v19 =	vld [tilespmem:s17+$0x820];
	v21 =	vmin.f32 v21, v14;
	v22 =	vmax.f32 v20, v14  }
0x2e: {  	v20 =	vld [tilespmem:s17+$0x830];
	v23 =	vmin.f32 v21, v15;
	v22 =	vmax.f32 v22, v15  }
0x2f: {  	v21 =	vld [tilespmem:s17+$0x840];
	v23 =	vmin.f32 v23, v16;
	v24 =	vmax.f32 v22, v16  }
0x30: {  	v22 =	vld [tilespmem:s17+$0x850];
	v25 =	vmin.f32 v23, v17;
	v24 =	vmax.f32 v24, v17  }
0x31: {  	v23 =	vld [tilespmem:s17+$0x860];
	v25 =	vmin.f32 v25, v18;
	v26 =	vmax.f32 v24, v18  }
0x32: {  	v24 =	vld [tilespmem:s17+$0x870];
	v27 =	vmin.f32 v25, v19;
	v26 =	vmax.f32 v26, v19  }
0x33: {  	v25 =	vld [tilespmem:s17+$0xC00];
	v27 =	vmin.f32 v27, v20;
	v28 =	vmax.f32 v26, v20  }
0x34: {  	v26 =	vld [tilespmem:s17+$0xC10];
	v29 =	vmin.f32 v27, v21;
	v28 =	vmax.f32 v28, v21  }
0x35: {  	v27 =	vld [tilespmem:s17+$0xC20];
	v29 =	vmin.f32 v29, v22;
	v30 =	vmax.f32 v28, v22  }
0x36: {  	v28 =	vld [tilespmem:s17+$0xC30];
	v31 =	vmin.f32 v29, v23;
	v30 =	vmax.f32 v30, v23  }
0x37: {  	v29 =	vld [tilespmem:s17+$0xC40];
	v31 =	vmin.f32 v31, v24;
	v32 =	vmax.f32 v30, v24  }
0x38: {  	v30 =	vld [tilespmem:s17+$0xC50];
	v39 =	vmin.f32 v31, v25;
	v32 =	vmax.f32 v32, v25  }
0x39: {  	v31 =	vld [tilespmem:s17+$0xC60];
	v39 =	vmin.f32 v39, v26;
	v40 =	vmax.f32 v32, v26  }
0x3a: {  	v32 =	vld [tilespmem:s17+$0xC70];
	v39 =	vmin.f32 v39, v27;
	v40 =	vmax.f32 v40, v27  }
0x3b: {  	v39 =	vmin.f32 v39, v28;
	v40 =	vmax.f32 v40, v28  }
0x3c: {  	v39 =	vmin.f32 v39, v29;
	v40 =	vmax.f32 v40, v29  }
0x3d: {  	v39 =	vmin.f32 v39, v30;
	v40 =	vmax.f32 v40, v30  }
0x3e: {  	v39 =	vmin.f32 v39, v31;
	v40 =	vmax.f32 v40, v31  }
0x3f: {  	v39 =	vmin.f32 v39, v32;
	v40 =	vmax.f32 v40, v32  }
0x40: {  	v41 =	vperm.xlane v39, v0;
	v42 =	vperm.xlane v40, v0;
	_ =	sdelay $0x1  }
0x41: {  	v39 =	vmin.f32 v39, v41;
	v40 =	vmax.f32 v40, v42  }
0x42: {  	v41 =	vperm.xlane v39, v1;
	v42 =	vperm.xlane v40, v1;
	_ =	sdelay $0x1  }
0x43: {  	v39 =	vmin.f32 v39, v41;
	v40 =	vmax.f32 v40, v42  }
0x44: {  	v41 =	vperm.xlane v39, v2;
	v42 =	vperm.xlane v40, v2;
	_ =	sdelay $0x1  }
0x45: {  	v39 =	vmin.f32 v39, v41;
	v40 =	vmax.f32 v40, v42  }
0x46: {  	v41 =	vperm.xlane v39, v3;
	v42 =	vperm.xlane v40, v3;
	_ =	sdelay $0x1  }
0x47: {  	v39 =	vmin.f32 v39, v41;
	v40 =	vmax.f32 v40, v42  }
0x48: {  	v41 =	vadd.f32 v40, v39;
	_ =	sdelay $0x1  }
0x49: {  	v41 =	vmul.f32 $5.000000000e-01, v41;
	_ =	sdelay $0x1  }
0x4a: {  	vm0 =	vge.f32 v37, v41;
	vm1 =	vge.f32 v38, v41  }
0x4b: {  	v60 =	vsel vm0, $0x3F800000, v4;
	v43 =	vsel vm1, $0x3F800000, v4  }
0x4c: {  	vm5 =	vge.f32 v36, v41;
	v42 =	vadd.f32 v43, v60  }
0x4d: {  	v61 =	vsel vm5, $0x3F800000, v4  }
0x4e: {  	vm6 =	vge.f32 v35, v41;
	v42 =	vadd.f32 v42, v61  }
0x4f: {  	v62 =	vsel vm6, $0x3F800000, v4  }
0x50: {  	vm7 =	vge.f32 v34, v41;
	v42 =	vadd.f32 v42, v62  }
0x51: {  	v63 =	vsel vm7, $0x3F800000, v4  }
0x52: {  	vm8 =	vge.f32 v33, v41;
	v42 =	vadd.f32 v42, v63  }
0x53: {  	v45 =	vsel vm8, $0x3F800000, v4  }
0x54: {  	vm9 =	vge.f32 v7, v41;
	v42 =	vadd.f32 v42, v45  }
0x55: {  	v46 =	vsel vm9, $0x3F800000, v4  }
0x56: {  	vm10 =	vge.f32 v8, v41;
	v42 =	vadd.f32 v42, v46  }
0x57: {  	v47 =	vsel vm10, $0x3F800000, v4  }
0x58: {  	vm11 =	vge.f32 v9, v41;
	v42 =	vadd.f32 v42, v47  }
0x59: {  	v48 =	vsel vm11, $0x3F800000, v4  }
0x5a: {  	vm12 =	vge.f32 v10, v41;
	v42 =	vadd.f32 v42, v48  }
0x5b: {  	v49 =	vsel vm12, $0x3F800000, v4  }
0x5c: {  	vm13 =	vge.f32 v11, v41;
	v42 =	vadd.f32 v42, v49  }
0x5d: {  	v50 =	vsel vm13, $0x3F800000, v4  }
0x5e: {  	vm14 =	vge.f32 v12, v41;
	v42 =	vadd.f32 v42, v50  }
0x5f: {  	v51 =	vsel vm14, $0x3F800000, v4  }
0x60: {  	vm15 =	vge.f32 v13, v41;
	v42 =	vadd.f32 v42, v51  }
0x61: {  	v52 =	vsel vm15, $0x3F800000, v4  }
0x62: {  	vm4 =	vge.f32 v14, v41;
	v42 =	vadd.f32 v42, v52  }
0x63: {  	v53 =	vsel vm4, $0x3F800000, v4  }
0x64: {  	vm5 =	vge.f32 v15, v41;
	v42 =	vadd.f32 v42, v53  }
0x65: {  	v54 =	vsel vm5, $0x3F800000, v4  }
0x66: {  	vm6 =	vge.f32 v16, v41;
	v42 =	vadd.f32 v42, v54  }
0x67: {  	v55 =	vsel vm6, $0x3F800000, v4  }
0x68: {  	vm7 =	vge.f32 v17, v41;
	v42 =	vadd.f32 v42, v55  }
0x69: {  	v56 =	vsel vm7, $0x3F800000, v4  }
0x6a: {  	vm8 =	vge.f32 v18, v41;
	v42 =	vadd.f32 v42, v56  }
0x6b: {  	v57 =	vsel vm8, $0x3F800000, v4  }
0x6c: {  	vm9 =	vge.f32 v19, v41;
	v42 =	vadd.f32 v42, v57  }
0x6d: {  	v58 =	vsel vm9, $0x3F800000, v4  }
0x6e: {  	vm10 =	vge.f32 v20, v41;
	v42 =	vadd.f32 v42, v58  }
0x6f: {  	v59 =	vsel vm10, $0x3F800000, v4  }
0x70: {  	vm11 =	vge.f32 v21, v41;
	v42 =	vadd.f32 v42, v59  }
0x71: {  	v60 =	vsel vm11, $0x3F800000, v4  }
0x72: {  	vm12 =	vge.f32 v22, v41;
	v42 =	vadd.f32 v42, v60  }
0x73: {  	v61 =	vsel vm12, $0x3F800000, v4  }
0x74: {  	vm13 =	vge.f32 v23, v41;
	v42 =	vadd.f32 v42, v61  }
0x75: {  	v62 =	vsel vm13, $0x3F800000, v4  }
0x76: {  	vm14 =	vge.f32 v24, v41;
	v42 =	vadd.f32 v42, v62  }
0x77: {  	v63 =	vsel vm14, $0x3F800000, v4  }
0x78: {  	vm15 =	vge.f32 v25, v41;
	v42 =	vadd.f32 v42, v63  }
0x79: {  	v45 =	vsel vm15, $0x3F800000, v4  }
0x7a: {  	vm4 =	vge.f32 v26, v41;
	v42 =	vadd.f32 v42, v45  }
0x7b: {  	v46 =	vsel vm4, $0x3F800000, v4  }
0x7c: {  	vm5 =	vge.f32 v27, v41;
	v42 =	vadd.f32 v42, v46  }
0x7d: {  	v47 =	vsel vm5, $0x3F800000, v4  }
0x7e: {  	vm6 =	vge.f32 v28, v41;
	v42 =	vadd.f32 v42, v47  }
0x7f: {  	v48 =	vsel vm6, $0x3F800000, v4  }
0x80: {  	vm7 =	vge.f32 v29, v41;
	v42 =	vadd.f32 v42, v48  }
0x81: {  	v49 =	vsel vm7, $0x3F800000, v4  }
0x82: {  	vm8 =	vge.f32 v30, v41;
	v42 =	vadd.f32 v42, v49  }
0x83: {  	v50 =	vsel vm8, $0x3F800000, v4  }
0x84: {  	vm9 =	vge.f32 v31, v41;
	v42 =	vadd.f32 v42, v50  }
0x85: {  	v51 =	vsel vm9, $0x3F800000, v4  }
0x86: {  	vm10 =	vge.f32 v32, v41;
	v42 =	vadd.f32 v42, v51  }
0x87: {  	v52 =	vsel vm10, $0x3F800000, v4  }
0x88: {  	v42 =	vadd.f32 v42, v52;
	_ =	sdelay $0x1  }
0x89: {  	v43 =	vperm.xlane v42, v0;
	_ =	sdelay $0x1  }
0x8a: {  	v42 =	vadd.f32 v42, v43;
	_ =	sdelay $0x1  }
0x8b: {  	v43 =	vperm.xlane v42, v1;
	_ =	sdelay $0x1  }
0x8c: {  	v42 =	vadd.f32 v42, v43;
	_ =	sdelay $0x1  }
0x8d: {  	v43 =	vperm.xlane v42, v2;
	_ =	sdelay $0x1  }
0x8e: {  	v42 =	vadd.f32 v42, v43;
	_ =	sdelay $0x1  }
0x8f: {  	v43 =	vperm.xlane v42, v3;
	_ =	sdelay $0x1  }
0x90: {  	v42 =	vadd.f32 v42, v43;
	_ =	sdelay $0x1  }
0x91: {  	vm11 =	vge.f32 v42, $6.400000000e+01  }
0x92: {  	v39 =	vsel vm11, v41, v39;
	v40 =	vsel vm11, v40, v41  }
0x93: {  	v41 =	vadd.f32 v40, v39;
	_ =	sdelay $0x1  }
0x94: {  	v41 =	vmul.f32 $5.000000000e-01, v41;
	_ =	sdelay $0x1  }
0x95: {  	vm12 =	vge.f32 v37, v41;
	vm13 =	vge.f32 v38, v41  }
0x96: {  	v53 =	vsel vm12, $0x3F800000, v4;
	v54 =	vsel vm13, $0x3F800000, v4  }
0x97: {  	vm14 =	vge.f32 v36, v41;
	v42 =	vadd.f32 v54, v53  }
0x98: {  	v55 =	vsel vm14, $0x3F800000, v4  }
0x99: {  	vm15 =	vge.f32 v35, v41;
	v42 =	vadd.f32 v42, v55  }
0x9a: {  	v56 =	vsel vm15, $0x3F800000, v4  }
0x9b: {  	vm4 =	vge.f32 v34, v41;
	v42 =	vadd.f32 v42, v56  }
0x9c: {  	v57 =	vsel vm4, $0x3F800000, v4  }
0x9d: {  	vm5 =	vge.f32 v33, v41;
	v42 =	vadd.f32 v42, v57  }
0x9e: {  	v58 =	vsel vm5, $0x3F800000, v4  }
0x9f: {  	vm6 =	vge.f32 v7, v41;
	v42 =	vadd.f32 v42, v58  }
0xa0: {  	v59 =	vsel vm6, $0x3F800000, v4  }
0xa1: {  	vm7 =	vge.f32 v8, v41;
	v42 =	vadd.f32 v42, v59  }
0xa2: {  	v60 =	vsel vm7, $0x3F800000, v4  }
0xa3: {  	vm8 =	vge.f32 v9, v41;
	v42 =	vadd.f32 v42, v60  }
0xa4: {  	v61 =	vsel vm8, $0x3F800000, v4  }
0xa5: {  	vm9 =	vge.f32 v10, v41;
	v42 =	vadd.f32 v42, v61  }
0xa6: {  	v62 =	vsel vm9, $0x3F800000, v4  }
0xa7: {  	vm10 =	vge.f32 v11, v41;
	v42 =	vadd.f32 v42, v62  }
0xa8: {  	v63 =	vsel vm10, $0x3F800000, v4  }
0xa9: {  	vm11 =	vge.f32 v12, v41;
	v42 =	vadd.f32 v42, v63  }
0xaa: {  	v45 =	vsel vm11, $0x3F800000, v4  }
0xab: {  	vm12 =	vge.f32 v13, v41;
	v42 =	vadd.f32 v42, v45  }
0xac: {  	v46 =	vsel vm12, $0x3F800000, v4  }
0xad: {  	vm13 =	vge.f32 v14, v41;
	v42 =	vadd.f32 v42, v46  }
0xae: {  	v47 =	vsel vm13, $0x3F800000, v4  }
0xaf: {  	vm14 =	vge.f32 v15, v41;
	v42 =	vadd.f32 v42, v47  }
0xb0: {  	v48 =	vsel vm14, $0x3F800000, v4  }
0xb1: {  	vm15 =	vge.f32 v16, v41;
	v42 =	vadd.f32 v42, v48  }
0xb2: {  	v49 =	vsel vm15, $0x3F800000, v4  }
0xb3: {  	vm4 =	vge.f32 v17, v41;
	v42 =	vadd.f32 v42, v49  }
0xb4: {  	v50 =	vsel vm4, $0x3F800000, v4  }
0xb5: {  	vm5 =	vge.f32 v18, v41;
	v42 =	vadd.f32 v42, v50  }
0xb6: {  	v51 =	vsel vm5, $0x3F800000, v4  }
0xb7: {  	vm6 =	vge.f32 v19, v41;
	v42 =	vadd.f32 v42, v51  }
0xb8: {  	v52 =	vsel vm6, $0x3F800000, v4  }
0xb9: {  	vm7 =	vge.f32 v20, v41;
	v42 =	vadd.f32 v42, v52  }
0xba: {  	v53 =	vsel vm7, $0x3F800000, v4  }
0xbb: {  	vm8 =	vge.f32 v21, v41;
	v42 =	vadd.f32 v42, v53  }
0xbc: {  	v54 =	vsel vm8, $0x3F800000, v4  }
0xbd: {  	vm9 =	vge.f32 v22, v41;
	v42 =	vadd.f32 v42, v54  }
0xbe: {  	v55 =	vsel vm9, $0x3F800000, v4  }
0xbf: {  	vm10 =	vge.f32 v23, v41;
	v42 =	vadd.f32 v42, v55  }
0xc0: {  	v56 =	vsel vm10, $0x3F800000, v4  }
0xc1: {  	vm11 =	vge.f32 v24, v41;
	v42 =	vadd.f32 v42, v56  }
0xc2: {  	v57 =	vsel vm11, $0x3F800000, v4  }
0xc3: {  	vm12 =	vge.f32 v25, v41;
	v42 =	vadd.f32 v42, v57  }
0xc4: {  	v58 =	vsel vm12, $0x3F800000, v4  }
0xc5: {  	vm13 =	vge.f32 v26, v41;
	v42 =	vadd.f32 v42, v58  }
0xc6: {  	v59 =	vsel vm13, $0x3F800000, v4  }
0xc7: {  	vm14 =	vge.f32 v27, v41;
	v42 =	vadd.f32 v42, v59  }
0xc8: {  	v60 =	vsel vm14, $0x3F800000, v4  }
0xc9: {  	vm15 =	vge.f32 v28, v41;
	v42 =	vadd.f32 v42, v60  }
0xca: {  	v61 =	vsel vm15, $0x3F800000, v4  }
0xcb: {  	vm4 =	vge.f32 v29, v41;
	v42 =	vadd.f32 v42, v61  }
0xcc: {  	v62 =	vsel vm4, $0x3F800000, v4  }
0xcd: {  	vm5 =	vge.f32 v30, v41;
	v42 =	vadd.f32 v42, v62  }
0xce: {  	v63 =	vsel vm5, $0x3F800000, v4  }
0xcf: {  	vm6 =	vge.f32 v31, v41;
	v42 =	vadd.f32 v42, v63  }
0xd0: {  	v45 =	vsel vm6, $0x3F800000, v4  }
0xd1: {  	vm7 =	vge.f32 v32, v41;
	v42 =	vadd.f32 v42, v45  }
0xd2: {  	v46 =	vsel vm7, $0x3F800000, v4  }
0xd3: {  	v42 =	vadd.f32 v42, v46;
	_ =	sdelay $0x1  }
0xd4: {  	v43 =	vperm.xlane v42, v0;
	_ =	sdelay $0x1  }
0xd5: {  	v42 =	vadd.f32 v42, v43;
	_ =	sdelay $0x1  }
0xd6: {  	v43 =	vperm.xlane v42, v1;
	_ =	sdelay $0x1  }
0xd7: {  	v42 =	vadd.f32 v42, v43;
	_ =	sdelay $0x1  }
0xd8: {  	v43 =	vperm.xlane v42, v2;
	_ =	sdelay $0x1  }
0xd9: {  	v42 =	vadd.f32 v42, v43;
	_ =	sdelay $0x1  }
0xda: {  	v43 =	vperm.xlane v42, v3;
	_ =	sdelay $0x1  }
0xdb: {  	v42 =	vadd.f32 v42, v43;
	_ =	sdelay $0x1  }
0xdc: {  	vm8 =	vge.f32 v42, $6.400000000e+01  }
0xdd: {  	v39 =	vsel vm8, v41, v39;
	v40 =	vsel vm8, v40, v41  }
0xde: {  	v41 =	vadd.f32 v40, v39;
	_ =	sdelay $0x1  }
0xdf: {  	v41 =	vmul.f32 $5.000000000e-01, v41;
	_ =	sdelay $0x1  }
0xe0: {  	vm9 =	vge.f32 v37, v41;
	vm10 =	vge.f32 v38, v41  }
0xe1: {  	v47 =	vsel vm9, $0x3F800000, v4;
	v48 =	vsel vm10, $0x3F800000, v4  }
0xe2: {  	vm11 =	vge.f32 v36, v41;
	v42 =	vadd.f32 v48, v47  }
0xe3: {  	v49 =	vsel vm11, $0x3F800000, v4  }
0xe4: {  	vm12 =	vge.f32 v35, v41;
	v42 =	vadd.f32 v42, v49  }
0xe5: {  	v50 =	vsel vm12, $0x3F800000, v4  }
0xe6: {  	vm13 =	vge.f32 v34, v41;
	v42 =	vadd.f32 v42, v50  }
0xe7: {  	v51 =	vsel vm13, $0x3F800000, v4  }
0xe8: {  	vm14 =	vge.f32 v33, v41;
	v42 =	vadd.f32 v42, v51  }
0xe9: {  	v52 =	vsel vm14, $0x3F800000, v4  }
0xea: {  	vm15 =	vge.f32 v7, v41;
	v42 =	vadd.f32 v42, v52  }
0xeb: {  	v53 =	vsel vm15, $0x3F800000, v4  }
0xec: {  	vm4 =	vge.f32 v8, v41;
	v42 =	vadd.f32 v42, v53  }
0xed: {  	v54 =	vsel vm4, $0x3F800000, v4  }
0xee: {  	vm5 =	vge.f32 v9, v41;
	v42 =	vadd.f32 v42, v54  }
0xef: {  	v55 =	vsel vm5, $0x3F800000, v4  }
0xf0: {  	vm6 =	vge.f32 v10, v41;
	v42 =	vadd.f32 v42, v55  }
0xf1: {  	v56 =	vsel vm6, $0x3F800000, v4  }
0xf2: {  	vm7 =	vge.f32 v11, v41;
	v42 =	vadd.f32 v42, v56  }
0xf3: {  	v57 =	vsel vm7, $0x3F800000, v4  }
0xf4: {  	vm8 =	vge.f32 v12, v41;
	v42 =	vadd.f32 v42, v57  }
0xf5: {  	v58 =	vsel vm8, $0x3F800000, v4  }
0xf6: {  	vm9 =	vge.f32 v13, v41;
	v42 =	vadd.f32 v42, v58  }
0xf7: {  	v59 =	vsel vm9, $0x3F800000, v4  }
0xf8: {  	vm10 =	vge.f32 v14, v41;
	v42 =	vadd.f32 v42, v59  }
0xf9: {  	v60 =	vsel vm10, $0x3F800000, v4  }
0xfa: {  	vm11 =	vge.f32 v15, v41;
	v42 =	vadd.f32 v42, v60  }
0xfb: {  	v61 =	vsel vm11, $0x3F800000, v4  }
0xfc: {  	vm12 =	vge.f32 v16, v41;
	v42 =	vadd.f32 v42, v61  }
0xfd: {  	v62 =	vsel vm12, $0x3F800000, v4  }
0xfe: {  	vm13 =	vge.f32 v17, v41;
	v42 =	vadd.f32 v42, v62  }
0xff: {  	v63 =	vsel vm13, $0x3F800000, v4  }
0x100: {  	vm14 =	vge.f32 v18, v41;
	v42 =	vadd.f32 v42, v63  }
0x101: {  	v45 =	vsel vm14, $0x3F800000, v4  }
0x102: {  	vm15 =	vge.f32 v19, v41;
	v42 =	vadd.f32 v42, v45  }
0x103: {  	v46 =	vsel vm15, $0x3F800000, v4  }
0x104: {  	vm4 =	vge.f32 v20, v41;
	v42 =	vadd.f32 v42, v46  }
0x105: {  	v47 =	vsel vm4, $0x3F800000, v4  }
0x106: {  	vm5 =	vge.f32 v21, v41;
	v42 =	vadd.f32 v42, v47  }
0x107: {  	v48 =	vsel vm5, $0x3F800000, v4  }
0x108: {  	vm6 =	vge.f32 v22, v41;
	v42 =	vadd.f32 v42, v48  }
0x109: {  	v49 =	vsel vm6, $0x3F800000, v4  }
0x10a: {  	vm7 =	vge.f32 v23, v41;
	v42 =	vadd.f32 v42, v49  }
0x10b: {  	v50 =	vsel vm7, $0x3F800000, v4  }
0x10c: {  	vm8 =	vge.f32 v24, v41;
	v42 =	vadd.f32 v42, v50  }
0x10d: {  	v51 =	vsel vm8, $0x3F800000, v4  }
0x10e: {  	vm9 =	vge.f32 v25, v41;
	v42 =	vadd.f32 v42, v51  }
0x10f: {  	v52 =	vsel vm9, $0x3F800000, v4  }
0x110: {  	vm10 =	vge.f32 v26, v41;
	v42 =	vadd.f32 v42, v52  }
0x111: {  	v53 =	vsel vm10, $0x3F800000, v4  }
0x112: {  	vm11 =	vge.f32 v27, v41;
	v42 =	vadd.f32 v42, v53  }
0x113: {  	v54 =	vsel vm11, $0x3F800000, v4  }
0x114: {  	vm12 =	vge.f32 v28, v41;
	v42 =	vadd.f32 v42, v54  }
0x115: {  	v55 =	vsel vm12, $0x3F800000, v4  }
0x116: {  	vm13 =	vge.f32 v29, v41;
	v42 =	vadd.f32 v42, v55  }
0x117: {  	v56 =	vsel vm13, $0x3F800000, v4  }
0x118: {  	vm14 =	vge.f32 v30, v41;
	v42 =	vadd.f32 v42, v56  }
0x119: {  	v57 =	vsel vm14, $0x3F800000, v4  }
0x11a: {  	vm15 =	vge.f32 v31, v41;
	v42 =	vadd.f32 v42, v57  }
0x11b: {  	v58 =	vsel vm15, $0x3F800000, v4  }
0x11c: {  	vm4 =	vge.f32 v32, v41;
	v42 =	vadd.f32 v42, v58  }
0x11d: {  	v59 =	vsel vm4, $0x3F800000, v4  }
0x11e: {  	v42 =	vadd.f32 v42, v59;
	_ =	sdelay $0x1  }
0x11f: {  	v43 =	vperm.xlane v42, v0;
	_ =	sdelay $0x1  }
0x120: {  	v42 =	vadd.f32 v42, v43;
	_ =	sdelay $0x1  }
0x121: {  	v43 =	vperm.xlane v42, v1;
	_ =	sdelay $0x1  }
0x122: {  	v42 =	vadd.f32 v42, v43;
	_ =	sdelay $0x1  }
0x123: {  	v43 =	vperm.xlane v42, v2;
	_ =	sdelay $0x1  }
0x124: {  	v42 =	vadd.f32 v42, v43;
	_ =	sdelay $0x1  }
0x125: {  	v43 =	vperm.xlane v42, v3;
	_ =	sdelay $0x1  }
0x126: {  	v42 =	vadd.f32 v42, v43;
	_ =	sdelay $0x1  }
0x127: {  	vm5 =	vge.f32 v42, $6.400000000e+01  }
0x128: {  	v39 =	vsel vm5, v41, v39;
	v40 =	vsel vm5, v40, v41  }
0x129: {  	v41 =	vadd.f32 v40, v39;
	_ =	sdelay $0x1  }
0x12a: {  	v41 =	vmul.f32 $5.000000000e-01, v41;
	_ =	sdelay $0x1  }
0x12b: {  	vm6 =	vge.f32 v37, v41;
	vm7 =	vge.f32 v38, v41  }
0x12c: {  	v60 =	vsel vm6, $0x3F800000, v4;
	v61 =	vsel vm7, $0x3F800000, v4  }
0x12d: {  	vm8 =	vge.f32 v36, v41;
	v42 =	vadd.f32 v61, v60  }
0x12e: {  	v62 =	vsel vm8, $0x3F800000, v4  }
0x12f: {  	vm9 =	vge.f32 v35, v41;
	v42 =	vadd.f32 v42, v62  }
0x130: {  	v63 =	vsel vm9, $0x3F800000, v4  }
0x131: {  	vm10 =	vge.f32 v34, v41;
	v42 =	vadd.f32 v42, v63  }
0x132: {  	v45 =	vsel vm10, $0x3F800000, v4  }
0x133: {  	vm11 =	vge.f32 v33, v41;
	v42 =	vadd.f32 v42, v45  }
0x134: {  	v46 =	vsel vm11, $0x3F800000, v4  }
0x135: {  	vm12 =	vge.f32 v7, v41;
	v42 =	vadd.f32 v42, v46  }
0x136: {  	v47 =	vsel vm12, $0x3F800000, v4  }
0x137: {  	vm13 =	vge.f32 v8, v41;
	v42 =	vadd.f32 v42, v47  }
0x138: {  	v48 =	vsel vm13, $0x3F800000, v4  }
0x139: {  	vm14 =	vge.f32 v9, v41;
	v42 =	vadd.f32 v42, v48  }
0x13a: {  	v49 =	vsel vm14, $0x3F800000, v4  }
0x13b: {  	vm15 =	vge.f32 v10, v41;
	v42 =	vadd.f32 v42, v49  }
0x13c: {  	v50 =	vsel vm15, $0x3F800000, v4  }
0x13d: {  	vm4 =	vge.f32 v11, v41;
	v42 =	vadd.f32 v42, v50  }
0x13e: {  	v51 =	vsel vm4, $0x3F800000, v4  }
0x13f: {  	vm5 =	vge.f32 v12, v41;
	v42 =	vadd.f32 v42, v51  }
0x140: {  	v52 =	vsel vm5, $0x3F800000, v4  }
0x141: {  	vm6 =	vge.f32 v13, v41;
	v42 =	vadd.f32 v42, v52  }
0x142: {  	v53 =	vsel vm6, $0x3F800000, v4  }
0x143: {  	vm7 =	vge.f32 v14, v41;
	v42 =	vadd.f32 v42, v53  }
0x144: {  	v54 =	vsel vm7, $0x3F800000, v4  }
0x145: {  	vm8 =	vge.f32 v15, v41;
	v42 =	vadd.f32 v42, v54  }
0x146: {  	v55 =	vsel vm8, $0x3F800000, v4  }
0x147: {  	vm9 =	vge.f32 v16, v41;
	v42 =	vadd.f32 v42, v55  }
0x148: {  	v56 =	vsel vm9, $0x3F800000, v4  }
0x149: {  	vm10 =	vge.f32 v17, v41;
	v42 =	vadd.f32 v42, v56  }
0x14a: {  	v57 =	vsel vm10, $0x3F800000, v4  }
0x14b: {  	vm11 =	vge.f32 v18, v41;
	v42 =	vadd.f32 v42, v57  }
0x14c: {  	v58 =	vsel vm11, $0x3F800000, v4  }
0x14d: {  	vm12 =	vge.f32 v19, v41;
	v42 =	vadd.f32 v42, v58  }
0x14e: {  	v59 =	vsel vm12, $0x3F800000, v4  }
0x14f: {  	vm13 =	vge.f32 v20, v41;
	v42 =	vadd.f32 v42, v59  }
0x150: {  	v60 =	vsel vm13, $0x3F800000, v4  }
0x151: {  	vm14 =	vge.f32 v21, v41;
	v42 =	vadd.f32 v42, v60  }
0x152: {  	v61 =	vsel vm14, $0x3F800000, v4  }
0x153: {  	vm15 =	vge.f32 v22, v41;
	v42 =	vadd.f32 v42, v61  }
0x154: {  	v62 =	vsel vm15, $0x3F800000, v4  }
0x155: {  	vm4 =	vge.f32 v23, v41;
	v42 =	vadd.f32 v42, v62  }
0x156: {  	v63 =	vsel vm4, $0x3F800000, v4  }
0x157: {  	vm5 =	vge.f32 v24, v41;
	v42 =	vadd.f32 v42, v63  }
0x158: {  	v45 =	vsel vm5, $0x3F800000, v4  }
0x159: {  	vm6 =	vge.f32 v25, v41;
	v42 =	vadd.f32 v42, v45  }
0x15a: {  	v46 =	vsel vm6, $0x3F800000, v4  }
0x15b: {  	vm7 =	vge.f32 v26, v41;
	v42 =	vadd.f32 v42, v46  }
0x15c: {  	v47 =	vsel vm7, $0x3F800000, v4  }
0x15d: {  	vm8 =	vge.f32 v27, v41;
	v42 =	vadd.f32 v42, v47  }
0x15e: {  	v48 =	vsel vm8, $0x3F800000, v4  }
0x15f: {  	vm9 =	vge.f32 v28, v41;
	v42 =	vadd.f32 v42, v48  }
0x160: {  	v49 =	vsel vm9, $0x3F800000, v4  }
0x161: {  	vm10 =	vge.f32 v29, v41;
	v42 =	vadd.f32 v42, v49  }
0x162: {  	v50 =	vsel vm10, $0x3F800000, v4  }
0x163: {  	vm11 =	vge.f32 v30, v41;
	v42 =	vadd.f32 v42, v50  }
0x164: {  	v51 =	vsel vm11, $0x3F800000, v4  }
0x165: {  	vm12 =	vge.f32 v31, v41;
	v42 =	vadd.f32 v42, v51  }
0x166: {  	v52 =	vsel vm12, $0x3F800000, v4  }
0x167: {  	vm13 =	vge.f32 v32, v41;
	v42 =	vadd.f32 v42, v52  }
0x168: {  	v53 =	vsel vm13, $0x3F800000, v4  }
0x169: {  	v42 =	vadd.f32 v42, v53;
	_ =	sdelay $0x1  }
0x16a: {  	v43 =	vperm.xlane v42, v0;
	_ =	sdelay $0x1  }
0x16b: {  	v42 =	vadd.f32 v42, v43;
	_ =	sdelay $0x1  }
0x16c: {  	v43 =	vperm.xlane v42, v1;
	_ =	sdelay $0x1  }
0x16d: {  	v42 =	vadd.f32 v42, v43;
	_ =	sdelay $0x1  }
0x16e: {  	v43 =	vperm.xlane v42, v2;
	_ =	sdelay $0x1  }
0x16f: {  	v42 =	vadd.f32 v42, v43;
	_ =	sdelay $0x1  }
0x170: {  	v43 =	vperm.xlane v42, v3;
	_ =	sdelay $0x1  }
0x171: {  	v42 =	vadd.f32 v42, v43;
	_ =	sdelay $0x1  }
0x172: {  	vm14 =	vge.f32 v42, $6.400000000e+01  }
0x173: {  	v39 =	vsel vm14, v41, v39;
	v40 =	vsel vm14, v40, v41  }
0x174: {  	v41 =	vadd.f32 v40, v39;
	_ =	sdelay $0x1  }
0x175: {  	v41 =	vmul.f32 $5.000000000e-01, v41;
	_ =	sdelay $0x1  }
0x176: {  	vm15 =	vge.f32 v37, v41;
	vm4 =	vge.f32 v38, v41  }
0x177: {  	v54 =	vsel vm15, $0x3F800000, v4;
	v55 =	vsel vm4, $0x3F800000, v4  }
0x178: {  	vm5 =	vge.f32 v36, v41;
	v42 =	vadd.f32 v55, v54  }
0x179: {  	v56 =	vsel vm5, $0x3F800000, v4  }
0x17a: {  	vm6 =	vge.f32 v35, v41;
	v42 =	vadd.f32 v42, v56  }
0x17b: {  	v57 =	vsel vm6, $0x3F800000, v4  }
0x17c: {  	vm7 =	vge.f32 v34, v41;
	v42 =	vadd.f32 v42, v57  }
0x17d: {  	v58 =	vsel vm7, $0x3F800000, v4  }
0x17e: {  	vm8 =	vge.f32 v33, v41;
	v42 =	vadd.f32 v42, v58  }
0x17f: {  	v59 =	vsel vm8, $0x3F800000, v4  }
0x180: {  	vm9 =	vge.f32 v7, v41;
	v42 =	vadd.f32 v42, v59  }
0x181: {  	v60 =	vsel vm9, $0x3F800000, v4  }
0x182: {  	vm10 =	vge.f32 v8, v41;
	v42 =	vadd.f32 v42, v60  }
0x183: {  	v61 =	vsel vm10, $0x3F800000, v4  }
0x184: {  	vm11 =	vge.f32 v9, v41;
	v42 =	vadd.f32 v42, v61  }
0x185: {  	v62 =	vsel vm11, $0x3F800000, v4  }
0x186: {  	vm12 =	vge.f32 v10, v41;
	v42 =	vadd.f32 v42, v62  }
0x187: {  	v63 =	vsel vm12, $0x3F800000, v4  }
0x188: {  	vm13 =	vge.f32 v11, v41;
	v42 =	vadd.f32 v42, v63  }
0x189: {  	v45 =	vsel vm13, $0x3F800000, v4  }
0x18a: {  	vm14 =	vge.f32 v12, v41;
	v42 =	vadd.f32 v42, v45  }
0x18b: {  	v46 =	vsel vm14, $0x3F800000, v4  }
0x18c: {  	vm15 =	vge.f32 v13, v41;
	v42 =	vadd.f32 v42, v46  }
0x18d: {  	v47 =	vsel vm15, $0x3F800000, v4  }
0x18e: {  	vm4 =	vge.f32 v14, v41;
	v42 =	vadd.f32 v42, v47  }
0x18f: {  	v48 =	vsel vm4, $0x3F800000, v4  }
0x190: {  	vm5 =	vge.f32 v15, v41;
	v42 =	vadd.f32 v42, v48  }
0x191: {  	v49 =	vsel vm5, $0x3F800000, v4  }
0x192: {  	vm6 =	vge.f32 v16, v41;
	v42 =	vadd.f32 v42, v49  }
0x193: {  	v50 =	vsel vm6, $0x3F800000, v4  }
0x194: {  	vm7 =	vge.f32 v17, v41;
	v42 =	vadd.f32 v42, v50  }
0x195: {  	v51 =	vsel vm7, $0x3F800000, v4  }
0x196: {  	vm8 =	vge.f32 v18, v41;
	v42 =	vadd.f32 v42, v51  }
0x197: {  	v52 =	vsel vm8, $0x3F800000, v4  }
0x198: {  	vm9 =	vge.f32 v19, v41;
	v42 =	vadd.f32 v42, v52  }
0x199: {  	v53 =	vsel vm9, $0x3F800000, v4  }
0x19a: {  	vm10 =	vge.f32 v20, v41;
	v42 =	vadd.f32 v42, v53  }
0x19b: {  	v54 =	vsel vm10, $0x3F800000, v4  }
0x19c: {  	vm11 =	vge.f32 v21, v41;
	v42 =	vadd.f32 v42, v54  }
0x19d: {  	v55 =	vsel vm11, $0x3F800000, v4  }
0x19e: {  	vm12 =	vge.f32 v22, v41;
	v42 =	vadd.f32 v42, v55  }
0x19f: {  	v56 =	vsel vm12, $0x3F800000, v4  }
0x1a0: {  	vm13 =	vge.f32 v23, v41;
	v42 =	vadd.f32 v42, v56  }
0x1a1: {  	v57 =	vsel vm13, $0x3F800000, v4  }
0x1a2: {  	vm14 =	vge.f32 v24, v41;
	v42 =	vadd.f32 v42, v57  }
0x1a3: {  	v58 =	vsel vm14, $0x3F800000, v4  }
0x1a4: {  	vm15 =	vge.f32 v25, v41;
	v42 =	vadd.f32 v42, v58  }
0x1a5: {  	v59 =	vsel vm15, $0x3F800000, v4  }
0x1a6: {  	vm4 =	vge.f32 v26, v41;
	v42 =	vadd.f32 v42, v59  }
0x1a7: {  	v60 =	vsel vm4, $0x3F800000, v4  }
0x1a8: {  	vm5 =	vge.f32 v27, v41;
	v42 =	vadd.f32 v42, v60  }
0x1a9: {  	v61 =	vsel vm5, $0x3F800000, v4  }
0x1aa: {  	vm6 =	vge.f32 v28, v41;
	v42 =	vadd.f32 v42, v61  }
0x1ab: {  	v62 =	vsel vm6, $0x3F800000, v4  }
0x1ac: {  	vm7 =	vge.f32 v29, v41;
	v42 =	vadd.f32 v42, v62  }
0x1ad: {  	v63 =	vsel vm7, $0x3F800000, v4  }
0x1ae: {  	vm8 =	vge.f32 v30, v41;
	v42 =	vadd.f32 v42, v63  }
0x1af: {  	v45 =	vsel vm8, $0x3F800000, v4  }
0x1b0: {  	vm9 =	vge.f32 v31, v41;
	v42 =	vadd.f32 v42, v45  }
0x1b1: {  	v46 =	vsel vm9, $0x3F800000, v4  }
0x1b2: {  	vm10 =	vge.f32 v32, v41;
	v42 =	vadd.f32 v42, v46  }
0x1b3: {  	v47 =	vsel vm10, $0x3F800000, v4  }
0x1b4: {  	v42 =	vadd.f32 v42, v47;
	_ =	sdelay $0x1  }
0x1b5: {  	v43 =	vperm.xlane v42, v0;
	_ =	sdelay $0x1  }
0x1b6: {  	v42 =	vadd.f32 v42, v43;
	_ =	sdelay $0x1  }
0x1b7: {  	v43 =	vperm.xlane v42, v1;
	_ =	sdelay $0x1  }
0x1b8: {  	v42 =	vadd.f32 v42, v43;
	_ =	sdelay $0x1  }
0x1b9: {  	v43 =	vperm.xlane v42, v2;
	_ =	sdelay $0x1  }
0x1ba: {  	v42 =	vadd.f32 v42, v43;
	_ =	sdelay $0x1  }
0x1bb: {  	v43 =	vperm.xlane v42, v3;
	_ =	sdelay $0x1  }
0x1bc: {  	v42 =	vadd.f32 v42, v43;
	_ =	sdelay $0x1  }
0x1bd: {  	vm11 =	vge.f32 v42, $6.400000000e+01  }
0x1be: {  	v39 =	vsel vm11, v41, v39;
	v40 =	vsel vm11, v40, v41  }
0x1bf: {  	v41 =	vadd.f32 v40, v39;
	_ =	sdelay $0x1  }
0x1c0: {  	v41 =	vmul.f32 $5.000000000e-01, v41;
	_ =	sdelay $0x1  }
0x1c1: {  	vm12 =	vge.f32 v37, v41;
	vm13 =	vge.f32 v38, v41  }
0x1c2: {  	v48 =	vsel vm12, $0x3F800000, v4;
	v49 =	vsel vm13, $0x3F800000, v4  }
0x1c3: {  	vm14 =	vge.f32 v36, v41;
	v42 =	vadd.f32 v49, v48  }
0x1c4: {  	v50 =	vsel vm14, $0x3F800000, v4  }
0x1c5: {  	vm15 =	vge.f32 v35, v41;
	v42 =	vadd.f32 v42, v50  }
0x1c6: {  	v51 =	vsel vm15, $0x3F800000, v4  }
0x1c7: {  	vm4 =	vge.f32 v34, v41;
	v42 =	vadd.f32 v42, v51  }
0x1c8: {  	v52 =	vsel vm4, $0x3F800000, v4  }
0x1c9: {  	vm5 =	vge.f32 v33, v41;
	v42 =	vadd.f32 v42, v52  }
0x1ca: {  	v53 =	vsel vm5, $0x3F800000, v4  }
0x1cb: {  	vm6 =	vge.f32 v7, v41;
	v42 =	vadd.f32 v42, v53  }
0x1cc: {  	v54 =	vsel vm6, $0x3F800000, v4  }
0x1cd: {  	vm7 =	vge.f32 v8, v41;
	v42 =	vadd.f32 v42, v54  }
0x1ce: {  	v55 =	vsel vm7, $0x3F800000, v4  }
0x1cf: {  	vm8 =	vge.f32 v9, v41;
	v42 =	vadd.f32 v42, v55  }
0x1d0: {  	v56 =	vsel vm8, $0x3F800000, v4  }
0x1d1: {  	vm9 =	vge.f32 v10, v41;
	v42 =	vadd.f32 v42, v56  }
0x1d2: {  	v57 =	vsel vm9, $0x3F800000, v4  }
0x1d3: {  	vm10 =	vge.f32 v11, v41;
	v42 =	vadd.f32 v42, v57  }
0x1d4: {  	v58 =	vsel vm10, $0x3F800000, v4  }
0x1d5: {  	vm11 =	vge.f32 v12, v41;
	v42 =	vadd.f32 v42, v58  }
0x1d6: {  	v59 =	vsel vm11, $0x3F800000, v4  }
0x1d7: {  	vm12 =	vge.f32 v13, v41;
	v42 =	vadd.f32 v42, v59  }
0x1d8: {  	v60 =	vsel vm12, $0x3F800000, v4  }
0x1d9: {  	vm13 =	vge.f32 v14, v41;
	v42 =	vadd.f32 v42, v60  }
0x1da: {  	v61 =	vsel vm13, $0x3F800000, v4  }
0x1db: {  	vm14 =	vge.f32 v15, v41;
	v42 =	vadd.f32 v42, v61  }
0x1dc: {  	v62 =	vsel vm14, $0x3F800000, v4  }
0x1dd: {  	vm15 =	vge.f32 v16, v41;
	v42 =	vadd.f32 v42, v62  }
0x1de: {  	v63 =	vsel vm15, $0x3F800000, v4  }
0x1df: {  	vm4 =	vge.f32 v17, v41;
	v42 =	vadd.f32 v42, v63  }
0x1e0: {  	v45 =	vsel vm4, $0x3F800000, v4  }
0x1e1: {  	vm5 =	vge.f32 v18, v41;
	v42 =	vadd.f32 v42, v45  }
0x1e2: {  	v46 =	vsel vm5, $0x3F800000, v4  }
0x1e3: {  	vm6 =	vge.f32 v19, v41;
	v42 =	vadd.f32 v42, v46  }
0x1e4: {  	v47 =	vsel vm6, $0x3F800000, v4  }
0x1e5: {  	vm7 =	vge.f32 v20, v41;
	v42 =	vadd.f32 v42, v47  }
0x1e6: {  	v48 =	vsel vm7, $0x3F800000, v4  }
0x1e7: {  	vm8 =	vge.f32 v21, v41;
	v42 =	vadd.f32 v42, v48  }
0x1e8: {  	v49 =	vsel vm8, $0x3F800000, v4  }
0x1e9: {  	vm9 =	vge.f32 v22, v41;
	v42 =	vadd.f32 v42, v49  }
0x1ea: {  	v50 =	vsel vm9, $0x3F800000, v4  }
0x1eb: {  	vm10 =	vge.f32 v23, v41;
	v42 =	vadd.f32 v42, v50  }
0x1ec: {  	v51 =	vsel vm10, $0x3F800000, v4  }
0x1ed: {  	vm11 =	vge.f32 v24, v41;
	v42 =	vadd.f32 v42, v51  }
0x1ee: {  	v52 =	vsel vm11, $0x3F800000, v4  }
0x1ef: {  	vm12 =	vge.f32 v25, v41;
	v42 =	vadd.f32 v42, v52  }
0x1f0: {  	v53 =	vsel vm12, $0x3F800000, v4  }
0x1f1: {  	vm13 =	vge.f32 v26, v41;
	v42 =	vadd.f32 v42, v53  }
0x1f2: {  	v54 =	vsel vm13, $0x3F800000, v4  }
0x1f3: {  	vm14 =	vge.f32 v27, v41;
	v42 =	vadd.f32 v42, v54  }
0x1f4: {  	v55 =	vsel vm14, $0x3F800000, v4  }
0x1f5: {  	vm15 =	vge.f32 v28, v41;
	v42 =	vadd.f32 v42, v55  }
0x1f6: {  	v56 =	vsel vm15, $0x3F800000, v4  }
0x1f7: {  	vm4 =	vge.f32 v29, v41;
	v42 =	vadd.f32 v42, v56  }
0x1f8: {  	v57 =	vsel vm4, $0x3F800000, v4  }
0x1f9: {  	vm5 =	vge.f32 v30, v41;
	v42 =	vadd.f32 v42, v57  }
0x1fa: {  	v58 =	vsel vm5, $0x3F800000, v4  }
0x1fb: {  	vm6 =	vge.f32 v31, v41;
	v42 =	vadd.f32 v42, v58  }
0x1fc: {  	v59 =	vsel vm6, $0x3F800000, v4  }
0x1fd: {  	vm7 =	vge.f32 v32, v41;
	v42 =	vadd.f32 v42, v59  }
0x1fe: {  	v60 =	vsel vm7, $0x3F800000, v4  }
0x1ff: {  	v42 =	vadd.f32 v42, v60;
	_ =	sdelay $0x1  }
0x200: {  	v43 =	vperm.xlane v42, v0;
	_ =	sdelay $0x1  }
0x201: {  	v42 =	vadd.f32 v42, v43;
	_ =	sdelay $0x1  }
0x202: {  	v43 =	vperm.xlane v42, v1;
	_ =	sdelay $0x1  }
0x203: {  	v42 =	vadd.f32 v42, v43;
	_ =	sdelay $0x1  }
0x204: {  	v43 =	vperm.xlane v42, v2;
	_ =	sdelay $0x1  }
0x205: {  	v42 =	vadd.f32 v42, v43;
	_ =	sdelay $0x1  }
0x206: {  	v43 =	vperm.xlane v42, v3;
	_ =	sdelay $0x1  }
0x207: {  	v42 =	vadd.f32 v42, v43;
	_ =	sdelay $0x1  }
0x208: {  	vm8 =	vge.f32 v42, $6.400000000e+01  }
0x209: {  	v39 =	vsel vm8, v41, v39;
	v40 =	vsel vm8, v40, v41  }
0x20a: {  	v41 =	vadd.f32 v40, v39;
	_ =	sdelay $0x1  }
0x20b: {  	v41 =	vmul.f32 $5.000000000e-01, v41;
	_ =	sdelay $0x1  }
0x20c: {  	vm9 =	vge.f32 v37, v41;
	vm10 =	vge.f32 v38, v41  }
0x20d: {  	v61 =	vsel vm9, $0x3F800000, v4;
	v62 =	vsel vm10, $0x3F800000, v4  }
0x20e: {  	vm11 =	vge.f32 v36, v41;
	v42 =	vadd.f32 v62, v61  }
0x20f: {  	v63 =	vsel vm11, $0x3F800000, v4  }
0x210: {  	vm12 =	vge.f32 v35, v41;
	v42 =	vadd.f32 v42, v63  }
0x211: {  	v45 =	vsel vm12, $0x3F800000, v4  }
0x212: {  	vm13 =	vge.f32 v34, v41;
	v42 =	vadd.f32 v42, v45  }
0x213: {  	v46 =	vsel vm13, $0x3F800000, v4  }
0x214: {  	vm14 =	vge.f32 v33, v41;
	v42 =	vadd.f32 v42, v46  }
0x215: {  	v47 =	vsel vm14, $0x3F800000, v4  }
0x216: {  	vm15 =	vge.f32 v7, v41;
	v42 =	vadd.f32 v42, v47  }
0x217: {  	v48 =	vsel vm15, $0x3F800000, v4  }
0x218: {  	vm4 =	vge.f32 v8, v41;
	v42 =	vadd.f32 v42, v48  }
0x219: {  	v49 =	vsel vm4, $0x3F800000, v4  }
0x21a: {  	vm5 =	vge.f32 v9, v41;
	v42 =	vadd.f32 v42, v49  }
0x21b: {  	v50 =	vsel vm5, $0x3F800000, v4  }
0x21c: {  	vm6 =	vge.f32 v10, v41;
	v42 =	vadd.f32 v42, v50  }
0x21d: {  	v51 =	vsel vm6, $0x3F800000, v4  }
0x21e: {  	vm7 =	vge.f32 v11, v41;
	v42 =	vadd.f32 v42, v51  }
0x21f: {  	v52 =	vsel vm7, $0x3F800000, v4  }
0x220: {  	vm8 =	vge.f32 v12, v41;
	v42 =	vadd.f32 v42, v52  }
0x221: {  	v53 =	vsel vm8, $0x3F800000, v4  }
0x222: {  	vm9 =	vge.f32 v13, v41;
	v42 =	vadd.f32 v42, v53  }
0x223: {  	v54 =	vsel vm9, $0x3F800000, v4  }
0x224: {  	vm10 =	vge.f32 v14, v41;
	v42 =	vadd.f32 v42, v54  }
0x225: {  	v55 =	vsel vm10, $0x3F800000, v4  }
0x226: {  	vm11 =	vge.f32 v15, v41;
	v42 =	vadd.f32 v42, v55  }
0x227: {  	v56 =	vsel vm11, $0x3F800000, v4  }
0x228: {  	vm12 =	vge.f32 v16, v41;
	v42 =	vadd.f32 v42, v56  }
0x229: {  	v57 =	vsel vm12, $0x3F800000, v4  }
0x22a: {  	vm13 =	vge.f32 v17, v41;
	v42 =	vadd.f32 v42, v57  }
0x22b: {  	v58 =	vsel vm13, $0x3F800000, v4  }
0x22c: {  	vm14 =	vge.f32 v18, v41;
	v42 =	vadd.f32 v42, v58  }
0x22d: {  	v59 =	vsel vm14, $0x3F800000, v4  }
0x22e: {  	vm15 =	vge.f32 v19, v41;
	v42 =	vadd.f32 v42, v59  }
0x22f: {  	v60 =	vsel vm15, $0x3F800000, v4  }
0x230: {  	vm4 =	vge.f32 v20, v41;
	v42 =	vadd.f32 v42, v60  }
0x231: {  	v61 =	vsel vm4, $0x3F800000, v4  }
0x232: {  	vm5 =	vge.f32 v21, v41;
	v42 =	vadd.f32 v42, v61  }
0x233: {  	v62 =	vsel vm5, $0x3F800000, v4  }
0x234: {  	vm6 =	vge.f32 v22, v41;
	v42 =	vadd.f32 v42, v62  }
0x235: {  	v63 =	vsel vm6, $0x3F800000, v4  }
0x236: {  	vm7 =	vge.f32 v23, v41;
	v42 =	vadd.f32 v42, v63  }
0x237: {  	v45 =	vsel vm7, $0x3F800000, v4  }
0x238: {  	vm8 =	vge.f32 v24, v41;
	v42 =	vadd.f32 v42, v45  }
0x239: {  	v46 =	vsel vm8, $0x3F800000, v4  }
0x23a: {  	vm9 =	vge.f32 v25, v41;
	v42 =	vadd.f32 v42, v46  }
0x23b: {  	v47 =	vsel vm9, $0x3F800000, v4  }
0x23c: {  	vm10 =	vge.f32 v26, v41;
	v42 =	vadd.f32 v42, v47  }
0x23d: {  	v48 =	vsel vm10, $0x3F800000, v4  }
0x23e: {  	vm11 =	vge.f32 v27, v41;
	v42 =	vadd.f32 v42, v48  }
0x23f: {  	v49 =	vsel vm11, $0x3F800000, v4  }
0x240: {  	vm12 =	vge.f32 v28, v41;
	v42 =	vadd.f32 v42, v49  }
0x241: {  	v50 =	vsel vm12, $0x3F800000, v4  }
0x242: {  	vm13 =	vge.f32 v29, v41;
	v42 =	vadd.f32 v42, v50  }
0x243: {  	v51 =	vsel vm13, $0x3F800000, v4  }
0x244: {  	vm14 =	vge.f32 v30, v41;
	v42 =	vadd.f32 v42, v51  }
0x245: {  	v52 =	vsel vm14, $0x3F800000, v4  }
0x246: {  	vm15 =	vge.f32 v31, v41;
	v42 =	vadd.f32 v42, v52  }
0x247: {  	v53 =	vsel vm15, $0x3F800000, v4  }
0x248: {  	vm4 =	vge.f32 v32, v41;
	v42 =	vadd.f32 v42, v53  }
0x249: {  	v54 =	vsel vm4, $0x3F800000, v4  }
0x24a: {  	v42 =	vadd.f32 v42, v54;
	_ =	sdelay $0x1  }
0x24b: {  	v43 =	vperm.xlane v42, v0;
	_ =	sdelay $0x1  }
0x24c: {  	v42 =	vadd.f32 v42, v43;
	_ =	sdelay $0x1  }
0x24d: {  	v43 =	vperm.xlane v42, v1;
	_ =	sdelay $0x1  }
0x24e: {  	v42 =	vadd.f32 v42, v43;
	_ =	sdelay $0x1  }
0x24f: {  	v43 =	vperm.xlane v42, v2;
	_ =	sdelay $0x1  }
0x250: {  	v42 =	vadd.f32 v42, v43;
	_ =	sdelay $0x1  }
0x251: {  	v43 =	vperm.xlane v42, v3;
	_ =	sdelay $0x1  }
0x252: {  	v42 =	vadd.f32 v42, v43;
	_ =	sdelay $0x1  }
0x253: {  	vm5 =	vge.f32 v42, $6.400000000e+01  }
0x254: {  	v39 =	vsel vm5, v41, v39;
	v40 =	vsel vm5, v40, v41  }
0x255: {  	v41 =	vadd.f32 v40, v39;
	_ =	sdelay $0x1  }
0x256: {  	v41 =	vmul.f32 $5.000000000e-01, v41;
	_ =	sdelay $0x1  }
0x257: {  	vm6 =	vge.f32 v37, v41;
	vm7 =	vge.f32 v38, v41  }
0x258: {  	v55 =	vsel vm6, $0x3F800000, v4;
	v56 =	vsel vm7, $0x3F800000, v4  }
0x259: {  	vm8 =	vge.f32 v36, v41;
	v42 =	vadd.f32 v56, v55  }
0x25a: {  	v57 =	vsel vm8, $0x3F800000, v4  }
0x25b: {  	vm9 =	vge.f32 v35, v41;
	v42 =	vadd.f32 v42, v57  }
0x25c: {  	v58 =	vsel vm9, $0x3F800000, v4  }
0x25d: {  	vm10 =	vge.f32 v34, v41;
	v42 =	vadd.f32 v42, v58  }
0x25e: {  	v59 =	vsel vm10, $0x3F800000, v4  }
0x25f: {  	vm11 =	vge.f32 v33, v41;
	v42 =	vadd.f32 v42, v59  }
0x260: {  	v60 =	vsel vm11, $0x3F800000, v4  }
0x261: {  	vm12 =	vge.f32 v7, v41;
	v42 =	vadd.f32 v42, v60  }
0x262: {  	v61 =	vsel vm12, $0x3F800000, v4  }
0x263: {  	vm13 =	vge.f32 v8, v41;
	v42 =	vadd.f32 v42, v61  }
0x264: {  	v62 =	vsel vm13, $0x3F800000, v4  }
0x265: {  	vm14 =	vge.f32 v9, v41;
	v42 =	vadd.f32 v42, v62  }
0x266: {  	v63 =	vsel vm14, $0x3F800000, v4  }
0x267: {  	vm15 =	vge.f32 v10, v41;
	v42 =	vadd.f32 v42, v63  }
0x268: {  	v45 =	vsel vm15, $0x3F800000, v4  }
0x269: {  	vm4 =	vge.f32 v11, v41;
	v42 =	vadd.f32 v42, v45  }
0x26a: {  	v46 =	vsel vm4, $0x3F800000, v4  }
0x26b: {  	vm5 =	vge.f32 v12, v41;
	v42 =	vadd.f32 v42, v46  }
0x26c: {  	v47 =	vsel vm5, $0x3F800000, v4  }
0x26d: {  	vm6 =	vge.f32 v13, v41;
	v42 =	vadd.f32 v42, v47  }
0x26e: {  	v48 =	vsel vm6, $0x3F800000, v4  }
0x26f: {  	vm7 =	vge.f32 v14, v41;
	v42 =	vadd.f32 v42, v48  }
0x270: {  	v49 =	vsel vm7, $0x3F800000, v4  }
0x271: {  	vm8 =	vge.f32 v15, v41;
	v42 =	vadd.f32 v42, v49  }
0x272: {  	v50 =	vsel vm8, $0x3F800000, v4  }
0x273: {  	vm9 =	vge.f32 v16, v41;
	v42 =	vadd.f32 v42, v50  }
0x274: {  	v51 =	vsel vm9, $0x3F800000, v4  }
0x275: {  	vm10 =	vge.f32 v17, v41;
	v42 =	vadd.f32 v42, v51  }
0x276: {  	v52 =	vsel vm10, $0x3F800000, v4  }
0x277: {  	vm11 =	vge.f32 v18, v41;
	v42 =	vadd.f32 v42, v52  }
0x278: {  	v53 =	vsel vm11, $0x3F800000, v4  }
0x279: {  	vm12 =	vge.f32 v19, v41;
	v42 =	vadd.f32 v42, v53  }
0x27a: {  	v54 =	vsel vm12, $0x3F800000, v4  }
0x27b: {  	vm13 =	vge.f32 v20, v41;
	v42 =	vadd.f32 v42, v54  }
0x27c: {  	v55 =	vsel vm13, $0x3F800000, v4  }
0x27d: {  	vm14 =	vge.f32 v21, v41;
	v42 =	vadd.f32 v42, v55  }
0x27e: {  	v56 =	vsel vm14, $0x3F800000, v4  }
0x27f: {  	vm15 =	vge.f32 v22, v41;
	v42 =	vadd.f32 v42, v56  }
0x280: {  	v57 =	vsel vm15, $0x3F800000, v4  }
0x281: {  	vm4 =	vge.f32 v23, v41;
	v42 =	vadd.f32 v42, v57  }
0x282: {  	v58 =	vsel vm4, $0x3F800000, v4  }
0x283: {  	vm5 =	vge.f32 v24, v41;
	v42 =	vadd.f32 v42, v58  }
0x284: {  	v59 =	vsel vm5, $0x3F800000, v4  }
0x285: {  	vm6 =	vge.f32 v25, v41;
	v42 =	vadd.f32 v42, v59  }
0x286: {  	v60 =	vsel vm6, $0x3F800000, v4  }
0x287: {  	vm7 =	vge.f32 v26, v41;
	v42 =	vadd.f32 v42, v60  }
0x288: {  	v61 =	vsel vm7, $0x3F800000, v4  }
0x289: {  	vm8 =	vge.f32 v27, v41;
	v42 =	vadd.f32 v42, v61  }
0x28a: {  	v62 =	vsel vm8, $0x3F800000, v4  }
0x28b: {  	vm9 =	vge.f32 v28, v41;
	v42 =	vadd.f32 v42, v62  }
0x28c: {  	v63 =	vsel vm9, $0x3F800000, v4  }
0x28d: {  	vm10 =	vge.f32 v29, v41;
	v42 =	vadd.f32 v42, v63  }
0x28e: {  	v45 =	vsel vm10, $0x3F800000, v4  }
0x28f: {  	vm11 =	vge.f32 v30, v41;
	v42 =	vadd.f32 v42, v45  }
0x290: {  	v46 =	vsel vm11, $0x3F800000, v4  }
0x291: {  	vm12 =	vge.f32 v31, v41;
	v42 =	vadd.f32 v42, v46  }
0x292: {  	v47 =	vsel vm12, $0x3F800000, v4  }
0x293: {  	vm13 =	vge.f32 v32, v41;
	v42 =	vadd.f32 v42, v47  }
0x294: {  	v48 =	vsel vm13, $0x3F800000, v4  }
0x295: {  	v42 =	vadd.f32 v42, v48;
	_ =	sdelay $0x1  }
0x296: {  	v43 =	vperm.xlane v42, v0;
	_ =	sdelay $0x1  }
0x297: {  	v42 =	vadd.f32 v42, v43;
	_ =	sdelay $0x1  }
0x298: {  	v43 =	vperm.xlane v42, v1;
	_ =	sdelay $0x1  }
0x299: {  	v42 =	vadd.f32 v42, v43;
	_ =	sdelay $0x1  }
0x29a: {  	v43 =	vperm.xlane v42, v2;
	_ =	sdelay $0x1  }
0x29b: {  	v42 =	vadd.f32 v42, v43;
	_ =	sdelay $0x1  }
0x29c: {  	v43 =	vperm.xlane v42, v3;
	_ =	sdelay $0x1  }
0x29d: {  	v42 =	vadd.f32 v42, v43;
	_ =	sdelay $0x1  }
0x29e: {  	vm14 =	vge.f32 v42, $6.400000000e+01  }
0x29f: {  	v39 =	vsel vm14, v41, v39;
	v40 =	vsel vm14, v40, v41  }
0x2a0: {  	v41 =	vadd.f32 v40, v39;
	_ =	sdelay $0x1  }
0x2a1: {  	v41 =	vmul.f32 $5.000000000e-01, v41;
	_ =	sdelay $0x1  }
0x2a2: {  	vm15 =	vge.f32 v37, v41;
	vm4 =	vge.f32 v38, v41  }
0x2a3: {  	v49 =	vsel vm15, $0x3F800000, v4;
	v50 =	vsel vm4, $0x3F800000, v4  }
0x2a4: {  	vm5 =	vge.f32 v36, v41;
	v42 =	vadd.f32 v50, v49  }
0x2a5: {  	v51 =	vsel vm5, $0x3F800000, v4  }
0x2a6: {  	vm6 =	vge.f32 v35, v41;
	v42 =	vadd.f32 v42, v51  }
0x2a7: {  	v52 =	vsel vm6, $0x3F800000, v4  }
0x2a8: {  	vm7 =	vge.f32 v34, v41;
	v42 =	vadd.f32 v42, v52  }
0x2a9: {  	v53 =	vsel vm7, $0x3F800000, v4  }
0x2aa: {  	vm8 =	vge.f32 v33, v41;
	v42 =	vadd.f32 v42, v53  }
0x2ab: {  	v54 =	vsel vm8, $0x3F800000, v4  }
0x2ac: {  	vm9 =	vge.f32 v7, v41;
	v42 =	vadd.f32 v42, v54  }
0x2ad: {  	v55 =	vsel vm9, $0x3F800000, v4  }
0x2ae: {  	vm10 =	vge.f32 v8, v41;
	v42 =	vadd.f32 v42, v55  }
0x2af: {  	v56 =	vsel vm10, $0x3F800000, v4  }
0x2b0: {  	vm11 =	vge.f32 v9, v41;
	v42 =	vadd.f32 v42, v56  }
0x2b1: {  	v57 =	vsel vm11, $0x3F800000, v4  }
0x2b2: {  	vm12 =	vge.f32 v10, v41;
	v42 =	vadd.f32 v42, v57  }
0x2b3: {  	v58 =	vsel vm12, $0x3F800000, v4  }
0x2b4: {  	vm13 =	vge.f32 v11, v41;
	v42 =	vadd.f32 v42, v58  }
0x2b5: {  	v59 =	vsel vm13, $0x3F800000, v4  }
0x2b6: {  	vm14 =	vge.f32 v12, v41;
	v42 =	vadd.f32 v42, v59  }
0x2b7: {  	v60 =	vsel vm14, $0x3F800000, v4  }
0x2b8: {  	vm15 =	vge.f32 v13, v41;
	v42 =	vadd.f32 v42, v60  }
0x2b9: {  	v61 =	vsel vm15, $0x3F800000, v4  }
0x2ba: {  	vm4 =	vge.f32 v14, v41;
	v42 =	vadd.f32 v42, v61  }
0x2bb: {  	v62 =	vsel vm4, $0x3F800000, v4  }
0x2bc: {  	vm5 =	vge.f32 v15, v41;
	v42 =	vadd.f32 v42, v62  }
0x2bd: {  	v63 =	vsel vm5, $0x3F800000, v4  }
0x2be: {  	vm6 =	vge.f32 v16, v41;
	v42 =	vadd.f32 v42, v63  }
0x2bf: {  	v45 =	vsel vm6, $0x3F800000, v4  }
0x2c0: {  	vm7 =	vge.f32 v17, v41;
	v42 =	vadd.f32 v42, v45  }
0x2c1: {  	v46 =	vsel vm7, $0x3F800000, v4  }
0x2c2: {  	vm8 =	vge.f32 v18, v41;
	v42 =	vadd.f32 v42, v46  }
0x2c3: {  	v47 =	vsel vm8, $0x3F800000, v4  }
0x2c4: {  	vm9 =	vge.f32 v19, v41;
	v42 =	vadd.f32 v42, v47  }
0x2c5: {  	v48 =	vsel vm9, $0x3F800000, v4  }
0x2c6: {  	vm10 =	vge.f32 v20, v41;
	v42 =	vadd.f32 v42, v48  }
0x2c7: {  	v49 =	vsel vm10, $0x3F800000, v4  }
0x2c8: {  	vm11 =	vge.f32 v21, v41;
	v42 =	vadd.f32 v42, v49  }
0x2c9: {  	v50 =	vsel vm11, $0x3F800000, v4  }
0x2ca: {  	vm12 =	vge.f32 v22, v41;
	v42 =	vadd.f32 v42, v50  }
0x2cb: {  	v51 =	vsel vm12, $0x3F800000, v4  }
0x2cc: {  	vm13 =	vge.f32 v23, v41;
	v42 =	vadd.f32 v42, v51  }
0x2cd: {  	v52 =	vsel vm13, $0x3F800000, v4  }
0x2ce: {  	vm14 =	vge.f32 v24, v41;
	v42 =	vadd.f32 v42, v52  }
0x2cf: {  	v53 =	vsel vm14, $0x3F800000, v4  }
0x2d0: {  	vm15 =	vge.f32 v25, v41;
	v42 =	vadd.f32 v42, v53  }
0x2d1: {  	v54 =	vsel vm15, $0x3F800000, v4  }
0x2d2: {  	vm4 =	vge.f32 v26, v41;
	v42 =	vadd.f32 v42, v54  }
0x2d3: {  	v55 =	vsel vm4, $0x3F800000, v4  }
0x2d4: {  	vm5 =	vge.f32 v27, v41;
	v42 =	vadd.f32 v42, v55  }
0x2d5: {  	v56 =	vsel vm5, $0x3F800000, v4  }
0x2d6: {  	vm6 =	vge.f32 v28, v41;
	v42 =	vadd.f32 v42, v56  }
0x2d7: {  	v57 =	vsel vm6, $0x3F800000, v4  }
0x2d8: {  	vm7 =	vge.f32 v29, v41;
	v42 =	vadd.f32 v42, v57  }
0x2d9: {  	v58 =	vsel vm7, $0x3F800000, v4  }
0x2da: {  	vm8 =	vge.f32 v30, v41;
	v42 =	vadd.f32 v42, v58  }
0x2db: {  	v59 =	vsel vm8, $0x3F800000, v4  }
0x2dc: {  	vm9 =	vge.f32 v31, v41;
	v42 =	vadd.f32 v42, v59  }
0x2dd: {  	v60 =	vsel vm9, $0x3F800000, v4  }
0x2de: {  	vm10 =	vge.f32 v32, v41;
	v42 =	vadd.f32 v42, v60  }
0x2df: {  	v61 =	vsel vm10, $0x3F800000, v4  }
0x2e0: {  	v42 =	vadd.f32 v42, v61;
	_ =	sdelay $0x1  }
0x2e1: {  	v43 =	vperm.xlane v42, v0;
	_ =	sdelay $0x1  }
0x2e2: {  	v42 =	vadd.f32 v42, v43;
	_ =	sdelay $0x1  }
0x2e3: {  	v43 =	vperm.xlane v42, v1;
	_ =	sdelay $0x1  }
0x2e4: {  	v42 =	vadd.f32 v42, v43;
	_ =	sdelay $0x1  }
0x2e5: {  	v43 =	vperm.xlane v42, v2;
	_ =	sdelay $0x1  }
0x2e6: {  	v42 =	vadd.f32 v42, v43;
	_ =	sdelay $0x1  }
0x2e7: {  	v43 =	vperm.xlane v42, v3;
	_ =	sdelay $0x1  }
0x2e8: {  	v42 =	vadd.f32 v42, v43;
	_ =	sdelay $0x1  }
0x2e9: {  	vm11 =	vge.f32 v42, $6.400000000e+01  }
0x2ea: {  	v39 =	vsel vm11, v41, v39;
	v40 =	vsel vm11, v40, v41  }
0x2eb: {  	v41 =	vadd.f32 v40, v39;
	_ =	sdelay $0x1  }
0x2ec: {  	v41 =	vmul.f32 $5.000000000e-01, v41;
	_ =	sdelay $0x1  }
0x2ed: {  	vm12 =	vge.f32 v37, v41;
	vm13 =	vge.f32 v38, v41  }
0x2ee: {  	v62 =	vsel vm12, $0x3F800000, v4;
	v63 =	vsel vm13, $0x3F800000, v4  }
0x2ef: {  	vm14 =	vge.f32 v36, v41;
	v42 =	vadd.f32 v63, v62  }
0x2f0: {  	v45 =	vsel vm14, $0x3F800000, v4  }
0x2f1: {  	vm15 =	vge.f32 v35, v41;
	v42 =	vadd.f32 v42, v45  }
0x2f2: {  	v46 =	vsel vm15, $0x3F800000, v4  }
0x2f3: {  	vm4 =	vge.f32 v34, v41;
	v42 =	vadd.f32 v42, v46  }
0x2f4: {  	v47 =	vsel vm4, $0x3F800000, v4  }
0x2f5: {  	vm5 =	vge.f32 v33, v41;
	v42 =	vadd.f32 v42, v47  }
0x2f6: {  	v48 =	vsel vm5, $0x3F800000, v4  }
0x2f7: {  	vm6 =	vge.f32 v7, v41;
	v42 =	vadd.f32 v42, v48  }
0x2f8: {  	v49 =	vsel vm6, $0x3F800000, v4  }
0x2f9: {  	vm7 =	vge.f32 v8, v41;
	v42 =	vadd.f32 v42, v49  }
0x2fa: {  	v50 =	vsel vm7, $0x3F800000, v4  }
0x2fb: {  	vm8 =	vge.f32 v9, v41;
	v42 =	vadd.f32 v42, v50  }
0x2fc: {  	v51 =	vsel vm8, $0x3F800000, v4  }
0x2fd: {  	vm9 =	vge.f32 v10, v41;
	v42 =	vadd.f32 v42, v51  }
0x2fe: {  	v52 =	vsel vm9, $0x3F800000, v4  }
0x2ff: {  	vm10 =	vge.f32 v11, v41;
	v42 =	vadd.f32 v42, v52  }
0x300: {  	v53 =	vsel vm10, $0x3F800000, v4  }
0x301: {  	vm11 =	vge.f32 v12, v41;
	v42 =	vadd.f32 v42, v53  }
0x302: {  	v54 =	vsel vm11, $0x3F800000, v4  }
0x303: {  	vm12 =	vge.f32 v13, v41;
	v42 =	vadd.f32 v42, v54  }
0x304: {  	v55 =	vsel vm12, $0x3F800000, v4  }
0x305: {  	vm13 =	vge.f32 v14, v41;
	v42 =	vadd.f32 v42, v55  }
0x306: {  	v56 =	vsel vm13, $0x3F800000, v4  }
0x307: {  	vm14 =	vge.f32 v15, v41;
	v42 =	vadd.f32 v42, v56  }
0x308: {  	v57 =	vsel vm14, $0x3F800000, v4  }
0x309: {  	vm15 =	vge.f32 v16, v41;
	v42 =	vadd.f32 v42, v57  }
0x30a: {  	v58 =	vsel vm15, $0x3F800000, v4  }
0x30b: {  	vm4 =	vge.f32 v17, v41;
	v42 =	vadd.f32 v42, v58  }
0x30c: {  	v59 =	vsel vm4, $0x3F800000, v4  }
0x30d: {  	vm5 =	vge.f32 v18, v41;
	v42 =	vadd.f32 v42, v59  }
0x30e: {  	v60 =	vsel vm5, $0x3F800000, v4  }
0x30f: {  	vm6 =	vge.f32 v19, v41;
	v42 =	vadd.f32 v42, v60  }
0x310: {  	v61 =	vsel vm6, $0x3F800000, v4  }
0x311: {  	vm7 =	vge.f32 v20, v41;
	v42 =	vadd.f32 v42, v61  }
0x312: {  	v62 =	vsel vm7, $0x3F800000, v4  }
0x313: {  	vm8 =	vge.f32 v21, v41;
	v42 =	vadd.f32 v42, v62  }
0x314: {  	v63 =	vsel vm8, $0x3F800000, v4  }
0x315: {  	vm9 =	vge.f32 v22, v41;
	v42 =	vadd.f32 v42, v63  }
0x316: {  	v45 =	vsel vm9, $0x3F800000, v4  }
0x317: {  	vm10 =	vge.f32 v23, v41;
	v42 =	vadd.f32 v42, v45  }
0x318: {  	v46 =	vsel vm10, $0x3F800000, v4  }
0x319: {  	vm11 =	vge.f32 v24, v41;
	v42 =	vadd.f32 v42, v46  }
0x31a: {  	v47 =	vsel vm11, $0x3F800000, v4  }
0x31b: {  	vm12 =	vge.f32 v25, v41;
	v42 =	vadd.f32 v42, v47  }
0x31c: {  	v48 =	vsel vm12, $0x3F800000, v4  }
0x31d: {  	vm13 =	vge.f32 v26, v41;
	v42 =	vadd.f32 v42, v48  }
0x31e: {  	v49 =	vsel vm13, $0x3F800000, v4  }
0x31f: {  	vm14 =	vge.f32 v27, v41;
	v42 =	vadd.f32 v42, v49  }
0x320: {  	v50 =	vsel vm14, $0x3F800000, v4  }
0x321: {  	vm15 =	vge.f32 v28, v41;
	v42 =	vadd.f32 v42, v50  }
0x322: {  	v51 =	vsel vm15, $0x3F800000, v4  }
0x323: {  	vm4 =	vge.f32 v29, v41;
	v42 =	vadd.f32 v42, v51  }
0x324: {  	v52 =	vsel vm4, $0x3F800000, v4  }
0x325: {  	vm5 =	vge.f32 v30, v41;
	v42 =	vadd.f32 v42, v52  }
0x326: {  	v53 =	vsel vm5, $0x3F800000, v4  }
0x327: {  	vm6 =	vge.f32 v31, v41;
	v42 =	vadd.f32 v42, v53  }
0x328: {  	v54 =	vsel vm6, $0x3F800000, v4  }
0x329: {  	vm7 =	vge.f32 v32, v41;
	v42 =	vadd.f32 v42, v54  }
0x32a: {  	v55 =	vsel vm7, $0x3F800000, v4  }
0x32b: {  	v42 =	vadd.f32 v42, v55;
	_ =	sdelay $0x1  }
0x32c: {  	v43 =	vperm.xlane v42, v0;
	_ =	sdelay $0x1  }
0x32d: {  	v42 =	vadd.f32 v42, v43;
	_ =	sdelay $0x1  }
0x32e: {  	v43 =	vperm.xlane v42, v1;
	_ =	sdelay $0x1  }
0x32f: {  	v42 =	vadd.f32 v42, v43;
	_ =	sdelay $0x1  }
0x330: {  	v43 =	vperm.xlane v42, v2;
	_ =	sdelay $0x1  }
0x331: {  	v42 =	vadd.f32 v42, v43;
	_ =	sdelay $0x1  }
0x332: {  	v43 =	vperm.xlane v42, v3;
	_ =	sdelay $0x1  }
0x333: {  	v42 =	vadd.f32 v42, v43;
	_ =	sdelay $0x1  }
0x334: {  	vm8 =	vge.f32 v42, $6.400000000e+01  }
0x335: {  	v39 =	vsel vm8, v41, v39;
	v40 =	vsel vm8, v40, v41  }
0x336: {  	v41 =	vadd.f32 v40, v39;
	_ =	sdelay $0x1  }
0x337: {  	v41 =	vmul.f32 $5.000000000e-01, v41;
	_ =	sdelay $0x1  }
0x338: {  	vm9 =	vge.f32 v37, v41;
	vm10 =	vge.f32 v38, v41  }
0x339: {  	v56 =	vsel vm9, $0x3F800000, v4;
	v57 =	vsel vm10, $0x3F800000, v4  }
0x33a: {  	vm11 =	vge.f32 v36, v41;
	v42 =	vadd.f32 v57, v56  }
0x33b: {  	v58 =	vsel vm11, $0x3F800000, v4  }
0x33c: {  	vm12 =	vge.f32 v35, v41;
	v42 =	vadd.f32 v42, v58  }
0x33d: {  	v59 =	vsel vm12, $0x3F800000, v4  }
0x33e: {  	vm13 =	vge.f32 v34, v41;
	v42 =	vadd.f32 v42, v59  }
0x33f: {  	v60 =	vsel vm13, $0x3F800000, v4  }
0x340: {  	vm14 =	vge.f32 v33, v41;
	v42 =	vadd.f32 v42, v60  }
0x341: {  	v61 =	vsel vm14, $0x3F800000, v4  }
0x342: {  	vm15 =	vge.f32 v7, v41;
	v42 =	vadd.f32 v42, v61  }
0x343: {  	v62 =	vsel vm15, $0x3F800000, v4  }
0x344: {  	vm4 =	vge.f32 v8, v41;
	v42 =	vadd.f32 v42, v62  }
0x345: {  	v63 =	vsel vm4, $0x3F800000, v4  }
0x346: {  	vm5 =	vge.f32 v9, v41;
	v42 =	vadd.f32 v42, v63  }
0x347: {  	v45 =	vsel vm5, $0x3F800000, v4  }
0x348: {  	vm6 =	vge.f32 v10, v41;
	v42 =	vadd.f32 v42, v45  }
0x349: {  	v46 =	vsel vm6, $0x3F800000, v4  }
0x34a: {  	vm7 =	vge.f32 v11, v41;
	v42 =	vadd.f32 v42, v46  }
0x34b: {  	v47 =	vsel vm7, $0x3F800000, v4  }
0x34c: {  	vm8 =	vge.f32 v12, v41;
	v42 =	vadd.f32 v42, v47  }
0x34d: {  	v48 =	vsel vm8, $0x3F800000, v4  }
0x34e: {  	vm9 =	vge.f32 v13, v41;
	v42 =	vadd.f32 v42, v48  }
0x34f: {  	v49 =	vsel vm9, $0x3F800000, v4  }
0x350: {  	vm10 =	vge.f32 v14, v41;
	v42 =	vadd.f32 v42, v49  }
0x351: {  	v50 =	vsel vm10, $0x3F800000, v4  }
0x352: {  	vm11 =	vge.f32 v15, v41;
	v42 =	vadd.f32 v42, v50  }
0x353: {  	v51 =	vsel vm11, $0x3F800000, v4  }
0x354: {  	vm12 =	vge.f32 v16, v41;
	v42 =	vadd.f32 v42, v51  }
0x355: {  	v52 =	vsel vm12, $0x3F800000, v4  }
0x356: {  	vm13 =	vge.f32 v17, v41;
	v42 =	vadd.f32 v42, v52  }
0x357: {  	v53 =	vsel vm13, $0x3F800000, v4  }
0x358: {  	vm14 =	vge.f32 v18, v41;
	v42 =	vadd.f32 v42, v53  }
0x359: {  	v54 =	vsel vm14, $0x3F800000, v4  }
0x35a: {  	vm15 =	vge.f32 v19, v41;
	v42 =	vadd.f32 v42, v54  }
0x35b: {  	v55 =	vsel vm15, $0x3F800000, v4  }
0x35c: {  	vm4 =	vge.f32 v20, v41;
	v42 =	vadd.f32 v42, v55  }
0x35d: {  	v56 =	vsel vm4, $0x3F800000, v4  }
0x35e: {  	vm5 =	vge.f32 v21, v41;
	v42 =	vadd.f32 v42, v56  }
0x35f: {  	v57 =	vsel vm5, $0x3F800000, v4  }
0x360: {  	vm6 =	vge.f32 v22, v41;
	v42 =	vadd.f32 v42, v57  }
0x361: {  	v58 =	vsel vm6, $0x3F800000, v4  }
0x362: {  	vm7 =	vge.f32 v23, v41;
	v42 =	vadd.f32 v42, v58  }
0x363: {  	v59 =	vsel vm7, $0x3F800000, v4  }
0x364: {  	vm8 =	vge.f32 v24, v41;
	v42 =	vadd.f32 v42, v59  }
0x365: {  	v60 =	vsel vm8, $0x3F800000, v4  }
0x366: {  	vm9 =	vge.f32 v25, v41;
	v42 =	vadd.f32 v42, v60  }
0x367: {  	v61 =	vsel vm9, $0x3F800000, v4  }
0x368: {  	vm10 =	vge.f32 v26, v41;
	v42 =	vadd.f32 v42, v61  }
0x369: {  	v62 =	vsel vm10, $0x3F800000, v4  }
0x36a: {  	vm11 =	vge.f32 v27, v41;
	v42 =	vadd.f32 v42, v62  }
0x36b: {  	v63 =	vsel vm11, $0x3F800000, v4  }
0x36c: {  	vm12 =	vge.f32 v28, v41;
	v42 =	vadd.f32 v42, v63  }
0x36d: {  	v45 =	vsel vm12, $0x3F800000, v4  }
0x36e: {  	vm13 =	vge.f32 v29, v41;
	v42 =	vadd.f32 v42, v45  }
0x36f: {  	v46 =	vsel vm13, $0x3F800000, v4  }
0x370: {  	vm14 =	vge.f32 v30, v41;
	v42 =	vadd.f32 v42, v46  }
0x371: {  	v47 =	vsel vm14, $0x3F800000, v4  }
0x372: {  	vm15 =	vge.f32 v31, v41;
	v42 =	vadd.f32 v42, v47  }
0x373: {  	v48 =	vsel vm15, $0x3F800000, v4  }
0x374: {  	vm4 =	vge.f32 v32, v41;
	v42 =	vadd.f32 v42, v48  }
0x375: {  	v49 =	vsel vm4, $0x3F800000, v4  }
0x376: {  	v42 =	vadd.f32 v42, v49;
	_ =	sdelay $0x1  }
0x377: {  	v43 =	vperm.xlane v42, v0;
	_ =	sdelay $0x1  }
0x378: {  	v42 =	vadd.f32 v42, v43;
	_ =	sdelay $0x1  }
0x379: {  	v43 =	vperm.xlane v42, v1;
	_ =	sdelay $0x1  }
0x37a: {  	v42 =	vadd.f32 v42, v43;
	_ =	sdelay $0x1  }
0x37b: {  	v43 =	vperm.xlane v42, v2;
	_ =	sdelay $0x1  }
0x37c: {  	v42 =	vadd.f32 v42, v43;
	_ =	sdelay $0x1  }
0x37d: {  	v43 =	vperm.xlane v42, v3;
	_ =	sdelay $0x1  }
0x37e: {  	v42 =	vadd.f32 v42, v43;
	_ =	sdelay $0x1  }
0x37f: {  	vm5 =	vge.f32 v42, $6.400000000e+01  }
0x380: {  	v39 =	vsel vm5, v41, v39;
	v40 =	vsel vm5, v40, v41  }
0x381: {  	v41 =	vadd.f32 v40, v39;
	_ =	sdelay $0x1  }
0x382: {  	v41 =	vmul.f32 $5.000000000e-01, v41;
	_ =	sdelay $0x1  }
0x383: {  	vm6 =	vge.f32 v37, v41;
	vm7 =	vge.f32 v38, v41  }
0x384: {  	v50 =	vsel vm6, $0x3F800000, v4;
	v51 =	vsel vm7, $0x3F800000, v4  }
0x385: {  	vm8 =	vge.f32 v36, v41;
	v42 =	vadd.f32 v51, v50  }
0x386: {  	v52 =	vsel vm8, $0x3F800000, v4  }
0x387: {  	vm9 =	vge.f32 v35, v41;
	v42 =	vadd.f32 v42, v52  }
0x388: {  	v53 =	vsel vm9, $0x3F800000, v4  }
0x389: {  	vm10 =	vge.f32 v34, v41;
	v42 =	vadd.f32 v42, v53  }
0x38a: {  	v54 =	vsel vm10, $0x3F800000, v4  }
0x38b: {  	vm11 =	vge.f32 v33, v41;
	v42 =	vadd.f32 v42, v54  }
0x38c: {  	v55 =	vsel vm11, $0x3F800000, v4  }
0x38d: {  	vm12 =	vge.f32 v7, v41;
	v42 =	vadd.f32 v42, v55  }
0x38e: {  	v56 =	vsel vm12, $0x3F800000, v4  }
0x38f: {  	vm13 =	vge.f32 v8, v41;
	v42 =	vadd.f32 v42, v56  }
0x390: {  	v57 =	vsel vm13, $0x3F800000, v4  }
0x391: {  	vm14 =	vge.f32 v9, v41;
	v42 =	vadd.f32 v42, v57  }
0x392: {  	v58 =	vsel vm14, $0x3F800000, v4  }
0x393: {  	vm15 =	vge.f32 v10, v41;
	v42 =	vadd.f32 v42, v58  }
0x394: {  	v59 =	vsel vm15, $0x3F800000, v4  }
0x395: {  	vm4 =	vge.f32 v11, v41;
	v42 =	vadd.f32 v42, v59  }
0x396: {  	v60 =	vsel vm4, $0x3F800000, v4  }
0x397: {  	vm5 =	vge.f32 v12, v41;
	v42 =	vadd.f32 v42, v60  }
0x398: {  	v61 =	vsel vm5, $0x3F800000, v4  }
0x399: {  	vm6 =	vge.f32 v13, v41;
	v42 =	vadd.f32 v42, v61  }
0x39a: {  	v62 =	vsel vm6, $0x3F800000, v4  }
0x39b: {  	vm7 =	vge.f32 v14, v41;
	v42 =	vadd.f32 v42, v62  }
0x39c: {  	v63 =	vsel vm7, $0x3F800000, v4  }
0x39d: {  	vm8 =	vge.f32 v15, v41;
	v42 =	vadd.f32 v42, v63  }
0x39e: {  	v45 =	vsel vm8, $0x3F800000, v4  }
0x39f: {  	vm9 =	vge.f32 v16, v41;
	v42 =	vadd.f32 v42, v45  }
0x3a0: {  	v46 =	vsel vm9, $0x3F800000, v4  }
0x3a1: {  	vm10 =	vge.f32 v17, v41;
	v42 =	vadd.f32 v42, v46  }
0x3a2: {  	v47 =	vsel vm10, $0x3F800000, v4  }
0x3a3: {  	vm11 =	vge.f32 v18, v41;
	v42 =	vadd.f32 v42, v47  }
0x3a4: {  	v48 =	vsel vm11, $0x3F800000, v4  }
0x3a5: {  	vm12 =	vge.f32 v19, v41;
	v42 =	vadd.f32 v42, v48  }
0x3a6: {  	v49 =	vsel vm12, $0x3F800000, v4  }
0x3a7: {  	vm13 =	vge.f32 v20, v41;
	v42 =	vadd.f32 v42, v49  }
0x3a8: {  	v50 =	vsel vm13, $0x3F800000, v4  }
0x3a9: {  	vm14 =	vge.f32 v21, v41;
	v42 =	vadd.f32 v42, v50  }
0x3aa: {  	v51 =	vsel vm14, $0x3F800000, v4  }
0x3ab: {  	vm15 =	vge.f32 v22, v41;
	v42 =	vadd.f32 v42, v51  }
0x3ac: {  	v52 =	vsel vm15, $0x3F800000, v4  }
0x3ad: {  	vm4 =	vge.f32 v23, v41;
	v42 =	vadd.f32 v42, v52  }
0x3ae: {  	v53 =	vsel vm4, $0x3F800000, v4  }
0x3af: {  	vm5 =	vge.f32 v24, v41;
	v42 =	vadd.f32 v42, v53  }
0x3b0: {  	v54 =	vsel vm5, $0x3F800000, v4  }
0x3b1: {  	vm6 =	vge.f32 v25, v41;
	v42 =	vadd.f32 v42, v54  }
0x3b2: {  	v55 =	vsel vm6, $0x3F800000, v4  }
0x3b3: {  	vm7 =	vge.f32 v26, v41;
	v42 =	vadd.f32 v42, v55  }
0x3b4: {  	v56 =	vsel vm7, $0x3F800000, v4  }
0x3b5: {  	vm8 =	vge.f32 v27, v41;
	v42 =	vadd.f32 v42, v56  }
0x3b6: {  	v57 =	vsel vm8, $0x3F800000, v4  }
0x3b7: {  	vm9 =	vge.f32 v28, v41;
	v42 =	vadd.f32 v42, v57  }
0x3b8: {  	v58 =	vsel vm9, $0x3F800000, v4  }
0x3b9: {  	vm10 =	vge.f32 v29, v41;
	v42 =	vadd.f32 v42, v58  }
0x3ba: {  	v59 =	vsel vm10, $0x3F800000, v4  }
0x3bb: {  	vm11 =	vge.f32 v30, v41;
	v42 =	vadd.f32 v42, v59  }
0x3bc: {  	v60 =	vsel vm11, $0x3F800000, v4  }
0x3bd: {  	vm12 =	vge.f32 v31, v41;
	v42 =	vadd.f32 v42, v60  }
0x3be: {  	v61 =	vsel vm12, $0x3F800000, v4  }
0x3bf: {  	vm13 =	vge.f32 v32, v41;
	v42 =	vadd.f32 v42, v61  }
0x3c0: {  	v62 =	vsel vm13, $0x3F800000, v4  }
0x3c1: {  	v42 =	vadd.f32 v42, v62;
	_ =	sdelay $0x1  }
0x3c2: {  	v43 =	vperm.xlane v42, v0;
	_ =	sdelay $0x1  }
0x3c3: {  	v42 =	vadd.f32 v42, v43;
	_ =	sdelay $0x1  }
0x3c4: {  	v43 =	vperm.xlane v42, v1;
	_ =	sdelay $0x1  }
0x3c5: {  	v42 =	vadd.f32 v42, v43;
	_ =	sdelay $0x1  }
0x3c6: {  	v43 =	vperm.xlane v42, v2;
	_ =	sdelay $0x1  }
0x3c7: {  	v42 =	vadd.f32 v42, v43;
	_ =	sdelay $0x1  }
0x3c8: {  	v43 =	vperm.xlane v42, v3;
	_ =	sdelay $0x1  }
0x3c9: {  	v42 =	vadd.f32 v42, v43;
	_ =	sdelay $0x1  }
0x3ca: {  	vm14 =	vge.f32 v42, $6.400000000e+01  }
0x3cb: {  	v39 =	vsel vm14, v41, v39;
	v40 =	vsel vm14, v40, v41  }
0x3cc: {  	v41 =	vadd.f32 v40, v39;
	_ =	sdelay $0x1  }
0x3cd: {  	v41 =	vmul.f32 $5.000000000e-01, v41;
	_ =	sdelay $0x1  }
0x3ce: {  	vm15 =	vge.f32 v37, v41;
	vm4 =	vge.f32 v38, v41  }
0x3cf: {  	v63 =	vsel vm15, $0x3F800000, v4;
	v45 =	vsel vm4, $0x3F800000, v4  }
0x3d0: {  	vm5 =	vge.f32 v36, v41;
	v42 =	vadd.f32 v45, v63  }
0x3d1: {  	v46 =	vsel vm5, $0x3F800000, v4  }
0x3d2: {  	vm6 =	vge.f32 v35, v41;
	v42 =	vadd.f32 v42, v46  }
0x3d3: {  	v47 =	vsel vm6, $0x3F800000, v4  }
0x3d4: {  	vm7 =	vge.f32 v34, v41;
	v42 =	vadd.f32 v42, v47  }
0x3d5: {  	v48 =	vsel vm7, $0x3F800000, v4  }
0x3d6: {  	vm8 =	vge.f32 v33, v41;
	v42 =	vadd.f32 v42, v48  }
0x3d7: {  	v49 =	vsel vm8, $0x3F800000, v4  }
0x3d8: {  	vm9 =	vge.f32 v7, v41;
	v42 =	vadd.f32 v42, v49  }
0x3d9: {  	v50 =	vsel vm9, $0x3F800000, v4  }
0x3da: {  	vm10 =	vge.f32 v8, v41;
	v42 =	vadd.f32 v42, v50  }
0x3db: {  	v51 =	vsel vm10, $0x3F800000, v4  }
0x3dc: {  	vm11 =	vge.f32 v9, v41;
	v42 =	vadd.f32 v42, v51  }
0x3dd: {  	v52 =	vsel vm11, $0x3F800000, v4  }
0x3de: {  	vm12 =	vge.f32 v10, v41;
	v42 =	vadd.f32 v42, v52  }
0x3df: {  	v53 =	vsel vm12, $0x3F800000, v4  }
0x3e0: {  	vm13 =	vge.f32 v11, v41;
	v42 =	vadd.f32 v42, v53  }
0x3e1: {  	v54 =	vsel vm13, $0x3F800000, v4  }
0x3e2: {  	vm14 =	vge.f32 v12, v41;
	v42 =	vadd.f32 v42, v54  }
0x3e3: {  	v55 =	vsel vm14, $0x3F800000, v4  }
0x3e4: {  	vm15 =	vge.f32 v13, v41;
	v42 =	vadd.f32 v42, v55  }
0x3e5: {  	v56 =	vsel vm15, $0x3F800000, v4  }
0x3e6: {  	vm4 =	vge.f32 v14, v41;
	v42 =	vadd.f32 v42, v56  }
0x3e7: {  	v57 =	vsel vm4, $0x3F800000, v4  }
0x3e8: {  	vm5 =	vge.f32 v15, v41;
	v42 =	vadd.f32 v42, v57  }
0x3e9: {  	v58 =	vsel vm5, $0x3F800000, v4  }
0x3ea: {  	vm6 =	vge.f32 v16, v41;
	v42 =	vadd.f32 v42, v58  }
0x3eb: {  	v59 =	vsel vm6, $0x3F800000, v4  }
0x3ec: {  	vm7 =	vge.f32 v17, v41;
	v42 =	vadd.f32 v42, v59  }
0x3ed: {  	v60 =	vsel vm7, $0x3F800000, v4  }
0x3ee: {  	vm8 =	vge.f32 v18, v41;
	v42 =	vadd.f32 v42, v60  }
0x3ef: {  	v61 =	vsel vm8, $0x3F800000, v4  }
0x3f0: {  	vm9 =	vge.f32 v19, v41;
	v42 =	vadd.f32 v42, v61  }
0x3f1: {  	v62 =	vsel vm9, $0x3F800000, v4  }
0x3f2: {  	vm10 =	vge.f32 v20, v41;
	v42 =	vadd.f32 v42, v62  }
0x3f3: {  	v63 =	vsel vm10, $0x3F800000, v4  }
0x3f4: {  	vm11 =	vge.f32 v21, v41;
	v42 =	vadd.f32 v42, v63  }
0x3f5: {  	v45 =	vsel vm11, $0x3F800000, v4  }
0x3f6: {  	vm12 =	vge.f32 v22, v41;
	v42 =	vadd.f32 v42, v45  }
0x3f7: {  	v46 =	vsel vm12, $0x3F800000, v4  }
0x3f8: {  	vm13 =	vge.f32 v23, v41;
	v42 =	vadd.f32 v42, v46  }
0x3f9: {  	v47 =	vsel vm13, $0x3F800000, v4  }
0x3fa: {  	vm14 =	vge.f32 v24, v41;
	v42 =	vadd.f32 v42, v47  }
0x3fb: {  	v48 =	vsel vm14, $0x3F800000, v4  }
0x3fc: {  	vm15 =	vge.f32 v25, v41;
	v42 =	vadd.f32 v42, v48  }
0x3fd: {  	v49 =	vsel vm15, $0x3F800000, v4  }
0x3fe: {  	vm4 =	vge.f32 v26, v41;
	v42 =	vadd.f32 v42, v49  }
0x3ff: {  	v50 =	vsel vm4, $0x3F800000, v4  }
0x400: {  	vm5 =	vge.f32 v27, v41;
	v42 =	vadd.f32 v42, v50  }
0x401: {  	v51 =	vsel vm5, $0x3F800000, v4  }
0x402: {  	vm6 =	vge.f32 v28, v41;
	v42 =	vadd.f32 v42, v51  }
0x403: {  	v52 =	vsel vm6, $0x3F800000, v4  }
0x404: {  	vm7 =	vge.f32 v29, v41;
	v42 =	vadd.f32 v42, v52  }
0x405: {  	v53 =	vsel vm7, $0x3F800000, v4  }
0x406: {  	vm8 =	vge.f32 v30, v41;
	v42 =	vadd.f32 v42, v53  }
0x407: {  	v54 =	vsel vm8, $0x3F800000, v4  }
0x408: {  	vm9 =	vge.f32 v31, v41;
	v42 =	vadd.f32 v42, v54  }
0x409: {  	v55 =	vsel vm9, $0x3F800000, v4  }
0x40a: {  	vm10 =	vge.f32 v32, v41;
	v42 =	vadd.f32 v42, v55  }
0x40b: {  	v56 =	vsel vm10, $0x3F800000, v4  }
0x40c: {  	v42 =	vadd.f32 v42, v56;
	_ =	sdelay $0x1  }
0x40d: {  	v43 =	vperm.xlane v42, v0;
	_ =	sdelay $0x1  }
0x40e: {  	v42 =	vadd.f32 v42, v43;
	_ =	sdelay $0x1  }
0x40f: {  	v43 =	vperm.xlane v42, v1;
	_ =	sdelay $0x1  }
0x410: {  	v42 =	vadd.f32 v42, v43;
	_ =	sdelay $0x1  }
0x411: {  	v43 =	vperm.xlane v42, v2;
	_ =	sdelay $0x1  }
0x412: {  	v42 =	vadd.f32 v42, v43;
	_ =	sdelay $0x1  }
0x413: {  	v43 =	vperm.xlane v42, v3;
	_ =	sdelay $0x1  }
0x414: {  	v42 =	vadd.f32 v42, v43;
	_ =	sdelay $0x1  }
0x415: {  	vm11 =	vge.f32 v42, $6.400000000e+01  }
0x416: {  	v39 =	vsel vm11, v41, v39;
	v40 =	vsel vm11, v40, v41  }
0x417: {  	v41 =	vadd.f32 v40, v39;
	_ =	sdelay $0x1  }
0x418: {  	v41 =	vmul.f32 $5.000000000e-01, v41;
	_ =	sdelay $0x1  }
0x419: {  	vm12 =	vge.f32 v37, v41;
	vm13 =	vge.f32 v38, v41  }
0x41a: {  	v57 =	vsel vm12, $0x3F800000, v4;
	v58 =	vsel vm13, $0x3F800000, v4  }
0x41b: {  	vm14 =	vge.f32 v36, v41;
	v42 =	vadd.f32 v58, v57  }
0x41c: {  	v59 =	vsel vm14, $0x3F800000, v4  }
0x41d: {  	vm15 =	vge.f32 v35, v41;
	v42 =	vadd.f32 v42, v59  }
0x41e: {  	v60 =	vsel vm15, $0x3F800000, v4  }
0x41f: {  	vm4 =	vge.f32 v34, v41;
	v42 =	vadd.f32 v42, v60  }
0x420: {  	v61 =	vsel vm4, $0x3F800000, v4  }
0x421: {  	vm5 =	vge.f32 v33, v41;
	v42 =	vadd.f32 v42, v61  }
0x422: {  	v62 =	vsel vm5, $0x3F800000, v4  }
0x423: {  	vm6 =	vge.f32 v7, v41;
	v42 =	vadd.f32 v42, v62  }
0x424: {  	v63 =	vsel vm6, $0x3F800000, v4  }
0x425: {  	vm7 =	vge.f32 v8, v41;
	v42 =	vadd.f32 v42, v63  }
0x426: {  	v45 =	vsel vm7, $0x3F800000, v4  }
0x427: {  	vm8 =	vge.f32 v9, v41;
	v42 =	vadd.f32 v42, v45  }
0x428: {  	v46 =	vsel vm8, $0x3F800000, v4  }
0x429: {  	vm9 =	vge.f32 v10, v41;
	v42 =	vadd.f32 v42, v46  }
0x42a: {  	v47 =	vsel vm9, $0x3F800000, v4  }
0x42b: {  	vm10 =	vge.f32 v11, v41;
	v42 =	vadd.f32 v42, v47  }
0x42c: {  	v48 =	vsel vm10, $0x3F800000, v4  }
0x42d: {  	vm11 =	vge.f32 v12, v41;
	v42 =	vadd.f32 v42, v48  }
0x42e: {  	v49 =	vsel vm11, $0x3F800000, v4  }
0x42f: {  	vm12 =	vge.f32 v13, v41;
	v42 =	vadd.f32 v42, v49  }
0x430: {  	v50 =	vsel vm12, $0x3F800000, v4  }
0x431: {  	vm13 =	vge.f32 v14, v41;
	v42 =	vadd.f32 v42, v50  }
0x432: {  	v51 =	vsel vm13, $0x3F800000, v4  }
0x433: {  	vm14 =	vge.f32 v15, v41;
	v42 =	vadd.f32 v42, v51  }
0x434: {  	v52 =	vsel vm14, $0x3F800000, v4  }
0x435: {  	vm15 =	vge.f32 v16, v41;
	v42 =	vadd.f32 v42, v52  }
0x436: {  	v53 =	vsel vm15, $0x3F800000, v4  }
0x437: {  	vm4 =	vge.f32 v17, v41;
	v42 =	vadd.f32 v42, v53  }
0x438: {  	v54 =	vsel vm4, $0x3F800000, v4  }
0x439: {  	vm5 =	vge.f32 v18, v41;
	v42 =	vadd.f32 v42, v54  }
0x43a: {  	v55 =	vsel vm5, $0x3F800000, v4  }
0x43b: {  	vm6 =	vge.f32 v19, v41;
	v42 =	vadd.f32 v42, v55  }
0x43c: {  	v56 =	vsel vm6, $0x3F800000, v4  }
0x43d: {  	vm7 =	vge.f32 v20, v41;
	v42 =	vadd.f32 v42, v56  }
0x43e: {  	v57 =	vsel vm7, $0x3F800000, v4  }
0x43f: {  	vm8 =	vge.f32 v21, v41;
	v42 =	vadd.f32 v42, v57  }
0x440: {  	v58 =	vsel vm8, $0x3F800000, v4  }
0x441: {  	vm9 =	vge.f32 v22, v41;
	v42 =	vadd.f32 v42, v58  }
0x442: {  	v59 =	vsel vm9, $0x3F800000, v4  }
0x443: {  	vm10 =	vge.f32 v23, v41;
	v42 =	vadd.f32 v42, v59  }
0x444: {  	v60 =	vsel vm10, $0x3F800000, v4  }
0x445: {  	vm11 =	vge.f32 v24, v41;
	v42 =	vadd.f32 v42, v60  }
0x446: {  	v61 =	vsel vm11, $0x3F800000, v4  }
0x447: {  	vm12 =	vge.f32 v25, v41;
	v42 =	vadd.f32 v42, v61  }
0x448: {  	v62 =	vsel vm12, $0x3F800000, v4  }
0x449: {  	vm13 =	vge.f32 v26, v41;
	v42 =	vadd.f32 v42, v62  }
0x44a: {  	v63 =	vsel vm13, $0x3F800000, v4  }
0x44b: {  	vm14 =	vge.f32 v27, v41;
	v42 =	vadd.f32 v42, v63  }
0x44c: {  	v45 =	vsel vm14, $0x3F800000, v4  }
0x44d: {  	vm15 =	vge.f32 v28, v41;
	v42 =	vadd.f32 v42, v45  }
0x44e: {  	v46 =	vsel vm15, $0x3F800000, v4  }
0x44f: {  	vm4 =	vge.f32 v29, v41;
	v42 =	vadd.f32 v42, v46  }
0x450: {  	v47 =	vsel vm4, $0x3F800000, v4  }
0x451: {  	vm5 =	vge.f32 v30, v41;
	v42 =	vadd.f32 v42, v47  }
0x452: {  	v48 =	vsel vm5, $0x3F800000, v4  }
0x453: {  	vm6 =	vge.f32 v31, v41;
	v42 =	vadd.f32 v42, v48  }
0x454: {  	v49 =	vsel vm6, $0x3F800000, v4  }
0x455: {  	vm7 =	vge.f32 v32, v41;
	v42 =	vadd.f32 v42, v49  }
0x456: {  	v50 =	vsel vm7, $0x3F800000, v4  }
0x457: {  	v42 =	vadd.f32 v42, v50;
	_ =	sdelay $0x1  }
0x458: {  	v43 =	vperm.xlane v42, v0;
	_ =	sdelay $0x1  }
0x459: {  	v42 =	vadd.f32 v42, v43;
	_ =	sdelay $0x1  }
0x45a: {  	v43 =	vperm.xlane v42, v1;
	_ =	sdelay $0x1  }
0x45b: {  	v42 =	vadd.f32 v42, v43;
	_ =	sdelay $0x1  }
0x45c: {  	v43 =	vperm.xlane v42, v2;
	_ =	sdelay $0x1  }
0x45d: {  	v42 =	vadd.f32 v42, v43;
	_ =	sdelay $0x1  }
0x45e: {  	v43 =	vperm.xlane v42, v3;
	_ =	sdelay $0x1  }
0x45f: {  	v42 =	vadd.f32 v42, v43;
	_ =	sdelay $0x1  }
0x460: {  	vm8 =	vge.f32 v42, $6.400000000e+01  }
0x461: {  	v39 =	vsel vm8, v41, v39;
	v40 =	vsel vm8, v40, v41  }
0x462: {  	v41 =	vadd.f32 v40, v39;
	_ =	sdelay $0x1  }
0x463: {  	v41 =	vmul.f32 $5.000000000e-01, v41;
	_ =	sdelay $0x1  }
0x464: {  	vm9 =	vge.f32 v37, v41;
	vm10 =	vge.f32 v38, v41  }
0x465: {  	v51 =	vsel vm9, $0x3F800000, v4;
	v52 =	vsel vm10, $0x3F800000, v4  }
0x466: {  	vm11 =	vge.f32 v36, v41;
	v42 =	vadd.f32 v52, v51  }
0x467: {  	v53 =	vsel vm11, $0x3F800000, v4  }
0x468: {  	vm12 =	vge.f32 v35, v41;
	v42 =	vadd.f32 v42, v53  }
0x469: {  	v54 =	vsel vm12, $0x3F800000, v4  }
0x46a: {  	vm13 =	vge.f32 v34, v41;
	v42 =	vadd.f32 v42, v54  }
0x46b: {  	v55 =	vsel vm13, $0x3F800000, v4  }
0x46c: {  	vm14 =	vge.f32 v33, v41;
	v42 =	vadd.f32 v42, v55  }
0x46d: {  	v56 =	vsel vm14, $0x3F800000, v4  }
0x46e: {  	vm15 =	vge.f32 v7, v41;
	v42 =	vadd.f32 v42, v56  }
0x46f: {  	v57 =	vsel vm15, $0x3F800000, v4  }
0x470: {  	vm4 =	vge.f32 v8, v41;
	v42 =	vadd.f32 v42, v57  }
0x471: {  	v58 =	vsel vm4, $0x3F800000, v4  }
0x472: {  	vm5 =	vge.f32 v9, v41;
	v42 =	vadd.f32 v42, v58  }
0x473: {  	v59 =	vsel vm5, $0x3F800000, v4  }
0x474: {  	vm6 =	vge.f32 v10, v41;
	v42 =	vadd.f32 v42, v59  }
0x475: {  	v60 =	vsel vm6, $0x3F800000, v4  }
0x476: {  	vm7 =	vge.f32 v11, v41;
	v42 =	vadd.f32 v42, v60  }
0x477: {  	v61 =	vsel vm7, $0x3F800000, v4  }
0x478: {  	vm8 =	vge.f32 v12, v41;
	v42 =	vadd.f32 v42, v61  }
0x479: {  	v62 =	vsel vm8, $0x3F800000, v4  }
0x47a: {  	vm9 =	vge.f32 v13, v41;
	v42 =	vadd.f32 v42, v62  }
0x47b: {  	v63 =	vsel vm9, $0x3F800000, v4  }
0x47c: {  	vm10 =	vge.f32 v14, v41;
	v42 =	vadd.f32 v42, v63  }
0x47d: {  	v45 =	vsel vm10, $0x3F800000, v4  }
0x47e: {  	vm11 =	vge.f32 v15, v41;
	v42 =	vadd.f32 v42, v45  }
0x47f: {  	v46 =	vsel vm11, $0x3F800000, v4  }
0x480: {  	vm12 =	vge.f32 v16, v41;
	v42 =	vadd.f32 v42, v46  }
0x481: {  	v47 =	vsel vm12, $0x3F800000, v4  }
0x482: {  	vm13 =	vge.f32 v17, v41;
	v42 =	vadd.f32 v42, v47  }
0x483: {  	v48 =	vsel vm13, $0x3F800000, v4  }
0x484: {  	vm14 =	vge.f32 v18, v41;
	v42 =	vadd.f32 v42, v48  }
0x485: {  	v49 =	vsel vm14, $0x3F800000, v4  }
0x486: {  	vm15 =	vge.f32 v19, v41;
	v42 =	vadd.f32 v42, v49  }
0x487: {  	v50 =	vsel vm15, $0x3F800000, v4  }
0x488: {  	vm4 =	vge.f32 v20, v41;
	v42 =	vadd.f32 v42, v50  }
0x489: {  	v51 =	vsel vm4, $0x3F800000, v4  }
0x48a: {  	vm5 =	vge.f32 v21, v41;
	v42 =	vadd.f32 v42, v51  }
0x48b: {  	v52 =	vsel vm5, $0x3F800000, v4  }
0x48c: {  	vm6 =	vge.f32 v22, v41;
	v42 =	vadd.f32 v42, v52  }
0x48d: {  	v53 =	vsel vm6, $0x3F800000, v4  }
0x48e: {  	vm7 =	vge.f32 v23, v41;
	v42 =	vadd.f32 v42, v53  }
0x48f: {  	v54 =	vsel vm7, $0x3F800000, v4  }
0x490: {  	vm8 =	vge.f32 v24, v41;
	v42 =	vadd.f32 v42, v54  }
0x491: {  	v55 =	vsel vm8, $0x3F800000, v4  }
0x492: {  	vm9 =	vge.f32 v25, v41;
	v42 =	vadd.f32 v42, v55  }
0x493: {  	v56 =	vsel vm9, $0x3F800000, v4  }
0x494: {  	vm10 =	vge.f32 v26, v41;
	v42 =	vadd.f32 v42, v56  }
0x495: {  	v57 =	vsel vm10, $0x3F800000, v4  }
0x496: {  	vm11 =	vge.f32 v27, v41;
	v42 =	vadd.f32 v42, v57  }
0x497: {  	v58 =	vsel vm11, $0x3F800000, v4  }
0x498: {  	vm12 =	vge.f32 v28, v41;
	v42 =	vadd.f32 v42, v58  }
0x499: {  	v59 =	vsel vm12, $0x3F800000, v4  }
0x49a: {  	vm13 =	vge.f32 v29, v41;
	v42 =	vadd.f32 v42, v59  }
0x49b: {  	v60 =	vsel vm13, $0x3F800000, v4  }
0x49c: {  	vm14 =	vge.f32 v30, v41;
	v42 =	vadd.f32 v42, v60  }
0x49d: {  	v61 =	vsel vm14, $0x3F800000, v4  }
0x49e: {  	vm15 =	vge.f32 v31, v41;
	v42 =	vadd.f32 v42, v61  }
0x49f: {  	v62 =	vsel vm15, $0x3F800000, v4  }
0x4a0: {  	vm4 =	vge.f32 v32, v41;
	v42 =	vadd.f32 v42, v62  }
0x4a1: {  	v63 =	vsel vm4, $0x3F800000, v4  }
0x4a2: {  	v42 =	vadd.f32 v42, v63;
	_ =	sdelay $0x1  }
0x4a3: {  	v43 =	vperm.xlane v42, v0;
	_ =	sdelay $0x1  }
0x4a4: {  	v42 =	vadd.f32 v42, v43;
	_ =	sdelay $0x1  }
0x4a5: {  	v43 =	vperm.xlane v42, v1;
	_ =	sdelay $0x1  }
0x4a6: {  	v42 =	vadd.f32 v42, v43;
	_ =	sdelay $0x1  }
0x4a7: {  	v43 =	vperm.xlane v42, v2;
	_ =	sdelay $0x1  }
0x4a8: {  	v42 =	vadd.f32 v42, v43;
	_ =	sdelay $0x1  }
0x4a9: {  	v43 =	vperm.xlane v42, v3;
	_ =	sdelay $0x1  }
0x4aa: {  	v42 =	vadd.f32 v42, v43;
	_ =	sdelay $0x1  }
0x4ab: {  	vm5 =	vge.f32 v42, $6.400000000e+01  }
0x4ac: {  	v39 =	vsel vm5, v41, v39;
	v40 =	vsel vm5, v40, v41  }
0x4ad: {  	v40 =	vadd.f32 v40, v39;
	_ =	sdelay $0x1  }
0x4ae: {  	v40 =	vmul.f32 $5.000000000e-01, v40;
	_ =	sdelay $0x1  }
0x4af: {  	vm6 =	vge.f32 v37, v40;
	vm7 =	vge.f32 v38, v40  }
0x4b0: {  	v37 =	vsel vm6, $0x3F800000, v4;
	v38 =	vsel vm7, $0x3F800000, v4  }
0x4b1: {  	vm8 =	vge.f32 v36, v40;
	v37 =	vadd.f32 v38, v37  }
0x4b2: {  	v36 =	vsel vm8, $0x3F800000, v4  }
0x4b3: {  	vm9 =	vge.f32 v35, v40;
	v36 =	vadd.f32 v37, v36  }
0x4b4: {  	v35 =	vsel vm9, $0x3F800000, v4  }
0x4b5: {  	vm10 =	vge.f32 v34, v40;
	v35 =	vadd.f32 v36, v35  }
0x4b6: {  	v34 =	vsel vm10, $0x3F800000, v4  }
0x4b7: {  	vm11 =	vge.f32 v33, v40;
	v34 =	vadd.f32 v35, v34  }
0x4b8: {  	v33 =	vsel vm11, $0x3F800000, v4  }
0x4b9: {  	vm12 =	vge.f32 v7, v40;
	v33 =	vadd.f32 v34, v33  }
0x4ba: {  	v7 =	vsel vm12, $0x3F800000, v4  }
0x4bb: {  	vm13 =	vge.f32 v8, v40;
	v7 =	vadd.f32 v33, v7  }
0x4bc: {  	v8 =	vsel vm13, $0x3F800000, v4  }
0x4bd: {  	vm14 =	vge.f32 v9, v40;
	v7 =	vadd.f32 v7, v8  }
0x4be: {  	v8 =	vsel vm14, $0x3F800000, v4  }
0x4bf: {  	vm15 =	vge.f32 v10, v40;
	v7 =	vadd.f32 v7, v8  }
0x4c0: {  	v8 =	vsel vm15, $0x3F800000, v4  }
0x4c1: {  	vm4 =	vge.f32 v11, v40;
	v7 =	vadd.f32 v7, v8  }
0x4c2: {  	v8 =	vsel vm4, $0x3F800000, v4  }
0x4c3: {  	vm5 =	vge.f32 v12, v40;
	v7 =	vadd.f32 v7, v8  }
0x4c4: {  	v8 =	vsel vm5, $0x3F800000, v4  }
0x4c5: {  	vm6 =	vge.f32 v13, v40;
	v7 =	vadd.f32 v7, v8  }
0x4c6: {  	v8 =	vsel vm6, $0x3F800000, v4  }
0x4c7: {  	vm7 =	vge.f32 v14, v40;
	v7 =	vadd.f32 v7, v8  }
0x4c8: {  	v8 =	vsel vm7, $0x3F800000, v4  }
0x4c9: {  	vm8 =	vge.f32 v15, v40;
	v7 =	vadd.f32 v7, v8  }
0x4ca: {  	v8 =	vsel vm8, $0x3F800000, v4  }
0x4cb: {  	vm9 =	vge.f32 v16, v40;
	v7 =	vadd.f32 v7, v8  }
0x4cc: {  	v8 =	vsel vm9, $0x3F800000, v4  }
0x4cd: {  	vm10 =	vge.f32 v17, v40;
	v7 =	vadd.f32 v7, v8  }
0x4ce: {  	v8 =	vsel vm10, $0x3F800000, v4  }
0x4cf: {  	vm11 =	vge.f32 v18, v40;
	v7 =	vadd.f32 v7, v8  }
0x4d0: {  	v8 =	vsel vm11, $0x3F800000, v4  }
0x4d1: {  	vm12 =	vge.f32 v19, v40;
	v7 =	vadd.f32 v7, v8  }
0x4d2: {  	v8 =	vsel vm12, $0x3F800000, v4  }
0x4d3: {  	vm13 =	vge.f32 v20, v40;
	v7 =	vadd.f32 v7, v8  }
0x4d4: {  	v8 =	vsel vm13, $0x3F800000, v4  }
0x4d5: {  	vm14 =	vge.f32 v21, v40;
	v7 =	vadd.f32 v7, v8  }
0x4d6: {  	v8 =	vsel vm14, $0x3F800000, v4  }
0x4d7: {  	vm15 =	vge.f32 v22, v40;
	v7 =	vadd.f32 v7, v8  }
0x4d8: {  	v8 =	vsel vm15, $0x3F800000, v4  }
0x4d9: {  	vm4 =	vge.f32 v23, v40;
	v7 =	vadd.f32 v7, v8  }
0x4da: {  	v8 =	vsel vm4, $0x3F800000, v4  }
0x4db: {  	vm5 =	vge.f32 v24, v40;
	v7 =	vadd.f32 v7, v8  }
0x4dc: {  	v8 =	vsel vm5, $0x3F800000, v4  }
0x4dd: {  	vm6 =	vge.f32 v25, v40;
	v7 =	vadd.f32 v7, v8  }
0x4de: {  	v8 =	vsel vm6, $0x3F800000, v4  }
0x4df: {  	vm7 =	vge.f32 v26, v40;
	v7 =	vadd.f32 v7, v8  }
0x4e0: {  	v8 =	vsel vm7, $0x3F800000, v4  }
0x4e1: {  	vm8 =	vge.f32 v27, v40;
	v7 =	vadd.f32 v7, v8  }
0x4e2: {  	v8 =	vsel vm8, $0x3F800000, v4  }
0x4e3: {  	vm9 =	vge.f32 v28, v40;
	v7 =	vadd.f32 v7, v8  }
0x4e4: {  	v8 =	vsel vm9, $0x3F800000, v4  }
0x4e5: {  	vm10 =	vge.f32 v29, v40;
	v7 =	vadd.f32 v7, v8  }
0x4e6: {  	v8 =	vsel vm10, $0x3F800000, v4  }
0x4e7: {  	vm11 =	vge.f32 v30, v40;
	v7 =	vadd.f32 v7, v8  }
0x4e8: {  	v8 =	vsel vm11, $0x3F800000, v4  }
0x4e9: {  	vm12 =	vge.f32 v31, v40;
	v7 =	vadd.f32 v7, v8  }
0x4ea: {  	v8 =	vsel vm12, $0x3F800000, v4  }
0x4eb: {  	vm13 =	vge.f32 v32, v40;
	v7 =	vadd.f32 v7, v8  }
0x4ec: {  	v8 =	vsel vm13, $0x3F800000, v4  }
0x4ed: {  	v7 =	vadd.f32 v7, v8;
	_ =	sdelay $0x1  }
0x4ee: {  	v8 =	vperm.xlane v7, v0;
	_ =	sdelay $0x1  }
0x4ef: {  	v7 =	vadd.f32 v7, v8;
	_ =	sdelay $0x1  }
0x4f0: {  	v8 =	vperm.xlane v7, v1;
	_ =	sdelay $0x1  }
0x4f1: {  	v7 =	vadd.f32 v7, v8;
	_ =	sdelay $0x1  }
0x4f2: {  	v8 =	vperm.xlane v7, v2;
	_ =	sdelay $0x1  }
0x4f3: {  	v7 =	vadd.f32 v7, v8;
	_ =	sdelay $0x1  }
0x4f4: {  	v8 =	vperm.xlane v7, v3  }
0x4f5: {  	p0 =	sne.s32 s16, $0xF  }
.Ltmp0:
0x4f6: {  	v7 =	vadd.f32 v7, v8;
	(pc) =	sbr.rel @p0 .LBB2_4-.Ltmp0, $4  }
0x4f7: {  	_ = 	snop  }
0x4f8: {  	vm14 =	vge.f32 v7, $6.400000000e+01;
	v7 =	vmov s16  }
0x4f9: {  	v8 =	vsel vm14, v40, v39;
	vm15 =	veq.s32 v7, v5  }
0x4fa: {  	s15 =	sadd.s32 $0x80, s15;
	s14 =	sadd.s32 $0x200, s14;
	s16 =	sadd.s32 $0x1, s16;
	v6 =	vsel vm15, v8, v6  }
0x4fb: {  	s13 =	sshll.u32 s12, $0x4;
	s12 =	sadd.s32 $0x1, s12  }
0x4fc: {  	p0 =	sne.s32 s12, $0x8  }
.Ltmp1:
0x4fd: {  	_ = 	snop;
	(pc) =	sbr.rel @p0 .LBB2_3-.Ltmp1, $3  }
0x4fe: {  	_ =	sdelay $0x1  }
0x4ff: {  	s13 =	sand.u32 $0x3FFFFFF0, s13  }
0x500: {  	[tilespmem:s13+$0x10000] =	vst v6  }
0x501: {  	s10 =	sadd.s32 $0x1, s10  }
0x502: {  	s11 =	sshrl.u32 s11, $0x3;
	p0 =	sne.s32 s10, $0x8  }
.Ltmp2:
0x503: {  	s11 =	sadd.s32 s1, s11;
	(pc) =	sbr.rel @p0 .LBB2_2-.Ltmp2, $4  }
0x504: {  	[hbm4b:s11+s2] =	stream.linear.scatter [tilespmem:s8], [sflag:$0x1], $0x80, $0x38;
	[tilespmem:$0x10080] =	vst v63  }
0x505: {  	_ =	swait.ge [sflag:s7], $0x80  }
0x506: {  	[sflag:s7] =	ssyncset.done $0x0  }
0x507: {  	[sflag:s7] =	ssyncadd.s32 $0xFFFFFF80  }
0x508: {  	s9 =	sadd.s32 $0x1, s9  }
0x509: {  	p0 =	sne.s32 s9, s6  }
.Ltmp3:
0x50a: {  	_ = 	snop;
	(pc) =	sbr.rel @p0 .LBB2_1-.Ltmp3, $1  }
0x50b: {  	_ =	sdelay $0x3  }
0x50c: {  	_ =	sfence.sel $0x180000  }
0x50d: {  	[bflag:$0x0] =	sbarrier.arrive $0xFFFF  }
0x50e: {  	p0 =	sne.s32 s3, $0x0;
	_ =	strace $0x90000047  }
0x50f: {  	s0 =	sadd.s32 @!p0 $0x100000, s0;
	[bflag:$0x2] =	sbarrier.arrive $0xFFFF  }
0x510: {  	[sflag:s0] =	ssyncadd.tile.s32 @!p0 $0x1;
	_ =	shalt  }
.Lfunc_end2:
_tile_overlayer_lowered:
.L_overlay_start_2:
0x511: {  	(tag) =	ssettag $0x2  }
0x512: {  	s0 =	rddreg [dreg:$0x0];
	s2 =	stileid.u32  }
0x513: {  	s1 =	rddreg [dreg:$0x1];
	p0 =	sne.s32 s2, $0x0  }
0x514: {  	s3 =	rddreg [dreg:$0x2];
	[bflag:$0x3] =	sbarrier.arrive $0xFFFF;
	s2 =	simm.s32 @!p0 $0x1C01  }
0x515: {  	[timem:s3], [sflag:s2] =	dma.local @!p0 [hbm:s0], s1  }
0x516: {  	s0 =	simm.s32 @!p0 $0x1  }
0x517: {  	_ =	swait.ge @!p0 [sflag:s0], s1  }
0x518: {  	s1 =	ssub.s32 @!p0 $0x0, s1;
	[sflag:s0] =	ssyncset.done @!p0 $0x0  }
0x519: {  	[sflag:s0] =	ssyncadd.s32 @!p0 s1  }
0x51a: {  	[bflag:$0x3] =	sbarrier.arrive $0xFFFF  }
0x51b: {  	_ =	shalt  }

</sc_bundles>
